<compile_context>
chip_gen: v7x
topology: tpu7x:2x2x1
jax: 0.10.2.dev20260603
libtpu: 0.0.44.dev20260713+nightly
codegen_flags: <defaults>
</compile_context>

<pallas_src>
import functools

import jax
import jax.numpy as jnp
from jax import lax
from jax.experimental import pallas as pl
from jax.experimental.pallas import tpu as pltpu
from jax.experimental.pallas import tpu_sc as plsc

D_MODEL = 32
NUM_CORES = 2
NUM_SUBCORES = 16
NUM_WORKERS = NUM_CORES * NUM_SUBCORES

B = 16384
L = 50
BT = 128
N_BT = B // BT
BT_PER_W = N_BT // NUM_WORKERS
L_GRP = 5
N_CHUNK = L // L_GRP
CHUNK_ROWS = L_GRP * BT
N_SLAB = D_MODEL // 8
N_UNIT = BT_PER_W * N_CHUNK
TPITCH = 129


VOCAB = 1000000
NTCOL = VOCAB // 128


@functools.lru_cache(maxsize=None)
def _make_format_kernel():
    mesh = plsc.VectorSubcoreMesh(core_axis_name="c", subcore_axis_name="s")

    @functools.partial(
        pl.kernel,
        mesh=mesh,
        out_type=jax.ShapeDtypeStruct((VOCAB // 4, 128), jnp.float32),
        scratch_types=[
            pltpu.VMEM((32, 128), jnp.float32),
            pltpu.VMEM((32, 128), jnp.float32),
            pltpu.VMEM((32, 128), jnp.float32),
            pltpu.VMEM((32, 128), jnp.float32),
            pltpu.SemaphoreType.DMA,
            pltpu.SemaphoreType.DMA,
            pltpu.SemaphoreType.DMA,
            pltpu.SemaphoreType.DMA,
        ],
        compiler_params=pltpu.CompilerParams(
            use_tc_tiling_on_sc=True, needs_layout_passes=False),
    )
    def fmt(wt_hbm, wtail_hbm, out_hbm, tile0, tile1, blk0, blk1,
            isem0, isem1, osem0, osem1):
        wid = lax.axis_index("s") * NUM_CORES + lax.axis_index("c")
        iota16 = lax.iota(jnp.int32, 16)
        tile = (tile0, tile1)
        blk = (blk0, blk1)
        isem = (isem0, isem1)
        osem = (osem0, osem1)
        n_main = NTCOL // NUM_WORKERS

        def jcol(m):
            return wid + m * NUM_WORKERS

        def transpose_tile(t, k_buf):
            @plsc.parallel_loop(0, 256, unroll=8)
            def _(g):
                k = g & 15
                w0 = ((g >> 4) & 1) * 16
                c0 = (g >> 5) * 16
                ik = (iota16 + k) & 15
                wv = ik + w0
                cv = iota16 + c0
                v = plsc.load_gather(t, [wv, cv])
                plsc.store_scatter(k_buf, [cv >> 2, ((cv & 3) << 5) + wv], v)

        def in_start(m, b):
            pltpu.async_copy(wt_hbm.at[:, pl.ds(jcol(m) * 128, 128)],
                             tile[b], isem[b])

        def in_wait(m, b):
            pltpu.make_async_copy(wt_hbm.at[:, pl.ds(jcol(m) * 128, 128)],
                                  tile[b], isem[b]).wait()

        def out_start(m, b):
            pltpu.async_copy(blk[b], out_hbm.at[pl.ds(jcol(m) * 32, 32)],
                             osem[b])

        def out_wait(m, b):
            pltpu.make_async_copy(blk[b],
                                  out_hbm.at[pl.ds(jcol(m) * 32, 32)],
                                  osem[b]).wait()

        in_start(0, 0)

        def group(g, carry):
            for b in range(2):
                o = 1 - b
                m = g * 2 + b

                @pl.when(m < n_main - 1)
                def _():
                    in_start(m + 1, o)

                in_wait(m, b)

                @pl.when(m >= 2)
                def _():
                    out_wait(m - 2, b)

                transpose_tile(tile[b], blk[b])
                out_start(m, b)
            return carry

        lax.fori_loop(0, n_main // 2, group, 0)
        out_wait(n_main - 2, 0)
        out_wait(n_main - 1, 1)

        @pl.when(wid < NTCOL % NUM_WORKERS)
        def _():
            j = n_main * NUM_WORKERS + wid
            pltpu.sync_copy(wt_hbm.at[:, pl.ds(j * 128, 128)], tile0)
            transpose_tile(tile0, blk0)
            pltpu.sync_copy(blk0, out_hbm.at[pl.ds(j * 32, 32)])

        @pl.when(wid == NUM_WORKERS - 1)
        def _():
            pltpu.sync_copy(wtail_hbm, tile0)
            transpose_tile(tile0, blk0)
            pltpu.sync_copy(blk0.at[pl.ds(0, 16)],
                            out_hbm.at[pl.ds(NTCOL * 32, 16)])

    return fmt


@functools.lru_cache(maxsize=None)
def _make_emb_kernel():
    mesh = plsc.VectorSubcoreMesh(core_axis_name="c", subcore_axis_name="s")

    @functools.partial(
        pl.kernel,
        mesh=mesh,
        out_type=jax.ShapeDtypeStruct((L, N_SLAB, N_BT, 8, BT), jnp.float32),
        scratch_types=[
            pltpu.VMEM((BT * L,), jnp.int32),
            pltpu.VMEM((CHUNK_ROWS,), jnp.int32),
            pltpu.VMEM((CHUNK_ROWS,), jnp.int32),
            pltpu.VMEM((CHUNK_ROWS, D_MODEL), jnp.float32),
            pltpu.VMEM((CHUNK_ROWS, D_MODEL), jnp.float32),
            pltpu.VMEM((L_GRP * D_MODEL, TPITCH), jnp.float32),
            pltpu.SemaphoreType.DMA,
            pltpu.SemaphoreType.DMA,
            pltpu.SemaphoreType.DMA,
        ],
        compiler_params=pltpu.CompilerParams(
            use_tc_tiling_on_sc=False, needs_layout_passes=False),
    )
    def emb(idx_hbm, table_hbm, out_hbm, xb, idxp0, idxp1, rows0, rows1,
            tbuf, gsem0, gsem1, osem):
        wid = lax.axis_index("s") * NUM_CORES + lax.axis_index("c")
        iota16 = lax.iota(jnp.int32, 16)
        iota_l = iota16 * L
        zeros16 = jnp.full((16,), 0, jnp.int32)
        idxp = (idxp0, idxp1)
        rows = (rows0, rows1)
        gsem = (gsem0, gsem1)

        def stage_x(u):
            bt_abs = wid * BT_PER_W + u // N_CHUNK
            pltpu.sync_copy(idx_hbm.at[pl.ds(bt_abs * (BT * L), BT * L)], xb)

        def idx_build(u, slot):
            l0 = (u % N_CHUNK) * L_GRP

            @plsc.parallel_loop(0, CHUNK_ROWS // 16, unroll=8)
            def _(g):
                ll = g >> 3
                c0 = (g & 7) * 16
                src = iota_l + (c0 * L + l0 + ll)
                idxp[slot][pl.ds(g * 16, 16)] = plsc.load_gather(xb, [src])

        def gather_start(slot):
            pltpu.async_copy(table_hbm.at[idxp[slot]], rows[slot], gsem[slot])

        def gather_wait(slot):
            pltpu.make_async_copy(
                table_hbm.at[idxp[slot]], rows[slot], gsem[slot]).wait()

        def transpose(slot):
            @plsc.parallel_loop(0, CHUNK_ROWS * 2, unroll=8)
            def _(g):
                rp = g >> 1
                half = g & 1
                ll = rp >> 7
                c = rp & 127
                v = rows[slot][rp, pl.ds(half * 16, 16)]
                rowvec = iota16 + (ll * D_MODEL + half * 16)
                colvec = zeros16 + c
                plsc.store_scatter(tbuf, [rowvec, colvec], v)

        def out_tiles(u, start):
            bt_abs = wid * BT_PER_W + u // N_CHUNK
            l0 = (u % N_CHUNK) * L_GRP
            for ll in range(L_GRP):
                for s in range(N_SLAB):
                    src = tbuf.at[pl.ds(ll * D_MODEL + s * 8, 8),
                                  pl.ds(0, BT)]
                    dst = out_hbm.at[l0 + ll, s, bt_abs]
                    if start:
                        pltpu.async_copy(src, dst, osem)
                    else:
                        pltpu.make_async_copy(src, dst, osem).wait()

        stage_x(0)
        idx_build(0, 0)
        gather_start(0)

        def group(gidx, carry):
            for b in range(2):
                o = 1 - b
                u = gidx * 2 + b

                @pl.when(jnp.logical_and(u < N_UNIT - 1,
                                         (u + 1) % N_CHUNK == 0))
                def _():
                    stage_x(u + 1)

                gather_wait(b)

                @pl.when(u < N_UNIT - 1)
                def _():
                    idx_build(u + 1, o)
                    gather_start(o)

                @pl.when(u >= 1)
                def _():
                    out_tiles(u - 1, start=False)

                transpose(b)
                out_tiles(u, start=True)
            return carry

        lax.fori_loop(0, N_UNIT // 2, group, 0)
        out_tiles(N_UNIT - 1, start=False)

    return emb


def kernel(x, weights):
    b, l = x.shape
    flat_idx = x.reshape(b * l).astype(jnp.int32)
    fmt = _make_format_kernel()
    wtail = jnp.pad(weights[NTCOL * 128:].T, ((0, 0), (0, 64)))
    w_lin = fmt(weights.T, wtail).reshape(VOCAB, D_MODEL)
    emb = _make_emb_kernel()
    out5 = emb(flat_idx, w_lin)
    return jnp.transpose(out5, (2, 4, 0, 1, 3)).reshape(b, l, D_MODEL)

# --- scband reference (transcript-rebuilt; emitter-appended) ---
"""Pipeline reference for scband-embedding-49194555408635 (READ-ONLY COPY).

The authoritative reference and input builder live on the scoring server;
editing this copy changes nothing except your own understanding.
"""

import jax, jax.numpy as jnp
import numpy as np

VOCAB = 1000000
D_MODEL = 32
B = 16384
L = 50


def setup_inputs(seed: int = 0) -> dict:
    key = jax.random.key(seed)
    k_idx, k_w = jax.random.split(key)
    x = jax.random.randint(k_idx, (B, L), 0, VOCAB, dtype=jnp.int64) if jax.config.jax_enable_x64 else jax.random.randint(k_idx, (B, L), 0, VOCAB, dtype=jnp.int32)
    weights = jax.random.normal(k_w, (VOCAB, D_MODEL), dtype=jnp.float32)
    weights = jnp.clip(weights, -3.0, 3.0)
    return {"x": x, "weights": weights}


def reference(x, weights):
    # Faithful translation of: return self.weights[x]
    return jnp.take(weights, x, axis=0)

if __name__ == "__main__":
    import jax
    _d = setup_inputs()
    print(jax.jit(kernel)(*tuple(_d.values())))

</pallas_src>

<mosaic_0001>
#map = affine_map<(d0, d1) -> (0, 0)>
module attributes {stable_mosaic.version = 14 : i64} {
  func.func @fmt(%arg0: i32, %arg1: i32, %arg2: memref<32x1000000xf32, #tpu.memory_space<hbm>>, %arg3: memref<32x128xf32, #tpu.memory_space<hbm>>, %arg4: memref<250000x128xf32, #tpu.memory_space<hbm>>, %arg5: memref<32x128xf32, #tpu.memory_space<vmem>>, %arg6: memref<32x128xf32, #tpu.memory_space<vmem>>, %arg7: memref<32x128xf32, #tpu.memory_space<vmem>>, %arg8: memref<32x128xf32, #tpu.memory_space<vmem>>, %arg9: memref<!tpu.dma_semaphore, #tpu.memory_space<semaphore_mem>>, %arg10: memref<!tpu.dma_semaphore, #tpu.memory_space<semaphore_mem>>, %arg11: memref<!tpu.dma_semaphore, #tpu.memory_space<semaphore_mem>>, %arg12: memref<!tpu.dma_semaphore, #tpu.memory_space<semaphore_mem>>) attributes {dimension_semantics = [#tpu.dimension_semantics<core_parallel>, #tpu.dimension_semantics<subcore_parallel>], iteration_bounds = array<i64: 2, 16>, scalar_prefetch = 0 : i64, scratch_operands = 8 : i64, tpu.core_type = #tpu.core_type<sc_vector_subcore>, window_params = [{transform_indices = #map}, {transform_indices = #map}, {transform_indices = #map}]} {
    %mul3A = arith.constant 2 : i32
    %mul3A_0 = arith.muli %arg1, %mul3A : i32
    %add3A = arith.addi %mul3A_0, %arg0 : i32
    %iota3A = tpu.iota {dimensions = array<i32: 0>} : vector<16xi32>
    %add3A_1 = arith.constant 0 : i32
    %add3A_2 = arith.addi %add3A, %add3A_1 : i32
    %mul3A_3 = arith.constant 128 : i32
    %mul3A_4 = arith.muli %add3A_2, %mul3A_3 : i32
    %dma_start3A = arith.constant 0 : i32
    %dma_start3A_5 = tpu.memref_slice %arg2[%dma_start3A, %mul3A_4] : memref<32x1000000xf32, #tpu.memory_space<hbm>> -> memref<32x128xf32, #tpu.memory_space<hbm>>
    %dma_start3A_6 = arith.constant 0 : i32
    %dma_start3A_7 = tpu.memref_slice %arg2[%dma_start3A_6, %mul3A_4] : memref<32x1000000xf32, #tpu.memory_space<hbm>> -> memref<32x128xf32, #tpu.memory_space<hbm>>
    tpu.enqueue_dma source(%dma_start3A_7 : memref<32x128xf32, #tpu.memory_space<hbm>>) target(%arg5 : memref<32x128xf32, #tpu.memory_space<vmem>>) target_semaphore(%arg9 : memref<!tpu.dma_semaphore, #tpu.memory_space<semaphore_mem>>)
    %scan3A = arith.constant 0 : i32
    %scan3A_8 = arith.constant 0 : i32
    %scan3A_9 = arith.constant 122 : i32
    %scan3A_10 = arith.addi %scan3A_8, %scan3A_9 : i32
    %scan3A_11 = arith.constant 1 : i32
    scf.for %scan3A_34 = %scan3A_8 to %scan3A_10 step %scan3A_11  : i32 {
      %mul3A_35 = arith.constant 2 : i32
      %mul3A_36 = arith.muli %scan3A_34, %mul3A_35 : i32
      %add3A_37 = arith.constant 0 : i32
      %add3A_38 = arith.addi %mul3A_36, %add3A_37 : i32
      %lt3A_39 = arith.constant 243 : i32
      %lt3A_40 = arith.cmpi slt, %add3A_38, %lt3A_39 : i32
      %convert_element_type3A_41 = arith.extui %lt3A_40 : i1 to i32
      %cond3A_42 = arith.constant 0 : i32
      %cond3A_43 = arith.cmpi ne, %convert_element_type3A_41, %cond3A_42 : i32
      scf.if %cond3A_43 {
        %add3A_103 = arith.constant 1 : i32
        %add3A_104 = arith.addi %add3A_38, %add3A_103 : i32
        %mul3A_105 = arith.constant 32 : i32
        %mul3A_106 = arith.muli %add3A_104, %mul3A_105 : i32
        %add3A_107 = arith.addi %add3A, %mul3A_106 : i32
        %mul3A_108 = arith.constant 128 : i32
        %mul3A_109 = arith.muli %add3A_107, %mul3A_108 : i32
        %dma_start3A_110 = arith.constant 0 : i32
        %dma_start3A_111 = tpu.memref_slice %arg2[%dma_start3A_110, %mul3A_109] : memref<32x1000000xf32, #tpu.memory_space<hbm>> -> memref<32x128xf32, #tpu.memory_space<hbm>>
        %dma_start3A_112 = arith.constant 0 : i32
        %dma_start3A_113 = tpu.memref_slice %arg2[%dma_start3A_112, %mul3A_109] : memref<32x1000000xf32, #tpu.memory_space<hbm>> -> memref<32x128xf32, #tpu.memory_space<hbm>>
        tpu.enqueue_dma source(%dma_start3A_113 : memref<32x128xf32, #tpu.memory_space<hbm>>) target(%arg6 : memref<32x128xf32, #tpu.memory_space<vmem>>) target_semaphore(%arg10 : memref<!tpu.dma_semaphore, #tpu.memory_space<semaphore_mem>>)
      } else {
      }
      %mul3A_44 = arith.constant 32 : i32
      %mul3A_45 = arith.muli %add3A_38, %mul3A_44 : i32
      %add3A_46 = arith.addi %add3A, %mul3A_45 : i32
      %mul3A_47 = arith.constant 128 : i32
      %mul3A_48 = arith.muli %add3A_46, %mul3A_47 : i32
      %dma_wait3A_49 = arith.constant 0 : i32
      %dma_wait3A_50 = tpu.memref_slice %arg2[%dma_wait3A_49, %mul3A_48] : memref<32x1000000xf32, #tpu.memory_space<hbm>> -> memref<32x128xf32, #tpu.memory_space<hbm>>
      %dma_wait3A_51 = arith.constant 0 : i32
      %dma_wait3A_52 = tpu.memref_slice %arg2[%dma_wait3A_51, %mul3A_48] : memref<32x1000000xf32, #tpu.memory_space<hbm>> -> memref<32x128xf32, #tpu.memory_space<hbm>>
      tpu.wait_dma2 semaphore(%arg9 : memref<!tpu.dma_semaphore, #tpu.memory_space<semaphore_mem>>) src(%dma_wait3A_52 : memref<32x128xf32, #tpu.memory_space<hbm>>) dst(%arg5 : memref<32x128xf32, #tpu.memory_space<vmem>>)
      %ge3A = arith.constant 2 : i32
      %ge3A_53 = arith.cmpi sge, %add3A_38, %ge3A : i32
      %convert_element_type3A_54 = arith.extui %ge3A_53 : i1 to i32
      %cond3A_55 = arith.constant 0 : i32
      %cond3A_56 = arith.cmpi ne, %convert_element_type3A_54, %cond3A_55 : i32
      scf.if %cond3A_56 {
        %sub3A = arith.constant 2 : i32
        %sub3A_103 = arith.subi %add3A_38, %sub3A : i32
        %mul3A_104 = arith.constant 32 : i32
        %mul3A_105 = arith.muli %sub3A_103, %mul3A_104 : i32
        %add3A_106 = arith.addi %add3A, %mul3A_105 : i32
        %mul3A_107 = arith.constant 32 : i32
        %mul3A_108 = arith.muli %add3A_106, %mul3A_107 : i32
        %dma_wait3A_109 = arith.constant 0 : i32
        %dma_wait3A_110 = tpu.memref_slice %arg4[%mul3A_108, %dma_wait3A_109] : memref<250000x128xf32, #tpu.memory_space<hbm>> -> memref<32x128xf32, #tpu.memory_space<hbm>>
        %dma_wait3A_111 = arith.constant 0 : i32
        %dma_wait3A_112 = tpu.memref_slice %arg4[%mul3A_108, %dma_wait3A_111] : memref<250000x128xf32, #tpu.memory_space<hbm>> -> memref<32x128xf32, #tpu.memory_space<hbm>>
        tpu.wait_dma2 semaphore(%arg11 : memref<!tpu.dma_semaphore, #tpu.memory_space<semaphore_mem>>) src(%arg7 : memref<32x128xf32, #tpu.memory_space<vmem>>) dst(%dma_wait3A_112 : memref<32x128xf32, #tpu.memory_space<hbm>>)
      } else {
      }
      %parallel_loop3A = arith.constant 0 : i32
      %parallel_loop3A_57 = arith.constant 256 : i32
      %parallel_loop3A_58 = arith.constant 1 : i32
      scf.for %parallel_loop3A_103 = %parallel_loop3A to %parallel_loop3A_57 step %parallel_loop3A_58  : i32 {
        %parallel_loop3A_104 = arith.constant 15 : i32
        %parallel_loop3A_105 = arith.andi %parallel_loop3A_103, %parallel_loop3A_104 : i32
        %parallel_loop3A_106 = arith.constant 4 : i32
        %parallel_loop3A_107 = arith.shrsi %parallel_loop3A_103, %parallel_loop3A_106 : i32
        %parallel_loop3A_108 = arith.constant 1 : i32
        %parallel_loop3A_109 = arith.andi %parallel_loop3A_107, %parallel_loop3A_108 : i32
        %parallel_loop3A_110 = arith.constant 16 : i32
        %parallel_loop3A_111 = arith.muli %parallel_loop3A_109, %parallel_loop3A_110 : i32
        %parallel_loop3A_112 = arith.constant 5 : i32
        %parallel_loop3A_113 = arith.shrsi %parallel_loop3A_103, %parallel_loop3A_112 : i32
        %parallel_loop3A_114 = arith.constant 16 : i32
        %parallel_loop3A_115 = arith.muli %parallel_loop3A_113, %parallel_loop3A_114 : i32
        %parallel_loop3A_116 = vector.broadcast %parallel_loop3A_105 : i32 to vector<16xi32>
        %parallel_loop3A_117 = arith.addi %iota3A, %parallel_loop3A_116 : vector<16xi32>
        %parallel_loop3A_118 = arith.constant 15 : i32
        %parallel_loop3A_119 = vector.broadcast %parallel_loop3A_118 : i32 to vector<16xi32>
        %parallel_loop3A_120 = arith.andi %parallel_loop3A_117, %parallel_loop3A_119 : vector<16xi32>
        %parallel_loop3A_121 = vector.broadcast %parallel_loop3A_111 : i32 to vector<16xi32>
        %parallel_loop3A_122 = arith.addi %parallel_loop3A_120, %parallel_loop3A_121 : vector<16xi32>
        %parallel_loop3A_123 = vector.broadcast %parallel_loop3A_115 : i32 to vector<16xi32>
        %parallel_loop3A_124 = arith.addi %iota3A, %parallel_loop3A_123 : vector<16xi32>
        %parallel_loop3A_125 = tpu.vector_load_idx %arg5[%parallel_loop3A_122, %parallel_loop3A_124] : memref<32x128xf32, #tpu.memory_space<vmem>>[vector<16xi32>, vector<16xi32>], vector<16xf32>,
        %parallel_loop3A_126 = arith.constant 2 : i32
        %parallel_loop3A_127 = vector.broadcast %parallel_loop3A_126 : i32 to vector<16xi32>
        %parallel_loop3A_128 = arith.shrsi %parallel_loop3A_124, %parallel_loop3A_127 : vector<16xi32>
        %parallel_loop3A_129 = arith.constant 3 : i32
        %parallel_loop3A_130 = vector.broadcast %parallel_loop3A_129 : i32 to vector<16xi32>
        %parallel_loop3A_131 = arith.andi %parallel_loop3A_124, %parallel_loop3A_130 : vector<16xi32>
        %parallel_loop3A_132 = arith.constant 5 : i32
        %parallel_loop3A_133 = vector.broadcast %parallel_loop3A_132 : i32 to vector<16xi32>
        %parallel_loop3A_134 = arith.shli %parallel_loop3A_131, %parallel_loop3A_133 : vector<16xi32>
        %parallel_loop3A_135 = arith.addi %parallel_loop3A_134, %parallel_loop3A_122 : vector<16xi32>
        tpu.vector_store_idx %arg7[%parallel_loop3A_128, %parallel_loop3A_135], %parallel_loop3A_125 : memref<32x128xf32, #tpu.memory_space<vmem>>[vector<16xi32>, vector<16xi32>], vector<16xf32>,
      } {sc.loop_unroll_factor = 8 : i64, sc.parallel_access}
      %mul3A_59 = arith.constant 32 : i32
      %mul3A_60 = arith.muli %add3A_38, %mul3A_59 : i32
      %add3A_61 = arith.addi %add3A, %mul3A_60 : i32
      %mul3A_62 = arith.constant 32 : i32
      %mul3A_63 = arith.muli %add3A_61, %mul3A_62 : i32
      %dma_start3A_64 = arith.constant 0 : i32
      %dma_start3A_65 = tpu.memref_slice %arg4[%mul3A_63, %dma_start3A_64] : memref<250000x128xf32, #tpu.memory_space<hbm>> -> memref<32x128xf32, #tpu.memory_space<hbm>>
      %dma_start3A_66 = arith.constant 0 : i32
      %dma_start3A_67 = tpu.memref_slice %arg4[%mul3A_63, %dma_start3A_66] : memref<250000x128xf32, #tpu.memory_space<hbm>> -> memref<32x128xf32, #tpu.memory_space<hbm>>
      tpu.enqueue_dma source(%arg7 : memref<32x128xf32, #tpu.memory_space<vmem>>) target(%dma_start3A_67 : memref<32x128xf32, #tpu.memory_space<hbm>>) target_semaphore(%arg11 : memref<!tpu.dma_semaphore, #tpu.memory_space<semaphore_mem>>)
      %mul3A_68 = arith.constant 2 : i32
      %mul3A_69 = arith.muli %scan3A_34, %mul3A_68 : i32
      %add3A_70 = arith.constant 1 : i32
      %add3A_71 = arith.addi %mul3A_69, %add3A_70 : i32
      %lt3A_72 = arith.constant 243 : i32
      %lt3A_73 = arith.cmpi slt, %add3A_71, %lt3A_72 : i32
      %convert_element_type3A_74 = arith.extui %lt3A_73 : i1 to i32
      %cond3A_75 = arith.constant 0 : i32
      %cond3A_76 = arith.cmpi ne, %convert_element_type3A_74, %cond3A_75 : i32
      scf.if %cond3A_76 {
        %add3A_103 = arith.constant 1 : i32
        %add3A_104 = arith.addi %add3A_71, %add3A_103 : i32
        %mul3A_105 = arith.constant 32 : i32
        %mul3A_106 = arith.muli %add3A_104, %mul3A_105 : i32
        %add3A_107 = arith.addi %add3A, %mul3A_106 : i32
        %mul3A_108 = arith.constant 128 : i32
        %mul3A_109 = arith.muli %add3A_107, %mul3A_108 : i32
        %dma_start3A_110 = arith.constant 0 : i32
        %dma_start3A_111 = tpu.memref_slice %arg2[%dma_start3A_110, %mul3A_109] : memref<32x1000000xf32, #tpu.memory_space<hbm>> -> memref<32x128xf32, #tpu.memory_space<hbm>>
        %dma_start3A_112 = arith.constant 0 : i32
        %dma_start3A_113 = tpu.memref_slice %arg2[%dma_start3A_112, %mul3A_109] : memref<32x1000000xf32, #tpu.memory_space<hbm>> -> memref<32x128xf32, #tpu.memory_space<hbm>>
        tpu.enqueue_dma source(%dma_start3A_113 : memref<32x128xf32, #tpu.memory_space<hbm>>) target(%arg5 : memref<32x128xf32, #tpu.memory_space<vmem>>) target_semaphore(%arg9 : memref<!tpu.dma_semaphore, #tpu.memory_space<semaphore_mem>>)
      } else {
      }
      %mul3A_77 = arith.constant 32 : i32
      %mul3A_78 = arith.muli %add3A_71, %mul3A_77 : i32
      %add3A_79 = arith.addi %add3A, %mul3A_78 : i32
      %mul3A_80 = arith.constant 128 : i32
      %mul3A_81 = arith.muli %add3A_79, %mul3A_80 : i32
      %dma_wait3A_82 = arith.constant 0 : i32
      %dma_wait3A_83 = tpu.memref_slice %arg2[%dma_wait3A_82, %mul3A_81] : memref<32x1000000xf32, #tpu.memory_space<hbm>> -> memref<32x128xf32, #tpu.memory_space<hbm>>
      %dma_wait3A_84 = arith.constant 0 : i32
      %dma_wait3A_85 = tpu.memref_slice %arg2[%dma_wait3A_84, %mul3A_81] : memref<32x1000000xf32, #tpu.memory_space<hbm>> -> memref<32x128xf32, #tpu.memory_space<hbm>>
      tpu.wait_dma2 semaphore(%arg10 : memref<!tpu.dma_semaphore, #tpu.memory_space<semaphore_mem>>) src(%dma_wait3A_85 : memref<32x128xf32, #tpu.memory_space<hbm>>) dst(%arg6 : memref<32x128xf32, #tpu.memory_space<vmem>>)
      %ge3A_86 = arith.constant 2 : i32
      %ge3A_87 = arith.cmpi sge, %add3A_71, %ge3A_86 : i32
      %convert_element_type3A_88 = arith.extui %ge3A_87 : i1 to i32
      %cond3A_89 = arith.constant 0 : i32
      %cond3A_90 = arith.cmpi ne, %convert_element_type3A_88, %cond3A_89 : i32
      scf.if %cond3A_90 {
        %sub3A = arith.constant 2 : i32
        %sub3A_103 = arith.subi %add3A_71, %sub3A : i32
        %mul3A_104 = arith.constant 32 : i32
        %mul3A_105 = arith.muli %sub3A_103, %mul3A_104 : i32
        %add3A_106 = arith.addi %add3A, %mul3A_105 : i32
        %mul3A_107 = arith.constant 32 : i32
        %mul3A_108 = arith.muli %add3A_106, %mul3A_107 : i32
        %dma_wait3A_109 = arith.constant 0 : i32
        %dma_wait3A_110 = tpu.memref_slice %arg4[%mul3A_108, %dma_wait3A_109] : memref<250000x128xf32, #tpu.memory_space<hbm>> -> memref<32x128xf32, #tpu.memory_space<hbm>>
        %dma_wait3A_111 = arith.constant 0 : i32
        %dma_wait3A_112 = tpu.memref_slice %arg4[%mul3A_108, %dma_wait3A_111] : memref<250000x128xf32, #tpu.memory_space<hbm>> -> memref<32x128xf32, #tpu.memory_space<hbm>>
        tpu.wait_dma2 semaphore(%arg12 : memref<!tpu.dma_semaphore, #tpu.memory_space<semaphore_mem>>) src(%arg8 : memref<32x128xf32, #tpu.memory_space<vmem>>) dst(%dma_wait3A_112 : memref<32x128xf32, #tpu.memory_space<hbm>>)
      } else {
      }
      %parallel_loop3A_91 = arith.constant 0 : i32
      %parallel_loop3A_92 = arith.constant 256 : i32
      %parallel_loop3A_93 = arith.constant 1 : i32
      scf.for %parallel_loop3A_103 = %parallel_loop3A_91 to %parallel_loop3A_92 step %parallel_loop3A_93  : i32 {
        %parallel_loop3A_104 = arith.constant 15 : i32
        %parallel_loop3A_105 = arith.andi %parallel_loop3A_103, %parallel_loop3A_104 : i32
        %parallel_loop3A_106 = arith.constant 4 : i32
        %parallel_loop3A_107 = arith.shrsi %parallel_loop3A_103, %parallel_loop3A_106 : i32
        %parallel_loop3A_108 = arith.constant 1 : i32
        %parallel_loop3A_109 = arith.andi %parallel_loop3A_107, %parallel_loop3A_108 : i32
        %parallel_loop3A_110 = arith.constant 16 : i32
        %parallel_loop3A_111 = arith.muli %parallel_loop3A_109, %parallel_loop3A_110 : i32
        %parallel_loop3A_112 = arith.constant 5 : i32
        %parallel_loop3A_113 = arith.shrsi %parallel_loop3A_103, %parallel_loop3A_112 : i32
        %parallel_loop3A_114 = arith.constant 16 : i32
        %parallel_loop3A_115 = arith.muli %parallel_loop3A_113, %parallel_loop3A_114 : i32
        %parallel_loop3A_116 = vector.broadcast %parallel_loop3A_105 : i32 to vector<16xi32>
        %parallel_loop3A_117 = arith.addi %iota3A, %parallel_loop3A_116 : vector<16xi32>
        %parallel_loop3A_118 = arith.constant 15 : i32
        %parallel_loop3A_119 = vector.broadcast %parallel_loop3A_118 : i32 to vector<16xi32>
        %parallel_loop3A_120 = arith.andi %parallel_loop3A_117, %parallel_loop3A_119 : vector<16xi32>
        %parallel_loop3A_121 = vector.broadcast %parallel_loop3A_111 : i32 to vector<16xi32>
        %parallel_loop3A_122 = arith.addi %parallel_loop3A_120, %parallel_loop3A_121 : vector<16xi32>
        %parallel_loop3A_123 = vector.broadcast %parallel_loop3A_115 : i32 to vector<16xi32>
        %parallel_loop3A_124 = arith.addi %iota3A, %parallel_loop3A_123 : vector<16xi32>
        %parallel_loop3A_125 = tpu.vector_load_idx %arg6[%parallel_loop3A_122, %parallel_loop3A_124] : memref<32x128xf32, #tpu.memory_space<vmem>>[vector<16xi32>, vector<16xi32>], vector<16xf32>,
        %parallel_loop3A_126 = arith.constant 2 : i32
        %parallel_loop3A_127 = vector.broadcast %parallel_loop3A_126 : i32 to vector<16xi32>
        %parallel_loop3A_128 = arith.shrsi %parallel_loop3A_124, %parallel_loop3A_127 : vector<16xi32>
        %parallel_loop3A_129 = arith.constant 3 : i32
        %parallel_loop3A_130 = vector.broadcast %parallel_loop3A_129 : i32 to vector<16xi32>
        %parallel_loop3A_131 = arith.andi %parallel_loop3A_124, %parallel_loop3A_130 : vector<16xi32>
        %parallel_loop3A_132 = arith.constant 5 : i32
        %parallel_loop3A_133 = vector.broadcast %parallel_loop3A_132 : i32 to vector<16xi32>
        %parallel_loop3A_134 = arith.shli %parallel_loop3A_131, %parallel_loop3A_133 : vector<16xi32>
        %parallel_loop3A_135 = arith.addi %parallel_loop3A_134, %parallel_loop3A_122 : vector<16xi32>
        tpu.vector_store_idx %arg8[%parallel_loop3A_128, %parallel_loop3A_135], %parallel_loop3A_125 : memref<32x128xf32, #tpu.memory_space<vmem>>[vector<16xi32>, vector<16xi32>], vector<16xf32>,
      } {sc.loop_unroll_factor = 8 : i64, sc.parallel_access}
      %mul3A_94 = arith.constant 32 : i32
      %mul3A_95 = arith.muli %add3A_71, %mul3A_94 : i32
      %add3A_96 = arith.addi %add3A, %mul3A_95 : i32
      %mul3A_97 = arith.constant 32 : i32
      %mul3A_98 = arith.muli %add3A_96, %mul3A_97 : i32
      %dma_start3A_99 = arith.constant 0 : i32
      %dma_start3A_100 = tpu.memref_slice %arg4[%mul3A_98, %dma_start3A_99] : memref<250000x128xf32, #tpu.memory_space<hbm>> -> memref<32x128xf32, #tpu.memory_space<hbm>>
      %dma_start3A_101 = arith.constant 0 : i32
      %dma_start3A_102 = tpu.memref_slice %arg4[%mul3A_98, %dma_start3A_101] : memref<250000x128xf32, #tpu.memory_space<hbm>> -> memref<32x128xf32, #tpu.memory_space<hbm>>
      tpu.enqueue_dma source(%arg8 : memref<32x128xf32, #tpu.memory_space<vmem>>) target(%dma_start3A_102 : memref<32x128xf32, #tpu.memory_space<hbm>>) target_semaphore(%arg12 : memref<!tpu.dma_semaphore, #tpu.memory_space<semaphore_mem>>)
    }
    %scan3A_12 = arith.constant 122 : i32
    %add3A_13 = arith.constant 7744 : i32
    %add3A_14 = arith.addi %add3A, %add3A_13 : i32
    %mul3A_15 = arith.constant 32 : i32
    %mul3A_16 = arith.muli %add3A_14, %mul3A_15 : i32
    %dma_wait3A = arith.constant 0 : i32
    %dma_wait3A_17 = tpu.memref_slice %arg4[%mul3A_16, %dma_wait3A] : memref<250000x128xf32, #tpu.memory_space<hbm>> -> memref<32x128xf32, #tpu.memory_space<hbm>>
    %dma_wait3A_18 = arith.constant 0 : i32
    %dma_wait3A_19 = tpu.memref_slice %arg4[%mul3A_16, %dma_wait3A_18] : memref<250000x128xf32, #tpu.memory_space<hbm>> -> memref<32x128xf32, #tpu.memory_space<hbm>>
    tpu.wait_dma2 semaphore(%arg11 : memref<!tpu.dma_semaphore, #tpu.memory_space<semaphore_mem>>) src(%arg7 : memref<32x128xf32, #tpu.memory_space<vmem>>) dst(%dma_wait3A_19 : memref<32x128xf32, #tpu.memory_space<hbm>>)
    %add3A_20 = arith.constant 7776 : i32
    %add3A_21 = arith.addi %add3A, %add3A_20 : i32
    %mul3A_22 = arith.constant 32 : i32
    %mul3A_23 = arith.muli %add3A_21, %mul3A_22 : i32
    %dma_wait3A_24 = arith.constant 0 : i32
    %dma_wait3A_25 = tpu.memref_slice %arg4[%mul3A_23, %dma_wait3A_24] : memref<250000x128xf32, #tpu.memory_space<hbm>> -> memref<32x128xf32, #tpu.memory_space<hbm>>
    %dma_wait3A_26 = arith.constant 0 : i32
    %dma_wait3A_27 = tpu.memref_slice %arg4[%mul3A_23, %dma_wait3A_26] : memref<250000x128xf32, #tpu.memory_space<hbm>> -> memref<32x128xf32, #tpu.memory_space<hbm>>
    tpu.wait_dma2 semaphore(%arg12 : memref<!tpu.dma_semaphore, #tpu.memory_space<semaphore_mem>>) src(%arg8 : memref<32x128xf32, #tpu.memory_space<vmem>>) dst(%dma_wait3A_27 : memref<32x128xf32, #tpu.memory_space<hbm>>)
    %lt3A = arith.constant 4 : i32
    %lt3A_28 = arith.cmpi slt, %add3A, %lt3A : i32
    %convert_element_type3A = arith.extui %lt3A_28 : i1 to i32
    %cond3A = arith.constant 0 : i32
    %cond3A_29 = arith.cmpi ne, %convert_element_type3A, %cond3A : i32
    scf.if %cond3A_29 {
      %add3A_34 = arith.constant 7808 : i32
      %add3A_35 = arith.addi %add3A_34, %add3A : i32
      %mul3A_36 = arith.constant 128 : i32
      %mul3A_37 = arith.muli %add3A_35, %mul3A_36 : i32
      "tpu.region"() ({
        %run_scoped3A = tpu.sem_alloc : memref<!tpu.dma_semaphore, #tpu.memory_space<semaphore_mem>>
        %dma_start3A_42 = arith.constant 0 : i32
        %dma_start3A_43 = tpu.memref_slice %arg2[%dma_start3A_42, %mul3A_37] : memref<32x1000000xf32, #tpu.memory_space<hbm>> -> memref<32x128xf32, #tpu.memory_space<hbm>>
        %dma_start3A_44 = arith.constant 0 : i32
        %dma_start3A_45 = tpu.memref_slice %arg2[%dma_start3A_44, %mul3A_37] : memref<32x1000000xf32, #tpu.memory_space<hbm>> -> memref<32x128xf32, #tpu.memory_space<hbm>>
        tpu.enqueue_dma source(%dma_start3A_45 : memref<32x128xf32, #tpu.memory_space<hbm>>) target(%arg5 : memref<32x128xf32, #tpu.memory_space<vmem>>) target_semaphore(%run_scoped3A : memref<!tpu.dma_semaphore, #tpu.memory_space<semaphore_mem>>)
        %dma_wait3A_46 = arith.constant 0 : i32
        %dma_wait3A_47 = tpu.memref_slice %arg2[%dma_wait3A_46, %mul3A_37] : memref<32x1000000xf32, #tpu.memory_space<hbm>> -> memref<32x128xf32, #tpu.memory_space<hbm>>
        %dma_wait3A_48 = arith.constant 0 : i32
        %dma_wait3A_49 = tpu.memref_slice %arg2[%dma_wait3A_48, %mul3A_37] : memref<32x1000000xf32, #tpu.memory_space<hbm>> -> memref<32x128xf32, #tpu.memory_space<hbm>>
        tpu.wait_dma2 semaphore(%run_scoped3A : memref<!tpu.dma_semaphore, #tpu.memory_space<semaphore_mem>>) src(%dma_wait3A_49 : memref<32x128xf32, #tpu.memory_space<hbm>>) dst(%arg5 : memref<32x128xf32, #tpu.memory_space<vmem>>)
        tpu.yield
      }) : () -> ()
      %parallel_loop3A = arith.constant 0 : i32
      %parallel_loop3A_38 = arith.constant 256 : i32
      %parallel_loop3A_39 = arith.constant 1 : i32
      scf.for %parallel_loop3A_42 = %parallel_loop3A to %parallel_loop3A_38 step %parallel_loop3A_39  : i32 {
        %parallel_loop3A_43 = arith.constant 15 : i32
        %parallel_loop3A_44 = arith.andi %parallel_loop3A_42, %parallel_loop3A_43 : i32
        %parallel_loop3A_45 = arith.constant 4 : i32
        %parallel_loop3A_46 = arith.shrsi %parallel_loop3A_42, %parallel_loop3A_45 : i32
        %parallel_loop3A_47 = arith.constant 1 : i32
        %parallel_loop3A_48 = arith.andi %parallel_loop3A_46, %parallel_loop3A_47 : i32
        %parallel_loop3A_49 = arith.constant 16 : i32
        %parallel_loop3A_50 = arith.muli %parallel_loop3A_48, %parallel_loop3A_49 : i32
        %parallel_loop3A_51 = arith.constant 5 : i32
        %parallel_loop3A_52 = arith.shrsi %parallel_loop3A_42, %parallel_loop3A_51 : i32
        %parallel_loop3A_53 = arith.constant 16 : i32
        %parallel_loop3A_54 = arith.muli %parallel_loop3A_52, %parallel_loop3A_53 : i32
        %parallel_loop3A_55 = vector.broadcast %parallel_loop3A_44 : i32 to vector<16xi32>
        %parallel_loop3A_56 = arith.addi %iota3A, %parallel_loop3A_55 : vector<16xi32>
        %parallel_loop3A_57 = arith.constant 15 : i32
        %parallel_loop3A_58 = vector.broadcast %parallel_loop3A_57 : i32 to vector<16xi32>
        %parallel_loop3A_59 = arith.andi %parallel_loop3A_56, %parallel_loop3A_58 : vector<16xi32>
        %parallel_loop3A_60 = vector.broadcast %parallel_loop3A_50 : i32 to vector<16xi32>
        %parallel_loop3A_61 = arith.addi %parallel_loop3A_59, %parallel_loop3A_60 : vector<16xi32>
        %parallel_loop3A_62 = vector.broadcast %parallel_loop3A_54 : i32 to vector<16xi32>
        %parallel_loop3A_63 = arith.addi %iota3A, %parallel_loop3A_62 : vector<16xi32>
        %parallel_loop3A_64 = tpu.vector_load_idx %arg5[%parallel_loop3A_61, %parallel_loop3A_63] : memref<32x128xf32, #tpu.memory_space<vmem>>[vector<16xi32>, vector<16xi32>], vector<16xf32>,
        %parallel_loop3A_65 = arith.constant 2 : i32
        %parallel_loop3A_66 = vector.broadcast %parallel_loop3A_65 : i32 to vector<16xi32>
        %parallel_loop3A_67 = arith.shrsi %parallel_loop3A_63, %parallel_loop3A_66 : vector<16xi32>
        %parallel_loop3A_68 = arith.constant 3 : i32
        %parallel_loop3A_69 = vector.broadcast %parallel_loop3A_68 : i32 to vector<16xi32>
        %parallel_loop3A_70 = arith.andi %parallel_loop3A_63, %parallel_loop3A_69 : vector<16xi32>
        %parallel_loop3A_71 = arith.constant 5 : i32
        %parallel_loop3A_72 = vector.broadcast %parallel_loop3A_71 : i32 to vector<16xi32>
        %parallel_loop3A_73 = arith.shli %parallel_loop3A_70, %parallel_loop3A_72 : vector<16xi32>
        %parallel_loop3A_74 = arith.addi %parallel_loop3A_73, %parallel_loop3A_61 : vector<16xi32>
        tpu.vector_store_idx %arg7[%parallel_loop3A_67, %parallel_loop3A_74], %parallel_loop3A_64 : memref<32x128xf32, #tpu.memory_space<vmem>>[vector<16xi32>, vector<16xi32>], vector<16xf32>,
      } {sc.loop_unroll_factor = 8 : i64, sc.parallel_access}
      %mul3A_40 = arith.constant 32 : i32
      %mul3A_41 = arith.muli %add3A_35, %mul3A_40 : i32
      "tpu.region"() ({
        %run_scoped3A = tpu.sem_alloc : memref<!tpu.dma_semaphore, #tpu.memory_space<semaphore_mem>>
        %dma_start3A_42 = arith.constant 0 : i32
        %dma_start3A_43 = tpu.memref_slice %arg4[%mul3A_41, %dma_start3A_42] : memref<250000x128xf32, #tpu.memory_space<hbm>> -> memref<32x128xf32, #tpu.memory_space<hbm>>
        %dma_start3A_44 = arith.constant 0 : i32
        %dma_start3A_45 = tpu.memref_slice %arg4[%mul3A_41, %dma_start3A_44] : memref<250000x128xf32, #tpu.memory_space<hbm>> -> memref<32x128xf32, #tpu.memory_space<hbm>>
        tpu.enqueue_dma source(%arg7 : memref<32x128xf32, #tpu.memory_space<vmem>>) target(%dma_start3A_45 : memref<32x128xf32, #tpu.memory_space<hbm>>) target_semaphore(%run_scoped3A : memref<!tpu.dma_semaphore, #tpu.memory_space<semaphore_mem>>)
        %dma_wait3A_46 = arith.constant 0 : i32
        %dma_wait3A_47 = tpu.memref_slice %arg4[%mul3A_41, %dma_wait3A_46] : memref<250000x128xf32, #tpu.memory_space<hbm>> -> memref<32x128xf32, #tpu.memory_space<hbm>>
        %dma_wait3A_48 = arith.constant 0 : i32
        %dma_wait3A_49 = tpu.memref_slice %arg4[%mul3A_41, %dma_wait3A_48] : memref<250000x128xf32, #tpu.memory_space<hbm>> -> memref<32x128xf32, #tpu.memory_space<hbm>>
        tpu.wait_dma2 semaphore(%run_scoped3A : memref<!tpu.dma_semaphore, #tpu.memory_space<semaphore_mem>>) src(%arg7 : memref<32x128xf32, #tpu.memory_space<vmem>>) dst(%dma_wait3A_49 : memref<32x128xf32, #tpu.memory_space<hbm>>)
        tpu.yield
      }) : () -> ()
    } else {
    }
    %eq3A = arith.constant 31 : i32
    %eq3A_30 = arith.cmpi eq, %add3A, %eq3A : i32
    %convert_element_type3A_31 = arith.extui %eq3A_30 : i1 to i32
    %cond3A_32 = arith.constant 0 : i32
    %cond3A_33 = arith.cmpi ne, %convert_element_type3A_31, %cond3A_32 : i32
    scf.if %cond3A_33 {
      "tpu.region"() ({
        %run_scoped3A = tpu.sem_alloc : memref<!tpu.dma_semaphore, #tpu.memory_space<semaphore_mem>>
        tpu.enqueue_dma source(%arg3 : memref<32x128xf32, #tpu.memory_space<hbm>>) target(%arg5 : memref<32x128xf32, #tpu.memory_space<vmem>>) target_semaphore(%run_scoped3A : memref<!tpu.dma_semaphore, #tpu.memory_space<semaphore_mem>>)
        tpu.wait_dma2 semaphore(%run_scoped3A : memref<!tpu.dma_semaphore, #tpu.memory_space<semaphore_mem>>) src(%arg3 : memref<32x128xf32, #tpu.memory_space<hbm>>) dst(%arg5 : memref<32x128xf32, #tpu.memory_space<vmem>>)
        tpu.yield
      }) : () -> ()
      %parallel_loop3A = arith.constant 0 : i32
      %parallel_loop3A_34 = arith.constant 256 : i32
      %parallel_loop3A_35 = arith.constant 1 : i32
      scf.for %parallel_loop3A_36 = %parallel_loop3A to %parallel_loop3A_34 step %parallel_loop3A_35  : i32 {
        %parallel_loop3A_37 = arith.constant 15 : i32
        %parallel_loop3A_38 = arith.andi %parallel_loop3A_36, %parallel_loop3A_37 : i32
        %parallel_loop3A_39 = arith.constant 4 : i32
        %parallel_loop3A_40 = arith.shrsi %parallel_loop3A_36, %parallel_loop3A_39 : i32
        %parallel_loop3A_41 = arith.constant 1 : i32
        %parallel_loop3A_42 = arith.andi %parallel_loop3A_40, %parallel_loop3A_41 : i32
        %parallel_loop3A_43 = arith.constant 16 : i32
        %parallel_loop3A_44 = arith.muli %parallel_loop3A_42, %parallel_loop3A_43 : i32
        %parallel_loop3A_45 = arith.constant 5 : i32
        %parallel_loop3A_46 = arith.shrsi %parallel_loop3A_36, %parallel_loop3A_45 : i32
        %parallel_loop3A_47 = arith.constant 16 : i32
        %parallel_loop3A_48 = arith.muli %parallel_loop3A_46, %parallel_loop3A_47 : i32
        %parallel_loop3A_49 = vector.broadcast %parallel_loop3A_38 : i32 to vector<16xi32>
        %parallel_loop3A_50 = arith.addi %iota3A, %parallel_loop3A_49 : vector<16xi32>
        %parallel_loop3A_51 = arith.constant 15 : i32
        %parallel_loop3A_52 = vector.broadcast %parallel_loop3A_51 : i32 to vector<16xi32>
        %parallel_loop3A_53 = arith.andi %parallel_loop3A_50, %parallel_loop3A_52 : vector<16xi32>
        %parallel_loop3A_54 = vector.broadcast %parallel_loop3A_44 : i32 to vector<16xi32>
        %parallel_loop3A_55 = arith.addi %parallel_loop3A_53, %parallel_loop3A_54 : vector<16xi32>
        %parallel_loop3A_56 = vector.broadcast %parallel_loop3A_48 : i32 to vector<16xi32>
        %parallel_loop3A_57 = arith.addi %iota3A, %parallel_loop3A_56 : vector<16xi32>
        %parallel_loop3A_58 = tpu.vector_load_idx %arg5[%parallel_loop3A_55, %parallel_loop3A_57] : memref<32x128xf32, #tpu.memory_space<vmem>>[vector<16xi32>, vector<16xi32>], vector<16xf32>,
        %parallel_loop3A_59 = arith.constant 2 : i32
        %parallel_loop3A_60 = vector.broadcast %parallel_loop3A_59 : i32 to vector<16xi32>
        %parallel_loop3A_61 = arith.shrsi %parallel_loop3A_57, %parallel_loop3A_60 : vector<16xi32>
        %parallel_loop3A_62 = arith.constant 3 : i32
        %parallel_loop3A_63 = vector.broadcast %parallel_loop3A_62 : i32 to vector<16xi32>
        %parallel_loop3A_64 = arith.andi %parallel_loop3A_57, %parallel_loop3A_63 : vector<16xi32>
        %parallel_loop3A_65 = arith.constant 5 : i32
        %parallel_loop3A_66 = vector.broadcast %parallel_loop3A_65 : i32 to vector<16xi32>
        %parallel_loop3A_67 = arith.shli %parallel_loop3A_64, %parallel_loop3A_66 : vector<16xi32>
        %parallel_loop3A_68 = arith.addi %parallel_loop3A_67, %parallel_loop3A_55 : vector<16xi32>
        tpu.vector_store_idx %arg7[%parallel_loop3A_61, %parallel_loop3A_68], %parallel_loop3A_58 : memref<32x128xf32, #tpu.memory_space<vmem>>[vector<16xi32>, vector<16xi32>], vector<16xf32>,
      } {sc.loop_unroll_factor = 8 : i64, sc.parallel_access}
      "tpu.region"() ({
        %run_scoped3A = tpu.sem_alloc : memref<!tpu.dma_semaphore, #tpu.memory_space<semaphore_mem>>
        %dma_start3A_36 = arith.constant 0 : i32
        %dma_start3A_37 = arith.constant 0 : i32
        %dma_start3A_38 = tpu.memref_slice %arg7[%dma_start3A_36, %dma_start3A_37] : memref<32x128xf32, #tpu.memory_space<vmem>> -> memref<16x128xf32, #tpu.memory_space<vmem>>
        %dma_start3A_39 = arith.constant 249984 : i32
        %dma_start3A_40 = arith.constant 0 : i32
        %dma_start3A_41 = tpu.memref_slice %arg4[%dma_start3A_39, %dma_start3A_40] : memref<250000x128xf32, #tpu.memory_space<hbm>> -> memref<16x128xf32, #tpu.memory_space<hbm>>
        %dma_start3A_42 = arith.constant 249984 : i32
        %dma_start3A_43 = arith.constant 0 : i32
        %dma_start3A_44 = tpu.memref_slice %arg4[%dma_start3A_42, %dma_start3A_43] : memref<250000x128xf32, #tpu.memory_space<hbm>> -> memref<16x128xf32, #tpu.memory_space<hbm>>
        %dma_start3A_45 = arith.constant 0 : i32
        %dma_start3A_46 = arith.constant 0 : i32
        %dma_start3A_47 = tpu.memref_slice %arg7[%dma_start3A_45, %dma_start3A_46] : memref<32x128xf32, #tpu.memory_space<vmem>> -> memref<16x128xf32, #tpu.memory_space<vmem>>
        tpu.enqueue_dma source(%dma_start3A_47 : memref<16x128xf32, #tpu.memory_space<vmem>>) target(%dma_start3A_44 : memref<16x128xf32, #tpu.memory_space<hbm>>) target_semaphore(%run_scoped3A : memref<!tpu.dma_semaphore, #tpu.memory_space<semaphore_mem>>)
        %dma_wait3A_48 = arith.constant 0 : i32
        %dma_wait3A_49 = arith.constant 0 : i32
        %dma_wait3A_50 = tpu.memref_slice %arg7[%dma_wait3A_48, %dma_wait3A_49] : memref<32x128xf32, #tpu.memory_space<vmem>> -> memref<16x128xf32, #tpu.memory_space<vmem>>
        %dma_wait3A_51 = arith.constant 249984 : i32
        %dma_wait3A_52 = arith.constant 0 : i32
        %dma_wait3A_53 = tpu.memref_slice %arg4[%dma_wait3A_51, %dma_wait3A_52] : memref<250000x128xf32, #tpu.memory_space<hbm>> -> memref<16x128xf32, #tpu.memory_space<hbm>>
        %dma_wait3A_54 = arith.constant 249984 : i32
        %dma_wait3A_55 = arith.constant 0 : i32
        %dma_wait3A_56 = tpu.memref_slice %arg4[%dma_wait3A_54, %dma_wait3A_55] : memref<250000x128xf32, #tpu.memory_space<hbm>> -> memref<16x128xf32, #tpu.memory_space<hbm>>
        %dma_wait3A_57 = arith.constant 0 : i32
        %dma_wait3A_58 = arith.constant 0 : i32
        %dma_wait3A_59 = tpu.memref_slice %arg7[%dma_wait3A_57, %dma_wait3A_58] : memref<32x128xf32, #tpu.memory_space<vmem>> -> memref<16x128xf32, #tpu.memory_space<vmem>>
        tpu.wait_dma2 semaphore(%run_scoped3A : memref<!tpu.dma_semaphore, #tpu.memory_space<semaphore_mem>>) src(%dma_wait3A_59 : memref<16x128xf32, #tpu.memory_space<vmem>>) dst(%dma_wait3A_56 : memref<16x128xf32, #tpu.memory_space<hbm>>)
        tpu.yield
      }) : () -> ()
    } else {
    }
    return
  }
}

#map = affine_map<(d0, d1) -> (0)>
#map1 = affine_map<(d0, d1) -> (0, 0)>
#map2 = affine_map<(d0, d1) -> (0, 0, 0, 0, 0)>
module attributes {stable_mosaic.version = 14 : i64} {
  func.func @emb(%arg0: i32, %arg1: i32, %arg2: memref<819200xi32, #tpu.memory_space<hbm>>, %arg3: memref<1000000x32xf32, #tpu.memory_space<hbm>>, %arg4: memref<50x4x128x8x128xf32, #tpu.memory_space<hbm>>, %arg5: memref<6400xi32, #tpu.memory_space<vmem>>, %arg6: memref<640xi32, #tpu.memory_space<vmem>>, %arg7: memref<640xi32, #tpu.memory_space<vmem>>, %arg8: memref<640x32xf32, #tpu.memory_space<vmem>>, %arg9: memref<640x32xf32, #tpu.memory_space<vmem>>, %arg10: memref<160x129xf32, #tpu.memory_space<vmem>>, %arg11: memref<!tpu.dma_semaphore, #tpu.memory_space<semaphore_mem>>, %arg12: memref<!tpu.dma_semaphore, #tpu.memory_space<semaphore_mem>>, %arg13: memref<!tpu.dma_semaphore, #tpu.memory_space<semaphore_mem>>) attributes {dimension_semantics = [#tpu.dimension_semantics<core_parallel>, #tpu.dimension_semantics<subcore_parallel>], iteration_bounds = array<i64: 2, 16>, scalar_prefetch = 0 : i64, scratch_operands = 9 : i64, tpu.core_type = #tpu.core_type<sc_vector_subcore>, window_params = [{transform_indices = #map}, {transform_indices = #map1}, {transform_indices = #map2}]} {
    %mul3A = arith.constant 2 : i32
    %mul3A_0 = arith.muli %arg1, %mul3A : i32
    %add3A = arith.addi %mul3A_0, %arg0 : i32
    %iota3A = tpu.iota {dimensions = array<i32: 0>} : vector<16xi32>
    %mul3A_1 = arith.constant 50 : i32
    %mul3A_2 = vector.broadcast %mul3A_1 : i32 to vector<16xi32>
    %mul3A_3 = arith.muli %iota3A, %mul3A_2 : vector<16xi32>
    %broadcast_in_dim3A = arith.constant 0 : i32
    %broadcast_in_dim3A_4 = vector.broadcast %broadcast_in_dim3A : i32 to vector<16xi32>
    %mul3A_5 = arith.constant 4 : i32
    %mul3A_6 = arith.muli %add3A, %mul3A_5 : i32
    %add3A_7 = arith.constant 0 : i32
    %add3A_8 = arith.addi %mul3A_6, %add3A_7 : i32
    %mul3A_9 = arith.constant 6400 : i32
    %mul3A_10 = arith.muli %add3A_8, %mul3A_9 : i32
    "tpu.region"() ({
      %run_scoped3A = tpu.sem_alloc : memref<!tpu.dma_semaphore, #tpu.memory_space<semaphore_mem>>
      %dma_start3A_343 = tpu.memref_slice %arg2[%mul3A_10] : memref<819200xi32, #tpu.memory_space<hbm>> -> memref<6400xi32, #tpu.memory_space<hbm>>
      %dma_start3A_344 = tpu.memref_slice %arg2[%mul3A_10] : memref<819200xi32, #tpu.memory_space<hbm>> -> memref<6400xi32, #tpu.memory_space<hbm>>
      tpu.enqueue_dma source(%dma_start3A_344 : memref<6400xi32, #tpu.memory_space<hbm>>) target(%arg5 : memref<6400xi32, #tpu.memory_space<vmem>>) target_semaphore(%run_scoped3A : memref<!tpu.dma_semaphore, #tpu.memory_space<semaphore_mem>>)
      %dma_wait3A_345 = tpu.memref_slice %arg2[%mul3A_10] : memref<819200xi32, #tpu.memory_space<hbm>> -> memref<6400xi32, #tpu.memory_space<hbm>>
      %dma_wait3A_346 = tpu.memref_slice %arg2[%mul3A_10] : memref<819200xi32, #tpu.memory_space<hbm>> -> memref<6400xi32, #tpu.memory_space<hbm>>
      tpu.wait_dma2 semaphore(%run_scoped3A : memref<!tpu.dma_semaphore, #tpu.memory_space<semaphore_mem>>) src(%dma_wait3A_346 : memref<6400xi32, #tpu.memory_space<hbm>>) dst(%arg5 : memref<6400xi32, #tpu.memory_space<vmem>>)
      tpu.yield
    }) : () -> ()
    %parallel_loop3A = arith.constant 0 : i32
    %parallel_loop3A_11 = arith.constant 40 : i32
    %parallel_loop3A_12 = arith.constant 1 : i32
    scf.for %parallel_loop3A_343 = %parallel_loop3A to %parallel_loop3A_11 step %parallel_loop3A_12  : i32 {
      %parallel_loop3A_344 = arith.constant 3 : i32
      %parallel_loop3A_345 = arith.shrsi %parallel_loop3A_343, %parallel_loop3A_344 : i32
      %parallel_loop3A_346 = arith.constant 7 : i32
      %parallel_loop3A_347 = arith.andi %parallel_loop3A_343, %parallel_loop3A_346 : i32
      %parallel_loop3A_348 = arith.constant 16 : i32
      %parallel_loop3A_349 = arith.muli %parallel_loop3A_347, %parallel_loop3A_348 : i32
      %parallel_loop3A_350 = arith.constant 50 : i32
      %parallel_loop3A_351 = arith.muli %parallel_loop3A_349, %parallel_loop3A_350 : i32
      %parallel_loop3A_352 = arith.constant 0 : i32
      %parallel_loop3A_353 = arith.addi %parallel_loop3A_351, %parallel_loop3A_352 : i32
      %parallel_loop3A_354 = arith.addi %parallel_loop3A_353, %parallel_loop3A_345 : i32
      %parallel_loop3A_355 = vector.broadcast %parallel_loop3A_354 : i32 to vector<16xi32>
      %parallel_loop3A_356 = arith.addi %mul3A_3, %parallel_loop3A_355 : vector<16xi32>
      %parallel_loop3A_357 = tpu.vector_load_idx %arg5[%parallel_loop3A_356] : memref<6400xi32, #tpu.memory_space<vmem>>[vector<16xi32>], vector<16xi32>,
      %parallel_loop3A_358 = arith.constant 16 : i32
      %parallel_loop3A_359 = arith.muli %parallel_loop3A_343, %parallel_loop3A_358 : i32
      %parallel_loop3A_360 = arith.index_cast %parallel_loop3A_359 : i32 to index
      %parallel_loop3A_361 = tpu.vector_load %arg6[%parallel_loop3A_360] {strides = array<i32>} : memref<640xi32, #tpu.memory_space<vmem>>, vector<16xi32>,
      tpu.vector_store %arg6[%parallel_loop3A_360], %parallel_loop3A_357 {strides = array<i32>} : memref<640xi32, #tpu.memory_space<vmem>>, vector<16xi32>,
    } {sc.loop_unroll_factor = 8 : i64, sc.parallel_access}
    %dma_start3A = arith.constant 0 : i32
    %dma_start3A_13 = arith.constant 0 : i32
    %dma_start3A_14 = tpu.memref_slice %arg3[%dma_start3A, %dma_start3A_13] : memref<1000000x32xf32, #tpu.memory_space<hbm>> -> memref<1000000x32xf32, #tpu.memory_space<hbm>>
    tpu.enqueue_indirect_dma source(%dma_start3A_14 : memref<1000000x32xf32, #tpu.memory_space<hbm>>) target(%arg8 : memref<640x32xf32, #tpu.memory_space<vmem>>) offsets(%arg6 : memref<640xi32, #tpu.memory_space<vmem>>) semaphore(%arg11 : memref<!tpu.dma_semaphore, #tpu.memory_space<semaphore_mem>>)
    %scan3A = arith.constant 0 : i32
    %scan3A_15 = arith.constant 0 : i32
    %scan3A_16 = arith.constant 20 : i32
    %scan3A_17 = arith.addi %scan3A_15, %scan3A_16 : i32
    %scan3A_18 = arith.constant 1 : i32
    scf.for %scan3A_343 = %scan3A_15 to %scan3A_17 step %scan3A_18  : i32 {
      %mul3A_344 = arith.constant 2 : i32
      %mul3A_345 = arith.muli %scan3A_343, %mul3A_344 : i32
      %add3A_346 = arith.constant 0 : i32
      %add3A_347 = arith.addi %mul3A_345, %add3A_346 : i32
      %lt3A = arith.constant 39 : i32
      %lt3A_348 = arith.cmpi slt, %add3A_347, %lt3A : i32
      %add3A_349 = arith.constant 1 : i32
      %add3A_350 = arith.addi %add3A_347, %add3A_349 : i32
      %jit3A = arith.constant 10 : i32
      %eq3A = arith.constant 0 : i32
      %eq3A_351 = arith.cmpi eq, %jit3A, %eq3A : i32
      %jit3A_352 = arith.constant 1 : i32
      %select_n3A = arith.select %eq3A_351, %jit3A_352, %jit3A : i32
      %rem3A = arith.remsi %add3A_350, %select_n3A : i32
      %ne3A = arith.constant 0 : i32
      %ne3A_353 = arith.cmpi ne, %rem3A, %ne3A : i32
      %lt3A_354 = arith.constant 0 : i32
      %lt3A_355 = arith.cmpi slt, %rem3A, %lt3A_354 : i32
      %lt3A_356 = arith.constant 0 : i32
      %lt3A_357 = arith.cmpi slt, %select_n3A, %lt3A_356 : i32
      %ne3A_358 = arith.xori %lt3A_355, %lt3A_357 : i1
      %and3A = arith.andi %ne3A_358, %ne3A_353 : i1
      %add3A_359 = arith.addi %rem3A, %select_n3A : i32
      %select_n3A_360 = arith.select %and3A, %add3A_359, %rem3A : i32
      %eq3A_361 = arith.constant 0 : i32
      %eq3A_362 = arith.cmpi eq, %select_n3A_360, %eq3A_361 : i32
      %and3A_363 = arith.andi %lt3A_348, %eq3A_362 : i1
      %convert_element_type3A = arith.extui %and3A_363 : i1 to i32
      %cond3A = arith.constant 0 : i32
      %cond3A_364 = arith.cmpi ne, %convert_element_type3A, %cond3A : i32
      scf.if %cond3A_364 {
        %add3A_1193 = arith.constant 1 : i32
        %add3A_1194 = arith.addi %add3A_347, %add3A_1193 : i32
        %mul3A_1195 = arith.constant 4 : i32
        %mul3A_1196 = arith.muli %add3A, %mul3A_1195 : i32
        %jit3A_1197 = arith.constant 10 : i32
        %div3A_1198 = arith.divsi %add3A_1194, %jit3A_1197 : i32
        %sign3A_1199 = arith.constant 0 : i32
        %sign3A_1200 = arith.cmpi sgt, %add3A_1194, %sign3A_1199 : i32
        %sign3A_1201 = arith.extui %sign3A_1200 : i1 to i32
        %sign3A_1202 = arith.constant 0 : i32
        %sign3A_1203 = arith.cmpi slt, %add3A_1194, %sign3A_1202 : i32
        %sign3A_1204 = arith.extui %sign3A_1203 : i1 to i32
        %sign3A_1205 = arith.subi %sign3A_1201, %sign3A_1204 : i32
        %sign3A_1206 = arith.constant 0 : i32
        %sign3A_1207 = arith.cmpi sgt, %jit3A_1197, %sign3A_1206 : i32
        %sign3A_1208 = arith.extui %sign3A_1207 : i1 to i32
        %sign3A_1209 = arith.constant 0 : i32
        %sign3A_1210 = arith.cmpi slt, %jit3A_1197, %sign3A_1209 : i32
        %sign3A_1211 = arith.extui %sign3A_1210 : i1 to i32
        %sign3A_1212 = arith.subi %sign3A_1208, %sign3A_1211 : i32
        %ne3A_1213 = arith.cmpi ne, %sign3A_1205, %sign3A_1212 : i32
        %rem3A_1214 = arith.remsi %add3A_1194, %jit3A_1197 : i32
        %ne3A_1215 = arith.constant 0 : i32
        %ne3A_1216 = arith.cmpi ne, %rem3A_1214, %ne3A_1215 : i32
        %and3A_1217 = arith.andi %ne3A_1213, %ne3A_1216 : i1
        %sub3A_1218 = arith.constant 1 : i32
        %sub3A_1219 = arith.subi %div3A_1198, %sub3A_1218 : i32
        %select_n3A_1220 = arith.select %and3A_1217, %sub3A_1219, %div3A_1198 : i32
        %add3A_1221 = arith.addi %mul3A_1196, %select_n3A_1220 : i32
        %mul3A_1222 = arith.constant 6400 : i32
        %mul3A_1223 = arith.muli %add3A_1221, %mul3A_1222 : i32
        "tpu.region"() ({
          %run_scoped3A = tpu.sem_alloc : memref<!tpu.dma_semaphore, #tpu.memory_space<semaphore_mem>>
          %dma_start3A_1224 = tpu.memref_slice %arg2[%mul3A_1223] : memref<819200xi32, #tpu.memory_space<hbm>> -> memref<6400xi32, #tpu.memory_space<hbm>>
          %dma_start3A_1225 = tpu.memref_slice %arg2[%mul3A_1223] : memref<819200xi32, #tpu.memory_space<hbm>> -> memref<6400xi32, #tpu.memory_space<hbm>>
          tpu.enqueue_dma source(%dma_start3A_1225 : memref<6400xi32, #tpu.memory_space<hbm>>) target(%arg5 : memref<6400xi32, #tpu.memory_space<vmem>>) target_semaphore(%run_scoped3A : memref<!tpu.dma_semaphore, #tpu.memory_space<semaphore_mem>>)
          %dma_wait3A_1226 = tpu.memref_slice %arg2[%mul3A_1223] : memref<819200xi32, #tpu.memory_space<hbm>> -> memref<6400xi32, #tpu.memory_space<hbm>>
          %dma_wait3A_1227 = tpu.memref_slice %arg2[%mul3A_1223] : memref<819200xi32, #tpu.memory_space<hbm>> -> memref<6400xi32, #tpu.memory_space<hbm>>
          tpu.wait_dma2 semaphore(%run_scoped3A : memref<!tpu.dma_semaphore, #tpu.memory_space<semaphore_mem>>) src(%dma_wait3A_1227 : memref<6400xi32, #tpu.memory_space<hbm>>) dst(%arg5 : memref<6400xi32, #tpu.memory_space<vmem>>)
          tpu.yield
        }) : () -> ()
      } else {
      }
      %dma_wait3A_365 = arith.constant 0 : i32
      %dma_wait3A_366 = arith.constant 0 : i32
      %dma_wait3A_367 = tpu.memref_slice %arg3[%dma_wait3A_365, %dma_wait3A_366] : memref<1000000x32xf32, #tpu.memory_space<hbm>> -> memref<1000000x32xf32, #tpu.memory_space<hbm>>
      tpu.wait_indirect_dma semaphore(%arg11 : memref<!tpu.dma_semaphore, #tpu.memory_space<semaphore_mem>>) src(%dma_wait3A_367 : memref<1000000x32xf32, #tpu.memory_space<hbm>>) dst(%arg8 : memref<640x32xf32, #tpu.memory_space<vmem>>)
      %lt3A_368 = arith.constant 39 : i32
      %lt3A_369 = arith.cmpi slt, %add3A_347, %lt3A_368 : i32
      %convert_element_type3A_370 = arith.extui %lt3A_369 : i1 to i32
      %cond3A_371 = arith.constant 0 : i32
      %cond3A_372 = arith.cmpi ne, %convert_element_type3A_370, %cond3A_371 : i32
      scf.if %cond3A_372 {
        %add3A_1193 = arith.constant 1 : i32
        %add3A_1194 = arith.addi %add3A_347, %add3A_1193 : i32
        %jit3A_1195 = arith.constant 10 : i32
        %eq3A_1196 = arith.constant 0 : i32
        %eq3A_1197 = arith.cmpi eq, %jit3A_1195, %eq3A_1196 : i32
        %jit3A_1198 = arith.constant 1 : i32
        %select_n3A_1199 = arith.select %eq3A_1197, %jit3A_1198, %jit3A_1195 : i32
        %rem3A_1200 = arith.remsi %add3A_1194, %select_n3A_1199 : i32
        %ne3A_1201 = arith.constant 0 : i32
        %ne3A_1202 = arith.cmpi ne, %rem3A_1200, %ne3A_1201 : i32
        %lt3A_1203 = arith.constant 0 : i32
        %lt3A_1204 = arith.cmpi slt, %rem3A_1200, %lt3A_1203 : i32
        %lt3A_1205 = arith.constant 0 : i32
        %lt3A_1206 = arith.cmpi slt, %select_n3A_1199, %lt3A_1205 : i32
        %ne3A_1207 = arith.xori %lt3A_1204, %lt3A_1206 : i1
        %and3A_1208 = arith.andi %ne3A_1207, %ne3A_1202 : i1
        %add3A_1209 = arith.addi %rem3A_1200, %select_n3A_1199 : i32
        %select_n3A_1210 = arith.select %and3A_1208, %add3A_1209, %rem3A_1200 : i32
        %mul3A_1211 = arith.constant 5 : i32
        %mul3A_1212 = arith.muli %select_n3A_1210, %mul3A_1211 : i32
        %parallel_loop3A_1213 = arith.constant 0 : i32
        %parallel_loop3A_1214 = arith.constant 40 : i32
        %parallel_loop3A_1215 = arith.constant 1 : i32
        scf.for %parallel_loop3A_1219 = %parallel_loop3A_1213 to %parallel_loop3A_1214 step %parallel_loop3A_1215  : i32 {
          %parallel_loop3A_1220 = arith.constant 3 : i32
          %parallel_loop3A_1221 = arith.shrsi %parallel_loop3A_1219, %parallel_loop3A_1220 : i32
          %parallel_loop3A_1222 = arith.constant 7 : i32
          %parallel_loop3A_1223 = arith.andi %parallel_loop3A_1219, %parallel_loop3A_1222 : i32
          %parallel_loop3A_1224 = arith.constant 16 : i32
          %parallel_loop3A_1225 = arith.muli %parallel_loop3A_1223, %parallel_loop3A_1224 : i32
          %parallel_loop3A_1226 = arith.constant 50 : i32
          %parallel_loop3A_1227 = arith.muli %parallel_loop3A_1225, %parallel_loop3A_1226 : i32
          %parallel_loop3A_1228 = arith.addi %parallel_loop3A_1227, %mul3A_1212 : i32
          %parallel_loop3A_1229 = arith.addi %parallel_loop3A_1228, %parallel_loop3A_1221 : i32
          %parallel_loop3A_1230 = vector.broadcast %parallel_loop3A_1229 : i32 to vector<16xi32>
          %parallel_loop3A_1231 = arith.addi %mul3A_3, %parallel_loop3A_1230 : vector<16xi32>
          %parallel_loop3A_1232 = tpu.vector_load_idx %arg5[%parallel_loop3A_1231] : memref<6400xi32, #tpu.memory_space<vmem>>[vector<16xi32>], vector<16xi32>,
          %parallel_loop3A_1233 = arith.constant 16 : i32
          %parallel_loop3A_1234 = arith.muli %parallel_loop3A_1219, %parallel_loop3A_1233 : i32
          %parallel_loop3A_1235 = arith.index_cast %parallel_loop3A_1234 : i32 to index
          %parallel_loop3A_1236 = tpu.vector_load %arg7[%parallel_loop3A_1235] {strides = array<i32>} : memref<640xi32, #tpu.memory_space<vmem>>, vector<16xi32>,
          tpu.vector_store %arg7[%parallel_loop3A_1235], %parallel_loop3A_1232 {strides = array<i32>} : memref<640xi32, #tpu.memory_space<vmem>>, vector<16xi32>,
        } {sc.loop_unroll_factor = 8 : i64, sc.parallel_access}
        %dma_start3A_1216 = arith.constant 0 : i32
        %dma_start3A_1217 = arith.constant 0 : i32
        %dma_start3A_1218 = tpu.memref_slice %arg3[%dma_start3A_1216, %dma_start3A_1217] : memref<1000000x32xf32, #tpu.memory_space<hbm>> -> memref<1000000x32xf32, #tpu.memory_space<hbm>>
        tpu.enqueue_indirect_dma source(%dma_start3A_1218 : memref<1000000x32xf32, #tpu.memory_space<hbm>>) target(%arg9 : memref<640x32xf32, #tpu.memory_space<vmem>>) offsets(%arg7 : memref<640xi32, #tpu.memory_space<vmem>>) semaphore(%arg12 : memref<!tpu.dma_semaphore, #tpu.memory_space<semaphore_mem>>)
      } else {
      }
      %ge3A = arith.constant 1 : i32
      %ge3A_373 = arith.cmpi sge, %add3A_347, %ge3A : i32
      %convert_element_type3A_374 = arith.extui %ge3A_373 : i1 to i32
      %cond3A_375 = arith.constant 0 : i32
      %cond3A_376 = arith.cmpi ne, %convert_element_type3A_374, %cond3A_375 : i32
      scf.if %cond3A_376 {
        %sub3A_1193 = arith.constant 1 : i32
        %sub3A_1194 = arith.subi %add3A_347, %sub3A_1193 : i32
        %mul3A_1195 = arith.constant 4 : i32
        %mul3A_1196 = arith.muli %add3A, %mul3A_1195 : i32
        %jit3A_1197 = arith.constant 10 : i32
        %div3A_1198 = arith.divsi %sub3A_1194, %jit3A_1197 : i32
        %sign3A_1199 = arith.constant 0 : i32
        %sign3A_1200 = arith.cmpi sgt, %sub3A_1194, %sign3A_1199 : i32
        %sign3A_1201 = arith.extui %sign3A_1200 : i1 to i32
        %sign3A_1202 = arith.constant 0 : i32
        %sign3A_1203 = arith.cmpi slt, %sub3A_1194, %sign3A_1202 : i32
        %sign3A_1204 = arith.extui %sign3A_1203 : i1 to i32
        %sign3A_1205 = arith.subi %sign3A_1201, %sign3A_1204 : i32
        %sign3A_1206 = arith.constant 0 : i32
        %sign3A_1207 = arith.cmpi sgt, %jit3A_1197, %sign3A_1206 : i32
        %sign3A_1208 = arith.extui %sign3A_1207 : i1 to i32
        %sign3A_1209 = arith.constant 0 : i32
        %sign3A_1210 = arith.cmpi slt, %jit3A_1197, %sign3A_1209 : i32
        %sign3A_1211 = arith.extui %sign3A_1210 : i1 to i32
        %sign3A_1212 = arith.subi %sign3A_1208, %sign3A_1211 : i32
        %ne3A_1213 = arith.cmpi ne, %sign3A_1205, %sign3A_1212 : i32
        %rem3A_1214 = arith.remsi %sub3A_1194, %jit3A_1197 : i32
        %ne3A_1215 = arith.constant 0 : i32
        %ne3A_1216 = arith.cmpi ne, %rem3A_1214, %ne3A_1215 : i32
        %and3A_1217 = arith.andi %ne3A_1213, %ne3A_1216 : i1
        %sub3A_1218 = arith.constant 1 : i32
        %sub3A_1219 = arith.subi %div3A_1198, %sub3A_1218 : i32
        %select_n3A_1220 = arith.select %and3A_1217, %sub3A_1219, %div3A_1198 : i32
        %add3A_1221 = arith.addi %mul3A_1196, %select_n3A_1220 : i32
        %jit3A_1222 = arith.constant 10 : i32
        %eq3A_1223 = arith.constant 0 : i32
        %eq3A_1224 = arith.cmpi eq, %jit3A_1222, %eq3A_1223 : i32
        %jit3A_1225 = arith.constant 1 : i32
        %select_n3A_1226 = arith.select %eq3A_1224, %jit3A_1225, %jit3A_1222 : i32
        %rem3A_1227 = arith.remsi %sub3A_1194, %select_n3A_1226 : i32
        %ne3A_1228 = arith.constant 0 : i32
        %ne3A_1229 = arith.cmpi ne, %rem3A_1227, %ne3A_1228 : i32
        %lt3A_1230 = arith.constant 0 : i32
        %lt3A_1231 = arith.cmpi slt, %rem3A_1227, %lt3A_1230 : i32
        %lt3A_1232 = arith.constant 0 : i32
        %lt3A_1233 = arith.cmpi slt, %select_n3A_1226, %lt3A_1232 : i32
        %ne3A_1234 = arith.xori %lt3A_1231, %lt3A_1233 : i1
        %and3A_1235 = arith.andi %ne3A_1234, %ne3A_1229 : i1
        %add3A_1236 = arith.addi %rem3A_1227, %select_n3A_1226 : i32
        %select_n3A_1237 = arith.select %and3A_1235, %add3A_1236, %rem3A_1227 : i32
        %mul3A_1238 = arith.constant 5 : i32
        %mul3A_1239 = arith.muli %select_n3A_1237, %mul3A_1238 : i32
        %add3A_1240 = arith.constant 0 : i32
        %add3A_1241 = arith.addi %mul3A_1239, %add3A_1240 : i32
        %dma_wait3A_1242 = arith.constant 0 : i32
        %dma_wait3A_1243 = arith.constant 0 : i32
        %dma_wait3A_1244 = arith.constant 0 : i32
        %dma_wait3A_1245 = tpu.memref_slice %arg10[%dma_wait3A_1243, %dma_wait3A_1244] : memref<160x129xf32, #tpu.memory_space<vmem>> -> memref<8x128xf32, #tpu.memory_space<vmem>>
        %dma_wait3A_1246 = arith.constant 0 : i32
        %dma_wait3A_1247 = arith.constant 0 : i32
        %dma_wait3A_1248 = tpu.memref_slice %arg4[%add3A_1241, %dma_wait3A_1242, %add3A_1221, %dma_wait3A_1246, %dma_wait3A_1247] : memref<50x4x128x8x128xf32, #tpu.memory_space<hbm>> -> memref<1x1x1x8x128xf32, #tpu.memory_space<hbm>>
        %dma_wait3A_1249 = tpu.memref_squeeze %dma_wait3A_1248 : memref<1x1x1x8x128xf32, #tpu.memory_space<hbm>> -> memref<8x128xf32, #tpu.memory_space<hbm>>
        %dma_wait3A_1250 = arith.constant 0 : i32
        %dma_wait3A_1251 = arith.constant 0 : i32
        %dma_wait3A_1252 = tpu.memref_slice %arg4[%add3A_1241, %dma_wait3A_1242, %add3A_1221, %dma_wait3A_1250, %dma_wait3A_1251] : memref<50x4x128x8x128xf32, #tpu.memory_space<hbm>> -> memref<1x1x1x8x128xf32, #tpu.memory_space<hbm>>
        %dma_wait3A_1253 = tpu.memref_squeeze %dma_wait3A_1252 : memref<1x1x1x8x128xf32, #tpu.memory_space<hbm>> -> memref<8x128xf32, #tpu.memory_space<hbm>>
        %dma_wait3A_1254 = arith.constant 0 : i32
        %dma_wait3A_1255 = arith.constant 0 : i32
        %dma_wait3A_1256 = tpu.memref_slice %arg10[%dma_wait3A_1254, %dma_wait3A_1255] : memref<160x129xf32, #tpu.memory_space<vmem>> -> memref<8x128xf32, #tpu.memory_space<vmem>>
        tpu.wait_dma2 semaphore(%arg13 : memref<!tpu.dma_semaphore, #tpu.memory_space<semaphore_mem>>) src(%dma_wait3A_1256 : memref<8x128xf32, #tpu.memory_space<vmem>>) dst(%dma_wait3A_1253 : memref<8x128xf32, #tpu.memory_space<hbm>>)
        %add3A_1257 = arith.constant 0 : i32
        %add3A_1258 = arith.addi %mul3A_1239, %add3A_1257 : i32
        %dma_wait3A_1259 = arith.constant 1 : i32
        %dma_wait3A_1260 = arith.constant 8 : i32
        %dma_wait3A_1261 = arith.constant 0 : i32
        %dma_wait3A_1262 = tpu.memref_slice %arg10[%dma_wait3A_1260, %dma_wait3A_1261] : memref<160x129xf32, #tpu.memory_space<vmem>> -> memref<8x128xf32, #tpu.memory_space<vmem>>
        %dma_wait3A_1263 = arith.constant 0 : i32
        %dma_wait3A_1264 = arith.constant 0 : i32
        %dma_wait3A_1265 = tpu.memref_slice %arg4[%add3A_1258, %dma_wait3A_1259, %add3A_1221, %dma_wait3A_1263, %dma_wait3A_1264] : memref<50x4x128x8x128xf32, #tpu.memory_space<hbm>> -> memref<1x1x1x8x128xf32, #tpu.memory_space<hbm>>
        %dma_wait3A_1266 = tpu.memref_squeeze %dma_wait3A_1265 : memref<1x1x1x8x128xf32, #tpu.memory_space<hbm>> -> memref<8x128xf32, #tpu.memory_space<hbm>>
        %dma_wait3A_1267 = arith.constant 0 : i32
        %dma_wait3A_1268 = arith.constant 0 : i32
        %dma_wait3A_1269 = tpu.memref_slice %arg4[%add3A_1258, %dma_wait3A_1259, %add3A_1221, %dma_wait3A_1267, %dma_wait3A_1268] : memref<50x4x128x8x128xf32, #tpu.memory_space<hbm>> -> memref<1x1x1x8x128xf32, #tpu.memory_space<hbm>>
        %dma_wait3A_1270 = tpu.memref_squeeze %dma_wait3A_1269 : memref<1x1x1x8x128xf32, #tpu.memory_space<hbm>> -> memref<8x128xf32, #tpu.memory_space<hbm>>
        %dma_wait3A_1271 = arith.constant 8 : i32
        %dma_wait3A_1272 = arith.constant 0 : i32
        %dma_wait3A_1273 = tpu.memref_slice %arg10[%dma_wait3A_1271, %dma_wait3A_1272] : memref<160x129xf32, #tpu.memory_space<vmem>> -> memref<8x128xf32, #tpu.memory_space<vmem>>
        tpu.wait_dma2 semaphore(%arg13 : memref<!tpu.dma_semaphore, #tpu.memory_space<semaphore_mem>>) src(%dma_wait3A_1273 : memref<8x128xf32, #tpu.memory_space<vmem>>) dst(%dma_wait3A_1270 : memref<8x128xf32, #tpu.memory_space<hbm>>)
        %add3A_1274 = arith.constant 0 : i32
        %add3A_1275 = arith.addi %mul3A_1239, %add3A_1274 : i32
        %dma_wait3A_1276 = arith.constant 2 : i32
        %dma_wait3A_1277 = arith.constant 16 : i32
        %dma_wait3A_1278 = arith.constant 0 : i32
        %dma_wait3A_1279 = tpu.memref_slice %arg10[%dma_wait3A_1277, %dma_wait3A_1278] : memref<160x129xf32, #tpu.memory_space<vmem>> -> memref<8x128xf32, #tpu.memory_space<vmem>>
        %dma_wait3A_1280 = arith.constant 0 : i32
        %dma_wait3A_1281 = arith.constant 0 : i32
        %dma_wait3A_1282 = tpu.memref_slice %arg4[%add3A_1275, %dma_wait3A_1276, %add3A_1221, %dma_wait3A_1280, %dma_wait3A_1281] : memref<50x4x128x8x128xf32, #tpu.memory_space<hbm>> -> memref<1x1x1x8x128xf32, #tpu.memory_space<hbm>>
        %dma_wait3A_1283 = tpu.memref_squeeze %dma_wait3A_1282 : memref<1x1x1x8x128xf32, #tpu.memory_space<hbm>> -> memref<8x128xf32, #tpu.memory_space<hbm>>
        %dma_wait3A_1284 = arith.constant 0 : i32
        %dma_wait3A_1285 = arith.constant 0 : i32
        %dma_wait3A_1286 = tpu.memref_slice %arg4[%add3A_1275, %dma_wait3A_1276, %add3A_1221, %dma_wait3A_1284, %dma_wait3A_1285] : memref<50x4x128x8x128xf32, #tpu.memory_space<hbm>> -> memref<1x1x1x8x128xf32, #tpu.memory_space<hbm>>
        %dma_wait3A_1287 = tpu.memref_squeeze %dma_wait3A_1286 : memref<1x1x1x8x128xf32, #tpu.memory_space<hbm>> -> memref<8x128xf32, #tpu.memory_space<hbm>>
        %dma_wait3A_1288 = arith.constant 16 : i32
        %dma_wait3A_1289 = arith.constant 0 : i32
        %dma_wait3A_1290 = tpu.memref_slice %arg10[%dma_wait3A_1288, %dma_wait3A_1289] : memref<160x129xf32, #tpu.memory_space<vmem>> -> memref<8x128xf32, #tpu.memory_space<vmem>>
        tpu.wait_dma2 semaphore(%arg13 : memref<!tpu.dma_semaphore, #tpu.memory_space<semaphore_mem>>) src(%dma_wait3A_1290 : memref<8x128xf32, #tpu.memory_space<vmem>>) dst(%dma_wait3A_1287 : memref<8x128xf32, #tpu.memory_space<hbm>>)
        %add3A_1291 = arith.constant 0 : i32
        %add3A_1292 = arith.addi %mul3A_1239, %add3A_1291 : i32
        %dma_wait3A_1293 = arith.constant 3 : i32
        %dma_wait3A_1294 = arith.constant 24 : i32
        %dma_wait3A_1295 = arith.constant 0 : i32
        %dma_wait3A_1296 = tpu.memref_slice %arg10[%dma_wait3A_1294, %dma_wait3A_1295] : memref<160x129xf32, #tpu.memory_space<vmem>> -> memref<8x128xf32, #tpu.memory_space<vmem>>
        %dma_wait3A_1297 = arith.constant 0 : i32
        %dma_wait3A_1298 = arith.constant 0 : i32
        %dma_wait3A_1299 = tpu.memref_slice %arg4[%add3A_1292, %dma_wait3A_1293, %add3A_1221, %dma_wait3A_1297, %dma_wait3A_1298] : memref<50x4x128x8x128xf32, #tpu.memory_space<hbm>> -> memref<1x1x1x8x128xf32, #tpu.memory_space<hbm>>
        %dma_wait3A_1300 = tpu.memref_squeeze %dma_wait3A_1299 : memref<1x1x1x8x128xf32, #tpu.memory_space<hbm>> -> memref<8x128xf32, #tpu.memory_space<hbm>>
        %dma_wait3A_1301 = arith.constant 0 : i32
        %dma_wait3A_1302 = arith.constant 0 : i32
        %dma_wait3A_1303 = tpu.memref_slice %arg4[%add3A_1292, %dma_wait3A_1293, %add3A_1221, %dma_wait3A_1301, %dma_wait3A_1302] : memref<50x4x128x8x128xf32, #tpu.memory_space<hbm>> -> memref<1x1x1x8x128xf32, #tpu.memory_space<hbm>>
        %dma_wait3A_1304 = tpu.memref_squeeze %dma_wait3A_1303 : memref<1x1x1x8x128xf32, #tpu.memory_space<hbm>> -> memref<8x128xf32, #tpu.memory_space<hbm>>
        %dma_wait3A_1305 = arith.constant 24 : i32
        %dma_wait3A_1306 = arith.constant 0 : i32
        %dma_wait3A_1307 = tpu.memref_slice %arg10[%dma_wait3A_1305, %dma_wait3A_1306] : memref<160x129xf32, #tpu.memory_space<vmem>> -> memref<8x128xf32, #tpu.memory_space<vmem>>
        tpu.wait_dma2 semaphore(%arg13 : memref<!tpu.dma_semaphore, #tpu.memory_space<semaphore_mem>>) src(%dma_wait3A_1307 : memref<8x128xf32, #tpu.memory_space<vmem>>) dst(%dma_wait3A_1304 : memref<8x128xf32, #tpu.memory_space<hbm>>)
        %add3A_1308 = arith.constant 1 : i32
        %add3A_1309 = arith.addi %mul3A_1239, %add3A_1308 : i32
        %dma_wait3A_1310 = arith.constant 0 : i32
        %dma_wait3A_1311 = arith.constant 32 : i32
        %dma_wait3A_1312 = arith.constant 0 : i32
        %dma_wait3A_1313 = tpu.memref_slice %arg10[%dma_wait3A_1311, %dma_wait3A_1312] : memref<160x129xf32, #tpu.memory_space<vmem>> -> memref<8x128xf32, #tpu.memory_space<vmem>>
        %dma_wait3A_1314 = arith.constant 0 : i32
        %dma_wait3A_1315 = arith.constant 0 : i32
        %dma_wait3A_1316 = tpu.memref_slice %arg4[%add3A_1309, %dma_wait3A_1310, %add3A_1221, %dma_wait3A_1314, %dma_wait3A_1315] : memref<50x4x128x8x128xf32, #tpu.memory_space<hbm>> -> memref<1x1x1x8x128xf32, #tpu.memory_space<hbm>>
        %dma_wait3A_1317 = tpu.memref_squeeze %dma_wait3A_1316 : memref<1x1x1x8x128xf32, #tpu.memory_space<hbm>> -> memref<8x128xf32, #tpu.memory_space<hbm>>
        %dma_wait3A_1318 = arith.constant 0 : i32
        %dma_wait3A_1319 = arith.constant 0 : i32
        %dma_wait3A_1320 = tpu.memref_slice %arg4[%add3A_1309, %dma_wait3A_1310, %add3A_1221, %dma_wait3A_1318, %dma_wait3A_1319] : memref<50x4x128x8x128xf32, #tpu.memory_space<hbm>> -> memref<1x1x1x8x128xf32, #tpu.memory_space<hbm>>
        %dma_wait3A_1321 = tpu.memref_squeeze %dma_wait3A_1320 : memref<1x1x1x8x128xf32, #tpu.memory_space<hbm>> -> memref<8x128xf32, #tpu.memory_space<hbm>>
        %dma_wait3A_1322 = arith.constant 32 : i32
        %dma_wait3A_1323 = arith.constant 0 : i32
        %dma_wait3A_1324 = tpu.memref_slice %arg10[%dma_wait3A_1322, %dma_wait3A_1323] : memref<160x129xf32, #tpu.memory_space<vmem>> -> memref<8x128xf32, #tpu.memory_space<vmem>>
        tpu.wait_dma2 semaphore(%arg13 : memref<!tpu.dma_semaphore, #tpu.memory_space<semaphore_mem>>) src(%dma_wait3A_1324 : memref<8x128xf32, #tpu.memory_space<vmem>>) dst(%dma_wait3A_1321 : memref<8x128xf32, #tpu.memory_space<hbm>>)
        %add3A_1325 = arith.constant 1 : i32
        %add3A_1326 = arith.addi %mul3A_1239, %add3A_1325 : i32
        %dma_wait3A_1327 = arith.constant 1 : i32
        %dma_wait3A_1328 = arith.constant 40 : i32
        %dma_wait3A_1329 = arith.constant 0 : i32
        %dma_wait3A_1330 = tpu.memref_slice %arg10[%dma_wait3A_1328, %dma_wait3A_1329] : memref<160x129xf32, #tpu.memory_space<vmem>> -> memref<8x128xf32, #tpu.memory_space<vmem>>
        %dma_wait3A_1331 = arith.constant 0 : i32
        %dma_wait3A_1332 = arith.constant 0 : i32
        %dma_wait3A_1333 = tpu.memref_slice %arg4[%add3A_1326, %dma_wait3A_1327, %add3A_1221, %dma_wait3A_1331, %dma_wait3A_1332] : memref<50x4x128x8x128xf32, #tpu.memory_space<hbm>> -> memref<1x1x1x8x128xf32, #tpu.memory_space<hbm>>
        %dma_wait3A_1334 = tpu.memref_squeeze %dma_wait3A_1333 : memref<1x1x1x8x128xf32, #tpu.memory_space<hbm>> -> memref<8x128xf32, #tpu.memory_space<hbm>>
        %dma_wait3A_1335 = arith.constant 0 : i32
        %dma_wait3A_1336 = arith.constant 0 : i32
        %dma_wait3A_1337 = tpu.memref_slice %arg4[%add3A_1326, %dma_wait3A_1327, %add3A_1221, %dma_wait3A_1335, %dma_wait3A_1336] : memref<50x4x128x8x128xf32, #tpu.memory_space<hbm>> -> memref<1x1x1x8x128xf32, #tpu.memory_space<hbm>>
        %dma_wait3A_1338 = tpu.memref_squeeze %dma_wait3A_1337 : memref<1x1x1x8x128xf32, #tpu.memory_space<hbm>> -> memref<8x128xf32, #tpu.memory_space<hbm>>
        %dma_wait3A_1339 = arith.constant 40 : i32
        %dma_wait3A_1340 = arith.constant 0 : i32
        %dma_wait3A_1341 = tpu.memref_slice %arg10[%dma_wait3A_1339, %dma_wait3A_1340] : memref<160x129xf32, #tpu.memory_space<vmem>> -> memref<8x128xf32, #tpu.memory_space<vmem>>
        tpu.wait_dma2 semaphore(%arg13 : memref<!tpu.dma_semaphore, #tpu.memory_space<semaphore_mem>>) src(%dma_wait3A_1341 : memref<8x128xf32, #tpu.memory_space<vmem>>) dst(%dma_wait3A_1338 : memref<8x128xf32, #tpu.memory_space<hbm>>)
        %add3A_1342 = arith.constant 1 : i32
        %add3A_1343 = arith.addi %mul3A_1239, %add3A_1342 : i32
        %dma_wait3A_1344 = arith.constant 2 : i32
        %dma_wait3A_1345 = arith.constant 48 : i32
        %dma_wait3A_1346 = arith.constant 0 : i32
        %dma_wait3A_1347 = tpu.memref_slice %arg10[%dma_wait3A_1345, %dma_wait3A_1346] : memref<160x129xf32, #tpu.memory_space<vmem>> -> memref<8x128xf32, #tpu.memory_space<vmem>>
        %dma_wait3A_1348 = arith.constant 0 : i32
        %dma_wait3A_1349 = arith.constant 0 : i32
        %dma_wait3A_1350 = tpu.memref_slice %arg4[%add3A_1343, %dma_wait3A_1344, %add3A_1221, %dma_wait3A_1348, %dma_wait3A_1349] : memref<50x4x128x8x128xf32, #tpu.memory_space<hbm>> -> memref<1x1x1x8x128xf32, #tpu.memory_space<hbm>>
        %dma_wait3A_1351 = tpu.memref_squeeze %dma_wait3A_1350 : memref<1x1x1x8x128xf32, #tpu.memory_space<hbm>> -> memref<8x128xf32, #tpu.memory_space<hbm>>
        %dma_wait3A_1352 = arith.constant 0 : i32
        %dma_wait3A_1353 = arith.constant 0 : i32
        %dma_wait3A_1354 = tpu.memref_slice %arg4[%add3A_1343, %dma_wait3A_1344, %add3A_1221, %dma_wait3A_1352, %dma_wait3A_1353] : memref<50x4x128x8x128xf32, #tpu.memory_space<hbm>> -> memref<1x1x1x8x128xf32, #tpu.memory_space<hbm>>
        %dma_wait3A_1355 = tpu.memref_squeeze %dma_wait3A_1354 : memref<1x1x1x8x128xf32, #tpu.memory_space<hbm>> -> memref<8x128xf32, #tpu.memory_space<hbm>>
        %dma_wait3A_1356 = arith.constant 48 : i32
        %dma_wait3A_1357 = arith.constant 0 : i32
        %dma_wait3A_1358 = tpu.memref_slice %arg10[%dma_wait3A_1356, %dma_wait3A_1357] : memref<160x129xf32, #tpu.memory_space<vmem>> -> memref<8x128xf32, #tpu.memory_space<vmem>>
        tpu.wait_dma2 semaphore(%arg13 : memref<!tpu.dma_semaphore, #tpu.memory_space<semaphore_mem>>) src(%dma_wait3A_1358 : memref<8x128xf32, #tpu.memory_space<vmem>>) dst(%dma_wait3A_1355 : memref<8x128xf32, #tpu.memory_space<hbm>>)
        %add3A_1359 = arith.constant 1 : i32
        %add3A_1360 = arith.addi %mul3A_1239, %add3A_1359 : i32
        %dma_wait3A_1361 = arith.constant 3 : i32
        %dma_wait3A_1362 = arith.constant 56 : i32
        %dma_wait3A_1363 = arith.constant 0 : i32
        %dma_wait3A_1364 = tpu.memref_slice %arg10[%dma_wait3A_1362, %dma_wait3A_1363] : memref<160x129xf32, #tpu.memory_space<vmem>> -> memref<8x128xf32, #tpu.memory_space<vmem>>
        %dma_wait3A_1365 = arith.constant 0 : i32
        %dma_wait3A_1366 = arith.constant 0 : i32
        %dma_wait3A_1367 = tpu.memref_slice %arg4[%add3A_1360, %dma_wait3A_1361, %add3A_1221, %dma_wait3A_1365, %dma_wait3A_1366] : memref<50x4x128x8x128xf32, #tpu.memory_space<hbm>> -> memref<1x1x1x8x128xf32, #tpu.memory_space<hbm>>
        %dma_wait3A_1368 = tpu.memref_squeeze %dma_wait3A_1367 : memref<1x1x1x8x128xf32, #tpu.memory_space<hbm>> -> memref<8x128xf32, #tpu.memory_space<hbm>>
        %dma_wait3A_1369 = arith.constant 0 : i32
        %dma_wait3A_1370 = arith.constant 0 : i32
        %dma_wait3A_1371 = tpu.memref_slice %arg4[%add3A_1360, %dma_wait3A_1361, %add3A_1221, %dma_wait3A_1369, %dma_wait3A_1370] : memref<50x4x128x8x128xf32, #tpu.memory_space<hbm>> -> memref<1x1x1x8x128xf32, #tpu.memory_space<hbm>>
        %dma_wait3A_1372 = tpu.memref_squeeze %dma_wait3A_1371 : memref<1x1x1x8x128xf32, #tpu.memory_space<hbm>> -> memref<8x128xf32, #tpu.memory_space<hbm>>
        %dma_wait3A_1373 = arith.constant 56 : i32
        %dma_wait3A_1374 = arith.constant 0 : i32
        %dma_wait3A_1375 = tpu.memref_slice %arg10[%dma_wait3A_1373, %dma_wait3A_1374] : memref<160x129xf32, #tpu.memory_space<vmem>> -> memref<8x128xf32, #tpu.memory_space<vmem>>
        tpu.wait_dma2 semaphore(%arg13 : memref<!tpu.dma_semaphore, #tpu.memory_space<semaphore_mem>>) src(%dma_wait3A_1375 : memref<8x128xf32, #tpu.memory_space<vmem>>) dst(%dma_wait3A_1372 : memref<8x128xf32, #tpu.memory_space<hbm>>)
        %add3A_1376 = arith.constant 2 : i32
        %add3A_1377 = arith.addi %mul3A_1239, %add3A_1376 : i32
        %dma_wait3A_1378 = arith.constant 0 : i32
        %dma_wait3A_1379 = arith.constant 64 : i32
        %dma_wait3A_1380 = arith.constant 0 : i32
        %dma_wait3A_1381 = tpu.memref_slice %arg10[%dma_wait3A_1379, %dma_wait3A_1380] : memref<160x129xf32, #tpu.memory_space<vmem>> -> memref<8x128xf32, #tpu.memory_space<vmem>>
        %dma_wait3A_1382 = arith.constant 0 : i32
        %dma_wait3A_1383 = arith.constant 0 : i32
        %dma_wait3A_1384 = tpu.memref_slice %arg4[%add3A_1377, %dma_wait3A_1378, %add3A_1221, %dma_wait3A_1382, %dma_wait3A_1383] : memref<50x4x128x8x128xf32, #tpu.memory_space<hbm>> -> memref<1x1x1x8x128xf32, #tpu.memory_space<hbm>>
        %dma_wait3A_1385 = tpu.memref_squeeze %dma_wait3A_1384 : memref<1x1x1x8x128xf32, #tpu.memory_space<hbm>> -> memref<8x128xf32, #tpu.memory_space<hbm>>
        %dma_wait3A_1386 = arith.constant 0 : i32
        %dma_wait3A_1387 = arith.constant 0 : i32
        %dma_wait3A_1388 = tpu.memref_slice %arg4[%add3A_1377, %dma_wait3A_1378, %add3A_1221, %dma_wait3A_1386, %dma_wait3A_1387] : memref<50x4x128x8x128xf32, #tpu.memory_space<hbm>> -> memref<1x1x1x8x128xf32, #tpu.memory_space<hbm>>
        %dma_wait3A_1389 = tpu.memref_squeeze %dma_wait3A_1388 : memref<1x1x1x8x128xf32, #tpu.memory_space<hbm>> -> memref<8x128xf32, #tpu.memory_space<hbm>>
        %dma_wait3A_1390 = arith.constant 64 : i32
        %dma_wait3A_1391 = arith.constant 0 : i32
        %dma_wait3A_1392 = tpu.memref_slice %arg10[%dma_wait3A_1390, %dma_wait3A_1391] : memref<160x129xf32, #tpu.memory_space<vmem>> -> memref<8x128xf32, #tpu.memory_space<vmem>>
        tpu.wait_dma2 semaphore(%arg13 : memref<!tpu.dma_semaphore, #tpu.memory_space<semaphore_mem>>) src(%dma_wait3A_1392 : memref<8x128xf32, #tpu.memory_space<vmem>>) dst(%dma_wait3A_1389 : memref<8x128xf32, #tpu.memory_space<hbm>>)
        %add3A_1393 = arith.constant 2 : i32
        %add3A_1394 = arith.addi %mul3A_1239, %add3A_1393 : i32
        %dma_wait3A_1395 = arith.constant 1 : i32
        %dma_wait3A_1396 = arith.constant 72 : i32
        %dma_wait3A_1397 = arith.constant 0 : i32
        %dma_wait3A_1398 = tpu.memref_slice %arg10[%dma_wait3A_1396, %dma_wait3A_1397] : memref<160x129xf32, #tpu.memory_space<vmem>> -> memref<8x128xf32, #tpu.memory_space<vmem>>
        %dma_wait3A_1399 = arith.constant 0 : i32
        %dma_wait3A_1400 = arith.constant 0 : i32
        %dma_wait3A_1401 = tpu.memref_slice %arg4[%add3A_1394, %dma_wait3A_1395, %add3A_1221, %dma_wait3A_1399, %dma_wait3A_1400] : memref<50x4x128x8x128xf32, #tpu.memory_space<hbm>> -> memref<1x1x1x8x128xf32, #tpu.memory_space<hbm>>
        %dma_wait3A_1402 = tpu.memref_squeeze %dma_wait3A_1401 : memref<1x1x1x8x128xf32, #tpu.memory_space<hbm>> -> memref<8x128xf32, #tpu.memory_space<hbm>>
        %dma_wait3A_1403 = arith.constant 0 : i32
        %dma_wait3A_1404 = arith.constant 0 : i32
        %dma_wait3A_1405 = tpu.memref_slice %arg4[%add3A_1394, %dma_wait3A_1395, %add3A_1221, %dma_wait3A_1403, %dma_wait3A_1404] : memref<50x4x128x8x128xf32, #tpu.memory_space<hbm>> -> memref<1x1x1x8x128xf32, #tpu.memory_space<hbm>>
        %dma_wait3A_1406 = tpu.memref_squeeze %dma_wait3A_1405 : memref<1x1x1x8x128xf32, #tpu.memory_space<hbm>> -> memref<8x128xf32, #tpu.memory_space<hbm>>
        %dma_wait3A_1407 = arith.constant 72 : i32
        %dma_wait3A_1408 = arith.constant 0 : i32
        %dma_wait3A_1409 = tpu.memref_slice %arg10[%dma_wait3A_1407, %dma_wait3A_1408] : memref<160x129xf32, #tpu.memory_space<vmem>> -> memref<8x128xf32, #tpu.memory_space<vmem>>
        tpu.wait_dma2 semaphore(%arg13 : memref<!tpu.dma_semaphore, #tpu.memory_space<semaphore_mem>>) src(%dma_wait3A_1409 : memref<8x128xf32, #tpu.memory_space<vmem>>) dst(%dma_wait3A_1406 : memref<8x128xf32, #tpu.memory_space<hbm>>)
        %add3A_1410 = arith.constant 2 : i32
        %add3A_1411 = arith.addi %mul3A_1239, %add3A_1410 : i32
        %dma_wait3A_1412 = arith.constant 2 : i32
        %dma_wait3A_1413 = arith.constant 80 : i32
        %dma_wait3A_1414 = arith.constant 0 : i32
        %dma_wait3A_1415 = tpu.memref_slice %arg10[%dma_wait3A_1413, %dma_wait3A_1414] : memref<160x129xf32, #tpu.memory_space<vmem>> -> memref<8x128xf32, #tpu.memory_space<vmem>>
        %dma_wait3A_1416 = arith.constant 0 : i32
        %dma_wait3A_1417 = arith.constant 0 : i32
        %dma_wait3A_1418 = tpu.memref_slice %arg4[%add3A_1411, %dma_wait3A_1412, %add3A_1221, %dma_wait3A_1416, %dma_wait3A_1417] : memref<50x4x128x8x128xf32, #tpu.memory_space<hbm>> -> memref<1x1x1x8x128xf32, #tpu.memory_space<hbm>>
        %dma_wait3A_1419 = tpu.memref_squeeze %dma_wait3A_1418 : memref<1x1x1x8x128xf32, #tpu.memory_space<hbm>> -> memref<8x128xf32, #tpu.memory_space<hbm>>
        %dma_wait3A_1420 = arith.constant 0 : i32
        %dma_wait3A_1421 = arith.constant 0 : i32
        %dma_wait3A_1422 = tpu.memref_slice %arg4[%add3A_1411, %dma_wait3A_1412, %add3A_1221, %dma_wait3A_1420, %dma_wait3A_1421] : memref<50x4x128x8x128xf32, #tpu.memory_space<hbm>> -> memref<1x1x1x8x128xf32, #tpu.memory_space<hbm>>
        %dma_wait3A_1423 = tpu.memref_squeeze %dma_wait3A_1422 : memref<1x1x1x8x128xf32, #tpu.memory_space<hbm>> -> memref<8x128xf32, #tpu.memory_space<hbm>>
        %dma_wait3A_1424 = arith.constant 80 : i32
        %dma_wait3A_1425 = arith.constant 0 : i32
        %dma_wait3A_1426 = tpu.memref_slice %arg10[%dma_wait3A_1424, %dma_wait3A_1425] : memref<160x129xf32, #tpu.memory_space<vmem>> -> memref<8x128xf32, #tpu.memory_space<vmem>>
        tpu.wait_dma2 semaphore(%arg13 : memref<!tpu.dma_semaphore, #tpu.memory_space<semaphore_mem>>) src(%dma_wait3A_1426 : memref<8x128xf32, #tpu.memory_space<vmem>>) dst(%dma_wait3A_1423 : memref<8x128xf32, #tpu.memory_space<hbm>>)
        %add3A_1427 = arith.constant 2 : i32
        %add3A_1428 = arith.addi %mul3A_1239, %add3A_1427 : i32
        %dma_wait3A_1429 = arith.constant 3 : i32
        %dma_wait3A_1430 = arith.constant 88 : i32
        %dma_wait3A_1431 = arith.constant 0 : i32
        %dma_wait3A_1432 = tpu.memref_slice %arg10[%dma_wait3A_1430, %dma_wait3A_1431] : memref<160x129xf32, #tpu.memory_space<vmem>> -> memref<8x128xf32, #tpu.memory_space<vmem>>
        %dma_wait3A_1433 = arith.constant 0 : i32
        %dma_wait3A_1434 = arith.constant 0 : i32
        %dma_wait3A_1435 = tpu.memref_slice %arg4[%add3A_1428, %dma_wait3A_1429, %add3A_1221, %dma_wait3A_1433, %dma_wait3A_1434] : memref<50x4x128x8x128xf32, #tpu.memory_space<hbm>> -> memref<1x1x1x8x128xf32, #tpu.memory_space<hbm>>
        %dma_wait3A_1436 = tpu.memref_squeeze %dma_wait3A_1435 : memref<1x1x1x8x128xf32, #tpu.memory_space<hbm>> -> memref<8x128xf32, #tpu.memory_space<hbm>>
        %dma_wait3A_1437 = arith.constant 0 : i32
        %dma_wait3A_1438 = arith.constant 0 : i32
        %dma_wait3A_1439 = tpu.memref_slice %arg4[%add3A_1428, %dma_wait3A_1429, %add3A_1221, %dma_wait3A_1437, %dma_wait3A_1438] : memref<50x4x128x8x128xf32, #tpu.memory_space<hbm>> -> memref<1x1x1x8x128xf32, #tpu.memory_space<hbm>>
        %dma_wait3A_1440 = tpu.memref_squeeze %dma_wait3A_1439 : memref<1x1x1x8x128xf32, #tpu.memory_space<hbm>> -> memref<8x128xf32, #tpu.memory_space<hbm>>
        %dma_wait3A_1441 = arith.constant 88 : i32
        %dma_wait3A_1442 = arith.constant 0 : i32
        %dma_wait3A_1443 = tpu.memref_slice %arg10[%dma_wait3A_1441, %dma_wait3A_1442] : memref<160x129xf32, #tpu.memory_space<vmem>> -> memref<8x128xf32, #tpu.memory_space<vmem>>
        tpu.wait_dma2 semaphore(%arg13 : memref<!tpu.dma_semaphore, #tpu.memory_space<semaphore_mem>>) src(%dma_wait3A_1443 : memref<8x128xf32, #tpu.memory_space<vmem>>) dst(%dma_wait3A_1440 : memref<8x128xf32, #tpu.memory_space<hbm>>)
        %add3A_1444 = arith.constant 3 : i32
        %add3A_1445 = arith.addi %mul3A_1239, %add3A_1444 : i32
        %dma_wait3A_1446 = arith.constant 0 : i32
        %dma_wait3A_1447 = arith.constant 96 : i32
        %dma_wait3A_1448 = arith.constant 0 : i32
        %dma_wait3A_1449 = tpu.memref_slice %arg10[%dma_wait3A_1447, %dma_wait3A_1448] : memref<160x129xf32, #tpu.memory_space<vmem>> -> memref<8x128xf32, #tpu.memory_space<vmem>>
        %dma_wait3A_1450 = arith.constant 0 : i32
        %dma_wait3A_1451 = arith.constant 0 : i32
        %dma_wait3A_1452 = tpu.memref_slice %arg4[%add3A_1445, %dma_wait3A_1446, %add3A_1221, %dma_wait3A_1450, %dma_wait3A_1451] : memref<50x4x128x8x128xf32, #tpu.memory_space<hbm>> -> memref<1x1x1x8x128xf32, #tpu.memory_space<hbm>>
        %dma_wait3A_1453 = tpu.memref_squeeze %dma_wait3A_1452 : memref<1x1x1x8x128xf32, #tpu.memory_space<hbm>> -> memref<8x128xf32, #tpu.memory_space<hbm>>
        %dma_wait3A_1454 = arith.constant 0 : i32
        %dma_wait3A_1455 = arith.constant 0 : i32
        %dma_wait3A_1456 = tpu.memref_slice %arg4[%add3A_1445, %dma_wait3A_1446, %add3A_1221, %dma_wait3A_1454, %dma_wait3A_1455] : memref<50x4x128x8x128xf32, #tpu.memory_space<hbm>> -> memref<1x1x1x8x128xf32, #tpu.memory_space<hbm>>
        %dma_wait3A_1457 = tpu.memref_squeeze %dma_wait3A_1456 : memref<1x1x1x8x128xf32, #tpu.memory_space<hbm>> -> memref<8x128xf32, #tpu.memory_space<hbm>>
        %dma_wait3A_1458 = arith.constant 96 : i32
        %dma_wait3A_1459 = arith.constant 0 : i32
        %dma_wait3A_1460 = tpu.memref_slice %arg10[%dma_wait3A_1458, %dma_wait3A_1459] : memref<160x129xf32, #tpu.memory_space<vmem>> -> memref<8x128xf32, #tpu.memory_space<vmem>>
        tpu.wait_dma2 semaphore(%arg13 : memref<!tpu.dma_semaphore, #tpu.memory_space<semaphore_mem>>) src(%dma_wait3A_1460 : memref<8x128xf32, #tpu.memory_space<vmem>>) dst(%dma_wait3A_1457 : memref<8x128xf32, #tpu.memory_space<hbm>>)
        %add3A_1461 = arith.constant 3 : i32
        %add3A_1462 = arith.addi %mul3A_1239, %add3A_1461 : i32
        %dma_wait3A_1463 = arith.constant 1 : i32
        %dma_wait3A_1464 = arith.constant 104 : i32
        %dma_wait3A_1465 = arith.constant 0 : i32
        %dma_wait3A_1466 = tpu.memref_slice %arg10[%dma_wait3A_1464, %dma_wait3A_1465] : memref<160x129xf32, #tpu.memory_space<vmem>> -> memref<8x128xf32, #tpu.memory_space<vmem>>
        %dma_wait3A_1467 = arith.constant 0 : i32
        %dma_wait3A_1468 = arith.constant 0 : i32
        %dma_wait3A_1469 = tpu.memref_slice %arg4[%add3A_1462, %dma_wait3A_1463, %add3A_1221, %dma_wait3A_1467, %dma_wait3A_1468] : memref<50x4x128x8x128xf32, #tpu.memory_space<hbm>> -> memref<1x1x1x8x128xf32, #tpu.memory_space<hbm>>
        %dma_wait3A_1470 = tpu.memref_squeeze %dma_wait3A_1469 : memref<1x1x1x8x128xf32, #tpu.memory_space<hbm>> -> memref<8x128xf32, #tpu.memory_space<hbm>>
        %dma_wait3A_1471 = arith.constant 0 : i32
        %dma_wait3A_1472 = arith.constant 0 : i32
        %dma_wait3A_1473 = tpu.memref_slice %arg4[%add3A_1462, %dma_wait3A_1463, %add3A_1221, %dma_wait3A_1471, %dma_wait3A_1472] : memref<50x4x128x8x128xf32, #tpu.memory_space<hbm>> -> memref<1x1x1x8x128xf32, #tpu.memory_space<hbm>>
        %dma_wait3A_1474 = tpu.memref_squeeze %dma_wait3A_1473 : memref<1x1x1x8x128xf32, #tpu.memory_space<hbm>> -> memref<8x128xf32, #tpu.memory_space<hbm>>
        %dma_wait3A_1475 = arith.constant 104 : i32
        %dma_wait3A_1476 = arith.constant 0 : i32
        %dma_wait3A_1477 = tpu.memref_slice %arg10[%dma_wait3A_1475, %dma_wait3A_1476] : memref<160x129xf32, #tpu.memory_space<vmem>> -> memref<8x128xf32, #tpu.memory_space<vmem>>
        tpu.wait_dma2 semaphore(%arg13 : memref<!tpu.dma_semaphore, #tpu.memory_space<semaphore_mem>>) src(%dma_wait3A_1477 : memref<8x128xf32, #tpu.memory_space<vmem>>) dst(%dma_wait3A_1474 : memref<8x128xf32, #tpu.memory_space<hbm>>)
        %add3A_1478 = arith.constant 3 : i32
        %add3A_1479 = arith.addi %mul3A_1239, %add3A_1478 : i32
        %dma_wait3A_1480 = arith.constant 2 : i32
        %dma_wait3A_1481 = arith.constant 112 : i32
        %dma_wait3A_1482 = arith.constant 0 : i32
        %dma_wait3A_1483 = tpu.memref_slice %arg10[%dma_wait3A_1481, %dma_wait3A_1482] : memref<160x129xf32, #tpu.memory_space<vmem>> -> memref<8x128xf32, #tpu.memory_space<vmem>>
        %dma_wait3A_1484 = arith.constant 0 : i32
        %dma_wait3A_1485 = arith.constant 0 : i32
        %dma_wait3A_1486 = tpu.memref_slice %arg4[%add3A_1479, %dma_wait3A_1480, %add3A_1221, %dma_wait3A_1484, %dma_wait3A_1485] : memref<50x4x128x8x128xf32, #tpu.memory_space<hbm>> -> memref<1x1x1x8x128xf32, #tpu.memory_space<hbm>>
        %dma_wait3A_1487 = tpu.memref_squeeze %dma_wait3A_1486 : memref<1x1x1x8x128xf32, #tpu.memory_space<hbm>> -> memref<8x128xf32, #tpu.memory_space<hbm>>
        %dma_wait3A_1488 = arith.constant 0 : i32
        %dma_wait3A_1489 = arith.constant 0 : i32
        %dma_wait3A_1490 = tpu.memref_slice %arg4[%add3A_1479, %dma_wait3A_1480, %add3A_1221, %dma_wait3A_1488, %dma_wait3A_1489] : memref<50x4x128x8x128xf32, #tpu.memory_space<hbm>> -> memref<1x1x1x8x128xf32, #tpu.memory_space<hbm>>
        %dma_wait3A_1491 = tpu.memref_squeeze %dma_wait3A_1490 : memref<1x1x1x8x128xf32, #tpu.memory_space<hbm>> -> memref<8x128xf32, #tpu.memory_space<hbm>>
        %dma_wait3A_1492 = arith.constant 112 : i32
        %dma_wait3A_1493 = arith.constant 0 : i32
        %dma_wait3A_1494 = tpu.memref_slice %arg10[%dma_wait3A_1492, %dma_wait3A_1493] : memref<160x129xf32, #tpu.memory_space<vmem>> -> memref<8x128xf32, #tpu.memory_space<vmem>>
        tpu.wait_dma2 semaphore(%arg13 : memref<!tpu.dma_semaphore, #tpu.memory_space<semaphore_mem>>) src(%dma_wait3A_1494 : memref<8x128xf32, #tpu.memory_space<vmem>>) dst(%dma_wait3A_1491 : memref<8x128xf32, #tpu.memory_space<hbm>>)
        %add3A_1495 = arith.constant 3 : i32
        %add3A_1496 = arith.addi %mul3A_1239, %add3A_1495 : i32
        %dma_wait3A_1497 = arith.constant 3 : i32
        %dma_wait3A_1498 = arith.constant 120 : i32
        %dma_wait3A_1499 = arith.constant 0 : i32
        %dma_wait3A_1500 = tpu.memref_slice %arg10[%dma_wait3A_1498, %dma_wait3A_1499] : memref<160x129xf32, #tpu.memory_space<vmem>> -> memref<8x128xf32, #tpu.memory_space<vmem>>
        %dma_wait3A_1501 = arith.constant 0 : i32
        %dma_wait3A_1502 = arith.constant 0 : i32
        %dma_wait3A_1503 = tpu.memref_slice %arg4[%add3A_1496, %dma_wait3A_1497, %add3A_1221, %dma_wait3A_1501, %dma_wait3A_1502] : memref<50x4x128x8x128xf32, #tpu.memory_space<hbm>> -> memref<1x1x1x8x128xf32, #tpu.memory_space<hbm>>
        %dma_wait3A_1504 = tpu.memref_squeeze %dma_wait3A_1503 : memref<1x1x1x8x128xf32, #tpu.memory_space<hbm>> -> memref<8x128xf32, #tpu.memory_space<hbm>>
        %dma_wait3A_1505 = arith.constant 0 : i32
        %dma_wait3A_1506 = arith.constant 0 : i32
        %dma_wait3A_1507 = tpu.memref_slice %arg4[%add3A_1496, %dma_wait3A_1497, %add3A_1221, %dma_wait3A_1505, %dma_wait3A_1506] : memref<50x4x128x8x128xf32, #tpu.memory_space<hbm>> -> memref<1x1x1x8x128xf32, #tpu.memory_space<hbm>>
        %dma_wait3A_1508 = tpu.memref_squeeze %dma_wait3A_1507 : memref<1x1x1x8x128xf32, #tpu.memory_space<hbm>> -> memref<8x128xf32, #tpu.memory_space<hbm>>
        %dma_wait3A_1509 = arith.constant 120 : i32
        %dma_wait3A_1510 = arith.constant 0 : i32
        %dma_wait3A_1511 = tpu.memref_slice %arg10[%dma_wait3A_1509, %dma_wait3A_1510] : memref<160x129xf32, #tpu.memory_space<vmem>> -> memref<8x128xf32, #tpu.memory_space<vmem>>
        tpu.wait_dma2 semaphore(%arg13 : memref<!tpu.dma_semaphore, #tpu.memory_space<semaphore_mem>>) src(%dma_wait3A_1511 : memref<8x128xf32, #tpu.memory_space<vmem>>) dst(%dma_wait3A_1508 : memref<8x128xf32, #tpu.memory_space<hbm>>)
        %add3A_1512 = arith.constant 4 : i32
        %add3A_1513 = arith.addi %mul3A_1239, %add3A_1512 : i32
        %dma_wait3A_1514 = arith.constant 0 : i32
        %dma_wait3A_1515 = arith.constant 128 : i32
        %dma_wait3A_1516 = arith.constant 0 : i32
        %dma_wait3A_1517 = tpu.memref_slice %arg10[%dma_wait3A_1515, %dma_wait3A_1516] : memref<160x129xf32, #tpu.memory_space<vmem>> -> memref<8x128xf32, #tpu.memory_space<vmem>>
        %dma_wait3A_1518 = arith.constant 0 : i32
        %dma_wait3A_1519 = arith.constant 0 : i32
        %dma_wait3A_1520 = tpu.memref_slice %arg4[%add3A_1513, %dma_wait3A_1514, %add3A_1221, %dma_wait3A_1518, %dma_wait3A_1519] : memref<50x4x128x8x128xf32, #tpu.memory_space<hbm>> -> memref<1x1x1x8x128xf32, #tpu.memory_space<hbm>>
        %dma_wait3A_1521 = tpu.memref_squeeze %dma_wait3A_1520 : memref<1x1x1x8x128xf32, #tpu.memory_space<hbm>> -> memref<8x128xf32, #tpu.memory_space<hbm>>
        %dma_wait3A_1522 = arith.constant 0 : i32
        %dma_wait3A_1523 = arith.constant 0 : i32
        %dma_wait3A_1524 = tpu.memref_slice %arg4[%add3A_1513, %dma_wait3A_1514, %add3A_1221, %dma_wait3A_1522, %dma_wait3A_1523] : memref<50x4x128x8x128xf32, #tpu.memory_space<hbm>> -> memref<1x1x1x8x128xf32, #tpu.memory_space<hbm>>
        %dma_wait3A_1525 = tpu.memref_squeeze %dma_wait3A_1524 : memref<1x1x1x8x128xf32, #tpu.memory_space<hbm>> -> memref<8x128xf32, #tpu.memory_space<hbm>>
        %dma_wait3A_1526 = arith.constant 128 : i32
        %dma_wait3A_1527 = arith.constant 0 : i32
        %dma_wait3A_1528 = tpu.memref_slice %arg10[%dma_wait3A_1526, %dma_wait3A_1527] : memref<160x129xf32, #tpu.memory_space<vmem>> -> memref<8x128xf32, #tpu.memory_space<vmem>>
        tpu.wait_dma2 semaphore(%arg13 : memref<!tpu.dma_semaphore, #tpu.memory_space<semaphore_mem>>) src(%dma_wait3A_1528 : memref<8x128xf32, #tpu.memory_space<vmem>>) dst(%dma_wait3A_1525 : memref<8x128xf32, #tpu.memory_space<hbm>>)
        %add3A_1529 = arith.constant 4 : i32
        %add3A_1530 = arith.addi %mul3A_1239, %add3A_1529 : i32
        %dma_wait3A_1531 = arith.constant 1 : i32
        %dma_wait3A_1532 = arith.constant 136 : i32
        %dma_wait3A_1533 = arith.constant 0 : i32
        %dma_wait3A_1534 = tpu.memref_slice %arg10[%dma_wait3A_1532, %dma_wait3A_1533] : memref<160x129xf32, #tpu.memory_space<vmem>> -> memref<8x128xf32, #tpu.memory_space<vmem>>
        %dma_wait3A_1535 = arith.constant 0 : i32
        %dma_wait3A_1536 = arith.constant 0 : i32
        %dma_wait3A_1537 = tpu.memref_slice %arg4[%add3A_1530, %dma_wait3A_1531, %add3A_1221, %dma_wait3A_1535, %dma_wait3A_1536] : memref<50x4x128x8x128xf32, #tpu.memory_space<hbm>> -> memref<1x1x1x8x128xf32, #tpu.memory_space<hbm>>
        %dma_wait3A_1538 = tpu.memref_squeeze %dma_wait3A_1537 : memref<1x1x1x8x128xf32, #tpu.memory_space<hbm>> -> memref<8x128xf32, #tpu.memory_space<hbm>>
        %dma_wait3A_1539 = arith.constant 0 : i32
        %dma_wait3A_1540 = arith.constant 0 : i32
        %dma_wait3A_1541 = tpu.memref_slice %arg4[%add3A_1530, %dma_wait3A_1531, %add3A_1221, %dma_wait3A_1539, %dma_wait3A_1540] : memref<50x4x128x8x128xf32, #tpu.memory_space<hbm>> -> memref<1x1x1x8x128xf32, #tpu.memory_space<hbm>>
        %dma_wait3A_1542 = tpu.memref_squeeze %dma_wait3A_1541 : memref<1x1x1x8x128xf32, #tpu.memory_space<hbm>> -> memref<8x128xf32, #tpu.memory_space<hbm>>
        %dma_wait3A_1543 = arith.constant 136 : i32
        %dma_wait3A_1544 = arith.constant 0 : i32
        %dma_wait3A_1545 = tpu.memref_slice %arg10[%dma_wait3A_1543, %dma_wait3A_1544] : memref<160x129xf32, #tpu.memory_space<vmem>> -> memref<8x128xf32, #tpu.memory_space<vmem>>
        tpu.wait_dma2 semaphore(%arg13 : memref<!tpu.dma_semaphore, #tpu.memory_space<semaphore_mem>>) src(%dma_wait3A_1545 : memref<8x128xf32, #tpu.memory_space<vmem>>) dst(%dma_wait3A_1542 : memref<8x128xf32, #tpu.memory_space<hbm>>)
        %add3A_1546 = arith.constant 4 : i32
        %add3A_1547 = arith.addi %mul3A_1239, %add3A_1546 : i32
        %dma_wait3A_1548 = arith.constant 2 : i32
        %dma_wait3A_1549 = arith.constant 144 : i32
        %dma_wait3A_1550 = arith.constant 0 : i32
        %dma_wait3A_1551 = tpu.memref_slice %arg10[%dma_wait3A_1549, %dma_wait3A_1550] : memref<160x129xf32, #tpu.memory_space<vmem>> -> memref<8x128xf32, #tpu.memory_space<vmem>>
        %dma_wait3A_1552 = arith.constant 0 : i32
        %dma_wait3A_1553 = arith.constant 0 : i32
        %dma_wait3A_1554 = tpu.memref_slice %arg4[%add3A_1547, %dma_wait3A_1548, %add3A_1221, %dma_wait3A_1552, %dma_wait3A_1553] : memref<50x4x128x8x128xf32, #tpu.memory_space<hbm>> -> memref<1x1x1x8x128xf32, #tpu.memory_space<hbm>>
        %dma_wait3A_1555 = tpu.memref_squeeze %dma_wait3A_1554 : memref<1x1x1x8x128xf32, #tpu.memory_space<hbm>> -> memref<8x128xf32, #tpu.memory_space<hbm>>
        %dma_wait3A_1556 = arith.constant 0 : i32
        %dma_wait3A_1557 = arith.constant 0 : i32
        %dma_wait3A_1558 = tpu.memref_slice %arg4[%add3A_1547, %dma_wait3A_1548, %add3A_1221, %dma_wait3A_1556, %dma_wait3A_1557] : memref<50x4x128x8x128xf32, #tpu.memory_space<hbm>> -> memref<1x1x1x8x128xf32, #tpu.memory_space<hbm>>
        %dma_wait3A_1559 = tpu.memref_squeeze %dma_wait3A_1558 : memref<1x1x1x8x128xf32, #tpu.memory_space<hbm>> -> memref<8x128xf32, #tpu.memory_space<hbm>>
        %dma_wait3A_1560 = arith.constant 144 : i32
        %dma_wait3A_1561 = arith.constant 0 : i32
        %dma_wait3A_1562 = tpu.memref_slice %arg10[%dma_wait3A_1560, %dma_wait3A_1561] : memref<160x129xf32, #tpu.memory_space<vmem>> -> memref<8x128xf32, #tpu.memory_space<vmem>>
        tpu.wait_dma2 semaphore(%arg13 : memref<!tpu.dma_semaphore, #tpu.memory_space<semaphore_mem>>) src(%dma_wait3A_1562 : memref<8x128xf32, #tpu.memory_space<vmem>>) dst(%dma_wait3A_1559 : memref<8x128xf32, #tpu.memory_space<hbm>>)
        %add3A_1563 = arith.constant 4 : i32
        %add3A_1564 = arith.addi %mul3A_1239, %add3A_1563 : i32
        %dma_wait3A_1565 = arith.constant 3 : i32
        %dma_wait3A_1566 = arith.constant 152 : i32
        %dma_wait3A_1567 = arith.constant 0 : i32
        %dma_wait3A_1568 = tpu.memref_slice %arg10[%dma_wait3A_1566, %dma_wait3A_1567] : memref<160x129xf32, #tpu.memory_space<vmem>> -> memref<8x128xf32, #tpu.memory_space<vmem>>
        %dma_wait3A_1569 = arith.constant 0 : i32
        %dma_wait3A_1570 = arith.constant 0 : i32
        %dma_wait3A_1571 = tpu.memref_slice %arg4[%add3A_1564, %dma_wait3A_1565, %add3A_1221, %dma_wait3A_1569, %dma_wait3A_1570] : memref<50x4x128x8x128xf32, #tpu.memory_space<hbm>> -> memref<1x1x1x8x128xf32, #tpu.memory_space<hbm>>
        %dma_wait3A_1572 = tpu.memref_squeeze %dma_wait3A_1571 : memref<1x1x1x8x128xf32, #tpu.memory_space<hbm>> -> memref<8x128xf32, #tpu.memory_space<hbm>>
        %dma_wait3A_1573 = arith.constant 0 : i32
        %dma_wait3A_1574 = arith.constant 0 : i32
        %dma_wait3A_1575 = tpu.memref_slice %arg4[%add3A_1564, %dma_wait3A_1565, %add3A_1221, %dma_wait3A_1573, %dma_wait3A_1574] : memref<50x4x128x8x128xf32, #tpu.memory_space<hbm>> -> memref<1x1x1x8x128xf32, #tpu.memory_space<hbm>>
        %dma_wait3A_1576 = tpu.memref_squeeze %dma_wait3A_1575 : memref<1x1x1x8x128xf32, #tpu.memory_space<hbm>> -> memref<8x128xf32, #tpu.memory_space<hbm>>
        %dma_wait3A_1577 = arith.constant 152 : i32
        %dma_wait3A_1578 = arith.constant 0 : i32
        %dma_wait3A_1579 = tpu.memref_slice %arg10[%dma_wait3A_1577, %dma_wait3A_1578] : memref<160x129xf32, #tpu.memory_space<vmem>> -> memref<8x128xf32, #tpu.memory_space<vmem>>
        tpu.wait_dma2 semaphore(%arg13 : memref<!tpu.dma_semaphore, #tpu.memory_space<semaphore_mem>>) src(%dma_wait3A_1579 : memref<8x128xf32, #tpu.memory_space<vmem>>) dst(%dma_wait3A_1576 : memref<8x128xf32, #tpu.memory_space<hbm>>)
      } else {
      }
      %parallel_loop3A_377 = arith.constant 0 : i32
      %parallel_loop3A_378 = arith.constant 1280 : i32
      %parallel_loop3A_379 = arith.constant 1 : i32
      scf.for %parallel_loop3A_1193 = %parallel_loop3A_377 to %parallel_loop3A_378 step %parallel_loop3A_379  : i32 {
        %parallel_loop3A_1194 = arith.constant 1 : i32
        %parallel_loop3A_1195 = arith.shrsi %parallel_loop3A_1193, %parallel_loop3A_1194 : i32
        %parallel_loop3A_1196 = arith.constant 1 : i32
        %parallel_loop3A_1197 = arith.andi %parallel_loop3A_1193, %parallel_loop3A_1196 : i32
        %parallel_loop3A_1198 = arith.constant 7 : i32
        %parallel_loop3A_1199 = arith.shrsi %parallel_loop3A_1195, %parallel_loop3A_1198 : i32
        %parallel_loop3A_1200 = arith.constant 127 : i32
        %parallel_loop3A_1201 = arith.andi %parallel_loop3A_1195, %parallel_loop3A_1200 : i32
        %parallel_loop3A_1202 = arith.constant 16 : i32
        %parallel_loop3A_1203 = arith.muli %parallel_loop3A_1197, %parallel_loop3A_1202 : i32
        %parallel_loop3A_1204 = arith.index_cast %parallel_loop3A_1195 : i32 to index
        %parallel_loop3A_1205 = arith.index_cast %parallel_loop3A_1203 : i32 to index
        %parallel_loop3A_1206 = tpu.vector_load %arg8[%parallel_loop3A_1204, %parallel_loop3A_1205] {strides = array<i32>} : memref<640x32xf32, #tpu.memory_space<vmem>>, vector<16xf32>,
        %parallel_loop3A_1207 = arith.constant 32 : i32
        %parallel_loop3A_1208 = arith.muli %parallel_loop3A_1199, %parallel_loop3A_1207 : i32
        %parallel_loop3A_1209 = arith.constant 16 : i32
        %parallel_loop3A_1210 = arith.muli %parallel_loop3A_1197, %parallel_loop3A_1209 : i32
        %parallel_loop3A_1211 = arith.addi %parallel_loop3A_1208, %parallel_loop3A_1210 : i32
        %parallel_loop3A_1212 = vector.broadcast %parallel_loop3A_1211 : i32 to vector<16xi32>
        %parallel_loop3A_1213 = arith.addi %iota3A, %parallel_loop3A_1212 : vector<16xi32>
        %parallel_loop3A_1214 = vector.broadcast %parallel_loop3A_1201 : i32 to vector<16xi32>
        %parallel_loop3A_1215 = arith.addi %broadcast_in_dim3A_4, %parallel_loop3A_1214 : vector<16xi32>
        tpu.vector_store_idx %arg10[%parallel_loop3A_1213, %parallel_loop3A_1215], %parallel_loop3A_1206 : memref<160x129xf32, #tpu.memory_space<vmem>>[vector<16xi32>, vector<16xi32>], vector<16xf32>,
      } {sc.loop_unroll_factor = 8 : i64, sc.parallel_access}
      %mul3A_380 = arith.constant 4 : i32
      %mul3A_381 = arith.muli %add3A, %mul3A_380 : i32
      %jit3A_382 = arith.constant 10 : i32
      %div3A = arith.divsi %add3A_347, %jit3A_382 : i32
      %sign3A = arith.constant 0 : i32
      %sign3A_383 = arith.cmpi sgt, %add3A_347, %sign3A : i32
      %sign3A_384 = arith.extui %sign3A_383 : i1 to i32
      %sign3A_385 = arith.constant 0 : i32
      %sign3A_386 = arith.cmpi slt, %add3A_347, %sign3A_385 : i32
      %sign3A_387 = arith.extui %sign3A_386 : i1 to i32
      %sign3A_388 = arith.subi %sign3A_384, %sign3A_387 : i32
      %sign3A_389 = arith.constant 0 : i32
      %sign3A_390 = arith.cmpi sgt, %jit3A_382, %sign3A_389 : i32
      %sign3A_391 = arith.extui %sign3A_390 : i1 to i32
      %sign3A_392 = arith.constant 0 : i32
      %sign3A_393 = arith.cmpi slt, %jit3A_382, %sign3A_392 : i32
      %sign3A_394 = arith.extui %sign3A_393 : i1 to i32
      %sign3A_395 = arith.subi %sign3A_391, %sign3A_394 : i32
      %ne3A_396 = arith.cmpi ne, %sign3A_388, %sign3A_395 : i32
      %rem3A_397 = arith.remsi %add3A_347, %jit3A_382 : i32
      %ne3A_398 = arith.constant 0 : i32
      %ne3A_399 = arith.cmpi ne, %rem3A_397, %ne3A_398 : i32
      %and3A_400 = arith.andi %ne3A_396, %ne3A_399 : i1
      %sub3A = arith.constant 1 : i32
      %sub3A_401 = arith.subi %div3A, %sub3A : i32
      %select_n3A_402 = arith.select %and3A_400, %sub3A_401, %div3A : i32
      %add3A_403 = arith.addi %mul3A_381, %select_n3A_402 : i32
      %jit3A_404 = arith.constant 10 : i32
      %eq3A_405 = arith.constant 0 : i32
      %eq3A_406 = arith.cmpi eq, %jit3A_404, %eq3A_405 : i32
      %jit3A_407 = arith.constant 1 : i32
      %select_n3A_408 = arith.select %eq3A_406, %jit3A_407, %jit3A_404 : i32
      %rem3A_409 = arith.remsi %add3A_347, %select_n3A_408 : i32
      %ne3A_410 = arith.constant 0 : i32
      %ne3A_411 = arith.cmpi ne, %rem3A_409, %ne3A_410 : i32
      %lt3A_412 = arith.constant 0 : i32
      %lt3A_413 = arith.cmpi slt, %rem3A_409, %lt3A_412 : i32
      %lt3A_414 = arith.constant 0 : i32
      %lt3A_415 = arith.cmpi slt, %select_n3A_408, %lt3A_414 : i32
      %ne3A_416 = arith.xori %lt3A_413, %lt3A_415 : i1
      %and3A_417 = arith.andi %ne3A_416, %ne3A_411 : i1
      %add3A_418 = arith.addi %rem3A_409, %select_n3A_408 : i32
      %select_n3A_419 = arith.select %and3A_417, %add3A_418, %rem3A_409 : i32
      %mul3A_420 = arith.constant 5 : i32
      %mul3A_421 = arith.muli %select_n3A_419, %mul3A_420 : i32
      %add3A_422 = arith.constant 0 : i32
      %add3A_423 = arith.addi %mul3A_421, %add3A_422 : i32
      %dma_start3A_424 = arith.constant 0 : i32
      %dma_start3A_425 = arith.constant 0 : i32
      %dma_start3A_426 = arith.constant 0 : i32
      %dma_start3A_427 = tpu.memref_slice %arg10[%dma_start3A_425, %dma_start3A_426] : memref<160x129xf32, #tpu.memory_space<vmem>> -> memref<8x128xf32, #tpu.memory_space<vmem>>
      %dma_start3A_428 = arith.constant 0 : i32
      %dma_start3A_429 = arith.constant 0 : i32
      %dma_start3A_430 = tpu.memref_slice %arg4[%add3A_423, %dma_start3A_424, %add3A_403, %dma_start3A_428, %dma_start3A_429] : memref<50x4x128x8x128xf32, #tpu.memory_space<hbm>> -> memref<1x1x1x8x128xf32, #tpu.memory_space<hbm>>
      %dma_start3A_431 = tpu.memref_squeeze %dma_start3A_430 : memref<1x1x1x8x128xf32, #tpu.memory_space<hbm>> -> memref<8x128xf32, #tpu.memory_space<hbm>>
      %dma_start3A_432 = arith.constant 0 : i32
      %dma_start3A_433 = arith.constant 0 : i32
      %dma_start3A_434 = tpu.memref_slice %arg4[%add3A_423, %dma_start3A_424, %add3A_403, %dma_start3A_432, %dma_start3A_433] : memref<50x4x128x8x128xf32, #tpu.memory_space<hbm>> -> memref<1x1x1x8x128xf32, #tpu.memory_space<hbm>>
      %dma_start3A_435 = tpu.memref_squeeze %dma_start3A_434 : memref<1x1x1x8x128xf32, #tpu.memory_space<hbm>> -> memref<8x128xf32, #tpu.memory_space<hbm>>
      %dma_start3A_436 = arith.constant 0 : i32
      %dma_start3A_437 = arith.constant 0 : i32
      %dma_start3A_438 = tpu.memref_slice %arg10[%dma_start3A_436, %dma_start3A_437] : memref<160x129xf32, #tpu.memory_space<vmem>> -> memref<8x128xf32, #tpu.memory_space<vmem>>
      tpu.enqueue_dma source(%dma_start3A_438 : memref<8x128xf32, #tpu.memory_space<vmem>>) target(%dma_start3A_435 : memref<8x128xf32, #tpu.memory_space<hbm>>) target_semaphore(%arg13 : memref<!tpu.dma_semaphore, #tpu.memory_space<semaphore_mem>>)
      %add3A_439 = arith.constant 0 : i32
      %add3A_440 = arith.addi %mul3A_421, %add3A_439 : i32
      %dma_start3A_441 = arith.constant 1 : i32
      %dma_start3A_442 = arith.constant 8 : i32
      %dma_start3A_443 = arith.constant 0 : i32
      %dma_start3A_444 = tpu.memref_slice %arg10[%dma_start3A_442, %dma_start3A_443] : memref<160x129xf32, #tpu.memory_space<vmem>> -> memref<8x128xf32, #tpu.memory_space<vmem>>
      %dma_start3A_445 = arith.constant 0 : i32
      %dma_start3A_446 = arith.constant 0 : i32
      %dma_start3A_447 = tpu.memref_slice %arg4[%add3A_440, %dma_start3A_441, %add3A_403, %dma_start3A_445, %dma_start3A_446] : memref<50x4x128x8x128xf32, #tpu.memory_space<hbm>> -> memref<1x1x1x8x128xf32, #tpu.memory_space<hbm>>
      %dma_start3A_448 = tpu.memref_squeeze %dma_start3A_447 : memref<1x1x1x8x128xf32, #tpu.memory_space<hbm>> -> memref<8x128xf32, #tpu.memory_space<hbm>>
      %dma_start3A_449 = arith.constant 0 : i32
      %dma_start3A_450 = arith.constant 0 : i32
      %dma_start3A_451 = tpu.memref_slice %arg4[%add3A_440, %dma_start3A_441, %add3A_403, %dma_start3A_449, %dma_start3A_450] : memref<50x4x128x8x128xf32, #tpu.memory_space<hbm>> -> memref<1x1x1x8x128xf32, #tpu.memory_space<hbm>>
      %dma_start3A_452 = tpu.memref_squeeze %dma_start3A_451 : memref<1x1x1x8x128xf32, #tpu.memory_space<hbm>> -> memref<8x128xf32, #tpu.memory_space<hbm>>
      %dma_start3A_453 = arith.constant 8 : i32
      %dma_start3A_454 = arith.constant 0 : i32
      %dma_start3A_455 = tpu.memref_slice %arg10[%dma_start3A_453, %dma_start3A_454] : memref<160x129xf32, #tpu.memory_space<vmem>> -> memref<8x128xf32, #tpu.memory_space<vmem>>
      tpu.enqueue_dma source(%dma_start3A_455 : memref<8x128xf32, #tpu.memory_space<vmem>>) target(%dma_start3A_452 : memref<8x128xf32, #tpu.memory_space<hbm>>) target_semaphore(%arg13 : memref<!tpu.dma_semaphore, #tpu.memory_space<semaphore_mem>>)
      %add3A_456 = arith.constant 0 : i32
      %add3A_457 = arith.addi %mul3A_421, %add3A_456 : i32
      %dma_start3A_458 = arith.constant 2 : i32
      %dma_start3A_459 = arith.constant 16 : i32
      %dma_start3A_460 = arith.constant 0 : i32
      %dma_start3A_461 = tpu.memref_slice %arg10[%dma_start3A_459, %dma_start3A_460] : memref<160x129xf32, #tpu.memory_space<vmem>> -> memref<8x128xf32, #tpu.memory_space<vmem>>
      %dma_start3A_462 = arith.constant 0 : i32
      %dma_start3A_463 = arith.constant 0 : i32
      %dma_start3A_464 = tpu.memref_slice %arg4[%add3A_457, %dma_start3A_458, %add3A_403, %dma_start3A_462, %dma_start3A_463] : memref<50x4x128x8x128xf32, #tpu.memory_space<hbm>> -> memref<1x1x1x8x128xf32, #tpu.memory_space<hbm>>
      %dma_start3A_465 = tpu.memref_squeeze %dma_start3A_464 : memref<1x1x1x8x128xf32, #tpu.memory_space<hbm>> -> memref<8x128xf32, #tpu.memory_space<hbm>>
      %dma_start3A_466 = arith.constant 0 : i32
      %dma_start3A_467 = arith.constant 0 : i32
      %dma_start3A_468 = tpu.memref_slice %arg4[%add3A_457, %dma_start3A_458, %add3A_403, %dma_start3A_466, %dma_start3A_467] : memref<50x4x128x8x128xf32, #tpu.memory_space<hbm>> -> memref<1x1x1x8x128xf32, #tpu.memory_space<hbm>>
      %dma_start3A_469 = tpu.memref_squeeze %dma_start3A_468 : memref<1x1x1x8x128xf32, #tpu.memory_space<hbm>> -> memref<8x128xf32, #tpu.memory_space<hbm>>
      %dma_start3A_470 = arith.constant 16 : i32
      %dma_start3A_471 = arith.constant 0 : i32
      %dma_start3A_472 = tpu.memref_slice %arg10[%dma_start3A_470, %dma_start3A_471] : memref<160x129xf32, #tpu.memory_space<vmem>> -> memref<8x128xf32, #tpu.memory_space<vmem>>
      tpu.enqueue_dma source(%dma_start3A_472 : memref<8x128xf32, #tpu.memory_space<vmem>>) target(%dma_start3A_469 : memref<8x128xf32, #tpu.memory_space<hbm>>) target_semaphore(%arg13 : memref<!tpu.dma_semaphore, #tpu.memory_space<semaphore_mem>>)
      %add3A_473 = arith.constant 0 : i32
      %add3A_474 = arith.addi %mul3A_421, %add3A_473 : i32
      %dma_start3A_475 = arith.constant 3 : i32
      %dma_start3A_476 = arith.constant 24 : i32
      %dma_start3A_477 = arith.constant 0 : i32
      %dma_start3A_478 = tpu.memref_slice %arg10[%dma_start3A_476, %dma_start3A_477] : memref<160x129xf32, #tpu.memory_space<vmem>> -> memref<8x128xf32, #tpu.memory_space<vmem>>
      %dma_start3A_479 = arith.constant 0 : i32
      %dma_start3A_480 = arith.constant 0 : i32
      %dma_start3A_481 = tpu.memref_slice %arg4[%add3A_474, %dma_start3A_475, %add3A_403, %dma_start3A_479, %dma_start3A_480] : memref<50x4x128x8x128xf32, #tpu.memory_space<hbm>> -> memref<1x1x1x8x128xf32, #tpu.memory_space<hbm>>
      %dma_start3A_482 = tpu.memref_squeeze %dma_start3A_481 : memref<1x1x1x8x128xf32, #tpu.memory_space<hbm>> -> memref<8x128xf32, #tpu.memory_space<hbm>>
      %dma_start3A_483 = arith.constant 0 : i32
      %dma_start3A_484 = arith.constant 0 : i32
      %dma_start3A_485 = tpu.memref_slice %arg4[%add3A_474, %dma_start3A_475, %add3A_403, %dma_start3A_483, %dma_start3A_484] : memref<50x4x128x8x128xf32, #tpu.memory_space<hbm>> -> memref<1x1x1x8x128xf32, #tpu.memory_space<hbm>>
      %dma_start3A_486 = tpu.memref_squeeze %dma_start3A_485 : memref<1x1x1x8x128xf32, #tpu.memory_space<hbm>> -> memref<8x128xf32, #tpu.memory_space<hbm>>
      %dma_start3A_487 = arith.constant 24 : i32
      %dma_start3A_488 = arith.constant 0 : i32
      %dma_start3A_489 = tpu.memref_slice %arg10[%dma_start3A_487, %dma_start3A_488] : memref<160x129xf32, #tpu.memory_space<vmem>> -> memref<8x128xf32, #tpu.memory_space<vmem>>
      tpu.enqueue_dma source(%dma_start3A_489 : memref<8x128xf32, #tpu.memory_space<vmem>>) target(%dma_start3A_486 : memref<8x128xf32, #tpu.memory_space<hbm>>) target_semaphore(%arg13 : memref<!tpu.dma_semaphore, #tpu.memory_space<semaphore_mem>>)
      %add3A_490 = arith.constant 1 : i32
      %add3A_491 = arith.addi %mul3A_421, %add3A_490 : i32
      %dma_start3A_492 = arith.constant 0 : i32
      %dma_start3A_493 = arith.constant 32 : i32
      %dma_start3A_494 = arith.constant 0 : i32
      %dma_start3A_495 = tpu.memref_slice %arg10[%dma_start3A_493, %dma_start3A_494] : memref<160x129xf32, #tpu.memory_space<vmem>> -> memref<8x128xf32, #tpu.memory_space<vmem>>
      %dma_start3A_496 = arith.constant 0 : i32
      %dma_start3A_497 = arith.constant 0 : i32
      %dma_start3A_498 = tpu.memref_slice %arg4[%add3A_491, %dma_start3A_492, %add3A_403, %dma_start3A_496, %dma_start3A_497] : memref<50x4x128x8x128xf32, #tpu.memory_space<hbm>> -> memref<1x1x1x8x128xf32, #tpu.memory_space<hbm>>
      %dma_start3A_499 = tpu.memref_squeeze %dma_start3A_498 : memref<1x1x1x8x128xf32, #tpu.memory_space<hbm>> -> memref<8x128xf32, #tpu.memory_space<hbm>>
      %dma_start3A_500 = arith.constant 0 : i32
      %dma_start3A_501 = arith.constant 0 : i32
      %dma_start3A_502 = tpu.memref_slice %arg4[%add3A_491, %dma_start3A_492, %add3A_403, %dma_start3A_500, %dma_start3A_501] : memref<50x4x128x8x128xf32, #tpu.memory_space<hbm>> -> memref<1x1x1x8x128xf32, #tpu.memory_space<hbm>>
      %dma_start3A_503 = tpu.memref_squeeze %dma_start3A_502 : memref<1x1x1x8x128xf32, #tpu.memory_space<hbm>> -> memref<8x128xf32, #tpu.memory_space<hbm>>
      %dma_start3A_504 = arith.constant 32 : i32
      %dma_start3A_505 = arith.constant 0 : i32
      %dma_start3A_506 = tpu.memref_slice %arg10[%dma_start3A_504, %dma_start3A_505] : memref<160x129xf32, #tpu.memory_space<vmem>> -> memref<8x128xf32, #tpu.memory_space<vmem>>
      tpu.enqueue_dma source(%dma_start3A_506 : memref<8x128xf32, #tpu.memory_space<vmem>>) target(%dma_start3A_503 : memref<8x128xf32, #tpu.memory_space<hbm>>) target_semaphore(%arg13 : memref<!tpu.dma_semaphore, #tpu.memory_space<semaphore_mem>>)
      %add3A_507 = arith.constant 1 : i32
      %add3A_508 = arith.addi %mul3A_421, %add3A_507 : i32
      %dma_start3A_509 = arith.constant 1 : i32
      %dma_start3A_510 = arith.constant 40 : i32
      %dma_start3A_511 = arith.constant 0 : i32
      %dma_start3A_512 = tpu.memref_slice %arg10[%dma_start3A_510, %dma_start3A_511] : memref<160x129xf32, #tpu.memory_space<vmem>> -> memref<8x128xf32, #tpu.memory_space<vmem>>
      %dma_start3A_513 = arith.constant 0 : i32
      %dma_start3A_514 = arith.constant 0 : i32
      %dma_start3A_515 = tpu.memref_slice %arg4[%add3A_508, %dma_start3A_509, %add3A_403, %dma_start3A_513, %dma_start3A_514] : memref<50x4x128x8x128xf32, #tpu.memory_space<hbm>> -> memref<1x1x1x8x128xf32, #tpu.memory_space<hbm>>
      %dma_start3A_516 = tpu.memref_squeeze %dma_start3A_515 : memref<1x1x1x8x128xf32, #tpu.memory_space<hbm>> -> memref<8x128xf32, #tpu.memory_space<hbm>>
      %dma_start3A_517 = arith.constant 0 : i32
      %dma_start3A_518 = arith.constant 0 : i32
      %dma_start3A_519 = tpu.memref_slice %arg4[%add3A_508, %dma_start3A_509, %add3A_403, %dma_start3A_517, %dma_start3A_518] : memref<50x4x128x8x128xf32, #tpu.memory_space<hbm>> -> memref<1x1x1x8x128xf32, #tpu.memory_space<hbm>>
      %dma_start3A_520 = tpu.memref_squeeze %dma_start3A_519 : memref<1x1x1x8x128xf32, #tpu.memory_space<hbm>> -> memref<8x128xf32, #tpu.memory_space<hbm>>
      %dma_start3A_521 = arith.constant 40 : i32
      %dma_start3A_522 = arith.constant 0 : i32
      %dma_start3A_523 = tpu.memref_slice %arg10[%dma_start3A_521, %dma_start3A_522] : memref<160x129xf32, #tpu.memory_space<vmem>> -> memref<8x128xf32, #tpu.memory_space<vmem>>
      tpu.enqueue_dma source(%dma_start3A_523 : memref<8x128xf32, #tpu.memory_space<vmem>>) target(%dma_start3A_520 : memref<8x128xf32, #tpu.memory_space<hbm>>) target_semaphore(%arg13 : memref<!tpu.dma_semaphore, #tpu.memory_space<semaphore_mem>>)
      %add3A_524 = arith.constant 1 : i32
      %add3A_525 = arith.addi %mul3A_421, %add3A_524 : i32
      %dma_start3A_526 = arith.constant 2 : i32
      %dma_start3A_527 = arith.constant 48 : i32
      %dma_start3A_528 = arith.constant 0 : i32
      %dma_start3A_529 = tpu.memref_slice %arg10[%dma_start3A_527, %dma_start3A_528] : memref<160x129xf32, #tpu.memory_space<vmem>> -> memref<8x128xf32, #tpu.memory_space<vmem>>
      %dma_start3A_530 = arith.constant 0 : i32
      %dma_start3A_531 = arith.constant 0 : i32
      %dma_start3A_532 = tpu.memref_slice %arg4[%add3A_525, %dma_start3A_526, %add3A_403, %dma_start3A_530, %dma_start3A_531] : memref<50x4x128x8x128xf32, #tpu.memory_space<hbm>> -> memref<1x1x1x8x128xf32, #tpu.memory_space<hbm>>
      %dma_start3A_533 = tpu.memref_squeeze %dma_start3A_532 : memref<1x1x1x8x128xf32, #tpu.memory_space<hbm>> -> memref<8x128xf32, #tpu.memory_space<hbm>>
      %dma_start3A_534 = arith.constant 0 : i32
      %dma_start3A_535 = arith.constant 0 : i32
      %dma_start3A_536 = tpu.memref_slice %arg4[%add3A_525, %dma_start3A_526, %add3A_403, %dma_start3A_534, %dma_start3A_535] : memref<50x4x128x8x128xf32, #tpu.memory_space<hbm>> -> memref<1x1x1x8x128xf32, #tpu.memory_space<hbm>>
      %dma_start3A_537 = tpu.memref_squeeze %dma_start3A_536 : memref<1x1x1x8x128xf32, #tpu.memory_space<hbm>> -> memref<8x128xf32, #tpu.memory_space<hbm>>
      %dma_start3A_538 = arith.constant 48 : i32
      %dma_start3A_539 = arith.constant 0 : i32
      %dma_start3A_540 = tpu.memref_slice %arg10[%dma_start3A_538, %dma_start3A_539] : memref<160x129xf32, #tpu.memory_space<vmem>> -> memref<8x128xf32, #tpu.memory_space<vmem>>
      tpu.enqueue_dma source(%dma_start3A_540 : memref<8x128xf32, #tpu.memory_space<vmem>>) target(%dma_start3A_537 : memref<8x128xf32, #tpu.memory_space<hbm>>) target_semaphore(%arg13 : memref<!tpu.dma_semaphore, #tpu.memory_space<semaphore_mem>>)
      %add3A_541 = arith.constant 1 : i32
      %add3A_542 = arith.addi %mul3A_421, %add3A_541 : i32
      %dma_start3A_543 = arith.constant 3 : i32
      %dma_start3A_544 = arith.constant 56 : i32
      %dma_start3A_545 = arith.constant 0 : i32
      %dma_start3A_546 = tpu.memref_slice %arg10[%dma_start3A_544, %dma_start3A_545] : memref<160x129xf32, #tpu.memory_space<vmem>> -> memref<8x128xf32, #tpu.memory_space<vmem>>
      %dma_start3A_547 = arith.constant 0 : i32
      %dma_start3A_548 = arith.constant 0 : i32
      %dma_start3A_549 = tpu.memref_slice %arg4[%add3A_542, %dma_start3A_543, %add3A_403, %dma_start3A_547, %dma_start3A_548] : memref<50x4x128x8x128xf32, #tpu.memory_space<hbm>> -> memref<1x1x1x8x128xf32, #tpu.memory_space<hbm>>
      %dma_start3A_550 = tpu.memref_squeeze %dma_start3A_549 : memref<1x1x1x8x128xf32, #tpu.memory_space<hbm>> -> memref<8x128xf32, #tpu.memory_space<hbm>>
      %dma_start3A_551 = arith.constant 0 : i32
      %dma_start3A_552 = arith.constant 0 : i32
      %dma_start3A_553 = tpu.memref_slice %arg4[%add3A_542, %dma_start3A_543, %add3A_403, %dma_start3A_551, %dma_start3A_552] : memref<50x4x128x8x128xf32, #tpu.memory_space<hbm>> -> memref<1x1x1x8x128xf32, #tpu.memory_space<hbm>>
      %dma_start3A_554 = tpu.memref_squeeze %dma_start3A_553 : memref<1x1x1x8x128xf32, #tpu.memory_space<hbm>> -> memref<8x128xf32, #tpu.memory_space<hbm>>
      %dma_start3A_555 = arith.constant 56 : i32
      %dma_start3A_556 = arith.constant 0 : i32
      %dma_start3A_557 = tpu.memref_slice %arg10[%dma_start3A_555, %dma_start3A_556] : memref<160x129xf32, #tpu.memory_space<vmem>> -> memref<8x128xf32, #tpu.memory_space<vmem>>
      tpu.enqueue_dma source(%dma_start3A_557 : memref<8x128xf32, #tpu.memory_space<vmem>>) target(%dma_start3A_554 : memref<8x128xf32, #tpu.memory_space<hbm>>) target_semaphore(%arg13 : memref<!tpu.dma_semaphore, #tpu.memory_space<semaphore_mem>>)
      %add3A_558 = arith.constant 2 : i32
      %add3A_559 = arith.addi %mul3A_421, %add3A_558 : i32
      %dma_start3A_560 = arith.constant 0 : i32
      %dma_start3A_561 = arith.constant 64 : i32
      %dma_start3A_562 = arith.constant 0 : i32
      %dma_start3A_563 = tpu.memref_slice %arg10[%dma_start3A_561, %dma_start3A_562] : memref<160x129xf32, #tpu.memory_space<vmem>> -> memref<8x128xf32, #tpu.memory_space<vmem>>
      %dma_start3A_564 = arith.constant 0 : i32
      %dma_start3A_565 = arith.constant 0 : i32
      %dma_start3A_566 = tpu.memref_slice %arg4[%add3A_559, %dma_start3A_560, %add3A_403, %dma_start3A_564, %dma_start3A_565] : memref<50x4x128x8x128xf32, #tpu.memory_space<hbm>> -> memref<1x1x1x8x128xf32, #tpu.memory_space<hbm>>
      %dma_start3A_567 = tpu.memref_squeeze %dma_start3A_566 : memref<1x1x1x8x128xf32, #tpu.memory_space<hbm>> -> memref<8x128xf32, #tpu.memory_space<hbm>>
      %dma_start3A_568 = arith.constant 0 : i32
      %dma_start3A_569 = arith.constant 0 : i32
      %dma_start3A_570 = tpu.memref_slice %arg4[%add3A_559, %dma_start3A_560, %add3A_403, %dma_start3A_568, %dma_start3A_569] : memref<50x4x128x8x128xf32, #tpu.memory_space<hbm>> -> memref<1x1x1x8x128xf32, #tpu.memory_space<hbm>>
      %dma_start3A_571 = tpu.memref_squeeze %dma_start3A_570 : memref<1x1x1x8x128xf32, #tpu.memory_space<hbm>> -> memref<8x128xf32, #tpu.memory_space<hbm>>
      %dma_start3A_572 = arith.constant 64 : i32
      %dma_start3A_573 = arith.constant 0 : i32
      %dma_start3A_574 = tpu.memref_slice %arg10[%dma_start3A_572, %dma_start3A_573] : memref<160x129xf32, #tpu.memory_space<vmem>> -> memref<8x128xf32, #tpu.memory_space<vmem>>
      tpu.enqueue_dma source(%dma_start3A_574 : memref<8x128xf32, #tpu.memory_space<vmem>>) target(%dma_start3A_571 : memref<8x128xf32, #tpu.memory_space<hbm>>) target_semaphore(%arg13 : memref<!tpu.dma_semaphore, #tpu.memory_space<semaphore_mem>>)
      %add3A_575 = arith.constant 2 : i32
      %add3A_576 = arith.addi %mul3A_421, %add3A_575 : i32
      %dma_start3A_577 = arith.constant 1 : i32
      %dma_start3A_578 = arith.constant 72 : i32
      %dma_start3A_579 = arith.constant 0 : i32
      %dma_start3A_580 = tpu.memref_slice %arg10[%dma_start3A_578, %dma_start3A_579] : memref<160x129xf32, #tpu.memory_space<vmem>> -> memref<8x128xf32, #tpu.memory_space<vmem>>
      %dma_start3A_581 = arith.constant 0 : i32
      %dma_start3A_582 = arith.constant 0 : i32
      %dma_start3A_583 = tpu.memref_slice %arg4[%add3A_576, %dma_start3A_577, %add3A_403, %dma_start3A_581, %dma_start3A_582] : memref<50x4x128x8x128xf32, #tpu.memory_space<hbm>> -> memref<1x1x1x8x128xf32, #tpu.memory_space<hbm>>
      %dma_start3A_584 = tpu.memref_squeeze %dma_start3A_583 : memref<1x1x1x8x128xf32, #tpu.memory_space<hbm>> -> memref<8x128xf32, #tpu.memory_space<hbm>>
      %dma_start3A_585 = arith.constant 0 : i32
      %dma_start3A_586 = arith.constant 0 : i32
      %dma_start3A_587 = tpu.memref_slice %arg4[%add3A_576, %dma_start3A_577, %add3A_403, %dma_start3A_585, %dma_start3A_586] : memref<50x4x128x8x128xf32, #tpu.memory_space<hbm>> -> memref<1x1x1x8x128xf32, #tpu.memory_space<hbm>>
      %dma_start3A_588 = tpu.memref_squeeze %dma_start3A_587 : memref<1x1x1x8x128xf32, #tpu.memory_space<hbm>> -> memref<8x128xf32, #tpu.memory_space<hbm>>
      %dma_start3A_589 = arith.constant 72 : i32
      %dma_start3A_590 = arith.constant 0 : i32
      %dma_start3A_591 = tpu.memref_slice %arg10[%dma_start3A_589, %dma_start3A_590] : memref<160x129xf32, #tpu.memory_space<vmem>> -> memref<8x128xf32, #tpu.memory_space<vmem>>
      tpu.enqueue_dma source(%dma_start3A_591 : memref<8x128xf32, #tpu.memory_space<vmem>>) target(%dma_start3A_588 : memref<8x128xf32, #tpu.memory_space<hbm>>) target_semaphore(%arg13 : memref<!tpu.dma_semaphore, #tpu.memory_space<semaphore_mem>>)
      %add3A_592 = arith.constant 2 : i32
      %add3A_593 = arith.addi %mul3A_421, %add3A_592 : i32
      %dma_start3A_594 = arith.constant 2 : i32
      %dma_start3A_595 = arith.constant 80 : i32
      %dma_start3A_596 = arith.constant 0 : i32
      %dma_start3A_597 = tpu.memref_slice %arg10[%dma_start3A_595, %dma_start3A_596] : memref<160x129xf32, #tpu.memory_space<vmem>> -> memref<8x128xf32, #tpu.memory_space<vmem>>
      %dma_start3A_598 = arith.constant 0 : i32
      %dma_start3A_599 = arith.constant 0 : i32
      %dma_start3A_600 = tpu.memref_slice %arg4[%add3A_593, %dma_start3A_594, %add3A_403, %dma_start3A_598, %dma_start3A_599] : memref<50x4x128x8x128xf32, #tpu.memory_space<hbm>> -> memref<1x1x1x8x128xf32, #tpu.memory_space<hbm>>
      %dma_start3A_601 = tpu.memref_squeeze %dma_start3A_600 : memref<1x1x1x8x128xf32, #tpu.memory_space<hbm>> -> memref<8x128xf32, #tpu.memory_space<hbm>>
      %dma_start3A_602 = arith.constant 0 : i32
      %dma_start3A_603 = arith.constant 0 : i32
      %dma_start3A_604 = tpu.memref_slice %arg4[%add3A_593, %dma_start3A_594, %add3A_403, %dma_start3A_602, %dma_start3A_603] : memref<50x4x128x8x128xf32, #tpu.memory_space<hbm>> -> memref<1x1x1x8x128xf32, #tpu.memory_space<hbm>>
      %dma_start3A_605 = tpu.memref_squeeze %dma_start3A_604 : memref<1x1x1x8x128xf32, #tpu.memory_space<hbm>> -> memref<8x128xf32, #tpu.memory_space<hbm>>
      %dma_start3A_606 = arith.constant 80 : i32
      %dma_start3A_607 = arith.constant 0 : i32
      %dma_start3A_608 = tpu.memref_slice %arg10[%dma_start3A_606, %dma_start3A_607] : memref<160x129xf32, #tpu.memory_space<vmem>> -> memref<8x128xf32, #tpu.memory_space<vmem>>
      tpu.enqueue_dma source(%dma_start3A_608 : memref<8x128xf32, #tpu.memory_space<vmem>>) target(%dma_start3A_605 : memref<8x128xf32, #tpu.memory_space<hbm>>) target_semaphore(%arg13 : memref<!tpu.dma_semaphore, #tpu.memory_space<semaphore_mem>>)
      %add3A_609 = arith.constant 2 : i32
      %add3A_610 = arith.addi %mul3A_421, %add3A_609 : i32
      %dma_start3A_611 = arith.constant 3 : i32
      %dma_start3A_612 = arith.constant 88 : i32
      %dma_start3A_613 = arith.constant 0 : i32
      %dma_start3A_614 = tpu.memref_slice %arg10[%dma_start3A_612, %dma_start3A_613] : memref<160x129xf32, #tpu.memory_space<vmem>> -> memref<8x128xf32, #tpu.memory_space<vmem>>
      %dma_start3A_615 = arith.constant 0 : i32
      %dma_start3A_616 = arith.constant 0 : i32
      %dma_start3A_617 = tpu.memref_slice %arg4[%add3A_610, %dma_start3A_611, %add3A_403, %dma_start3A_615, %dma_start3A_616] : memref<50x4x128x8x128xf32, #tpu.memory_space<hbm>> -> memref<1x1x1x8x128xf32, #tpu.memory_space<hbm>>
      %dma_start3A_618 = tpu.memref_squeeze %dma_start3A_617 : memref<1x1x1x8x128xf32, #tpu.memory_space<hbm>> -> memref<8x128xf32, #tpu.memory_space<hbm>>
      %dma_start3A_619 = arith.constant 0 : i32
      %dma_start3A_620 = arith.constant 0 : i32
      %dma_start3A_621 = tpu.memref_slice %arg4[%add3A_610, %dma_start3A_611, %add3A_403, %dma_start3A_619, %dma_start3A_620] : memref<50x4x128x8x128xf32, #tpu.memory_space<hbm>> -> memref<1x1x1x8x128xf32, #tpu.memory_space<hbm>>
      %dma_start3A_622 = tpu.memref_squeeze %dma_start3A_621 : memref<1x1x1x8x128xf32, #tpu.memory_space<hbm>> -> memref<8x128xf32, #tpu.memory_space<hbm>>
      %dma_start3A_623 = arith.constant 88 : i32
      %dma_start3A_624 = arith.constant 0 : i32
      %dma_start3A_625 = tpu.memref_slice %arg10[%dma_start3A_623, %dma_start3A_624] : memref<160x129xf32, #tpu.memory_space<vmem>> -> memref<8x128xf32, #tpu.memory_space<vmem>>
      tpu.enqueue_dma source(%dma_start3A_625 : memref<8x128xf32, #tpu.memory_space<vmem>>) target(%dma_start3A_622 : memref<8x128xf32, #tpu.memory_space<hbm>>) target_semaphore(%arg13 : memref<!tpu.dma_semaphore, #tpu.memory_space<semaphore_mem>>)
      %add3A_626 = arith.constant 3 : i32
      %add3A_627 = arith.addi %mul3A_421, %add3A_626 : i32
      %dma_start3A_628 = arith.constant 0 : i32
      %dma_start3A_629 = arith.constant 96 : i32
      %dma_start3A_630 = arith.constant 0 : i32
      %dma_start3A_631 = tpu.memref_slice %arg10[%dma_start3A_629, %dma_start3A_630] : memref<160x129xf32, #tpu.memory_space<vmem>> -> memref<8x128xf32, #tpu.memory_space<vmem>>
      %dma_start3A_632 = arith.constant 0 : i32
      %dma_start3A_633 = arith.constant 0 : i32
      %dma_start3A_634 = tpu.memref_slice %arg4[%add3A_627, %dma_start3A_628, %add3A_403, %dma_start3A_632, %dma_start3A_633] : memref<50x4x128x8x128xf32, #tpu.memory_space<hbm>> -> memref<1x1x1x8x128xf32, #tpu.memory_space<hbm>>
      %dma_start3A_635 = tpu.memref_squeeze %dma_start3A_634 : memref<1x1x1x8x128xf32, #tpu.memory_space<hbm>> -> memref<8x128xf32, #tpu.memory_space<hbm>>
      %dma_start3A_636 = arith.constant 0 : i32
      %dma_start3A_637 = arith.constant 0 : i32
      %dma_start3A_638 = tpu.memref_slice %arg4[%add3A_627, %dma_start3A_628, %add3A_403, %dma_start3A_636, %dma_start3A_637] : memref<50x4x128x8x128xf32, #tpu.memory_space<hbm>> -> memref<1x1x1x8x128xf32, #tpu.memory_space<hbm>>
      %dma_start3A_639 = tpu.memref_squeeze %dma_start3A_638 : memref<1x1x1x8x128xf32, #tpu.memory_space<hbm>> -> memref<8x128xf32, #tpu.memory_space<hbm>>
      %dma_start3A_640 = arith.constant 96 : i32
      %dma_start3A_641 = arith.constant 0 : i32
      %dma_start3A_642 = tpu.memref_slice %arg10[%dma_start3A_640, %dma_start3A_641] : memref<160x129xf32, #tpu.memory_space<vmem>> -> memref<8x128xf32, #tpu.memory_space<vmem>>
      tpu.enqueue_dma source(%dma_start3A_642 : memref<8x128xf32, #tpu.memory_space<vmem>>) target(%dma_start3A_639 : memref<8x128xf32, #tpu.memory_space<hbm>>) target_semaphore(%arg13 : memref<!tpu.dma_semaphore, #tpu.memory_space<semaphore_mem>>)
      %add3A_643 = arith.constant 3 : i32
      %add3A_644 = arith.addi %mul3A_421, %add3A_643 : i32
      %dma_start3A_645 = arith.constant 1 : i32
      %dma_start3A_646 = arith.constant 104 : i32
      %dma_start3A_647 = arith.constant 0 : i32
      %dma_start3A_648 = tpu.memref_slice %arg10[%dma_start3A_646, %dma_start3A_647] : memref<160x129xf32, #tpu.memory_space<vmem>> -> memref<8x128xf32, #tpu.memory_space<vmem>>
      %dma_start3A_649 = arith.constant 0 : i32
      %dma_start3A_650 = arith.constant 0 : i32
      %dma_start3A_651 = tpu.memref_slice %arg4[%add3A_644, %dma_start3A_645, %add3A_403, %dma_start3A_649, %dma_start3A_650] : memref<50x4x128x8x128xf32, #tpu.memory_space<hbm>> -> memref<1x1x1x8x128xf32, #tpu.memory_space<hbm>>
      %dma_start3A_652 = tpu.memref_squeeze %dma_start3A_651 : memref<1x1x1x8x128xf32, #tpu.memory_space<hbm>> -> memref<8x128xf32, #tpu.memory_space<hbm>>
      %dma_start3A_653 = arith.constant 0 : i32
      %dma_start3A_654 = arith.constant 0 : i32
      %dma_start3A_655 = tpu.memref_slice %arg4[%add3A_644, %dma_start3A_645, %add3A_403, %dma_start3A_653, %dma_start3A_654] : memref<50x4x128x8x128xf32, #tpu.memory_space<hbm>> -> memref<1x1x1x8x128xf32, #tpu.memory_space<hbm>>
      %dma_start3A_656 = tpu.memref_squeeze %dma_start3A_655 : memref<1x1x1x8x128xf32, #tpu.memory_space<hbm>> -> memref<8x128xf32, #tpu.memory_space<hbm>>
      %dma_start3A_657 = arith.constant 104 : i32
      %dma_start3A_658 = arith.constant 0 : i32
      %dma_start3A_659 = tpu.memref_slice %arg10[%dma_start3A_657, %dma_start3A_658] : memref<160x129xf32, #tpu.memory_space<vmem>> -> memref<8x128xf32, #tpu.memory_space<vmem>>
      tpu.enqueue_dma source(%dma_start3A_659 : memref<8x128xf32, #tpu.memory_space<vmem>>) target(%dma_start3A_656 : memref<8x128xf32, #tpu.memory_space<hbm>>) target_semaphore(%arg13 : memref<!tpu.dma_semaphore, #tpu.memory_space<semaphore_mem>>)
      %add3A_660 = arith.constant 3 : i32
      %add3A_661 = arith.addi %mul3A_421, %add3A_660 : i32
      %dma_start3A_662 = arith.constant 2 : i32
      %dma_start3A_663 = arith.constant 112 : i32
      %dma_start3A_664 = arith.constant 0 : i32
      %dma_start3A_665 = tpu.memref_slice %arg10[%dma_start3A_663, %dma_start3A_664] : memref<160x129xf32, #tpu.memory_space<vmem>> -> memref<8x128xf32, #tpu.memory_space<vmem>>
      %dma_start3A_666 = arith.constant 0 : i32
      %dma_start3A_667 = arith.constant 0 : i32
      %dma_start3A_668 = tpu.memref_slice %arg4[%add3A_661, %dma_start3A_662, %add3A_403, %dma_start3A_666, %dma_start3A_667] : memref<50x4x128x8x128xf32, #tpu.memory_space<hbm>> -> memref<1x1x1x8x128xf32, #tpu.memory_space<hbm>>
      %dma_start3A_669 = tpu.memref_squeeze %dma_start3A_668 : memref<1x1x1x8x128xf32, #tpu.memory_space<hbm>> -> memref<8x128xf32, #tpu.memory_space<hbm>>
      %dma_start3A_670 = arith.constant 0 : i32
      %dma_start3A_671 = arith.constant 0 : i32
      %dma_start3A_672 = tpu.memref_slice %arg4[%add3A_661, %dma_start3A_662, %add3A_403, %dma_start3A_670, %dma_start3A_671] : memref<50x4x128x8x128xf32, #tpu.memory_space<hbm>> -> memref<1x1x1x8x128xf32, #tpu.memory_space<hbm>>
      %dma_start3A_673 = tpu.memref_squeeze %dma_start3A_672 : memref<1x1x1x8x128xf32, #tpu.memory_space<hbm>> -> memref<8x128xf32, #tpu.memory_space<hbm>>
      %dma_start3A_674 = arith.constant 112 : i32
      %dma_start3A_675 = arith.constant 0 : i32
      %dma_start3A_676 = tpu.memref_slice %arg10[%dma_start3A_674, %dma_start3A_675] : memref<160x129xf32, #tpu.memory_space<vmem>> -> memref<8x128xf32, #tpu.memory_space<vmem>>
      tpu.enqueue_dma source(%dma_start3A_676 : memref<8x128xf32, #tpu.memory_space<vmem>>) target(%dma_start3A_673 : memref<8x128xf32, #tpu.memory_space<hbm>>) target_semaphore(%arg13 : memref<!tpu.dma_semaphore, #tpu.memory_space<semaphore_mem>>)
      %add3A_677 = arith.constant 3 : i32
      %add3A_678 = arith.addi %mul3A_421, %add3A_677 : i32
      %dma_start3A_679 = arith.constant 3 : i32
      %dma_start3A_680 = arith.constant 120 : i32
      %dma_start3A_681 = arith.constant 0 : i32
      %dma_start3A_682 = tpu.memref_slice %arg10[%dma_start3A_680, %dma_start3A_681] : memref<160x129xf32, #tpu.memory_space<vmem>> -> memref<8x128xf32, #tpu.memory_space<vmem>>
      %dma_start3A_683 = arith.constant 0 : i32
      %dma_start3A_684 = arith.constant 0 : i32
      %dma_start3A_685 = tpu.memref_slice %arg4[%add3A_678, %dma_start3A_679, %add3A_403, %dma_start3A_683, %dma_start3A_684] : memref<50x4x128x8x128xf32, #tpu.memory_space<hbm>> -> memref<1x1x1x8x128xf32, #tpu.memory_space<hbm>>
      %dma_start3A_686 = tpu.memref_squeeze %dma_start3A_685 : memref<1x1x1x8x128xf32, #tpu.memory_space<hbm>> -> memref<8x128xf32, #tpu.memory_space<hbm>>
      %dma_start3A_687 = arith.constant 0 : i32
      %dma_start3A_688 = arith.constant 0 : i32
      %dma_start3A_689 = tpu.memref_slice %arg4[%add3A_678, %dma_start3A_679, %add3A_403, %dma_start3A_687, %dma_start3A_688] : memref<50x4x128x8x128xf32, #tpu.memory_space<hbm>> -> memref<1x1x1x8x128xf32, #tpu.memory_space<hbm>>
      %dma_start3A_690 = tpu.memref_squeeze %dma_start3A_689 : memref<1x1x1x8x128xf32, #tpu.memory_space<hbm>> -> memref<8x128xf32, #tpu.memory_space<hbm>>
      %dma_start3A_691 = arith.constant 120 : i32
      %dma_start3A_692 = arith.constant 0 : i32
      %dma_start3A_693 = tpu.memref_slice %arg10[%dma_start3A_691, %dma_start3A_692] : memref<160x129xf32, #tpu.memory_space<vmem>> -> memref<8x128xf32, #tpu.memory_space<vmem>>
      tpu.enqueue_dma source(%dma_start3A_693 : memref<8x128xf32, #tpu.memory_space<vmem>>) target(%dma_start3A_690 : memref<8x128xf32, #tpu.memory_space<hbm>>) target_semaphore(%arg13 : memref<!tpu.dma_semaphore, #tpu.memory_space<semaphore_mem>>)
      %add3A_694 = arith.constant 4 : i32
      %add3A_695 = arith.addi %mul3A_421, %add3A_694 : i32
      %dma_start3A_696 = arith.constant 0 : i32
      %dma_start3A_697 = arith.constant 128 : i32
      %dma_start3A_698 = arith.constant 0 : i32
      %dma_start3A_699 = tpu.memref_slice %arg10[%dma_start3A_697, %dma_start3A_698] : memref<160x129xf32, #tpu.memory_space<vmem>> -> memref<8x128xf32, #tpu.memory_space<vmem>>
      %dma_start3A_700 = arith.constant 0 : i32
      %dma_start3A_701 = arith.constant 0 : i32
      %dma_start3A_702 = tpu.memref_slice %arg4[%add3A_695, %dma_start3A_696, %add3A_403, %dma_start3A_700, %dma_start3A_701] : memref<50x4x128x8x128xf32, #tpu.memory_space<hbm>> -> memref<1x1x1x8x128xf32, #tpu.memory_space<hbm>>
      %dma_start3A_703 = tpu.memref_squeeze %dma_start3A_702 : memref<1x1x1x8x128xf32, #tpu.memory_space<hbm>> -> memref<8x128xf32, #tpu.memory_space<hbm>>
      %dma_start3A_704 = arith.constant 0 : i32
      %dma_start3A_705 = arith.constant 0 : i32
      %dma_start3A_706 = tpu.memref_slice %arg4[%add3A_695, %dma_start3A_696, %add3A_403, %dma_start3A_704, %dma_start3A_705] : memref<50x4x128x8x128xf32, #tpu.memory_space<hbm>> -> memref<1x1x1x8x128xf32, #tpu.memory_space<hbm>>
      %dma_start3A_707 = tpu.memref_squeeze %dma_start3A_706 : memref<1x1x1x8x128xf32, #tpu.memory_space<hbm>> -> memref<8x128xf32, #tpu.memory_space<hbm>>
      %dma_start3A_708 = arith.constant 128 : i32
      %dma_start3A_709 = arith.constant 0 : i32
      %dma_start3A_710 = tpu.memref_slice %arg10[%dma_start3A_708, %dma_start3A_709] : memref<160x129xf32, #tpu.memory_space<vmem>> -> memref<8x128xf32, #tpu.memory_space<vmem>>
      tpu.enqueue_dma source(%dma_start3A_710 : memref<8x128xf32, #tpu.memory_space<vmem>>) target(%dma_start3A_707 : memref<8x128xf32, #tpu.memory_space<hbm>>) target_semaphore(%arg13 : memref<!tpu.dma_semaphore, #tpu.memory_space<semaphore_mem>>)
      %add3A_711 = arith.constant 4 : i32
      %add3A_712 = arith.addi %mul3A_421, %add3A_711 : i32
      %dma_start3A_713 = arith.constant 1 : i32
      %dma_start3A_714 = arith.constant 136 : i32
      %dma_start3A_715 = arith.constant 0 : i32
      %dma_start3A_716 = tpu.memref_slice %arg10[%dma_start3A_714, %dma_start3A_715] : memref<160x129xf32, #tpu.memory_space<vmem>> -> memref<8x128xf32, #tpu.memory_space<vmem>>
      %dma_start3A_717 = arith.constant 0 : i32
      %dma_start3A_718 = arith.constant 0 : i32
      %dma_start3A_719 = tpu.memref_slice %arg4[%add3A_712, %dma_start3A_713, %add3A_403, %dma_start3A_717, %dma_start3A_718] : memref<50x4x128x8x128xf32, #tpu.memory_space<hbm>> -> memref<1x1x1x8x128xf32, #tpu.memory_space<hbm>>
      %dma_start3A_720 = tpu.memref_squeeze %dma_start3A_719 : memref<1x1x1x8x128xf32, #tpu.memory_space<hbm>> -> memref<8x128xf32, #tpu.memory_space<hbm>>
      %dma_start3A_721 = arith.constant 0 : i32
      %dma_start3A_722 = arith.constant 0 : i32
      %dma_start3A_723 = tpu.memref_slice %arg4[%add3A_712, %dma_start3A_713, %add3A_403, %dma_start3A_721, %dma_start3A_722] : memref<50x4x128x8x128xf32, #tpu.memory_space<hbm>> -> memref<1x1x1x8x128xf32, #tpu.memory_space<hbm>>
      %dma_start3A_724 = tpu.memref_squeeze %dma_start3A_723 : memref<1x1x1x8x128xf32, #tpu.memory_space<hbm>> -> memref<8x128xf32, #tpu.memory_space<hbm>>
      %dma_start3A_725 = arith.constant 136 : i32
      %dma_start3A_726 = arith.constant 0 : i32
      %dma_start3A_727 = tpu.memref_slice %arg10[%dma_start3A_725, %dma_start3A_726] : memref<160x129xf32, #tpu.memory_space<vmem>> -> memref<8x128xf32, #tpu.memory_space<vmem>>
      tpu.enqueue_dma source(%dma_start3A_727 : memref<8x128xf32, #tpu.memory_space<vmem>>) target(%dma_start3A_724 : memref<8x128xf32, #tpu.memory_space<hbm>>) target_semaphore(%arg13 : memref<!tpu.dma_semaphore, #tpu.memory_space<semaphore_mem>>)
      %add3A_728 = arith.constant 4 : i32
      %add3A_729 = arith.addi %mul3A_421, %add3A_728 : i32
      %dma_start3A_730 = arith.constant 2 : i32
      %dma_start3A_731 = arith.constant 144 : i32
      %dma_start3A_732 = arith.constant 0 : i32
      %dma_start3A_733 = tpu.memref_slice %arg10[%dma_start3A_731, %dma_start3A_732] : memref<160x129xf32, #tpu.memory_space<vmem>> -> memref<8x128xf32, #tpu.memory_space<vmem>>
      %dma_start3A_734 = arith.constant 0 : i32
      %dma_start3A_735 = arith.constant 0 : i32
      %dma_start3A_736 = tpu.memref_slice %arg4[%add3A_729, %dma_start3A_730, %add3A_403, %dma_start3A_734, %dma_start3A_735] : memref<50x4x128x8x128xf32, #tpu.memory_space<hbm>> -> memref<1x1x1x8x128xf32, #tpu.memory_space<hbm>>
      %dma_start3A_737 = tpu.memref_squeeze %dma_start3A_736 : memref<1x1x1x8x128xf32, #tpu.memory_space<hbm>> -> memref<8x128xf32, #tpu.memory_space<hbm>>
      %dma_start3A_738 = arith.constant 0 : i32
      %dma_start3A_739 = arith.constant 0 : i32
      %dma_start3A_740 = tpu.memref_slice %arg4[%add3A_729, %dma_start3A_730, %add3A_403, %dma_start3A_738, %dma_start3A_739] : memref<50x4x128x8x128xf32, #tpu.memory_space<hbm>> -> memref<1x1x1x8x128xf32, #tpu.memory_space<hbm>>
      %dma_start3A_741 = tpu.memref_squeeze %dma_start3A_740 : memref<1x1x1x8x128xf32, #tpu.memory_space<hbm>> -> memref<8x128xf32, #tpu.memory_space<hbm>>
      %dma_start3A_742 = arith.constant 144 : i32
      %dma_start3A_743 = arith.constant 0 : i32
      %dma_start3A_744 = tpu.memref_slice %arg10[%dma_start3A_742, %dma_start3A_743] : memref<160x129xf32, #tpu.memory_space<vmem>> -> memref<8x128xf32, #tpu.memory_space<vmem>>
      tpu.enqueue_dma source(%dma_start3A_744 : memref<8x128xf32, #tpu.memory_space<vmem>>) target(%dma_start3A_741 : memref<8x128xf32, #tpu.memory_space<hbm>>) target_semaphore(%arg13 : memref<!tpu.dma_semaphore, #tpu.memory_space<semaphore_mem>>)
      %add3A_745 = arith.constant 4 : i32
      %add3A_746 = arith.addi %mul3A_421, %add3A_745 : i32
      %dma_start3A_747 = arith.constant 3 : i32
      %dma_start3A_748 = arith.constant 152 : i32
      %dma_start3A_749 = arith.constant 0 : i32
      %dma_start3A_750 = tpu.memref_slice %arg10[%dma_start3A_748, %dma_start3A_749] : memref<160x129xf32, #tpu.memory_space<vmem>> -> memref<8x128xf32, #tpu.memory_space<vmem>>
      %dma_start3A_751 = arith.constant 0 : i32
      %dma_start3A_752 = arith.constant 0 : i32
      %dma_start3A_753 = tpu.memref_slice %arg4[%add3A_746, %dma_start3A_747, %add3A_403, %dma_start3A_751, %dma_start3A_752] : memref<50x4x128x8x128xf32, #tpu.memory_space<hbm>> -> memref<1x1x1x8x128xf32, #tpu.memory_space<hbm>>
      %dma_start3A_754 = tpu.memref_squeeze %dma_start3A_753 : memref<1x1x1x8x128xf32, #tpu.memory_space<hbm>> -> memref<8x128xf32, #tpu.memory_space<hbm>>
      %dma_start3A_755 = arith.constant 0 : i32
      %dma_start3A_756 = arith.constant 0 : i32
      %dma_start3A_757 = tpu.memref_slice %arg4[%add3A_746, %dma_start3A_747, %add3A_403, %dma_start3A_755, %dma_start3A_756] : memref<50x4x128x8x128xf32, #tpu.memory_space<hbm>> -> memref<1x1x1x8x128xf32, #tpu.memory_space<hbm>>
      %dma_start3A_758 = tpu.memref_squeeze %dma_start3A_757 : memref<1x1x1x8x128xf32, #tpu.memory_space<hbm>> -> memref<8x128xf32, #tpu.memory_space<hbm>>
      %dma_start3A_759 = arith.constant 152 : i32
      %dma_start3A_760 = arith.constant 0 : i32
      %dma_start3A_761 = tpu.memref_slice %arg10[%dma_start3A_759, %dma_start3A_760] : memref<160x129xf32, #tpu.memory_space<vmem>> -> memref<8x128xf32, #tpu.memory_space<vmem>>
      tpu.enqueue_dma source(%dma_start3A_761 : memref<8x128xf32, #tpu.memory_space<vmem>>) target(%dma_start3A_758 : memref<8x128xf32, #tpu.memory_space<hbm>>) target_semaphore(%arg13 : memref<!tpu.dma_semaphore, #tpu.memory_space<semaphore_mem>>)
      %mul3A_762 = arith.constant 2 : i32
      %mul3A_763 = arith.muli %scan3A_343, %mul3A_762 : i32
      %add3A_764 = arith.constant 1 : i32
      %add3A_765 = arith.addi %mul3A_763, %add3A_764 : i32
      %lt3A_766 = arith.constant 39 : i32
      %lt3A_767 = arith.cmpi slt, %add3A_765, %lt3A_766 : i32
      %add3A_768 = arith.constant 1 : i32
      %add3A_769 = arith.addi %add3A_765, %add3A_768 : i32
      %jit3A_770 = arith.constant 10 : i32
      %eq3A_771 = arith.constant 0 : i32
      %eq3A_772 = arith.cmpi eq, %jit3A_770, %eq3A_771 : i32
      %jit3A_773 = arith.constant 1 : i32
      %select_n3A_774 = arith.select %eq3A_772, %jit3A_773, %jit3A_770 : i32
      %rem3A_775 = arith.remsi %add3A_769, %select_n3A_774 : i32
      %ne3A_776 = arith.constant 0 : i32
      %ne3A_777 = arith.cmpi ne, %rem3A_775, %ne3A_776 : i32
      %lt3A_778 = arith.constant 0 : i32
      %lt3A_779 = arith.cmpi slt, %rem3A_775, %lt3A_778 : i32
      %lt3A_780 = arith.constant 0 : i32
      %lt3A_781 = arith.cmpi slt, %select_n3A_774, %lt3A_780 : i32
      %ne3A_782 = arith.xori %lt3A_779, %lt3A_781 : i1
      %and3A_783 = arith.andi %ne3A_782, %ne3A_777 : i1
      %add3A_784 = arith.addi %rem3A_775, %select_n3A_774 : i32
      %select_n3A_785 = arith.select %and3A_783, %add3A_784, %rem3A_775 : i32
      %eq3A_786 = arith.constant 0 : i32
      %eq3A_787 = arith.cmpi eq, %select_n3A_785, %eq3A_786 : i32
      %and3A_788 = arith.andi %lt3A_767, %eq3A_787 : i1
      %convert_element_type3A_789 = arith.extui %and3A_788 : i1 to i32
      %cond3A_790 = arith.constant 0 : i32
      %cond3A_791 = arith.cmpi ne, %convert_element_type3A_789, %cond3A_790 : i32
      scf.if %cond3A_791 {
        %add3A_1193 = arith.constant 1 : i32
        %add3A_1194 = arith.addi %add3A_765, %add3A_1193 : i32
        %mul3A_1195 = arith.constant 4 : i32
        %mul3A_1196 = arith.muli %add3A, %mul3A_1195 : i32
        %jit3A_1197 = arith.constant 10 : i32
        %div3A_1198 = arith.divsi %add3A_1194, %jit3A_1197 : i32
        %sign3A_1199 = arith.constant 0 : i32
        %sign3A_1200 = arith.cmpi sgt, %add3A_1194, %sign3A_1199 : i32
        %sign3A_1201 = arith.extui %sign3A_1200 : i1 to i32
        %sign3A_1202 = arith.constant 0 : i32
        %sign3A_1203 = arith.cmpi slt, %add3A_1194, %sign3A_1202 : i32
        %sign3A_1204 = arith.extui %sign3A_1203 : i1 to i32
        %sign3A_1205 = arith.subi %sign3A_1201, %sign3A_1204 : i32
        %sign3A_1206 = arith.constant 0 : i32
        %sign3A_1207 = arith.cmpi sgt, %jit3A_1197, %sign3A_1206 : i32
        %sign3A_1208 = arith.extui %sign3A_1207 : i1 to i32
        %sign3A_1209 = arith.constant 0 : i32
        %sign3A_1210 = arith.cmpi slt, %jit3A_1197, %sign3A_1209 : i32
        %sign3A_1211 = arith.extui %sign3A_1210 : i1 to i32
        %sign3A_1212 = arith.subi %sign3A_1208, %sign3A_1211 : i32
        %ne3A_1213 = arith.cmpi ne, %sign3A_1205, %sign3A_1212 : i32
        %rem3A_1214 = arith.remsi %add3A_1194, %jit3A_1197 : i32
        %ne3A_1215 = arith.constant 0 : i32
        %ne3A_1216 = arith.cmpi ne, %rem3A_1214, %ne3A_1215 : i32
        %and3A_1217 = arith.andi %ne3A_1213, %ne3A_1216 : i1
        %sub3A_1218 = arith.constant 1 : i32
        %sub3A_1219 = arith.subi %div3A_1198, %sub3A_1218 : i32
        %select_n3A_1220 = arith.select %and3A_1217, %sub3A_1219, %div3A_1198 : i32
        %add3A_1221 = arith.addi %mul3A_1196, %select_n3A_1220 : i32
        %mul3A_1222 = arith.constant 6400 : i32
        %mul3A_1223 = arith.muli %add3A_1221, %mul3A_1222 : i32
        "tpu.region"() ({
          %run_scoped3A = tpu.sem_alloc : memref<!tpu.dma_semaphore, #tpu.memory_space<semaphore_mem>>
          %dma_start3A_1224 = tpu.memref_slice %arg2[%mul3A_1223] : memref<819200xi32, #tpu.memory_space<hbm>> -> memref<6400xi32, #tpu.memory_space<hbm>>
          %dma_start3A_1225 = tpu.memref_slice %arg2[%mul3A_1223] : memref<819200xi32, #tpu.memory_space<hbm>> -> memref<6400xi32, #tpu.memory_space<hbm>>
          tpu.enqueue_dma source(%dma_start3A_1225 : memref<6400xi32, #tpu.memory_space<hbm>>) target(%arg5 : memref<6400xi32, #tpu.memory_space<vmem>>) target_semaphore(%run_scoped3A : memref<!tpu.dma_semaphore, #tpu.memory_space<semaphore_mem>>)
          %dma_wait3A_1226 = tpu.memref_slice %arg2[%mul3A_1223] : memref<819200xi32, #tpu.memory_space<hbm>> -> memref<6400xi32, #tpu.memory_space<hbm>>
          %dma_wait3A_1227 = tpu.memref_slice %arg2[%mul3A_1223] : memref<819200xi32, #tpu.memory_space<hbm>> -> memref<6400xi32, #tpu.memory_space<hbm>>
          tpu.wait_dma2 semaphore(%run_scoped3A : memref<!tpu.dma_semaphore, #tpu.memory_space<semaphore_mem>>) src(%dma_wait3A_1227 : memref<6400xi32, #tpu.memory_space<hbm>>) dst(%arg5 : memref<6400xi32, #tpu.memory_space<vmem>>)
          tpu.yield
        }) : () -> ()
      } else {
      }
      %dma_wait3A_792 = arith.constant 0 : i32
      %dma_wait3A_793 = arith.constant 0 : i32
      %dma_wait3A_794 = tpu.memref_slice %arg3[%dma_wait3A_792, %dma_wait3A_793] : memref<1000000x32xf32, #tpu.memory_space<hbm>> -> memref<1000000x32xf32, #tpu.memory_space<hbm>>
      tpu.wait_indirect_dma semaphore(%arg12 : memref<!tpu.dma_semaphore, #tpu.memory_space<semaphore_mem>>) src(%dma_wait3A_794 : memref<1000000x32xf32, #tpu.memory_space<hbm>>) dst(%arg9 : memref<640x32xf32, #tpu.memory_space<vmem>>)
      %lt3A_795 = arith.constant 39 : i32
      %lt3A_796 = arith.cmpi slt, %add3A_765, %lt3A_795 : i32
      %convert_element_type3A_797 = arith.extui %lt3A_796 : i1 to i32
      %cond3A_798 = arith.constant 0 : i32
      %cond3A_799 = arith.cmpi ne, %convert_element_type3A_797, %cond3A_798 : i32
      scf.if %cond3A_799 {
        %add3A_1193 = arith.constant 1 : i32
        %add3A_1194 = arith.addi %add3A_765, %add3A_1193 : i32
        %jit3A_1195 = arith.constant 10 : i32
        %eq3A_1196 = arith.constant 0 : i32
        %eq3A_1197 = arith.cmpi eq, %jit3A_1195, %eq3A_1196 : i32
        %jit3A_1198 = arith.constant 1 : i32
        %select_n3A_1199 = arith.select %eq3A_1197, %jit3A_1198, %jit3A_1195 : i32
        %rem3A_1200 = arith.remsi %add3A_1194, %select_n3A_1199 : i32
        %ne3A_1201 = arith.constant 0 : i32
        %ne3A_1202 = arith.cmpi ne, %rem3A_1200, %ne3A_1201 : i32
        %lt3A_1203 = arith.constant 0 : i32
        %lt3A_1204 = arith.cmpi slt, %rem3A_1200, %lt3A_1203 : i32
        %lt3A_1205 = arith.constant 0 : i32
        %lt3A_1206 = arith.cmpi slt, %select_n3A_1199, %lt3A_1205 : i32
        %ne3A_1207 = arith.xori %lt3A_1204, %lt3A_1206 : i1
        %and3A_1208 = arith.andi %ne3A_1207, %ne3A_1202 : i1
        %add3A_1209 = arith.addi %rem3A_1200, %select_n3A_1199 : i32
        %select_n3A_1210 = arith.select %and3A_1208, %add3A_1209, %rem3A_1200 : i32
        %mul3A_1211 = arith.constant 5 : i32
        %mul3A_1212 = arith.muli %select_n3A_1210, %mul3A_1211 : i32
        %parallel_loop3A_1213 = arith.constant 0 : i32
        %parallel_loop3A_1214 = arith.constant 40 : i32
        %parallel_loop3A_1215 = arith.constant 1 : i32
        scf.for %parallel_loop3A_1219 = %parallel_loop3A_1213 to %parallel_loop3A_1214 step %parallel_loop3A_1215  : i32 {
          %parallel_loop3A_1220 = arith.constant 3 : i32
          %parallel_loop3A_1221 = arith.shrsi %parallel_loop3A_1219, %parallel_loop3A_1220 : i32
          %parallel_loop3A_1222 = arith.constant 7 : i32
          %parallel_loop3A_1223 = arith.andi %parallel_loop3A_1219, %parallel_loop3A_1222 : i32
          %parallel_loop3A_1224 = arith.constant 16 : i32
          %parallel_loop3A_1225 = arith.muli %parallel_loop3A_1223, %parallel_loop3A_1224 : i32
          %parallel_loop3A_1226 = arith.constant 50 : i32
          %parallel_loop3A_1227 = arith.muli %parallel_loop3A_1225, %parallel_loop3A_1226 : i32
          %parallel_loop3A_1228 = arith.addi %parallel_loop3A_1227, %mul3A_1212 : i32
          %parallel_loop3A_1229 = arith.addi %parallel_loop3A_1228, %parallel_loop3A_1221 : i32
          %parallel_loop3A_1230 = vector.broadcast %parallel_loop3A_1229 : i32 to vector<16xi32>
          %parallel_loop3A_1231 = arith.addi %mul3A_3, %parallel_loop3A_1230 : vector<16xi32>
          %parallel_loop3A_1232 = tpu.vector_load_idx %arg5[%parallel_loop3A_1231] : memref<6400xi32, #tpu.memory_space<vmem>>[vector<16xi32>], vector<16xi32>,
          %parallel_loop3A_1233 = arith.constant 16 : i32
          %parallel_loop3A_1234 = arith.muli %parallel_loop3A_1219, %parallel_loop3A_1233 : i32
          %parallel_loop3A_1235 = arith.index_cast %parallel_loop3A_1234 : i32 to index
          %parallel_loop3A_1236 = tpu.vector_load %arg6[%parallel_loop3A_1235] {strides = array<i32>} : memref<640xi32, #tpu.memory_space<vmem>>, vector<16xi32>,
          tpu.vector_store %arg6[%parallel_loop3A_1235], %parallel_loop3A_1232 {strides = array<i32>} : memref<640xi32, #tpu.memory_space<vmem>>, vector<16xi32>,
        } {sc.loop_unroll_factor = 8 : i64, sc.parallel_access}
        %dma_start3A_1216 = arith.constant 0 : i32
        %dma_start3A_1217 = arith.constant 0 : i32
        %dma_start3A_1218 = tpu.memref_slice %arg3[%dma_start3A_1216, %dma_start3A_1217] : memref<1000000x32xf32, #tpu.memory_space<hbm>> -> memref<1000000x32xf32, #tpu.memory_space<hbm>>
        tpu.enqueue_indirect_dma source(%dma_start3A_1218 : memref<1000000x32xf32, #tpu.memory_space<hbm>>) target(%arg8 : memref<640x32xf32, #tpu.memory_space<vmem>>) offsets(%arg6 : memref<640xi32, #tpu.memory_space<vmem>>) semaphore(%arg11 : memref<!tpu.dma_semaphore, #tpu.memory_space<semaphore_mem>>)
      } else {
      }
      %ge3A_800 = arith.constant 1 : i32
      %ge3A_801 = arith.cmpi sge, %add3A_765, %ge3A_800 : i32
      %convert_element_type3A_802 = arith.extui %ge3A_801 : i1 to i32
      %cond3A_803 = arith.constant 0 : i32
      %cond3A_804 = arith.cmpi ne, %convert_element_type3A_802, %cond3A_803 : i32
      scf.if %cond3A_804 {
        %sub3A_1193 = arith.constant 1 : i32
        %sub3A_1194 = arith.subi %add3A_765, %sub3A_1193 : i32
        %mul3A_1195 = arith.constant 4 : i32
        %mul3A_1196 = arith.muli %add3A, %mul3A_1195 : i32
        %jit3A_1197 = arith.constant 10 : i32
        %div3A_1198 = arith.divsi %sub3A_1194, %jit3A_1197 : i32
        %sign3A_1199 = arith.constant 0 : i32
        %sign3A_1200 = arith.cmpi sgt, %sub3A_1194, %sign3A_1199 : i32
        %sign3A_1201 = arith.extui %sign3A_1200 : i1 to i32
        %sign3A_1202 = arith.constant 0 : i32
        %sign3A_1203 = arith.cmpi slt, %sub3A_1194, %sign3A_1202 : i32
        %sign3A_1204 = arith.extui %sign3A_1203 : i1 to i32
        %sign3A_1205 = arith.subi %sign3A_1201, %sign3A_1204 : i32
        %sign3A_1206 = arith.constant 0 : i32
        %sign3A_1207 = arith.cmpi sgt, %jit3A_1197, %sign3A_1206 : i32
        %sign3A_1208 = arith.extui %sign3A_1207 : i1 to i32
        %sign3A_1209 = arith.constant 0 : i32
        %sign3A_1210 = arith.cmpi slt, %jit3A_1197, %sign3A_1209 : i32
        %sign3A_1211 = arith.extui %sign3A_1210 : i1 to i32
        %sign3A_1212 = arith.subi %sign3A_1208, %sign3A_1211 : i32
        %ne3A_1213 = arith.cmpi ne, %sign3A_1205, %sign3A_1212 : i32
        %rem3A_1214 = arith.remsi %sub3A_1194, %jit3A_1197 : i32
        %ne3A_1215 = arith.constant 0 : i32
        %ne3A_1216 = arith.cmpi ne, %rem3A_1214, %ne3A_1215 : i32
        %and3A_1217 = arith.andi %ne3A_1213, %ne3A_1216 : i1
        %sub3A_1218 = arith.constant 1 : i32
        %sub3A_1219 = arith.subi %div3A_1198, %sub3A_1218 : i32
        %select_n3A_1220 = arith.select %and3A_1217, %sub3A_1219, %div3A_1198 : i32
        %add3A_1221 = arith.addi %mul3A_1196, %select_n3A_1220 : i32
        %jit3A_1222 = arith.constant 10 : i32
        %eq3A_1223 = arith.constant 0 : i32
        %eq3A_1224 = arith.cmpi eq, %jit3A_1222, %eq3A_1223 : i32
        %jit3A_1225 = arith.constant 1 : i32
        %select_n3A_1226 = arith.select %eq3A_1224, %jit3A_1225, %jit3A_1222 : i32
        %rem3A_1227 = arith.remsi %sub3A_1194, %select_n3A_1226 : i32
        %ne3A_1228 = arith.constant 0 : i32
        %ne3A_1229 = arith.cmpi ne, %rem3A_1227, %ne3A_1228 : i32
        %lt3A_1230 = arith.constant 0 : i32
        %lt3A_1231 = arith.cmpi slt, %rem3A_1227, %lt3A_1230 : i32
        %lt3A_1232 = arith.constant 0 : i32
        %lt3A_1233 = arith.cmpi slt, %select_n3A_1226, %lt3A_1232 : i32
        %ne3A_1234 = arith.xori %lt3A_1231, %lt3A_1233 : i1
        %and3A_1235 = arith.andi %ne3A_1234, %ne3A_1229 : i1
        %add3A_1236 = arith.addi %rem3A_1227, %select_n3A_1226 : i32
        %select_n3A_1237 = arith.select %and3A_1235, %add3A_1236, %rem3A_1227 : i32
        %mul3A_1238 = arith.constant 5 : i32
        %mul3A_1239 = arith.muli %select_n3A_1237, %mul3A_1238 : i32
        %add3A_1240 = arith.constant 0 : i32
        %add3A_1241 = arith.addi %mul3A_1239, %add3A_1240 : i32
        %dma_wait3A_1242 = arith.constant 0 : i32
        %dma_wait3A_1243 = arith.constant 0 : i32
        %dma_wait3A_1244 = arith.constant 0 : i32
        %dma_wait3A_1245 = tpu.memref_slice %arg10[%dma_wait3A_1243, %dma_wait3A_1244] : memref<160x129xf32, #tpu.memory_space<vmem>> -> memref<8x128xf32, #tpu.memory_space<vmem>>
        %dma_wait3A_1246 = arith.constant 0 : i32
        %dma_wait3A_1247 = arith.constant 0 : i32
        %dma_wait3A_1248 = tpu.memref_slice %arg4[%add3A_1241, %dma_wait3A_1242, %add3A_1221, %dma_wait3A_1246, %dma_wait3A_1247] : memref<50x4x128x8x128xf32, #tpu.memory_space<hbm>> -> memref<1x1x1x8x128xf32, #tpu.memory_space<hbm>>
        %dma_wait3A_1249 = tpu.memref_squeeze %dma_wait3A_1248 : memref<1x1x1x8x128xf32, #tpu.memory_space<hbm>> -> memref<8x128xf32, #tpu.memory_space<hbm>>
        %dma_wait3A_1250 = arith.constant 0 : i32
        %dma_wait3A_1251 = arith.constant 0 : i32
        %dma_wait3A_1252 = tpu.memref_slice %arg4[%add3A_1241, %dma_wait3A_1242, %add3A_1221, %dma_wait3A_1250, %dma_wait3A_1251] : memref<50x4x128x8x128xf32, #tpu.memory_space<hbm>> -> memref<1x1x1x8x128xf32, #tpu.memory_space<hbm>>
        %dma_wait3A_1253 = tpu.memref_squeeze %dma_wait3A_1252 : memref<1x1x1x8x128xf32, #tpu.memory_space<hbm>> -> memref<8x128xf32, #tpu.memory_space<hbm>>
        %dma_wait3A_1254 = arith.constant 0 : i32
        %dma_wait3A_1255 = arith.constant 0 : i32
        %dma_wait3A_1256 = tpu.memref_slice %arg10[%dma_wait3A_1254, %dma_wait3A_1255] : memref<160x129xf32, #tpu.memory_space<vmem>> -> memref<8x128xf32, #tpu.memory_space<vmem>>
        tpu.wait_dma2 semaphore(%arg13 : memref<!tpu.dma_semaphore, #tpu.memory_space<semaphore_mem>>) src(%dma_wait3A_1256 : memref<8x128xf32, #tpu.memory_space<vmem>>) dst(%dma_wait3A_1253 : memref<8x128xf32, #tpu.memory_space<hbm>>)
        %add3A_1257 = arith.constant 0 : i32
        %add3A_1258 = arith.addi %mul3A_1239, %add3A_1257 : i32
        %dma_wait3A_1259 = arith.constant 1 : i32
        %dma_wait3A_1260 = arith.constant 8 : i32
        %dma_wait3A_1261 = arith.constant 0 : i32
        %dma_wait3A_1262 = tpu.memref_slice %arg10[%dma_wait3A_1260, %dma_wait3A_1261] : memref<160x129xf32, #tpu.memory_space<vmem>> -> memref<8x128xf32, #tpu.memory_space<vmem>>
        %dma_wait3A_1263 = arith.constant 0 : i32
        %dma_wait3A_1264 = arith.constant 0 : i32
        %dma_wait3A_1265 = tpu.memref_slice %arg4[%add3A_1258, %dma_wait3A_1259, %add3A_1221, %dma_wait3A_1263, %dma_wait3A_1264] : memref<50x4x128x8x128xf32, #tpu.memory_space<hbm>> -> memref<1x1x1x8x128xf32, #tpu.memory_space<hbm>>
        %dma_wait3A_1266 = tpu.memref_squeeze %dma_wait3A_1265 : memref<1x1x1x8x128xf32, #tpu.memory_space<hbm>> -> memref<8x128xf32, #tpu.memory_space<hbm>>
        %dma_wait3A_1267 = arith.constant 0 : i32
        %dma_wait3A_1268 = arith.constant 0 : i32
        %dma_wait3A_1269 = tpu.memref_slice %arg4[%add3A_1258, %dma_wait3A_1259, %add3A_1221, %dma_wait3A_1267, %dma_wait3A_1268] : memref<50x4x128x8x128xf32, #tpu.memory_space<hbm>> -> memref<1x1x1x8x128xf32, #tpu.memory_space<hbm>>
        %dma_wait3A_1270 = tpu.memref_squeeze %dma_wait3A_1269 : memref<1x1x1x8x128xf32, #tpu.memory_space<hbm>> -> memref<8x128xf32, #tpu.memory_space<hbm>>
        %dma_wait3A_1271 = arith.constant 8 : i32
        %dma_wait3A_1272 = arith.constant 0 : i32
        %dma_wait3A_1273 = tpu.memref_slice %arg10[%dma_wait3A_1271, %dma_wait3A_1272] : memref<160x129xf32, #tpu.memory_space<vmem>> -> memref<8x128xf32, #tpu.memory_space<vmem>>
        tpu.wait_dma2 semaphore(%arg13 : memref<!tpu.dma_semaphore, #tpu.memory_space<semaphore_mem>>) src(%dma_wait3A_1273 : memref<8x128xf32, #tpu.memory_space<vmem>>) dst(%dma_wait3A_1270 : memref<8x128xf32, #tpu.memory_space<hbm>>)
        %add3A_1274 = arith.constant 0 : i32
        %add3A_1275 = arith.addi %mul3A_1239, %add3A_1274 : i32
        %dma_wait3A_1276 = arith.constant 2 : i32
        %dma_wait3A_1277 = arith.constant 16 : i32
        %dma_wait3A_1278 = arith.constant 0 : i32
        %dma_wait3A_1279 = tpu.memref_slice %arg10[%dma_wait3A_1277, %dma_wait3A_1278] : memref<160x129xf32, #tpu.memory_space<vmem>> -> memref<8x128xf32, #tpu.memory_space<vmem>>
        %dma_wait3A_1280 = arith.constant 0 : i32
        %dma_wait3A_1281 = arith.constant 0 : i32
        %dma_wait3A_1282 = tpu.memref_slice %arg4[%add3A_1275, %dma_wait3A_1276, %add3A_1221, %dma_wait3A_1280, %dma_wait3A_1281] : memref<50x4x128x8x128xf32, #tpu.memory_space<hbm>> -> memref<1x1x1x8x128xf32, #tpu.memory_space<hbm>>
        %dma_wait3A_1283 = tpu.memref_squeeze %dma_wait3A_1282 : memref<1x1x1x8x128xf32, #tpu.memory_space<hbm>> -> memref<8x128xf32, #tpu.memory_space<hbm>>
        %dma_wait3A_1284 = arith.constant 0 : i32
        %dma_wait3A_1285 = arith.constant 0 : i32
        %dma_wait3A_1286 = tpu.memref_slice %arg4[%add3A_1275, %dma_wait3A_1276, %add3A_1221, %dma_wait3A_1284, %dma_wait3A_1285] : memref<50x4x128x8x128xf32, #tpu.memory_space<hbm>> -> memref<1x1x1x8x128xf32, #tpu.memory_space<hbm>>
        %dma_wait3A_1287 = tpu.memref_squeeze %dma_wait3A_1286 : memref<1x1x1x8x128xf32, #tpu.memory_space<hbm>> -> memref<8x128xf32, #tpu.memory_space<hbm>>
        %dma_wait3A_1288 = arith.constant 16 : i32
        %dma_wait3A_1289 = arith.constant 0 : i32
        %dma_wait3A_1290 = tpu.memref_slice %arg10[%dma_wait3A_1288, %dma_wait3A_1289] : memref<160x129xf32, #tpu.memory_space<vmem>> -> memref<8x128xf32, #tpu.memory_space<vmem>>
        tpu.wait_dma2 semaphore(%arg13 : memref<!tpu.dma_semaphore, #tpu.memory_space<semaphore_mem>>) src(%dma_wait3A_1290 : memref<8x128xf32, #tpu.memory_space<vmem>>) dst(%dma_wait3A_1287 : memref<8x128xf32, #tpu.memory_space<hbm>>)
        %add3A_1291 = arith.constant 0 : i32
        %add3A_1292 = arith.addi %mul3A_1239, %add3A_1291 : i32
        %dma_wait3A_1293 = arith.constant 3 : i32
        %dma_wait3A_1294 = arith.constant 24 : i32
        %dma_wait3A_1295 = arith.constant 0 : i32
        %dma_wait3A_1296 = tpu.memref_slice %arg10[%dma_wait3A_1294, %dma_wait3A_1295] : memref<160x129xf32, #tpu.memory_space<vmem>> -> memref<8x128xf32, #tpu.memory_space<vmem>>
        %dma_wait3A_1297 = arith.constant 0 : i32
        %dma_wait3A_1298 = arith.constant 0 : i32
        %dma_wait3A_1299 = tpu.memref_slice %arg4[%add3A_1292, %dma_wait3A_1293, %add3A_1221, %dma_wait3A_1297, %dma_wait3A_1298] : memref<50x4x128x8x128xf32, #tpu.memory_space<hbm>> -> memref<1x1x1x8x128xf32, #tpu.memory_space<hbm>>
        %dma_wait3A_1300 = tpu.memref_squeeze %dma_wait3A_1299 : memref<1x1x1x8x128xf32, #tpu.memory_space<hbm>> -> memref<8x128xf32, #tpu.memory_space<hbm>>
        %dma_wait3A_1301 = arith.constant 0 : i32
        %dma_wait3A_1302 = arith.constant 0 : i32
        %dma_wait3A_1303 = tpu.memref_slice %arg4[%add3A_1292, %dma_wait3A_1293, %add3A_1221, %dma_wait3A_1301, %dma_wait3A_1302] : memref<50x4x128x8x128xf32, #tpu.memory_space<hbm>> -> memref<1x1x1x8x128xf32, #tpu.memory_space<hbm>>
        %dma_wait3A_1304 = tpu.memref_squeeze %dma_wait3A_1303 : memref<1x1x1x8x128xf32, #tpu.memory_space<hbm>> -> memref<8x128xf32, #tpu.memory_space<hbm>>
        %dma_wait3A_1305 = arith.constant 24 : i32
        %dma_wait3A_1306 = arith.constant 0 : i32
        %dma_wait3A_1307 = tpu.memref_slice %arg10[%dma_wait3A_1305, %dma_wait3A_1306] : memref<160x129xf32, #tpu.memory_space<vmem>> -> memref<8x128xf32, #tpu.memory_space<vmem>>
        tpu.wait_dma2 semaphore(%arg13 : memref<!tpu.dma_semaphore, #tpu.memory_space<semaphore_mem>>) src(%dma_wait3A_1307 : memref<8x128xf32, #tpu.memory_space<vmem>>) dst(%dma_wait3A_1304 : memref<8x128xf32, #tpu.memory_space<hbm>>)
        %add3A_1308 = arith.constant 1 : i32
        %add3A_1309 = arith.addi %mul3A_1239, %add3A_1308 : i32
        %dma_wait3A_1310 = arith.constant 0 : i32
        %dma_wait3A_1311 = arith.constant 32 : i32
        %dma_wait3A_1312 = arith.constant 0 : i32
        %dma_wait3A_1313 = tpu.memref_slice %arg10[%dma_wait3A_1311, %dma_wait3A_1312] : memref<160x129xf32, #tpu.memory_space<vmem>> -> memref<8x128xf32, #tpu.memory_space<vmem>>
        %dma_wait3A_1314 = arith.constant 0 : i32
        %dma_wait3A_1315 = arith.constant 0 : i32
        %dma_wait3A_1316 = tpu.memref_slice %arg4[%add3A_1309, %dma_wait3A_1310, %add3A_1221, %dma_wait3A_1314, %dma_wait3A_1315] : memref<50x4x128x8x128xf32, #tpu.memory_space<hbm>> -> memref<1x1x1x8x128xf32, #tpu.memory_space<hbm>>
        %dma_wait3A_1317 = tpu.memref_squeeze %dma_wait3A_1316 : memref<1x1x1x8x128xf32, #tpu.memory_space<hbm>> -> memref<8x128xf32, #tpu.memory_space<hbm>>
        %dma_wait3A_1318 = arith.constant 0 : i32
        %dma_wait3A_1319 = arith.constant 0 : i32
        %dma_wait3A_1320 = tpu.memref_slice %arg4[%add3A_1309, %dma_wait3A_1310, %add3A_1221, %dma_wait3A_1318, %dma_wait3A_1319] : memref<50x4x128x8x128xf32, #tpu.memory_space<hbm>> -> memref<1x1x1x8x128xf32, #tpu.memory_space<hbm>>
        %dma_wait3A_1321 = tpu.memref_squeeze %dma_wait3A_1320 : memref<1x1x1x8x128xf32, #tpu.memory_space<hbm>> -> memref<8x128xf32, #tpu.memory_space<hbm>>
        %dma_wait3A_1322 = arith.constant 32 : i32
        %dma_wait3A_1323 = arith.constant 0 : i32
        %dma_wait3A_1324 = tpu.memref_slice %arg10[%dma_wait3A_1322, %dma_wait3A_1323] : memref<160x129xf32, #tpu.memory_space<vmem>> -> memref<8x128xf32, #tpu.memory_space<vmem>>
        tpu.wait_dma2 semaphore(%arg13 : memref<!tpu.dma_semaphore, #tpu.memory_space<semaphore_mem>>) src(%dma_wait3A_1324 : memref<8x128xf32, #tpu.memory_space<vmem>>) dst(%dma_wait3A_1321 : memref<8x128xf32, #tpu.memory_space<hbm>>)
        %add3A_1325 = arith.constant 1 : i32
        %add3A_1326 = arith.addi %mul3A_1239, %add3A_1325 : i32
        %dma_wait3A_1327 = arith.constant 1 : i32
        %dma_wait3A_1328 = arith.constant 40 : i32
        %dma_wait3A_1329 = arith.constant 0 : i32
        %dma_wait3A_1330 = tpu.memref_slice %arg10[%dma_wait3A_1328, %dma_wait3A_1329] : memref<160x129xf32, #tpu.memory_space<vmem>> -> memref<8x128xf32, #tpu.memory_space<vmem>>
        %dma_wait3A_1331 = arith.constant 0 : i32
        %dma_wait3A_1332 = arith.constant 0 : i32
        %dma_wait3A_1333 = tpu.memref_slice %arg4[%add3A_1326, %dma_wait3A_1327, %add3A_1221, %dma_wait3A_1331, %dma_wait3A_1332] : memref<50x4x128x8x128xf32, #tpu.memory_space<hbm>> -> memref<1x1x1x8x128xf32, #tpu.memory_space<hbm>>
        %dma_wait3A_1334 = tpu.memref_squeeze %dma_wait3A_1333 : memref<1x1x1x8x128xf32, #tpu.memory_space<hbm>> -> memref<8x128xf32, #tpu.memory_space<hbm>>
        %dma_wait3A_1335 = arith.constant 0 : i32
        %dma_wait3A_1336 = arith.constant 0 : i32
        %dma_wait3A_1337 = tpu.memref_slice %arg4[%add3A_1326, %dma_wait3A_1327, %add3A_1221, %dma_wait3A_1335, %dma_wait3A_1336] : memref<50x4x128x8x128xf32, #tpu.memory_space<hbm>> -> memref<1x1x1x8x128xf32, #tpu.memory_space<hbm>>
        %dma_wait3A_1338 = tpu.memref_squeeze %dma_wait3A_1337 : memref<1x1x1x8x128xf32, #tpu.memory_space<hbm>> -> memref<8x128xf32, #tpu.memory_space<hbm>>
        %dma_wait3A_1339 = arith.constant 40 : i32
        %dma_wait3A_1340 = arith.constant 0 : i32
        %dma_wait3A_1341 = tpu.memref_slice %arg10[%dma_wait3A_1339, %dma_wait3A_1340] : memref<160x129xf32, #tpu.memory_space<vmem>> -> memref<8x128xf32, #tpu.memory_space<vmem>>
        tpu.wait_dma2 semaphore(%arg13 : memref<!tpu.dma_semaphore, #tpu.memory_space<semaphore_mem>>) src(%dma_wait3A_1341 : memref<8x128xf32, #tpu.memory_space<vmem>>) dst(%dma_wait3A_1338 : memref<8x128xf32, #tpu.memory_space<hbm>>)
        %add3A_1342 = arith.constant 1 : i32
        %add3A_1343 = arith.addi %mul3A_1239, %add3A_1342 : i32
        %dma_wait3A_1344 = arith.constant 2 : i32
        %dma_wait3A_1345 = arith.constant 48 : i32
        %dma_wait3A_1346 = arith.constant 0 : i32
        %dma_wait3A_1347 = tpu.memref_slice %arg10[%dma_wait3A_1345, %dma_wait3A_1346] : memref<160x129xf32, #tpu.memory_space<vmem>> -> memref<8x128xf32, #tpu.memory_space<vmem>>
        %dma_wait3A_1348 = arith.constant 0 : i32
        %dma_wait3A_1349 = arith.constant 0 : i32
        %dma_wait3A_1350 = tpu.memref_slice %arg4[%add3A_1343, %dma_wait3A_1344, %add3A_1221, %dma_wait3A_1348, %dma_wait3A_1349] : memref<50x4x128x8x128xf32, #tpu.memory_space<hbm>> -> memref<1x1x1x8x128xf32, #tpu.memory_space<hbm>>
        %dma_wait3A_1351 = tpu.memref_squeeze %dma_wait3A_1350 : memref<1x1x1x8x128xf32, #tpu.memory_space<hbm>> -> memref<8x128xf32, #tpu.memory_space<hbm>>
        %dma_wait3A_1352 = arith.constant 0 : i32
        %dma_wait3A_1353 = arith.constant 0 : i32
        %dma_wait3A_1354 = tpu.memref_slice %arg4[%add3A_1343, %dma_wait3A_1344, %add3A_1221, %dma_wait3A_1352, %dma_wait3A_1353] : memref<50x4x128x8x128xf32, #tpu.memory_space<hbm>> -> memref<1x1x1x8x128xf32, #tpu.memory_space<hbm>>
        %dma_wait3A_1355 = tpu.memref_squeeze %dma_wait3A_1354 : memref<1x1x1x8x128xf32, #tpu.memory_space<hbm>> -> memref<8x128xf32, #tpu.memory_space<hbm>>
        %dma_wait3A_1356 = arith.constant 48 : i32
        %dma_wait3A_1357 = arith.constant 0 : i32
        %dma_wait3A_1358 = tpu.memref_slice %arg10[%dma_wait3A_1356, %dma_wait3A_1357] : memref<160x129xf32, #tpu.memory_space<vmem>> -> memref<8x128xf32, #tpu.memory_space<vmem>>
        tpu.wait_dma2 semaphore(%arg13 : memref<!tpu.dma_semaphore, #tpu.memory_space<semaphore_mem>>) src(%dma_wait3A_1358 : memref<8x128xf32, #tpu.memory_space<vmem>>) dst(%dma_wait3A_1355 : memref<8x128xf32, #tpu.memory_space<hbm>>)
        %add3A_1359 = arith.constant 1 : i32
        %add3A_1360 = arith.addi %mul3A_1239, %add3A_1359 : i32
        %dma_wait3A_1361 = arith.constant 3 : i32
        %dma_wait3A_1362 = arith.constant 56 : i32
        %dma_wait3A_1363 = arith.constant 0 : i32
        %dma_wait3A_1364 = tpu.memref_slice %arg10[%dma_wait3A_1362, %dma_wait3A_1363] : memref<160x129xf32, #tpu.memory_space<vmem>> -> memref<8x128xf32, #tpu.memory_space<vmem>>
        %dma_wait3A_1365 = arith.constant 0 : i32
        %dma_wait3A_1366 = arith.constant 0 : i32
        %dma_wait3A_1367 = tpu.memref_slice %arg4[%add3A_1360, %dma_wait3A_1361, %add3A_1221, %dma_wait3A_1365, %dma_wait3A_1366] : memref<50x4x128x8x128xf32, #tpu.memory_space<hbm>> -> memref<1x1x1x8x128xf32, #tpu.memory_space<hbm>>
        %dma_wait3A_1368 = tpu.memref_squeeze %dma_wait3A_1367 : memref<1x1x1x8x128xf32, #tpu.memory_space<hbm>> -> memref<8x128xf32, #tpu.memory_space<hbm>>
        %dma_wait3A_1369 = arith.constant 0 : i32
        %dma_wait3A_1370 = arith.constant 0 : i32
        %dma_wait3A_1371 = tpu.memref_slice %arg4[%add3A_1360, %dma_wait3A_1361, %add3A_1221, %dma_wait3A_1369, %dma_wait3A_1370] : memref<50x4x128x8x128xf32, #tpu.memory_space<hbm>> -> memref<1x1x1x8x128xf32, #tpu.memory_space<hbm>>
        %dma_wait3A_1372 = tpu.memref_squeeze %dma_wait3A_1371 : memref<1x1x1x8x128xf32, #tpu.memory_space<hbm>> -> memref<8x128xf32, #tpu.memory_space<hbm>>
        %dma_wait3A_1373 = arith.constant 56 : i32
        %dma_wait3A_1374 = arith.constant 0 : i32
        %dma_wait3A_1375 = tpu.memref_slice %arg10[%dma_wait3A_1373, %dma_wait3A_1374] : memref<160x129xf32, #tpu.memory_space<vmem>> -> memref<8x128xf32, #tpu.memory_space<vmem>>
        tpu.wait_dma2 semaphore(%arg13 : memref<!tpu.dma_semaphore, #tpu.memory_space<semaphore_mem>>) src(%dma_wait3A_1375 : memref<8x128xf32, #tpu.memory_space<vmem>>) dst(%dma_wait3A_1372 : memref<8x128xf32, #tpu.memory_space<hbm>>)
        %add3A_1376 = arith.constant 2 : i32
        %add3A_1377 = arith.addi %mul3A_1239, %add3A_1376 : i32
        %dma_wait3A_1378 = arith.constant 0 : i32
        %dma_wait3A_1379 = arith.constant 64 : i32
        %dma_wait3A_1380 = arith.constant 0 : i32
        %dma_wait3A_1381 = tpu.memref_slice %arg10[%dma_wait3A_1379, %dma_wait3A_1380] : memref<160x129xf32, #tpu.memory_space<vmem>> -> memref<8x128xf32, #tpu.memory_space<vmem>>
        %dma_wait3A_1382 = arith.constant 0 : i32
        %dma_wait3A_1383 = arith.constant 0 : i32
        %dma_wait3A_1384 = tpu.memref_slice %arg4[%add3A_1377, %dma_wait3A_1378, %add3A_1221, %dma_wait3A_1382, %dma_wait3A_1383] : memref<50x4x128x8x128xf32, #tpu.memory_space<hbm>> -> memref<1x1x1x8x128xf32, #tpu.memory_space<hbm>>
        %dma_wait3A_1385 = tpu.memref_squeeze %dma_wait3A_1384 : memref<1x1x1x8x128xf32, #tpu.memory_space<hbm>> -> memref<8x128xf32, #tpu.memory_space<hbm>>
        %dma_wait3A_1386 = arith.constant 0 : i32
        %dma_wait3A_1387 = arith.constant 0 : i32
        %dma_wait3A_1388 = tpu.memref_slice %arg4[%add3A_1377, %dma_wait3A_1378, %add3A_1221, %dma_wait3A_1386, %dma_wait3A_1387] : memref<50x4x128x8x128xf32, #tpu.memory_space<hbm>> -> memref<1x1x1x8x128xf32, #tpu.memory_space<hbm>>
        %dma_wait3A_1389 = tpu.memref_squeeze %dma_wait3A_1388 : memref<1x1x1x8x128xf32, #tpu.memory_space<hbm>> -> memref<8x128xf32, #tpu.memory_space<hbm>>
        %dma_wait3A_1390 = arith.constant 64 : i32
        %dma_wait3A_1391 = arith.constant 0 : i32
        %dma_wait3A_1392 = tpu.memref_slice %arg10[%dma_wait3A_1390, %dma_wait3A_1391] : memref<160x129xf32, #tpu.memory_space<vmem>> -> memref<8x128xf32, #tpu.memory_space<vmem>>
        tpu.wait_dma2 semaphore(%arg13 : memref<!tpu.dma_semaphore, #tpu.memory_space<semaphore_mem>>) src(%dma_wait3A_1392 : memref<8x128xf32, #tpu.memory_space<vmem>>) dst(%dma_wait3A_1389 : memref<8x128xf32, #tpu.memory_space<hbm>>)
        %add3A_1393 = arith.constant 2 : i32
        %add3A_1394 = arith.addi %mul3A_1239, %add3A_1393 : i32
        %dma_wait3A_1395 = arith.constant 1 : i32
        %dma_wait3A_1396 = arith.constant 72 : i32
        %dma_wait3A_1397 = arith.constant 0 : i32
        %dma_wait3A_1398 = tpu.memref_slice %arg10[%dma_wait3A_1396, %dma_wait3A_1397] : memref<160x129xf32, #tpu.memory_space<vmem>> -> memref<8x128xf32, #tpu.memory_space<vmem>>
        %dma_wait3A_1399 = arith.constant 0 : i32
        %dma_wait3A_1400 = arith.constant 0 : i32
        %dma_wait3A_1401 = tpu.memref_slice %arg4[%add3A_1394, %dma_wait3A_1395, %add3A_1221, %dma_wait3A_1399, %dma_wait3A_1400] : memref<50x4x128x8x128xf32, #tpu.memory_space<hbm>> -> memref<1x1x1x8x128xf32, #tpu.memory_space<hbm>>
        %dma_wait3A_1402 = tpu.memref_squeeze %dma_wait3A_1401 : memref<1x1x1x8x128xf32, #tpu.memory_space<hbm>> -> memref<8x128xf32, #tpu.memory_space<hbm>>
        %dma_wait3A_1403 = arith.constant 0 : i32
        %dma_wait3A_1404 = arith.constant 0 : i32
        %dma_wait3A_1405 = tpu.memref_slice %arg4[%add3A_1394, %dma_wait3A_1395, %add3A_1221, %dma_wait3A_1403, %dma_wait3A_1404] : memref<50x4x128x8x128xf32, #tpu.memory_space<hbm>> -> memref<1x1x1x8x128xf32, #tpu.memory_space<hbm>>
        %dma_wait3A_1406 = tpu.memref_squeeze %dma_wait3A_1405 : memref<1x1x1x8x128xf32, #tpu.memory_space<hbm>> -> memref<8x128xf32, #tpu.memory_space<hbm>>
        %dma_wait3A_1407 = arith.constant 72 : i32
        %dma_wait3A_1408 = arith.constant 0 : i32
        %dma_wait3A_1409 = tpu.memref_slice %arg10[%dma_wait3A_1407, %dma_wait3A_1408] : memref<160x129xf32, #tpu.memory_space<vmem>> -> memref<8x128xf32, #tpu.memory_space<vmem>>
        tpu.wait_dma2 semaphore(%arg13 : memref<!tpu.dma_semaphore, #tpu.memory_space<semaphore_mem>>) src(%dma_wait3A_1409 : memref<8x128xf32, #tpu.memory_space<vmem>>) dst(%dma_wait3A_1406 : memref<8x128xf32, #tpu.memory_space<hbm>>)
        %add3A_1410 = arith.constant 2 : i32
        %add3A_1411 = arith.addi %mul3A_1239, %add3A_1410 : i32
        %dma_wait3A_1412 = arith.constant 2 : i32
        %dma_wait3A_1413 = arith.constant 80 : i32
        %dma_wait3A_1414 = arith.constant 0 : i32
        %dma_wait3A_1415 = tpu.memref_slice %arg10[%dma_wait3A_1413, %dma_wait3A_1414] : memref<160x129xf32, #tpu.memory_space<vmem>> -> memref<8x128xf32, #tpu.memory_space<vmem>>
        %dma_wait3A_1416 = arith.constant 0 : i32
        %dma_wait3A_1417 = arith.constant 0 : i32
        %dma_wait3A_1418 = tpu.memref_slice %arg4[%add3A_1411, %dma_wait3A_1412, %add3A_1221, %dma_wait3A_1416, %dma_wait3A_1417] : memref<50x4x128x8x128xf32, #tpu.memory_space<hbm>> -> memref<1x1x1x8x128xf32, #tpu.memory_space<hbm>>
        %dma_wait3A_1419 = tpu.memref_squeeze %dma_wait3A_1418 : memref<1x1x1x8x128xf32, #tpu.memory_space<hbm>> -> memref<8x128xf32, #tpu.memory_space<hbm>>
        %dma_wait3A_1420 = arith.constant 0 : i32
        %dma_wait3A_1421 = arith.constant 0 : i32
        %dma_wait3A_1422 = tpu.memref_slice %arg4[%add3A_1411, %dma_wait3A_1412, %add3A_1221, %dma_wait3A_1420, %dma_wait3A_1421] : memref<50x4x128x8x128xf32, #tpu.memory_space<hbm>> -> memref<1x1x1x8x128xf32, #tpu.memory_space<hbm>>
        %dma_wait3A_1423 = tpu.memref_squeeze %dma_wait3A_1422 : memref<1x1x1x8x128xf32, #tpu.memory_space<hbm>> -> memref<8x128xf32, #tpu.memory_space<hbm>>
        %dma_wait3A_1424 = arith.constant 80 : i32
        %dma_wait3A_1425 = arith.constant 0 : i32
        %dma_wait3A_1426 = tpu.memref_slice %arg10[%dma_wait3A_1424, %dma_wait3A_1425] : memref<160x129xf32, #tpu.memory_space<vmem>> -> memref<8x128xf32, #tpu.memory_space<vmem>>
        tpu.wait_dma2 semaphore(%arg13 : memref<!tpu.dma_semaphore, #tpu.memory_space<semaphore_mem>>) src(%dma_wait3A_1426 : memref<8x128xf32, #tpu.memory_space<vmem>>) dst(%dma_wait3A_1423 : memref<8x128xf32, #tpu.memory_space<hbm>>)
        %add3A_1427 = arith.constant 2 : i32
        %add3A_1428 = arith.addi %mul3A_1239, %add3A_1427 : i32
        %dma_wait3A_1429 = arith.constant 3 : i32
        %dma_wait3A_1430 = arith.constant 88 : i32
        %dma_wait3A_1431 = arith.constant 0 : i32
        %dma_wait3A_1432 = tpu.memref_slice %arg10[%dma_wait3A_1430, %dma_wait3A_1431] : memref<160x129xf32, #tpu.memory_space<vmem>> -> memref<8x128xf32, #tpu.memory_space<vmem>>
        %dma_wait3A_1433 = arith.constant 0 : i32
        %dma_wait3A_1434 = arith.constant 0 : i32
        %dma_wait3A_1435 = tpu.memref_slice %arg4[%add3A_1428, %dma_wait3A_1429, %add3A_1221, %dma_wait3A_1433, %dma_wait3A_1434] : memref<50x4x128x8x128xf32, #tpu.memory_space<hbm>> -> memref<1x1x1x8x128xf32, #tpu.memory_space<hbm>>
        %dma_wait3A_1436 = tpu.memref_squeeze %dma_wait3A_1435 : memref<1x1x1x8x128xf32, #tpu.memory_space<hbm>> -> memref<8x128xf32, #tpu.memory_space<hbm>>
        %dma_wait3A_1437 = arith.constant 0 : i32
        %dma_wait3A_1438 = arith.constant 0 : i32
        %dma_wait3A_1439 = tpu.memref_slice %arg4[%add3A_1428, %dma_wait3A_1429, %add3A_1221, %dma_wait3A_1437, %dma_wait3A_1438] : memref<50x4x128x8x128xf32, #tpu.memory_space<hbm>> -> memref<1x1x1x8x128xf32, #tpu.memory_space<hbm>>
        %dma_wait3A_1440 = tpu.memref_squeeze %dma_wait3A_1439 : memref<1x1x1x8x128xf32, #tpu.memory_space<hbm>> -> memref<8x128xf32, #tpu.memory_space<hbm>>
        %dma_wait3A_1441 = arith.constant 88 : i32
        %dma_wait3A_1442 = arith.constant 0 : i32
        %dma_wait3A_1443 = tpu.memref_slice %arg10[%dma_wait3A_1441, %dma_wait3A_1442] : memref<160x129xf32, #tpu.memory_space<vmem>> -> memref<8x128xf32, #tpu.memory_space<vmem>>
        tpu.wait_dma2 semaphore(%arg13 : memref<!tpu.dma_semaphore, #tpu.memory_space<semaphore_mem>>) src(%dma_wait3A_1443 : memref<8x128xf32, #tpu.memory_space<vmem>>) dst(%dma_wait3A_1440 : memref<8x128xf32, #tpu.memory_space<hbm>>)
        %add3A_1444 = arith.constant 3 : i32
        %add3A_1445 = arith.addi %mul3A_1239, %add3A_1444 : i32
        %dma_wait3A_1446 = arith.constant 0 : i32
        %dma_wait3A_1447 = arith.constant 96 : i32
        %dma_wait3A_1448 = arith.constant 0 : i32
        %dma_wait3A_1449 = tpu.memref_slice %arg10[%dma_wait3A_1447, %dma_wait3A_1448] : memref<160x129xf32, #tpu.memory_space<vmem>> -> memref<8x128xf32, #tpu.memory_space<vmem>>
        %dma_wait3A_1450 = arith.constant 0 : i32
        %dma_wait3A_1451 = arith.constant 0 : i32
        %dma_wait3A_1452 = tpu.memref_slice %arg4[%add3A_1445, %dma_wait3A_1446, %add3A_1221, %dma_wait3A_1450, %dma_wait3A_1451] : memref<50x4x128x8x128xf32, #tpu.memory_space<hbm>> -> memref<1x1x1x8x128xf32, #tpu.memory_space<hbm>>
        %dma_wait3A_1453 = tpu.memref_squeeze %dma_wait3A_1452 : memref<1x1x1x8x128xf32, #tpu.memory_space<hbm>> -> memref<8x128xf32, #tpu.memory_space<hbm>>
        %dma_wait3A_1454 = arith.constant 0 : i32
        %dma_wait3A_1455 = arith.constant 0 : i32
        %dma_wait3A_1456 = tpu.memref_slice %arg4[%add3A_1445, %dma_wait3A_1446, %add3A_1221, %dma_wait3A_1454, %dma_wait3A_1455] : memref<50x4x128x8x128xf32, #tpu.memory_space<hbm>> -> memref<1x1x1x8x128xf32, #tpu.memory_space<hbm>>
        %dma_wait3A_1457 = tpu.memref_squeeze %dma_wait3A_1456 : memref<1x1x1x8x128xf32, #tpu.memory_space<hbm>> -> memref<8x128xf32, #tpu.memory_space<hbm>>
        %dma_wait3A_1458 = arith.constant 96 : i32
        %dma_wait3A_1459 = arith.constant 0 : i32
        %dma_wait3A_1460 = tpu.memref_slice %arg10[%dma_wait3A_1458, %dma_wait3A_1459] : memref<160x129xf32, #tpu.memory_space<vmem>> -> memref<8x128xf32, #tpu.memory_space<vmem>>
        tpu.wait_dma2 semaphore(%arg13 : memref<!tpu.dma_semaphore, #tpu.memory_space<semaphore_mem>>) src(%dma_wait3A_1460 : memref<8x128xf32, #tpu.memory_space<vmem>>) dst(%dma_wait3A_1457 : memref<8x128xf32, #tpu.memory_space<hbm>>)
        %add3A_1461 = arith.constant 3 : i32
        %add3A_1462 = arith.addi %mul3A_1239, %add3A_1461 : i32
        %dma_wait3A_1463 = arith.constant 1 : i32
        %dma_wait3A_1464 = arith.constant 104 : i32
        %dma_wait3A_1465 = arith.constant 0 : i32
        %dma_wait3A_1466 = tpu.memref_slice %arg10[%dma_wait3A_1464, %dma_wait3A_1465] : memref<160x129xf32, #tpu.memory_space<vmem>> -> memref<8x128xf32, #tpu.memory_space<vmem>>
        %dma_wait3A_1467 = arith.constant 0 : i32
        %dma_wait3A_1468 = arith.constant 0 : i32
        %dma_wait3A_1469 = tpu.memref_slice %arg4[%add3A_1462, %dma_wait3A_1463, %add3A_1221, %dma_wait3A_1467, %dma_wait3A_1468] : memref<50x4x128x8x128xf32, #tpu.memory_space<hbm>> -> memref<1x1x1x8x128xf32, #tpu.memory_space<hbm>>
        %dma_wait3A_1470 = tpu.memref_squeeze %dma_wait3A_1469 : memref<1x1x1x8x128xf32, #tpu.memory_space<hbm>> -> memref<8x128xf32, #tpu.memory_space<hbm>>
        %dma_wait3A_1471 = arith.constant 0 : i32
        %dma_wait3A_1472 = arith.constant 0 : i32
        %dma_wait3A_1473 = tpu.memref_slice %arg4[%add3A_1462, %dma_wait3A_1463, %add3A_1221, %dma_wait3A_1471, %dma_wait3A_1472] : memref<50x4x128x8x128xf32, #tpu.memory_space<hbm>> -> memref<1x1x1x8x128xf32, #tpu.memory_space<hbm>>
        %dma_wait3A_1474 = tpu.memref_squeeze %dma_wait3A_1473 : memref<1x1x1x8x128xf32, #tpu.memory_space<hbm>> -> memref<8x128xf32, #tpu.memory_space<hbm>>
        %dma_wait3A_1475 = arith.constant 104 : i32
        %dma_wait3A_1476 = arith.constant 0 : i32
        %dma_wait3A_1477 = tpu.memref_slice %arg10[%dma_wait3A_1475, %dma_wait3A_1476] : memref<160x129xf32, #tpu.memory_space<vmem>> -> memref<8x128xf32, #tpu.memory_space<vmem>>
        tpu.wait_dma2 semaphore(%arg13 : memref<!tpu.dma_semaphore, #tpu.memory_space<semaphore_mem>>) src(%dma_wait3A_1477 : memref<8x128xf32, #tpu.memory_space<vmem>>) dst(%dma_wait3A_1474 : memref<8x128xf32, #tpu.memory_space<hbm>>)
        %add3A_1478 = arith.constant 3 : i32
        %add3A_1479 = arith.addi %mul3A_1239, %add3A_1478 : i32
        %dma_wait3A_1480 = arith.constant 2 : i32
        %dma_wait3A_1481 = arith.constant 112 : i32
        %dma_wait3A_1482 = arith.constant 0 : i32
        %dma_wait3A_1483 = tpu.memref_slice %arg10[%dma_wait3A_1481, %dma_wait3A_1482] : memref<160x129xf32, #tpu.memory_space<vmem>> -> memref<8x128xf32, #tpu.memory_space<vmem>>
        %dma_wait3A_1484 = arith.constant 0 : i32
        %dma_wait3A_1485 = arith.constant 0 : i32
        %dma_wait3A_1486 = tpu.memref_slice %arg4[%add3A_1479, %dma_wait3A_1480, %add3A_1221, %dma_wait3A_1484, %dma_wait3A_1485] : memref<50x4x128x8x128xf32, #tpu.memory_space<hbm>> -> memref<1x1x1x8x128xf32, #tpu.memory_space<hbm>>
        %dma_wait3A_1487 = tpu.memref_squeeze %dma_wait3A_1486 : memref<1x1x1x8x128xf32, #tpu.memory_space<hbm>> -> memref<8x128xf32, #tpu.memory_space<hbm>>
        %dma_wait3A_1488 = arith.constant 0 : i32
        %dma_wait3A_1489 = arith.constant 0 : i32
        %dma_wait3A_1490 = tpu.memref_slice %arg4[%add3A_1479, %dma_wait3A_1480, %add3A_1221, %dma_wait3A_1488, %dma_wait3A_1489] : memref<50x4x128x8x128xf32, #tpu.memory_space<hbm>> -> memref<1x1x1x8x128xf32, #tpu.memory_space<hbm>>
        %dma_wait3A_1491 = tpu.memref_squeeze %dma_wait3A_1490 : memref<1x1x1x8x128xf32, #tpu.memory_space<hbm>> -> memref<8x128xf32, #tpu.memory_space<hbm>>
        %dma_wait3A_1492 = arith.constant 112 : i32
        %dma_wait3A_1493 = arith.constant 0 : i32
        %dma_wait3A_1494 = tpu.memref_slice %arg10[%dma_wait3A_1492, %dma_wait3A_1493] : memref<160x129xf32, #tpu.memory_space<vmem>> -> memref<8x128xf32, #tpu.memory_space<vmem>>
        tpu.wait_dma2 semaphore(%arg13 : memref<!tpu.dma_semaphore, #tpu.memory_space<semaphore_mem>>) src(%dma_wait3A_1494 : memref<8x128xf32, #tpu.memory_space<vmem>>) dst(%dma_wait3A_1491 : memref<8x128xf32, #tpu.memory_space<hbm>>)
        %add3A_1495 = arith.constant 3 : i32
        %add3A_1496 = arith.addi %mul3A_1239, %add3A_1495 : i32
        %dma_wait3A_1497 = arith.constant 3 : i32
        %dma_wait3A_1498 = arith.constant 120 : i32
        %dma_wait3A_1499 = arith.constant 0 : i32
        %dma_wait3A_1500 = tpu.memref_slice %arg10[%dma_wait3A_1498, %dma_wait3A_1499] : memref<160x129xf32, #tpu.memory_space<vmem>> -> memref<8x128xf32, #tpu.memory_space<vmem>>
        %dma_wait3A_1501 = arith.constant 0 : i32
        %dma_wait3A_1502 = arith.constant 0 : i32
        %dma_wait3A_1503 = tpu.memref_slice %arg4[%add3A_1496, %dma_wait3A_1497, %add3A_1221, %dma_wait3A_1501, %dma_wait3A_1502] : memref<50x4x128x8x128xf32, #tpu.memory_space<hbm>> -> memref<1x1x1x8x128xf32, #tpu.memory_space<hbm>>
        %dma_wait3A_1504 = tpu.memref_squeeze %dma_wait3A_1503 : memref<1x1x1x8x128xf32, #tpu.memory_space<hbm>> -> memref<8x128xf32, #tpu.memory_space<hbm>>
        %dma_wait3A_1505 = arith.constant 0 : i32
        %dma_wait3A_1506 = arith.constant 0 : i32
        %dma_wait3A_1507 = tpu.memref_slice %arg4[%add3A_1496, %dma_wait3A_1497, %add3A_1221, %dma_wait3A_1505, %dma_wait3A_1506] : memref<50x4x128x8x128xf32, #tpu.memory_space<hbm>> -> memref<1x1x1x8x128xf32, #tpu.memory_space<hbm>>
        %dma_wait3A_1508 = tpu.memref_squeeze %dma_wait3A_1507 : memref<1x1x1x8x128xf32, #tpu.memory_space<hbm>> -> memref<8x128xf32, #tpu.memory_space<hbm>>
        %dma_wait3A_1509 = arith.constant 120 : i32
        %dma_wait3A_1510 = arith.constant 0 : i32
        %dma_wait3A_1511 = tpu.memref_slice %arg10[%dma_wait3A_1509, %dma_wait3A_1510] : memref<160x129xf32, #tpu.memory_space<vmem>> -> memref<8x128xf32, #tpu.memory_space<vmem>>
        tpu.wait_dma2 semaphore(%arg13 : memref<!tpu.dma_semaphore, #tpu.memory_space<semaphore_mem>>) src(%dma_wait3A_1511 : memref<8x128xf32, #tpu.memory_space<vmem>>) dst(%dma_wait3A_1508 : memref<8x128xf32, #tpu.memory_space<hbm>>)
        %add3A_1512 = arith.constant 4 : i32
        %add3A_1513 = arith.addi %mul3A_1239, %add3A_1512 : i32
        %dma_wait3A_1514 = arith.constant 0 : i32
        %dma_wait3A_1515 = arith.constant 128 : i32
        %dma_wait3A_1516 = arith.constant 0 : i32
        %dma_wait3A_1517 = tpu.memref_slice %arg10[%dma_wait3A_1515, %dma_wait3A_1516] : memref<160x129xf32, #tpu.memory_space<vmem>> -> memref<8x128xf32, #tpu.memory_space<vmem>>
        %dma_wait3A_1518 = arith.constant 0 : i32
        %dma_wait3A_1519 = arith.constant 0 : i32
        %dma_wait3A_1520 = tpu.memref_slice %arg4[%add3A_1513, %dma_wait3A_1514, %add3A_1221, %dma_wait3A_1518, %dma_wait3A_1519] : memref<50x4x128x8x128xf32, #tpu.memory_space<hbm>> -> memref<1x1x1x8x128xf32, #tpu.memory_space<hbm>>
        %dma_wait3A_1521 = tpu.memref_squeeze %dma_wait3A_1520 : memref<1x1x1x8x128xf32, #tpu.memory_space<hbm>> -> memref<8x128xf32, #tpu.memory_space<hbm>>
        %dma_wait3A_1522 = arith.constant 0 : i32
        %dma_wait3A_1523 = arith.constant 0 : i32
        %dma_wait3A_1524 = tpu.memref_slice %arg4[%add3A_1513, %dma_wait3A_1514, %add3A_1221, %dma_wait3A_1522, %dma_wait3A_1523] : memref<50x4x128x8x128xf32, #tpu.memory_space<hbm>> -> memref<1x1x1x8x128xf32, #tpu.memory_space<hbm>>
        %dma_wait3A_1525 = tpu.memref_squeeze %dma_wait3A_1524 : memref<1x1x1x8x128xf32, #tpu.memory_space<hbm>> -> memref<8x128xf32, #tpu.memory_space<hbm>>
        %dma_wait3A_1526 = arith.constant 128 : i32
        %dma_wait3A_1527 = arith.constant 0 : i32
        %dma_wait3A_1528 = tpu.memref_slice %arg10[%dma_wait3A_1526, %dma_wait3A_1527] : memref<160x129xf32, #tpu.memory_space<vmem>> -> memref<8x128xf32, #tpu.memory_space<vmem>>
        tpu.wait_dma2 semaphore(%arg13 : memref<!tpu.dma_semaphore, #tpu.memory_space<semaphore_mem>>) src(%dma_wait3A_1528 : memref<8x128xf32, #tpu.memory_space<vmem>>) dst(%dma_wait3A_1525 : memref<8x128xf32, #tpu.memory_space<hbm>>)
        %add3A_1529 = arith.constant 4 : i32
        %add3A_1530 = arith.addi %mul3A_1239, %add3A_1529 : i32
        %dma_wait3A_1531 = arith.constant 1 : i32
        %dma_wait3A_1532 = arith.constant 136 : i32
        %dma_wait3A_1533 = arith.constant 0 : i32
        %dma_wait3A_1534 = tpu.memref_slice %arg10[%dma_wait3A_1532, %dma_wait3A_1533] : memref<160x129xf32, #tpu.memory_space<vmem>> -> memref<8x128xf32, #tpu.memory_space<vmem>>
        %dma_wait3A_1535 = arith.constant 0 : i32
        %dma_wait3A_1536 = arith.constant 0 : i32
        %dma_wait3A_1537 = tpu.memref_slice %arg4[%add3A_1530, %dma_wait3A_1531, %add3A_1221, %dma_wait3A_1535, %dma_wait3A_1536] : memref<50x4x128x8x128xf32, #tpu.memory_space<hbm>> -> memref<1x1x1x8x128xf32, #tpu.memory_space<hbm>>
        %dma_wait3A_1538 = tpu.memref_squeeze %dma_wait3A_1537 : memref<1x1x1x8x128xf32, #tpu.memory_space<hbm>> -> memref<8x128xf32, #tpu.memory_space<hbm>>
        %dma_wait3A_1539 = arith.constant 0 : i32
        %dma_wait3A_1540 = arith.constant 0 : i32
        %dma_wait3A_1541 = tpu.memref_slice %arg4[%add3A_1530, %dma_wait3A_1531, %add3A_1221, %dma_wait3A_1539, %dma_wait3A_1540] : memref<50x4x128x8x128xf32, #tpu.memory_space<hbm>> -> memref<1x1x1x8x128xf32, #tpu.memory_space<hbm>>
        %dma_wait3A_1542 = tpu.memref_squeeze %dma_wait3A_1541 : memref<1x1x1x8x128xf32, #tpu.memory_space<hbm>> -> memref<8x128xf32, #tpu.memory_space<hbm>>
        %dma_wait3A_1543 = arith.constant 136 : i32
        %dma_wait3A_1544 = arith.constant 0 : i32
        %dma_wait3A_1545 = tpu.memref_slice %arg10[%dma_wait3A_1543, %dma_wait3A_1544] : memref<160x129xf32, #tpu.memory_space<vmem>> -> memref<8x128xf32, #tpu.memory_space<vmem>>
        tpu.wait_dma2 semaphore(%arg13 : memref<!tpu.dma_semaphore, #tpu.memory_space<semaphore_mem>>) src(%dma_wait3A_1545 : memref<8x128xf32, #tpu.memory_space<vmem>>) dst(%dma_wait3A_1542 : memref<8x128xf32, #tpu.memory_space<hbm>>)
        %add3A_1546 = arith.constant 4 : i32
        %add3A_1547 = arith.addi %mul3A_1239, %add3A_1546 : i32
        %dma_wait3A_1548 = arith.constant 2 : i32
        %dma_wait3A_1549 = arith.constant 144 : i32
        %dma_wait3A_1550 = arith.constant 0 : i32
        %dma_wait3A_1551 = tpu.memref_slice %arg10[%dma_wait3A_1549, %dma_wait3A_1550] : memref<160x129xf32, #tpu.memory_space<vmem>> -> memref<8x128xf32, #tpu.memory_space<vmem>>
        %dma_wait3A_1552 = arith.constant 0 : i32
        %dma_wait3A_1553 = arith.constant 0 : i32
        %dma_wait3A_1554 = tpu.memref_slice %arg4[%add3A_1547, %dma_wait3A_1548, %add3A_1221, %dma_wait3A_1552, %dma_wait3A_1553] : memref<50x4x128x8x128xf32, #tpu.memory_space<hbm>> -> memref<1x1x1x8x128xf32, #tpu.memory_space<hbm>>
        %dma_wait3A_1555 = tpu.memref_squeeze %dma_wait3A_1554 : memref<1x1x1x8x128xf32, #tpu.memory_space<hbm>> -> memref<8x128xf32, #tpu.memory_space<hbm>>
        %dma_wait3A_1556 = arith.constant 0 : i32
        %dma_wait3A_1557 = arith.constant 0 : i32
        %dma_wait3A_1558 = tpu.memref_slice %arg4[%add3A_1547, %dma_wait3A_1548, %add3A_1221, %dma_wait3A_1556, %dma_wait3A_1557] : memref<50x4x128x8x128xf32, #tpu.memory_space<hbm>> -> memref<1x1x1x8x128xf32, #tpu.memory_space<hbm>>
        %dma_wait3A_1559 = tpu.memref_squeeze %dma_wait3A_1558 : memref<1x1x1x8x128xf32, #tpu.memory_space<hbm>> -> memref<8x128xf32, #tpu.memory_space<hbm>>
        %dma_wait3A_1560 = arith.constant 144 : i32
        %dma_wait3A_1561 = arith.constant 0 : i32
        %dma_wait3A_1562 = tpu.memref_slice %arg10[%dma_wait3A_1560, %dma_wait3A_1561] : memref<160x129xf32, #tpu.memory_space<vmem>> -> memref<8x128xf32, #tpu.memory_space<vmem>>
        tpu.wait_dma2 semaphore(%arg13 : memref<!tpu.dma_semaphore, #tpu.memory_space<semaphore_mem>>) src(%dma_wait3A_1562 : memref<8x128xf32, #tpu.memory_space<vmem>>) dst(%dma_wait3A_1559 : memref<8x128xf32, #tpu.memory_space<hbm>>)
        %add3A_1563 = arith.constant 4 : i32
        %add3A_1564 = arith.addi %mul3A_1239, %add3A_1563 : i32
        %dma_wait3A_1565 = arith.constant 3 : i32
        %dma_wait3A_1566 = arith.constant 152 : i32
        %dma_wait3A_1567 = arith.constant 0 : i32
        %dma_wait3A_1568 = tpu.memref_slice %arg10[%dma_wait3A_1566, %dma_wait3A_1567] : memref<160x129xf32, #tpu.memory_space<vmem>> -> memref<8x128xf32, #tpu.memory_space<vmem>>
        %dma_wait3A_1569 = arith.constant 0 : i32
        %dma_wait3A_1570 = arith.constant 0 : i32
        %dma_wait3A_1571 = tpu.memref_slice %arg4[%add3A_1564, %dma_wait3A_1565, %add3A_1221, %dma_wait3A_1569, %dma_wait3A_1570] : memref<50x4x128x8x128xf32, #tpu.memory_space<hbm>> -> memref<1x1x1x8x128xf32, #tpu.memory_space<hbm>>
        %dma_wait3A_1572 = tpu.memref_squeeze %dma_wait3A_1571 : memref<1x1x1x8x128xf32, #tpu.memory_space<hbm>> -> memref<8x128xf32, #tpu.memory_space<hbm>>
        %dma_wait3A_1573 = arith.constant 0 : i32
        %dma_wait3A_1574 = arith.constant 0 : i32
        %dma_wait3A_1575 = tpu.memref_slice %arg4[%add3A_1564, %dma_wait3A_1565, %add3A_1221, %dma_wait3A_1573, %dma_wait3A_1574] : memref<50x4x128x8x128xf32, #tpu.memory_space<hbm>> -> memref<1x1x1x8x128xf32, #tpu.memory_space<hbm>>
        %dma_wait3A_1576 = tpu.memref_squeeze %dma_wait3A_1575 : memref<1x1x1x8x128xf32, #tpu.memory_space<hbm>> -> memref<8x128xf32, #tpu.memory_space<hbm>>
        %dma_wait3A_1577 = arith.constant 152 : i32
        %dma_wait3A_1578 = arith.constant 0 : i32
        %dma_wait3A_1579 = tpu.memref_slice %arg10[%dma_wait3A_1577, %dma_wait3A_1578] : memref<160x129xf32, #tpu.memory_space<vmem>> -> memref<8x128xf32, #tpu.memory_space<vmem>>
        tpu.wait_dma2 semaphore(%arg13 : memref<!tpu.dma_semaphore, #tpu.memory_space<semaphore_mem>>) src(%dma_wait3A_1579 : memref<8x128xf32, #tpu.memory_space<vmem>>) dst(%dma_wait3A_1576 : memref<8x128xf32, #tpu.memory_space<hbm>>)
      } else {
      }
      %parallel_loop3A_805 = arith.constant 0 : i32
      %parallel_loop3A_806 = arith.constant 1280 : i32
      %parallel_loop3A_807 = arith.constant 1 : i32
      scf.for %parallel_loop3A_1193 = %parallel_loop3A_805 to %parallel_loop3A_806 step %parallel_loop3A_807  : i32 {
        %parallel_loop3A_1194 = arith.constant 1 : i32
        %parallel_loop3A_1195 = arith.shrsi %parallel_loop3A_1193, %parallel_loop3A_1194 : i32
        %parallel_loop3A_1196 = arith.constant 1 : i32
        %parallel_loop3A_1197 = arith.andi %parallel_loop3A_1193, %parallel_loop3A_1196 : i32
        %parallel_loop3A_1198 = arith.constant 7 : i32
        %parallel_loop3A_1199 = arith.shrsi %parallel_loop3A_1195, %parallel_loop3A_1198 : i32
        %parallel_loop3A_1200 = arith.constant 127 : i32
        %parallel_loop3A_1201 = arith.andi %parallel_loop3A_1195, %parallel_loop3A_1200 : i32
        %parallel_loop3A_1202 = arith.constant 16 : i32
        %parallel_loop3A_1203 = arith.muli %parallel_loop3A_1197, %parallel_loop3A_1202 : i32
        %parallel_loop3A_1204 = arith.index_cast %parallel_loop3A_1195 : i32 to index
        %parallel_loop3A_1205 = arith.index_cast %parallel_loop3A_1203 : i32 to index
        %parallel_loop3A_1206 = tpu.vector_load %arg9[%parallel_loop3A_1204, %parallel_loop3A_1205] {strides = array<i32>} : memref<640x32xf32, #tpu.memory_space<vmem>>, vector<16xf32>,
        %parallel_loop3A_1207 = arith.constant 32 : i32
        %parallel_loop3A_1208 = arith.muli %parallel_loop3A_1199, %parallel_loop3A_1207 : i32
        %parallel_loop3A_1209 = arith.constant 16 : i32
        %parallel_loop3A_1210 = arith.muli %parallel_loop3A_1197, %parallel_loop3A_1209 : i32
        %parallel_loop3A_1211 = arith.addi %parallel_loop3A_1208, %parallel_loop3A_1210 : i32
        %parallel_loop3A_1212 = vector.broadcast %parallel_loop3A_1211 : i32 to vector<16xi32>
        %parallel_loop3A_1213 = arith.addi %iota3A, %parallel_loop3A_1212 : vector<16xi32>
        %parallel_loop3A_1214 = vector.broadcast %parallel_loop3A_1201 : i32 to vector<16xi32>
        %parallel_loop3A_1215 = arith.addi %broadcast_in_dim3A_4, %parallel_loop3A_1214 : vector<16xi32>
        tpu.vector_store_idx %arg10[%parallel_loop3A_1213, %parallel_loop3A_1215], %parallel_loop3A_1206 : memref<160x129xf32, #tpu.memory_space<vmem>>[vector<16xi32>, vector<16xi32>], vector<16xf32>,
      } {sc.loop_unroll_factor = 8 : i64, sc.parallel_access}
      %mul3A_808 = arith.constant 4 : i32
      %mul3A_809 = arith.muli %add3A, %mul3A_808 : i32
      %jit3A_810 = arith.constant 10 : i32
      %div3A_811 = arith.divsi %add3A_765, %jit3A_810 : i32
      %sign3A_812 = arith.constant 0 : i32
      %sign3A_813 = arith.cmpi sgt, %add3A_765, %sign3A_812 : i32
      %sign3A_814 = arith.extui %sign3A_813 : i1 to i32
      %sign3A_815 = arith.constant 0 : i32
      %sign3A_816 = arith.cmpi slt, %add3A_765, %sign3A_815 : i32
      %sign3A_817 = arith.extui %sign3A_816 : i1 to i32
      %sign3A_818 = arith.subi %sign3A_814, %sign3A_817 : i32
      %sign3A_819 = arith.constant 0 : i32
      %sign3A_820 = arith.cmpi sgt, %jit3A_810, %sign3A_819 : i32
      %sign3A_821 = arith.extui %sign3A_820 : i1 to i32
      %sign3A_822 = arith.constant 0 : i32
      %sign3A_823 = arith.cmpi slt, %jit3A_810, %sign3A_822 : i32
      %sign3A_824 = arith.extui %sign3A_823 : i1 to i32
      %sign3A_825 = arith.subi %sign3A_821, %sign3A_824 : i32
      %ne3A_826 = arith.cmpi ne, %sign3A_818, %sign3A_825 : i32
      %rem3A_827 = arith.remsi %add3A_765, %jit3A_810 : i32
      %ne3A_828 = arith.constant 0 : i32
      %ne3A_829 = arith.cmpi ne, %rem3A_827, %ne3A_828 : i32
      %and3A_830 = arith.andi %ne3A_826, %ne3A_829 : i1
      %sub3A_831 = arith.constant 1 : i32
      %sub3A_832 = arith.subi %div3A_811, %sub3A_831 : i32
      %select_n3A_833 = arith.select %and3A_830, %sub3A_832, %div3A_811 : i32
      %add3A_834 = arith.addi %mul3A_809, %select_n3A_833 : i32
      %jit3A_835 = arith.constant 10 : i32
      %eq3A_836 = arith.constant 0 : i32
      %eq3A_837 = arith.cmpi eq, %jit3A_835, %eq3A_836 : i32
      %jit3A_838 = arith.constant 1 : i32
      %select_n3A_839 = arith.select %eq3A_837, %jit3A_838, %jit3A_835 : i32
      %rem3A_840 = arith.remsi %add3A_765, %select_n3A_839 : i32
      %ne3A_841 = arith.constant 0 : i32
      %ne3A_842 = arith.cmpi ne, %rem3A_840, %ne3A_841 : i32
      %lt3A_843 = arith.constant 0 : i32
      %lt3A_844 = arith.cmpi slt, %rem3A_840, %lt3A_843 : i32
      %lt3A_845 = arith.constant 0 : i32
      %lt3A_846 = arith.cmpi slt, %select_n3A_839, %lt3A_845 : i32
      %ne3A_847 = arith.xori %lt3A_844, %lt3A_846 : i1
      %and3A_848 = arith.andi %ne3A_847, %ne3A_842 : i1
      %add3A_849 = arith.addi %rem3A_840, %select_n3A_839 : i32
      %select_n3A_850 = arith.select %and3A_848, %add3A_849, %rem3A_840 : i32
      %mul3A_851 = arith.constant 5 : i32
      %mul3A_852 = arith.muli %select_n3A_850, %mul3A_851 : i32
      %add3A_853 = arith.constant 0 : i32
      %add3A_854 = arith.addi %mul3A_852, %add3A_853 : i32
      %dma_start3A_855 = arith.constant 0 : i32
      %dma_start3A_856 = arith.constant 0 : i32
      %dma_start3A_857 = arith.constant 0 : i32
      %dma_start3A_858 = tpu.memref_slice %arg10[%dma_start3A_856, %dma_start3A_857] : memref<160x129xf32, #tpu.memory_space<vmem>> -> memref<8x128xf32, #tpu.memory_space<vmem>>
      %dma_start3A_859 = arith.constant 0 : i32
      %dma_start3A_860 = arith.constant 0 : i32
      %dma_start3A_861 = tpu.memref_slice %arg4[%add3A_854, %dma_start3A_855, %add3A_834, %dma_start3A_859, %dma_start3A_860] : memref<50x4x128x8x128xf32, #tpu.memory_space<hbm>> -> memref<1x1x1x8x128xf32, #tpu.memory_space<hbm>>
      %dma_start3A_862 = tpu.memref_squeeze %dma_start3A_861 : memref<1x1x1x8x128xf32, #tpu.memory_space<hbm>> -> memref<8x128xf32, #tpu.memory_space<hbm>>
      %dma_start3A_863 = arith.constant 0 : i32
      %dma_start3A_864 = arith.constant 0 : i32
      %dma_start3A_865 = tpu.memref_slice %arg4[%add3A_854, %dma_start3A_855, %add3A_834, %dma_start3A_863, %dma_start3A_864] : memref<50x4x128x8x128xf32, #tpu.memory_space<hbm>> -> memref<1x1x1x8x128xf32, #tpu.memory_space<hbm>>
      %dma_start3A_866 = tpu.memref_squeeze %dma_start3A_865 : memref<1x1x1x8x128xf32, #tpu.memory_space<hbm>> -> memref<8x128xf32, #tpu.memory_space<hbm>>
      %dma_start3A_867 = arith.constant 0 : i32
      %dma_start3A_868 = arith.constant 0 : i32
      %dma_start3A_869 = tpu.memref_slice %arg10[%dma_start3A_867, %dma_start3A_868] : memref<160x129xf32, #tpu.memory_space<vmem>> -> memref<8x128xf32, #tpu.memory_space<vmem>>
      tpu.enqueue_dma source(%dma_start3A_869 : memref<8x128xf32, #tpu.memory_space<vmem>>) target(%dma_start3A_866 : memref<8x128xf32, #tpu.memory_space<hbm>>) target_semaphore(%arg13 : memref<!tpu.dma_semaphore, #tpu.memory_space<semaphore_mem>>)
      %add3A_870 = arith.constant 0 : i32
      %add3A_871 = arith.addi %mul3A_852, %add3A_870 : i32
      %dma_start3A_872 = arith.constant 1 : i32
      %dma_start3A_873 = arith.constant 8 : i32
      %dma_start3A_874 = arith.constant 0 : i32
      %dma_start3A_875 = tpu.memref_slice %arg10[%dma_start3A_873, %dma_start3A_874] : memref<160x129xf32, #tpu.memory_space<vmem>> -> memref<8x128xf32, #tpu.memory_space<vmem>>
      %dma_start3A_876 = arith.constant 0 : i32
      %dma_start3A_877 = arith.constant 0 : i32
      %dma_start3A_878 = tpu.memref_slice %arg4[%add3A_871, %dma_start3A_872, %add3A_834, %dma_start3A_876, %dma_start3A_877] : memref<50x4x128x8x128xf32, #tpu.memory_space<hbm>> -> memref<1x1x1x8x128xf32, #tpu.memory_space<hbm>>
      %dma_start3A_879 = tpu.memref_squeeze %dma_start3A_878 : memref<1x1x1x8x128xf32, #tpu.memory_space<hbm>> -> memref<8x128xf32, #tpu.memory_space<hbm>>
      %dma_start3A_880 = arith.constant 0 : i32
      %dma_start3A_881 = arith.constant 0 : i32
      %dma_start3A_882 = tpu.memref_slice %arg4[%add3A_871, %dma_start3A_872, %add3A_834, %dma_start3A_880, %dma_start3A_881] : memref<50x4x128x8x128xf32, #tpu.memory_space<hbm>> -> memref<1x1x1x8x128xf32, #tpu.memory_space<hbm>>
      %dma_start3A_883 = tpu.memref_squeeze %dma_start3A_882 : memref<1x1x1x8x128xf32, #tpu.memory_space<hbm>> -> memref<8x128xf32, #tpu.memory_space<hbm>>
      %dma_start3A_884 = arith.constant 8 : i32
      %dma_start3A_885 = arith.constant 0 : i32
      %dma_start3A_886 = tpu.memref_slice %arg10[%dma_start3A_884, %dma_start3A_885] : memref<160x129xf32, #tpu.memory_space<vmem>> -> memref<8x128xf32, #tpu.memory_space<vmem>>
      tpu.enqueue_dma source(%dma_start3A_886 : memref<8x128xf32, #tpu.memory_space<vmem>>) target(%dma_start3A_883 : memref<8x128xf32, #tpu.memory_space<hbm>>) target_semaphore(%arg13 : memref<!tpu.dma_semaphore, #tpu.memory_space<semaphore_mem>>)
      %add3A_887 = arith.constant 0 : i32
      %add3A_888 = arith.addi %mul3A_852, %add3A_887 : i32
      %dma_start3A_889 = arith.constant 2 : i32
      %dma_start3A_890 = arith.constant 16 : i32
      %dma_start3A_891 = arith.constant 0 : i32
      %dma_start3A_892 = tpu.memref_slice %arg10[%dma_start3A_890, %dma_start3A_891] : memref<160x129xf32, #tpu.memory_space<vmem>> -> memref<8x128xf32, #tpu.memory_space<vmem>>
      %dma_start3A_893 = arith.constant 0 : i32
      %dma_start3A_894 = arith.constant 0 : i32
      %dma_start3A_895 = tpu.memref_slice %arg4[%add3A_888, %dma_start3A_889, %add3A_834, %dma_start3A_893, %dma_start3A_894] : memref<50x4x128x8x128xf32, #tpu.memory_space<hbm>> -> memref<1x1x1x8x128xf32, #tpu.memory_space<hbm>>
      %dma_start3A_896 = tpu.memref_squeeze %dma_start3A_895 : memref<1x1x1x8x128xf32, #tpu.memory_space<hbm>> -> memref<8x128xf32, #tpu.memory_space<hbm>>
      %dma_start3A_897 = arith.constant 0 : i32
      %dma_start3A_898 = arith.constant 0 : i32
      %dma_start3A_899 = tpu.memref_slice %arg4[%add3A_888, %dma_start3A_889, %add3A_834, %dma_start3A_897, %dma_start3A_898] : memref<50x4x128x8x128xf32, #tpu.memory_space<hbm>> -> memref<1x1x1x8x128xf32, #tpu.memory_space<hbm>>
      %dma_start3A_900 = tpu.memref_squeeze %dma_start3A_899 : memref<1x1x1x8x128xf32, #tpu.memory_space<hbm>> -> memref<8x128xf32, #tpu.memory_space<hbm>>
      %dma_start3A_901 = arith.constant 16 : i32
      %dma_start3A_902 = arith.constant 0 : i32
      %dma_start3A_903 = tpu.memref_slice %arg10[%dma_start3A_901, %dma_start3A_902] : memref<160x129xf32, #tpu.memory_space<vmem>> -> memref<8x128xf32, #tpu.memory_space<vmem>>
      tpu.enqueue_dma source(%dma_start3A_903 : memref<8x128xf32, #tpu.memory_space<vmem>>) target(%dma_start3A_900 : memref<8x128xf32, #tpu.memory_space<hbm>>) target_semaphore(%arg13 : memref<!tpu.dma_semaphore, #tpu.memory_space<semaphore_mem>>)
      %add3A_904 = arith.constant 0 : i32
      %add3A_905 = arith.addi %mul3A_852, %add3A_904 : i32
      %dma_start3A_906 = arith.constant 3 : i32
      %dma_start3A_907 = arith.constant 24 : i32
      %dma_start3A_908 = arith.constant 0 : i32
      %dma_start3A_909 = tpu.memref_slice %arg10[%dma_start3A_907, %dma_start3A_908] : memref<160x129xf32, #tpu.memory_space<vmem>> -> memref<8x128xf32, #tpu.memory_space<vmem>>
      %dma_start3A_910 = arith.constant 0 : i32
      %dma_start3A_911 = arith.constant 0 : i32
      %dma_start3A_912 = tpu.memref_slice %arg4[%add3A_905, %dma_start3A_906, %add3A_834, %dma_start3A_910, %dma_start3A_911] : memref<50x4x128x8x128xf32, #tpu.memory_space<hbm>> -> memref<1x1x1x8x128xf32, #tpu.memory_space<hbm>>
      %dma_start3A_913 = tpu.memref_squeeze %dma_start3A_912 : memref<1x1x1x8x128xf32, #tpu.memory_space<hbm>> -> memref<8x128xf32, #tpu.memory_space<hbm>>
      %dma_start3A_914 = arith.constant 0 : i32
      %dma_start3A_915 = arith.constant 0 : i32
      %dma_start3A_916 = tpu.memref_slice %arg4[%add3A_905, %dma_start3A_906, %add3A_834, %dma_start3A_914, %dma_start3A_915] : memref<50x4x128x8x128xf32, #tpu.memory_space<hbm>> -> memref<1x1x1x8x128xf32, #tpu.memory_space<hbm>>
      %dma_start3A_917 = tpu.memref_squeeze %dma_start3A_916 : memref<1x1x1x8x128xf32, #tpu.memory_space<hbm>> -> memref<8x128xf32, #tpu.memory_space<hbm>>
      %dma_start3A_918 = arith.constant 24 : i32
      %dma_start3A_919 = arith.constant 0 : i32
      %dma_start3A_920 = tpu.memref_slice %arg10[%dma_start3A_918, %dma_start3A_919] : memref<160x129xf32, #tpu.memory_space<vmem>> -> memref<8x128xf32, #tpu.memory_space<vmem>>
      tpu.enqueue_dma source(%dma_start3A_920 : memref<8x128xf32, #tpu.memory_space<vmem>>) target(%dma_start3A_917 : memref<8x128xf32, #tpu.memory_space<hbm>>) target_semaphore(%arg13 : memref<!tpu.dma_semaphore, #tpu.memory_space<semaphore_mem>>)
      %add3A_921 = arith.constant 1 : i32
      %add3A_922 = arith.addi %mul3A_852, %add3A_921 : i32
      %dma_start3A_923 = arith.constant 0 : i32
      %dma_start3A_924 = arith.constant 32 : i32
      %dma_start3A_925 = arith.constant 0 : i32
      %dma_start3A_926 = tpu.memref_slice %arg10[%dma_start3A_924, %dma_start3A_925] : memref<160x129xf32, #tpu.memory_space<vmem>> -> memref<8x128xf32, #tpu.memory_space<vmem>>
      %dma_start3A_927 = arith.constant 0 : i32
      %dma_start3A_928 = arith.constant 0 : i32
      %dma_start3A_929 = tpu.memref_slice %arg4[%add3A_922, %dma_start3A_923, %add3A_834, %dma_start3A_927, %dma_start3A_928] : memref<50x4x128x8x128xf32, #tpu.memory_space<hbm>> -> memref<1x1x1x8x128xf32, #tpu.memory_space<hbm>>
      %dma_start3A_930 = tpu.memref_squeeze %dma_start3A_929 : memref<1x1x1x8x128xf32, #tpu.memory_space<hbm>> -> memref<8x128xf32, #tpu.memory_space<hbm>>
      %dma_start3A_931 = arith.constant 0 : i32
      %dma_start3A_932 = arith.constant 0 : i32
      %dma_start3A_933 = tpu.memref_slice %arg4[%add3A_922, %dma_start3A_923, %add3A_834, %dma_start3A_931, %dma_start3A_932] : memref<50x4x128x8x128xf32, #tpu.memory_space<hbm>> -> memref<1x1x1x8x128xf32, #tpu.memory_space<hbm>>
      %dma_start3A_934 = tpu.memref_squeeze %dma_start3A_933 : memref<1x1x1x8x128xf32, #tpu.memory_space<hbm>> -> memref<8x128xf32, #tpu.memory_space<hbm>>
      %dma_start3A_935 = arith.constant 32 : i32
      %dma_start3A_936 = arith.constant 0 : i32
      %dma_start3A_937 = tpu.memref_slice %arg10[%dma_start3A_935, %dma_start3A_936] : memref<160x129xf32, #tpu.memory_space<vmem>> -> memref<8x128xf32, #tpu.memory_space<vmem>>
      tpu.enqueue_dma source(%dma_start3A_937 : memref<8x128xf32, #tpu.memory_space<vmem>>) target(%dma_start3A_934 : memref<8x128xf32, #tpu.memory_space<hbm>>) target_semaphore(%arg13 : memref<!tpu.dma_semaphore, #tpu.memory_space<semaphore_mem>>)
      %add3A_938 = arith.constant 1 : i32
      %add3A_939 = arith.addi %mul3A_852, %add3A_938 : i32
      %dma_start3A_940 = arith.constant 1 : i32
      %dma_start3A_941 = arith.constant 40 : i32
      %dma_start3A_942 = arith.constant 0 : i32
      %dma_start3A_943 = tpu.memref_slice %arg10[%dma_start3A_941, %dma_start3A_942] : memref<160x129xf32, #tpu.memory_space<vmem>> -> memref<8x128xf32, #tpu.memory_space<vmem>>
      %dma_start3A_944 = arith.constant 0 : i32
      %dma_start3A_945 = arith.constant 0 : i32
      %dma_start3A_946 = tpu.memref_slice %arg4[%add3A_939, %dma_start3A_940, %add3A_834, %dma_start3A_944, %dma_start3A_945] : memref<50x4x128x8x128xf32, #tpu.memory_space<hbm>> -> memref<1x1x1x8x128xf32, #tpu.memory_space<hbm>>
      %dma_start3A_947 = tpu.memref_squeeze %dma_start3A_946 : memref<1x1x1x8x128xf32, #tpu.memory_space<hbm>> -> memref<8x128xf32, #tpu.memory_space<hbm>>
      %dma_start3A_948 = arith.constant 0 : i32
      %dma_start3A_949 = arith.constant 0 : i32
      %dma_start3A_950 = tpu.memref_slice %arg4[%add3A_939, %dma_start3A_940, %add3A_834, %dma_start3A_948, %dma_start3A_949] : memref<50x4x128x8x128xf32, #tpu.memory_space<hbm>> -> memref<1x1x1x8x128xf32, #tpu.memory_space<hbm>>
      %dma_start3A_951 = tpu.memref_squeeze %dma_start3A_950 : memref<1x1x1x8x128xf32, #tpu.memory_space<hbm>> -> memref<8x128xf32, #tpu.memory_space<hbm>>
      %dma_start3A_952 = arith.constant 40 : i32
      %dma_start3A_953 = arith.constant 0 : i32
      %dma_start3A_954 = tpu.memref_slice %arg10[%dma_start3A_952, %dma_start3A_953] : memref<160x129xf32, #tpu.memory_space<vmem>> -> memref<8x128xf32, #tpu.memory_space<vmem>>
      tpu.enqueue_dma source(%dma_start3A_954 : memref<8x128xf32, #tpu.memory_space<vmem>>) target(%dma_start3A_951 : memref<8x128xf32, #tpu.memory_space<hbm>>) target_semaphore(%arg13 : memref<!tpu.dma_semaphore, #tpu.memory_space<semaphore_mem>>)
      %add3A_955 = arith.constant 1 : i32
      %add3A_956 = arith.addi %mul3A_852, %add3A_955 : i32
      %dma_start3A_957 = arith.constant 2 : i32
      %dma_start3A_958 = arith.constant 48 : i32
      %dma_start3A_959 = arith.constant 0 : i32
      %dma_start3A_960 = tpu.memref_slice %arg10[%dma_start3A_958, %dma_start3A_959] : memref<160x129xf32, #tpu.memory_space<vmem>> -> memref<8x128xf32, #tpu.memory_space<vmem>>
      %dma_start3A_961 = arith.constant 0 : i32
      %dma_start3A_962 = arith.constant 0 : i32
      %dma_start3A_963 = tpu.memref_slice %arg4[%add3A_956, %dma_start3A_957, %add3A_834, %dma_start3A_961, %dma_start3A_962] : memref<50x4x128x8x128xf32, #tpu.memory_space<hbm>> -> memref<1x1x1x8x128xf32, #tpu.memory_space<hbm>>
      %dma_start3A_964 = tpu.memref_squeeze %dma_start3A_963 : memref<1x1x1x8x128xf32, #tpu.memory_space<hbm>> -> memref<8x128xf32, #tpu.memory_space<hbm>>
      %dma_start3A_965 = arith.constant 0 : i32
      %dma_start3A_966 = arith.constant 0 : i32
      %dma_start3A_967 = tpu.memref_slice %arg4[%add3A_956, %dma_start3A_957, %add3A_834, %dma_start3A_965, %dma_start3A_966] : memref<50x4x128x8x128xf32, #tpu.memory_space<hbm>> -> memref<1x1x1x8x128xf32, #tpu.memory_space<hbm>>
      %dma_start3A_968 = tpu.memref_squeeze %dma_start3A_967 : memref<1x1x1x8x128xf32, #tpu.memory_space<hbm>> -> memref<8x128xf32, #tpu.memory_space<hbm>>
      %dma_start3A_969 = arith.constant 48 : i32
      %dma_start3A_970 = arith.constant 0 : i32
      %dma_start3A_971 = tpu.memref_slice %arg10[%dma_start3A_969, %dma_start3A_970] : memref<160x129xf32, #tpu.memory_space<vmem>> -> memref<8x128xf32, #tpu.memory_space<vmem>>
      tpu.enqueue_dma source(%dma_start3A_971 : memref<8x128xf32, #tpu.memory_space<vmem>>) target(%dma_start3A_968 : memref<8x128xf32, #tpu.memory_space<hbm>>) target_semaphore(%arg13 : memref<!tpu.dma_semaphore, #tpu.memory_space<semaphore_mem>>)
      %add3A_972 = arith.constant 1 : i32
      %add3A_973 = arith.addi %mul3A_852, %add3A_972 : i32
      %dma_start3A_974 = arith.constant 3 : i32
      %dma_start3A_975 = arith.constant 56 : i32
      %dma_start3A_976 = arith.constant 0 : i32
      %dma_start3A_977 = tpu.memref_slice %arg10[%dma_start3A_975, %dma_start3A_976] : memref<160x129xf32, #tpu.memory_space<vmem>> -> memref<8x128xf32, #tpu.memory_space<vmem>>
      %dma_start3A_978 = arith.constant 0 : i32
      %dma_start3A_979 = arith.constant 0 : i32
      %dma_start3A_980 = tpu.memref_slice %arg4[%add3A_973, %dma_start3A_974, %add3A_834, %dma_start3A_978, %dma_start3A_979] : memref<50x4x128x8x128xf32, #tpu.memory_space<hbm>> -> memref<1x1x1x8x128xf32, #tpu.memory_space<hbm>>
      %dma_start3A_981 = tpu.memref_squeeze %dma_start3A_980 : memref<1x1x1x8x128xf32, #tpu.memory_space<hbm>> -> memref<8x128xf32, #tpu.memory_space<hbm>>
      %dma_start3A_982 = arith.constant 0 : i32
      %dma_start3A_983 = arith.constant 0 : i32
      %dma_start3A_984 = tpu.memref_slice %arg4[%add3A_973, %dma_start3A_974, %add3A_834, %dma_start3A_982, %dma_start3A_983] : memref<50x4x128x8x128xf32, #tpu.memory_space<hbm>> -> memref<1x1x1x8x128xf32, #tpu.memory_space<hbm>>
      %dma_start3A_985 = tpu.memref_squeeze %dma_start3A_984 : memref<1x1x1x8x128xf32, #tpu.memory_space<hbm>> -> memref<8x128xf32, #tpu.memory_space<hbm>>
      %dma_start3A_986 = arith.constant 56 : i32
      %dma_start3A_987 = arith.constant 0 : i32
      %dma_start3A_988 = tpu.memref_slice %arg10[%dma_start3A_986, %dma_start3A_987] : memref<160x129xf32, #tpu.memory_space<vmem>> -> memref<8x128xf32, #tpu.memory_space<vmem>>
      tpu.enqueue_dma source(%dma_start3A_988 : memref<8x128xf32, #tpu.memory_space<vmem>>) target(%dma_start3A_985 : memref<8x128xf32, #tpu.memory_space<hbm>>) target_semaphore(%arg13 : memref<!tpu.dma_semaphore, #tpu.memory_space<semaphore_mem>>)
      %add3A_989 = arith.constant 2 : i32
      %add3A_990 = arith.addi %mul3A_852, %add3A_989 : i32
      %dma_start3A_991 = arith.constant 0 : i32
      %dma_start3A_992 = arith.constant 64 : i32
      %dma_start3A_993 = arith.constant 0 : i32
      %dma_start3A_994 = tpu.memref_slice %arg10[%dma_start3A_992, %dma_start3A_993] : memref<160x129xf32, #tpu.memory_space<vmem>> -> memref<8x128xf32, #tpu.memory_space<vmem>>
      %dma_start3A_995 = arith.constant 0 : i32
      %dma_start3A_996 = arith.constant 0 : i32
      %dma_start3A_997 = tpu.memref_slice %arg4[%add3A_990, %dma_start3A_991, %add3A_834, %dma_start3A_995, %dma_start3A_996] : memref<50x4x128x8x128xf32, #tpu.memory_space<hbm>> -> memref<1x1x1x8x128xf32, #tpu.memory_space<hbm>>
      %dma_start3A_998 = tpu.memref_squeeze %dma_start3A_997 : memref<1x1x1x8x128xf32, #tpu.memory_space<hbm>> -> memref<8x128xf32, #tpu.memory_space<hbm>>
      %dma_start3A_999 = arith.constant 0 : i32
      %dma_start3A_1000 = arith.constant 0 : i32
      %dma_start3A_1001 = tpu.memref_slice %arg4[%add3A_990, %dma_start3A_991, %add3A_834, %dma_start3A_999, %dma_start3A_1000] : memref<50x4x128x8x128xf32, #tpu.memory_space<hbm>> -> memref<1x1x1x8x128xf32, #tpu.memory_space<hbm>>
      %dma_start3A_1002 = tpu.memref_squeeze %dma_start3A_1001 : memref<1x1x1x8x128xf32, #tpu.memory_space<hbm>> -> memref<8x128xf32, #tpu.memory_space<hbm>>
      %dma_start3A_1003 = arith.constant 64 : i32
      %dma_start3A_1004 = arith.constant 0 : i32
      %dma_start3A_1005 = tpu.memref_slice %arg10[%dma_start3A_1003, %dma_start3A_1004] : memref<160x129xf32, #tpu.memory_space<vmem>> -> memref<8x128xf32, #tpu.memory_space<vmem>>
      tpu.enqueue_dma source(%dma_start3A_1005 : memref<8x128xf32, #tpu.memory_space<vmem>>) target(%dma_start3A_1002 : memref<8x128xf32, #tpu.memory_space<hbm>>) target_semaphore(%arg13 : memref<!tpu.dma_semaphore, #tpu.memory_space<semaphore_mem>>)
      %add3A_1006 = arith.constant 2 : i32
      %add3A_1007 = arith.addi %mul3A_852, %add3A_1006 : i32
      %dma_start3A_1008 = arith.constant 1 : i32
      %dma_start3A_1009 = arith.constant 72 : i32
      %dma_start3A_1010 = arith.constant 0 : i32
      %dma_start3A_1011 = tpu.memref_slice %arg10[%dma_start3A_1009, %dma_start3A_1010] : memref<160x129xf32, #tpu.memory_space<vmem>> -> memref<8x128xf32, #tpu.memory_space<vmem>>
      %dma_start3A_1012 = arith.constant 0 : i32
      %dma_start3A_1013 = arith.constant 0 : i32
      %dma_start3A_1014 = tpu.memref_slice %arg4[%add3A_1007, %dma_start3A_1008, %add3A_834, %dma_start3A_1012, %dma_start3A_1013] : memref<50x4x128x8x128xf32, #tpu.memory_space<hbm>> -> memref<1x1x1x8x128xf32, #tpu.memory_space<hbm>>
      %dma_start3A_1015 = tpu.memref_squeeze %dma_start3A_1014 : memref<1x1x1x8x128xf32, #tpu.memory_space<hbm>> -> memref<8x128xf32, #tpu.memory_space<hbm>>
      %dma_start3A_1016 = arith.constant 0 : i32
      %dma_start3A_1017 = arith.constant 0 : i32
      %dma_start3A_1018 = tpu.memref_slice %arg4[%add3A_1007, %dma_start3A_1008, %add3A_834, %dma_start3A_1016, %dma_start3A_1017] : memref<50x4x128x8x128xf32, #tpu.memory_space<hbm>> -> memref<1x1x1x8x128xf32, #tpu.memory_space<hbm>>
      %dma_start3A_1019 = tpu.memref_squeeze %dma_start3A_1018 : memref<1x1x1x8x128xf32, #tpu.memory_space<hbm>> -> memref<8x128xf32, #tpu.memory_space<hbm>>
      %dma_start3A_1020 = arith.constant 72 : i32
      %dma_start3A_1021 = arith.constant 0 : i32
      %dma_start3A_1022 = tpu.memref_slice %arg10[%dma_start3A_1020, %dma_start3A_1021] : memref<160x129xf32, #tpu.memory_space<vmem>> -> memref<8x128xf32, #tpu.memory_space<vmem>>
      tpu.enqueue_dma source(%dma_start3A_1022 : memref<8x128xf32, #tpu.memory_space<vmem>>) target(%dma_start3A_1019 : memref<8x128xf32, #tpu.memory_space<hbm>>) target_semaphore(%arg13 : memref<!tpu.dma_semaphore, #tpu.memory_space<semaphore_mem>>)
      %add3A_1023 = arith.constant 2 : i32
      %add3A_1024 = arith.addi %mul3A_852, %add3A_1023 : i32
      %dma_start3A_1025 = arith.constant 2 : i32
      %dma_start3A_1026 = arith.constant 80 : i32
      %dma_start3A_1027 = arith.constant 0 : i32
      %dma_start3A_1028 = tpu.memref_slice %arg10[%dma_start3A_1026, %dma_start3A_1027] : memref<160x129xf32, #tpu.memory_space<vmem>> -> memref<8x128xf32, #tpu.memory_space<vmem>>
      %dma_start3A_1029 = arith.constant 0 : i32
      %dma_start3A_1030 = arith.constant 0 : i32
      %dma_start3A_1031 = tpu.memref_slice %arg4[%add3A_1024, %dma_start3A_1025, %add3A_834, %dma_start3A_1029, %dma_start3A_1030] : memref<50x4x128x8x128xf32, #tpu.memory_space<hbm>> -> memref<1x1x1x8x128xf32, #tpu.memory_space<hbm>>
      %dma_start3A_1032 = tpu.memref_squeeze %dma_start3A_1031 : memref<1x1x1x8x128xf32, #tpu.memory_space<hbm>> -> memref<8x128xf32, #tpu.memory_space<hbm>>
      %dma_start3A_1033 = arith.constant 0 : i32
      %dma_start3A_1034 = arith.constant 0 : i32
      %dma_start3A_1035 = tpu.memref_slice %arg4[%add3A_1024, %dma_start3A_1025, %add3A_834, %dma_start3A_1033, %dma_start3A_1034] : memref<50x4x128x8x128xf32, #tpu.memory_space<hbm>> -> memref<1x1x1x8x128xf32, #tpu.memory_space<hbm>>
      %dma_start3A_1036 = tpu.memref_squeeze %dma_start3A_1035 : memref<1x1x1x8x128xf32, #tpu.memory_space<hbm>> -> memref<8x128xf32, #tpu.memory_space<hbm>>
      %dma_start3A_1037 = arith.constant 80 : i32
      %dma_start3A_1038 = arith.constant 0 : i32
      %dma_start3A_1039 = tpu.memref_slice %arg10[%dma_start3A_1037, %dma_start3A_1038] : memref<160x129xf32, #tpu.memory_space<vmem>> -> memref<8x128xf32, #tpu.memory_space<vmem>>
      tpu.enqueue_dma source(%dma_start3A_1039 : memref<8x128xf32, #tpu.memory_space<vmem>>) target(%dma_start3A_1036 : memref<8x128xf32, #tpu.memory_space<hbm>>) target_semaphore(%arg13 : memref<!tpu.dma_semaphore, #tpu.memory_space<semaphore_mem>>)
      %add3A_1040 = arith.constant 2 : i32
      %add3A_1041 = arith.addi %mul3A_852, %add3A_1040 : i32
      %dma_start3A_1042 = arith.constant 3 : i32
      %dma_start3A_1043 = arith.constant 88 : i32
      %dma_start3A_1044 = arith.constant 0 : i32
      %dma_start3A_1045 = tpu.memref_slice %arg10[%dma_start3A_1043, %dma_start3A_1044] : memref<160x129xf32, #tpu.memory_space<vmem>> -> memref<8x128xf32, #tpu.memory_space<vmem>>
      %dma_start3A_1046 = arith.constant 0 : i32
      %dma_start3A_1047 = arith.constant 0 : i32
      %dma_start3A_1048 = tpu.memref_slice %arg4[%add3A_1041, %dma_start3A_1042, %add3A_834, %dma_start3A_1046, %dma_start3A_1047] : memref<50x4x128x8x128xf32, #tpu.memory_space<hbm>> -> memref<1x1x1x8x128xf32, #tpu.memory_space<hbm>>
      %dma_start3A_1049 = tpu.memref_squeeze %dma_start3A_1048 : memref<1x1x1x8x128xf32, #tpu.memory_space<hbm>> -> memref<8x128xf32, #tpu.memory_space<hbm>>
      %dma_start3A_1050 = arith.constant 0 : i32
      %dma_start3A_1051 = arith.constant 0 : i32
      %dma_start3A_1052 = tpu.memref_slice %arg4[%add3A_1041, %dma_start3A_1042, %add3A_834, %dma_start3A_1050, %dma_start3A_1051] : memref<50x4x128x8x128xf32, #tpu.memory_space<hbm>> -> memref<1x1x1x8x128xf32, #tpu.memory_space<hbm>>
      %dma_start3A_1053 = tpu.memref_squeeze %dma_start3A_1052 : memref<1x1x1x8x128xf32, #tpu.memory_space<hbm>> -> memref<8x128xf32, #tpu.memory_space<hbm>>
      %dma_start3A_1054 = arith.constant 88 : i32
      %dma_start3A_1055 = arith.constant 0 : i32
      %dma_start3A_1056 = tpu.memref_slice %arg10[%dma_start3A_1054, %dma_start3A_1055] : memref<160x129xf32, #tpu.memory_space<vmem>> -> memref<8x128xf32, #tpu.memory_space<vmem>>
      tpu.enqueue_dma source(%dma_start3A_1056 : memref<8x128xf32, #tpu.memory_space<vmem>>) target(%dma_start3A_1053 : memref<8x128xf32, #tpu.memory_space<hbm>>) target_semaphore(%arg13 : memref<!tpu.dma_semaphore, #tpu.memory_space<semaphore_mem>>)
      %add3A_1057 = arith.constant 3 : i32
      %add3A_1058 = arith.addi %mul3A_852, %add3A_1057 : i32
      %dma_start3A_1059 = arith.constant 0 : i32
      %dma_start3A_1060 = arith.constant 96 : i32
      %dma_start3A_1061 = arith.constant 0 : i32
      %dma_start3A_1062 = tpu.memref_slice %arg10[%dma_start3A_1060, %dma_start3A_1061] : memref<160x129xf32, #tpu.memory_space<vmem>> -> memref<8x128xf32, #tpu.memory_space<vmem>>
      %dma_start3A_1063 = arith.constant 0 : i32
      %dma_start3A_1064 = arith.constant 0 : i32
      %dma_start3A_1065 = tpu.memref_slice %arg4[%add3A_1058, %dma_start3A_1059, %add3A_834, %dma_start3A_1063, %dma_start3A_1064] : memref<50x4x128x8x128xf32, #tpu.memory_space<hbm>> -> memref<1x1x1x8x128xf32, #tpu.memory_space<hbm>>
      %dma_start3A_1066 = tpu.memref_squeeze %dma_start3A_1065 : memref<1x1x1x8x128xf32, #tpu.memory_space<hbm>> -> memref<8x128xf32, #tpu.memory_space<hbm>>
      %dma_start3A_1067 = arith.constant 0 : i32
      %dma_start3A_1068 = arith.constant 0 : i32
      %dma_start3A_1069 = tpu.memref_slice %arg4[%add3A_1058, %dma_start3A_1059, %add3A_834, %dma_start3A_1067, %dma_start3A_1068] : memref<50x4x128x8x128xf32, #tpu.memory_space<hbm>> -> memref<1x1x1x8x128xf32, #tpu.memory_space<hbm>>
      %dma_start3A_1070 = tpu.memref_squeeze %dma_start3A_1069 : memref<1x1x1x8x128xf32, #tpu.memory_space<hbm>> -> memref<8x128xf32, #tpu.memory_space<hbm>>
      %dma_start3A_1071 = arith.constant 96 : i32
      %dma_start3A_1072 = arith.constant 0 : i32
      %dma_start3A_1073 = tpu.memref_slice %arg10[%dma_start3A_1071, %dma_start3A_1072] : memref<160x129xf32, #tpu.memory_space<vmem>> -> memref<8x128xf32, #tpu.memory_space<vmem>>
      tpu.enqueue_dma source(%dma_start3A_1073 : memref<8x128xf32, #tpu.memory_space<vmem>>) target(%dma_start3A_1070 : memref<8x128xf32, #tpu.memory_space<hbm>>) target_semaphore(%arg13 : memref<!tpu.dma_semaphore, #tpu.memory_space<semaphore_mem>>)
      %add3A_1074 = arith.constant 3 : i32
      %add3A_1075 = arith.addi %mul3A_852, %add3A_1074 : i32
      %dma_start3A_1076 = arith.constant 1 : i32
      %dma_start3A_1077 = arith.constant 104 : i32
      %dma_start3A_1078 = arith.constant 0 : i32
      %dma_start3A_1079 = tpu.memref_slice %arg10[%dma_start3A_1077, %dma_start3A_1078] : memref<160x129xf32, #tpu.memory_space<vmem>> -> memref<8x128xf32, #tpu.memory_space<vmem>>
      %dma_start3A_1080 = arith.constant 0 : i32
      %dma_start3A_1081 = arith.constant 0 : i32
      %dma_start3A_1082 = tpu.memref_slice %arg4[%add3A_1075, %dma_start3A_1076, %add3A_834, %dma_start3A_1080, %dma_start3A_1081] : memref<50x4x128x8x128xf32, #tpu.memory_space<hbm>> -> memref<1x1x1x8x128xf32, #tpu.memory_space<hbm>>
      %dma_start3A_1083 = tpu.memref_squeeze %dma_start3A_1082 : memref<1x1x1x8x128xf32, #tpu.memory_space<hbm>> -> memref<8x128xf32, #tpu.memory_space<hbm>>
      %dma_start3A_1084 = arith.constant 0 : i32
      %dma_start3A_1085 = arith.constant 0 : i32
      %dma_start3A_1086 = tpu.memref_slice %arg4[%add3A_1075, %dma_start3A_1076, %add3A_834, %dma_start3A_1084, %dma_start3A_1085] : memref<50x4x128x8x128xf32, #tpu.memory_space<hbm>> -> memref<1x1x1x8x128xf32, #tpu.memory_space<hbm>>
      %dma_start3A_1087 = tpu.memref_squeeze %dma_start3A_1086 : memref<1x1x1x8x128xf32, #tpu.memory_space<hbm>> -> memref<8x128xf32, #tpu.memory_space<hbm>>
      %dma_start3A_1088 = arith.constant 104 : i32
      %dma_start3A_1089 = arith.constant 0 : i32
      %dma_start3A_1090 = tpu.memref_slice %arg10[%dma_start3A_1088, %dma_start3A_1089] : memref<160x129xf32, #tpu.memory_space<vmem>> -> memref<8x128xf32, #tpu.memory_space<vmem>>
      tpu.enqueue_dma source(%dma_start3A_1090 : memref<8x128xf32, #tpu.memory_space<vmem>>) target(%dma_start3A_1087 : memref<8x128xf32, #tpu.memory_space<hbm>>) target_semaphore(%arg13 : memref<!tpu.dma_semaphore, #tpu.memory_space<semaphore_mem>>)
      %add3A_1091 = arith.constant 3 : i32
      %add3A_1092 = arith.addi %mul3A_852, %add3A_1091 : i32
      %dma_start3A_1093 = arith.constant 2 : i32
      %dma_start3A_1094 = arith.constant 112 : i32
      %dma_start3A_1095 = arith.constant 0 : i32
      %dma_start3A_1096 = tpu.memref_slice %arg10[%dma_start3A_1094, %dma_start3A_1095] : memref<160x129xf32, #tpu.memory_space<vmem>> -> memref<8x128xf32, #tpu.memory_space<vmem>>
      %dma_start3A_1097 = arith.constant 0 : i32
      %dma_start3A_1098 = arith.constant 0 : i32
      %dma_start3A_1099 = tpu.memref_slice %arg4[%add3A_1092, %dma_start3A_1093, %add3A_834, %dma_start3A_1097, %dma_start3A_1098] : memref<50x4x128x8x128xf32, #tpu.memory_space<hbm>> -> memref<1x1x1x8x128xf32, #tpu.memory_space<hbm>>
      %dma_start3A_1100 = tpu.memref_squeeze %dma_start3A_1099 : memref<1x1x1x8x128xf32, #tpu.memory_space<hbm>> -> memref<8x128xf32, #tpu.memory_space<hbm>>
      %dma_start3A_1101 = arith.constant 0 : i32
      %dma_start3A_1102 = arith.constant 0 : i32
      %dma_start3A_1103 = tpu.memref_slice %arg4[%add3A_1092, %dma_start3A_1093, %add3A_834, %dma_start3A_1101, %dma_start3A_1102] : memref<50x4x128x8x128xf32, #tpu.memory_space<hbm>> -> memref<1x1x1x8x128xf32, #tpu.memory_space<hbm>>
      %dma_start3A_1104 = tpu.memref_squeeze %dma_start3A_1103 : memref<1x1x1x8x128xf32, #tpu.memory_space<hbm>> -> memref<8x128xf32, #tpu.memory_space<hbm>>
      %dma_start3A_1105 = arith.constant 112 : i32
      %dma_start3A_1106 = arith.constant 0 : i32
      %dma_start3A_1107 = tpu.memref_slice %arg10[%dma_start3A_1105, %dma_start3A_1106] : memref<160x129xf32, #tpu.memory_space<vmem>> -> memref<8x128xf32, #tpu.memory_space<vmem>>
      tpu.enqueue_dma source(%dma_start3A_1107 : memref<8x128xf32, #tpu.memory_space<vmem>>) target(%dma_start3A_1104 : memref<8x128xf32, #tpu.memory_space<hbm>>) target_semaphore(%arg13 : memref<!tpu.dma_semaphore, #tpu.memory_space<semaphore_mem>>)
      %add3A_1108 = arith.constant 3 : i32
      %add3A_1109 = arith.addi %mul3A_852, %add3A_1108 : i32
      %dma_start3A_1110 = arith.constant 3 : i32
      %dma_start3A_1111 = arith.constant 120 : i32
      %dma_start3A_1112 = arith.constant 0 : i32
      %dma_start3A_1113 = tpu.memref_slice %arg10[%dma_start3A_1111, %dma_start3A_1112] : memref<160x129xf32, #tpu.memory_space<vmem>> -> memref<8x128xf32, #tpu.memory_space<vmem>>
      %dma_start3A_1114 = arith.constant 0 : i32
      %dma_start3A_1115 = arith.constant 0 : i32
      %dma_start3A_1116 = tpu.memref_slice %arg4[%add3A_1109, %dma_start3A_1110, %add3A_834, %dma_start3A_1114, %dma_start3A_1115] : memref<50x4x128x8x128xf32, #tpu.memory_space<hbm>> -> memref<1x1x1x8x128xf32, #tpu.memory_space<hbm>>
      %dma_start3A_1117 = tpu.memref_squeeze %dma_start3A_1116 : memref<1x1x1x8x128xf32, #tpu.memory_space<hbm>> -> memref<8x128xf32, #tpu.memory_space<hbm>>
      %dma_start3A_1118 = arith.constant 0 : i32
      %dma_start3A_1119 = arith.constant 0 : i32
      %dma_start3A_1120 = tpu.memref_slice %arg4[%add3A_1109, %dma_start3A_1110, %add3A_834, %dma_start3A_1118, %dma_start3A_1119] : memref<50x4x128x8x128xf32, #tpu.memory_space<hbm>> -> memref<1x1x1x8x128xf32, #tpu.memory_space<hbm>>
      %dma_start3A_1121 = tpu.memref_squeeze %dma_start3A_1120 : memref<1x1x1x8x128xf32, #tpu.memory_space<hbm>> -> memref<8x128xf32, #tpu.memory_space<hbm>>
      %dma_start3A_1122 = arith.constant 120 : i32
      %dma_start3A_1123 = arith.constant 0 : i32
      %dma_start3A_1124 = tpu.memref_slice %arg10[%dma_start3A_1122, %dma_start3A_1123] : memref<160x129xf32, #tpu.memory_space<vmem>> -> memref<8x128xf32, #tpu.memory_space<vmem>>
      tpu.enqueue_dma source(%dma_start3A_1124 : memref<8x128xf32, #tpu.memory_space<vmem>>) target(%dma_start3A_1121 : memref<8x128xf32, #tpu.memory_space<hbm>>) target_semaphore(%arg13 : memref<!tpu.dma_semaphore, #tpu.memory_space<semaphore_mem>>)
      %add3A_1125 = arith.constant 4 : i32
      %add3A_1126 = arith.addi %mul3A_852, %add3A_1125 : i32
      %dma_start3A_1127 = arith.constant 0 : i32
      %dma_start3A_1128 = arith.constant 128 : i32
      %dma_start3A_1129 = arith.constant 0 : i32
      %dma_start3A_1130 = tpu.memref_slice %arg10[%dma_start3A_1128, %dma_start3A_1129] : memref<160x129xf32, #tpu.memory_space<vmem>> -> memref<8x128xf32, #tpu.memory_space<vmem>>
      %dma_start3A_1131 = arith.constant 0 : i32
      %dma_start3A_1132 = arith.constant 0 : i32
      %dma_start3A_1133 = tpu.memref_slice %arg4[%add3A_1126, %dma_start3A_1127, %add3A_834, %dma_start3A_1131, %dma_start3A_1132] : memref<50x4x128x8x128xf32, #tpu.memory_space<hbm>> -> memref<1x1x1x8x128xf32, #tpu.memory_space<hbm>>
      %dma_start3A_1134 = tpu.memref_squeeze %dma_start3A_1133 : memref<1x1x1x8x128xf32, #tpu.memory_space<hbm>> -> memref<8x128xf32, #tpu.memory_space<hbm>>
      %dma_start3A_1135 = arith.constant 0 : i32
      %dma_start3A_1136 = arith.constant 0 : i32
      %dma_start3A_1137 = tpu.memref_slice %arg4[%add3A_1126, %dma_start3A_1127, %add3A_834, %dma_start3A_1135, %dma_start3A_1136] : memref<50x4x128x8x128xf32, #tpu.memory_space<hbm>> -> memref<1x1x1x8x128xf32, #tpu.memory_space<hbm>>
      %dma_start3A_1138 = tpu.memref_squeeze %dma_start3A_1137 : memref<1x1x1x8x128xf32, #tpu.memory_space<hbm>> -> memref<8x128xf32, #tpu.memory_space<hbm>>
      %dma_start3A_1139 = arith.constant 128 : i32
      %dma_start3A_1140 = arith.constant 0 : i32
      %dma_start3A_1141 = tpu.memref_slice %arg10[%dma_start3A_1139, %dma_start3A_1140] : memref<160x129xf32, #tpu.memory_space<vmem>> -> memref<8x128xf32, #tpu.memory_space<vmem>>
      tpu.enqueue_dma source(%dma_start3A_1141 : memref<8x128xf32, #tpu.memory_space<vmem>>) target(%dma_start3A_1138 : memref<8x128xf32, #tpu.memory_space<hbm>>) target_semaphore(%arg13 : memref<!tpu.dma_semaphore, #tpu.memory_space<semaphore_mem>>)
      %add3A_1142 = arith.constant 4 : i32
      %add3A_1143 = arith.addi %mul3A_852, %add3A_1142 : i32
      %dma_start3A_1144 = arith.constant 1 : i32
      %dma_start3A_1145 = arith.constant 136 : i32
      %dma_start3A_1146 = arith.constant 0 : i32
      %dma_start3A_1147 = tpu.memref_slice %arg10[%dma_start3A_1145, %dma_start3A_1146] : memref<160x129xf32, #tpu.memory_space<vmem>> -> memref<8x128xf32, #tpu.memory_space<vmem>>
      %dma_start3A_1148 = arith.constant 0 : i32
      %dma_start3A_1149 = arith.constant 0 : i32
      %dma_start3A_1150 = tpu.memref_slice %arg4[%add3A_1143, %dma_start3A_1144, %add3A_834, %dma_start3A_1148, %dma_start3A_1149] : memref<50x4x128x8x128xf32, #tpu.memory_space<hbm>> -> memref<1x1x1x8x128xf32, #tpu.memory_space<hbm>>
      %dma_start3A_1151 = tpu.memref_squeeze %dma_start3A_1150 : memref<1x1x1x8x128xf32, #tpu.memory_space<hbm>> -> memref<8x128xf32, #tpu.memory_space<hbm>>
      %dma_start3A_1152 = arith.constant 0 : i32
      %dma_start3A_1153 = arith.constant 0 : i32
      %dma_start3A_1154 = tpu.memref_slice %arg4[%add3A_1143, %dma_start3A_1144, %add3A_834, %dma_start3A_1152, %dma_start3A_1153] : memref<50x4x128x8x128xf32, #tpu.memory_space<hbm>> -> memref<1x1x1x8x128xf32, #tpu.memory_space<hbm>>
      %dma_start3A_1155 = tpu.memref_squeeze %dma_start3A_1154 : memref<1x1x1x8x128xf32, #tpu.memory_space<hbm>> -> memref<8x128xf32, #tpu.memory_space<hbm>>
      %dma_start3A_1156 = arith.constant 136 : i32
      %dma_start3A_1157 = arith.constant 0 : i32
      %dma_start3A_1158 = tpu.memref_slice %arg10[%dma_start3A_1156, %dma_start3A_1157] : memref<160x129xf32, #tpu.memory_space<vmem>> -> memref<8x128xf32, #tpu.memory_space<vmem>>
      tpu.enqueue_dma source(%dma_start3A_1158 : memref<8x128xf32, #tpu.memory_space<vmem>>) target(%dma_start3A_1155 : memref<8x128xf32, #tpu.memory_space<hbm>>) target_semaphore(%arg13 : memref<!tpu.dma_semaphore, #tpu.memory_space<semaphore_mem>>)
      %add3A_1159 = arith.constant 4 : i32
      %add3A_1160 = arith.addi %mul3A_852, %add3A_1159 : i32
      %dma_start3A_1161 = arith.constant 2 : i32
      %dma_start3A_1162 = arith.constant 144 : i32
      %dma_start3A_1163 = arith.constant 0 : i32
      %dma_start3A_1164 = tpu.memref_slice %arg10[%dma_start3A_1162, %dma_start3A_1163] : memref<160x129xf32, #tpu.memory_space<vmem>> -> memref<8x128xf32, #tpu.memory_space<vmem>>
      %dma_start3A_1165 = arith.constant 0 : i32
      %dma_start3A_1166 = arith.constant 0 : i32
      %dma_start3A_1167 = tpu.memref_slice %arg4[%add3A_1160, %dma_start3A_1161, %add3A_834, %dma_start3A_1165, %dma_start3A_1166] : memref<50x4x128x8x128xf32, #tpu.memory_space<hbm>> -> memref<1x1x1x8x128xf32, #tpu.memory_space<hbm>>
      %dma_start3A_1168 = tpu.memref_squeeze %dma_start3A_1167 : memref<1x1x1x8x128xf32, #tpu.memory_space<hbm>> -> memref<8x128xf32, #tpu.memory_space<hbm>>
      %dma_start3A_1169 = arith.constant 0 : i32
      %dma_start3A_1170 = arith.constant 0 : i32
      %dma_start3A_1171 = tpu.memref_slice %arg4[%add3A_1160, %dma_start3A_1161, %add3A_834, %dma_start3A_1169, %dma_start3A_1170] : memref<50x4x128x8x128xf32, #tpu.memory_space<hbm>> -> memref<1x1x1x8x128xf32, #tpu.memory_space<hbm>>
      %dma_start3A_1172 = tpu.memref_squeeze %dma_start3A_1171 : memref<1x1x1x8x128xf32, #tpu.memory_space<hbm>> -> memref<8x128xf32, #tpu.memory_space<hbm>>
      %dma_start3A_1173 = arith.constant 144 : i32
      %dma_start3A_1174 = arith.constant 0 : i32
      %dma_start3A_1175 = tpu.memref_slice %arg10[%dma_start3A_1173, %dma_start3A_1174] : memref<160x129xf32, #tpu.memory_space<vmem>> -> memref<8x128xf32, #tpu.memory_space<vmem>>
      tpu.enqueue_dma source(%dma_start3A_1175 : memref<8x128xf32, #tpu.memory_space<vmem>>) target(%dma_start3A_1172 : memref<8x128xf32, #tpu.memory_space<hbm>>) target_semaphore(%arg13 : memref<!tpu.dma_semaphore, #tpu.memory_space<semaphore_mem>>)
      %add3A_1176 = arith.constant 4 : i32
      %add3A_1177 = arith.addi %mul3A_852, %add3A_1176 : i32
      %dma_start3A_1178 = arith.constant 3 : i32
      %dma_start3A_1179 = arith.constant 152 : i32
      %dma_start3A_1180 = arith.constant 0 : i32
      %dma_start3A_1181 = tpu.memref_slice %arg10[%dma_start3A_1179, %dma_start3A_1180] : memref<160x129xf32, #tpu.memory_space<vmem>> -> memref<8x128xf32, #tpu.memory_space<vmem>>
      %dma_start3A_1182 = arith.constant 0 : i32
      %dma_start3A_1183 = arith.constant 0 : i32
      %dma_start3A_1184 = tpu.memref_slice %arg4[%add3A_1177, %dma_start3A_1178, %add3A_834, %dma_start3A_1182, %dma_start3A_1183] : memref<50x4x128x8x128xf32, #tpu.memory_space<hbm>> -> memref<1x1x1x8x128xf32, #tpu.memory_space<hbm>>
      %dma_start3A_1185 = tpu.memref_squeeze %dma_start3A_1184 : memref<1x1x1x8x128xf32, #tpu.memory_space<hbm>> -> memref<8x128xf32, #tpu.memory_space<hbm>>
      %dma_start3A_1186 = arith.constant 0 : i32
      %dma_start3A_1187 = arith.constant 0 : i32
      %dma_start3A_1188 = tpu.memref_slice %arg4[%add3A_1177, %dma_start3A_1178, %add3A_834, %dma_start3A_1186, %dma_start3A_1187] : memref<50x4x128x8x128xf32, #tpu.memory_space<hbm>> -> memref<1x1x1x8x128xf32, #tpu.memory_space<hbm>>
      %dma_start3A_1189 = tpu.memref_squeeze %dma_start3A_1188 : memref<1x1x1x8x128xf32, #tpu.memory_space<hbm>> -> memref<8x128xf32, #tpu.memory_space<hbm>>
      %dma_start3A_1190 = arith.constant 152 : i32
      %dma_start3A_1191 = arith.constant 0 : i32
      %dma_start3A_1192 = tpu.memref_slice %arg10[%dma_start3A_1190, %dma_start3A_1191] : memref<160x129xf32, #tpu.memory_space<vmem>> -> memref<8x128xf32, #tpu.memory_space<vmem>>
      tpu.enqueue_dma source(%dma_start3A_1192 : memref<8x128xf32, #tpu.memory_space<vmem>>) target(%dma_start3A_1189 : memref<8x128xf32, #tpu.memory_space<hbm>>) target_semaphore(%arg13 : memref<!tpu.dma_semaphore, #tpu.memory_space<semaphore_mem>>)
    }
    %scan3A_19 = arith.constant 20 : i32
    %mul3A_20 = arith.constant 4 : i32
    %mul3A_21 = arith.muli %add3A, %mul3A_20 : i32
    %add3A_22 = arith.constant 3 : i32
    %add3A_23 = arith.addi %mul3A_21, %add3A_22 : i32
    %dma_wait3A = arith.constant 45 : i32
    %dma_wait3A_24 = arith.constant 0 : i32
    %dma_wait3A_25 = arith.constant 0 : i32
    %dma_wait3A_26 = arith.constant 0 : i32
    %dma_wait3A_27 = tpu.memref_slice %arg10[%dma_wait3A_25, %dma_wait3A_26] : memref<160x129xf32, #tpu.memory_space<vmem>> -> memref<8x128xf32, #tpu.memory_space<vmem>>
    %dma_wait3A_28 = arith.constant 0 : i32
    %dma_wait3A_29 = arith.constant 0 : i32
    %dma_wait3A_30 = tpu.memref_slice %arg4[%dma_wait3A, %dma_wait3A_24, %add3A_23, %dma_wait3A_28, %dma_wait3A_29] : memref<50x4x128x8x128xf32, #tpu.memory_space<hbm>> -> memref<1x1x1x8x128xf32, #tpu.memory_space<hbm>>
    %dma_wait3A_31 = tpu.memref_squeeze %dma_wait3A_30 : memref<1x1x1x8x128xf32, #tpu.memory_space<hbm>> -> memref<8x128xf32, #tpu.memory_space<hbm>>
    %dma_wait3A_32 = arith.constant 0 : i32
    %dma_wait3A_33 = arith.constant 0 : i32
    %dma_wait3A_34 = tpu.memref_slice %arg4[%dma_wait3A, %dma_wait3A_24, %add3A_23, %dma_wait3A_32, %dma_wait3A_33] : memref<50x4x128x8x128xf32, #tpu.memory_space<hbm>> -> memref<1x1x1x8x128xf32, #tpu.memory_space<hbm>>
    %dma_wait3A_35 = tpu.memref_squeeze %dma_wait3A_34 : memref<1x1x1x8x128xf32, #tpu.memory_space<hbm>> -> memref<8x128xf32, #tpu.memory_space<hbm>>
    %dma_wait3A_36 = arith.constant 0 : i32
    %dma_wait3A_37 = arith.constant 0 : i32
    %dma_wait3A_38 = tpu.memref_slice %arg10[%dma_wait3A_36, %dma_wait3A_37] : memref<160x129xf32, #tpu.memory_space<vmem>> -> memref<8x128xf32, #tpu.memory_space<vmem>>
    tpu.wait_dma2 semaphore(%arg13 : memref<!tpu.dma_semaphore, #tpu.memory_space<semaphore_mem>>) src(%dma_wait3A_38 : memref<8x128xf32, #tpu.memory_space<vmem>>) dst(%dma_wait3A_35 : memref<8x128xf32, #tpu.memory_space<hbm>>)
    %dma_wait3A_39 = arith.constant 45 : i32
    %dma_wait3A_40 = arith.constant 1 : i32
    %dma_wait3A_41 = arith.constant 8 : i32
    %dma_wait3A_42 = arith.constant 0 : i32
    %dma_wait3A_43 = tpu.memref_slice %arg10[%dma_wait3A_41, %dma_wait3A_42] : memref<160x129xf32, #tpu.memory_space<vmem>> -> memref<8x128xf32, #tpu.memory_space<vmem>>
    %dma_wait3A_44 = arith.constant 0 : i32
    %dma_wait3A_45 = arith.constant 0 : i32
    %dma_wait3A_46 = tpu.memref_slice %arg4[%dma_wait3A_39, %dma_wait3A_40, %add3A_23, %dma_wait3A_44, %dma_wait3A_45] : memref<50x4x128x8x128xf32, #tpu.memory_space<hbm>> -> memref<1x1x1x8x128xf32, #tpu.memory_space<hbm>>
    %dma_wait3A_47 = tpu.memref_squeeze %dma_wait3A_46 : memref<1x1x1x8x128xf32, #tpu.memory_space<hbm>> -> memref<8x128xf32, #tpu.memory_space<hbm>>
    %dma_wait3A_48 = arith.constant 0 : i32
    %dma_wait3A_49 = arith.constant 0 : i32
    %dma_wait3A_50 = tpu.memref_slice %arg4[%dma_wait3A_39, %dma_wait3A_40, %add3A_23, %dma_wait3A_48, %dma_wait3A_49] : memref<50x4x128x8x128xf32, #tpu.memory_space<hbm>> -> memref<1x1x1x8x128xf32, #tpu.memory_space<hbm>>
    %dma_wait3A_51 = tpu.memref_squeeze %dma_wait3A_50 : memref<1x1x1x8x128xf32, #tpu.memory_space<hbm>> -> memref<8x128xf32, #tpu.memory_space<hbm>>
    %dma_wait3A_52 = arith.constant 8 : i32
    %dma_wait3A_53 = arith.constant 0 : i32
    %dma_wait3A_54 = tpu.memref_slice %arg10[%dma_wait3A_52, %dma_wait3A_53] : memref<160x129xf32, #tpu.memory_space<vmem>> -> memref<8x128xf32, #tpu.memory_space<vmem>>
    tpu.wait_dma2 semaphore(%arg13 : memref<!tpu.dma_semaphore, #tpu.memory_space<semaphore_mem>>) src(%dma_wait3A_54 : memref<8x128xf32, #tpu.memory_space<vmem>>) dst(%dma_wait3A_51 : memref<8x128xf32, #tpu.memory_space<hbm>>)
    %dma_wait3A_55 = arith.constant 45 : i32
    %dma_wait3A_56 = arith.constant 2 : i32
    %dma_wait3A_57 = arith.constant 16 : i32
    %dma_wait3A_58 = arith.constant 0 : i32
    %dma_wait3A_59 = tpu.memref_slice %arg10[%dma_wait3A_57, %dma_wait3A_58] : memref<160x129xf32, #tpu.memory_space<vmem>> -> memref<8x128xf32, #tpu.memory_space<vmem>>
    %dma_wait3A_60 = arith.constant 0 : i32
    %dma_wait3A_61 = arith.constant 0 : i32
    %dma_wait3A_62 = tpu.memref_slice %arg4[%dma_wait3A_55, %dma_wait3A_56, %add3A_23, %dma_wait3A_60, %dma_wait3A_61] : memref<50x4x128x8x128xf32, #tpu.memory_space<hbm>> -> memref<1x1x1x8x128xf32, #tpu.memory_space<hbm>>
    %dma_wait3A_63 = tpu.memref_squeeze %dma_wait3A_62 : memref<1x1x1x8x128xf32, #tpu.memory_space<hbm>> -> memref<8x128xf32, #tpu.memory_space<hbm>>
    %dma_wait3A_64 = arith.constant 0 : i32
    %dma_wait3A_65 = arith.constant 0 : i32
    %dma_wait3A_66 = tpu.memref_slice %arg4[%dma_wait3A_55, %dma_wait3A_56, %add3A_23, %dma_wait3A_64, %dma_wait3A_65] : memref<50x4x128x8x128xf32, #tpu.memory_space<hbm>> -> memref<1x1x1x8x128xf32, #tpu.memory_space<hbm>>
    %dma_wait3A_67 = tpu.memref_squeeze %dma_wait3A_66 : memref<1x1x1x8x128xf32, #tpu.memory_space<hbm>> -> memref<8x128xf32, #tpu.memory_space<hbm>>
    %dma_wait3A_68 = arith.constant 16 : i32
    %dma_wait3A_69 = arith.constant 0 : i32
    %dma_wait3A_70 = tpu.memref_slice %arg10[%dma_wait3A_68, %dma_wait3A_69] : memref<160x129xf32, #tpu.memory_space<vmem>> -> memref<8x128xf32, #tpu.memory_space<vmem>>
    tpu.wait_dma2 semaphore(%arg13 : memref<!tpu.dma_semaphore, #tpu.memory_space<semaphore_mem>>) src(%dma_wait3A_70 : memref<8x128xf32, #tpu.memory_space<vmem>>) dst(%dma_wait3A_67 : memref<8x128xf32, #tpu.memory_space<hbm>>)
    %dma_wait3A_71 = arith.constant 45 : i32
    %dma_wait3A_72 = arith.constant 3 : i32
    %dma_wait3A_73 = arith.constant 24 : i32
    %dma_wait3A_74 = arith.constant 0 : i32
    %dma_wait3A_75 = tpu.memref_slice %arg10[%dma_wait3A_73, %dma_wait3A_74] : memref<160x129xf32, #tpu.memory_space<vmem>> -> memref<8x128xf32, #tpu.memory_space<vmem>>
    %dma_wait3A_76 = arith.constant 0 : i32
    %dma_wait3A_77 = arith.constant 0 : i32
    %dma_wait3A_78 = tpu.memref_slice %arg4[%dma_wait3A_71, %dma_wait3A_72, %add3A_23, %dma_wait3A_76, %dma_wait3A_77] : memref<50x4x128x8x128xf32, #tpu.memory_space<hbm>> -> memref<1x1x1x8x128xf32, #tpu.memory_space<hbm>>
    %dma_wait3A_79 = tpu.memref_squeeze %dma_wait3A_78 : memref<1x1x1x8x128xf32, #tpu.memory_space<hbm>> -> memref<8x128xf32, #tpu.memory_space<hbm>>
    %dma_wait3A_80 = arith.constant 0 : i32
    %dma_wait3A_81 = arith.constant 0 : i32
    %dma_wait3A_82 = tpu.memref_slice %arg4[%dma_wait3A_71, %dma_wait3A_72, %add3A_23, %dma_wait3A_80, %dma_wait3A_81] : memref<50x4x128x8x128xf32, #tpu.memory_space<hbm>> -> memref<1x1x1x8x128xf32, #tpu.memory_space<hbm>>
    %dma_wait3A_83 = tpu.memref_squeeze %dma_wait3A_82 : memref<1x1x1x8x128xf32, #tpu.memory_space<hbm>> -> memref<8x128xf32, #tpu.memory_space<hbm>>
    %dma_wait3A_84 = arith.constant 24 : i32
    %dma_wait3A_85 = arith.constant 0 : i32
    %dma_wait3A_86 = tpu.memref_slice %arg10[%dma_wait3A_84, %dma_wait3A_85] : memref<160x129xf32, #tpu.memory_space<vmem>> -> memref<8x128xf32, #tpu.memory_space<vmem>>
    tpu.wait_dma2 semaphore(%arg13 : memref<!tpu.dma_semaphore, #tpu.memory_space<semaphore_mem>>) src(%dma_wait3A_86 : memref<8x128xf32, #tpu.memory_space<vmem>>) dst(%dma_wait3A_83 : memref<8x128xf32, #tpu.memory_space<hbm>>)
    %dma_wait3A_87 = arith.constant 46 : i32
    %dma_wait3A_88 = arith.constant 0 : i32
    %dma_wait3A_89 = arith.constant 32 : i32
    %dma_wait3A_90 = arith.constant 0 : i32
    %dma_wait3A_91 = tpu.memref_slice %arg10[%dma_wait3A_89, %dma_wait3A_90] : memref<160x129xf32, #tpu.memory_space<vmem>> -> memref<8x128xf32, #tpu.memory_space<vmem>>
    %dma_wait3A_92 = arith.constant 0 : i32
    %dma_wait3A_93 = arith.constant 0 : i32
    %dma_wait3A_94 = tpu.memref_slice %arg4[%dma_wait3A_87, %dma_wait3A_88, %add3A_23, %dma_wait3A_92, %dma_wait3A_93] : memref<50x4x128x8x128xf32, #tpu.memory_space<hbm>> -> memref<1x1x1x8x128xf32, #tpu.memory_space<hbm>>
    %dma_wait3A_95 = tpu.memref_squeeze %dma_wait3A_94 : memref<1x1x1x8x128xf32, #tpu.memory_space<hbm>> -> memref<8x128xf32, #tpu.memory_space<hbm>>
    %dma_wait3A_96 = arith.constant 0 : i32
    %dma_wait3A_97 = arith.constant 0 : i32
    %dma_wait3A_98 = tpu.memref_slice %arg4[%dma_wait3A_87, %dma_wait3A_88, %add3A_23, %dma_wait3A_96, %dma_wait3A_97] : memref<50x4x128x8x128xf32, #tpu.memory_space<hbm>> -> memref<1x1x1x8x128xf32, #tpu.memory_space<hbm>>
    %dma_wait3A_99 = tpu.memref_squeeze %dma_wait3A_98 : memref<1x1x1x8x128xf32, #tpu.memory_space<hbm>> -> memref<8x128xf32, #tpu.memory_space<hbm>>
    %dma_wait3A_100 = arith.constant 32 : i32
    %dma_wait3A_101 = arith.constant 0 : i32
    %dma_wait3A_102 = tpu.memref_slice %arg10[%dma_wait3A_100, %dma_wait3A_101] : memref<160x129xf32, #tpu.memory_space<vmem>> -> memref<8x128xf32, #tpu.memory_space<vmem>>
    tpu.wait_dma2 semaphore(%arg13 : memref<!tpu.dma_semaphore, #tpu.memory_space<semaphore_mem>>) src(%dma_wait3A_102 : memref<8x128xf32, #tpu.memory_space<vmem>>) dst(%dma_wait3A_99 : memref<8x128xf32, #tpu.memory_space<hbm>>)
    %dma_wait3A_103 = arith.constant 46 : i32
    %dma_wait3A_104 = arith.constant 1 : i32
    %dma_wait3A_105 = arith.constant 40 : i32
    %dma_wait3A_106 = arith.constant 0 : i32
    %dma_wait3A_107 = tpu.memref_slice %arg10[%dma_wait3A_105, %dma_wait3A_106] : memref<160x129xf32, #tpu.memory_space<vmem>> -> memref<8x128xf32, #tpu.memory_space<vmem>>
    %dma_wait3A_108 = arith.constant 0 : i32
    %dma_wait3A_109 = arith.constant 0 : i32
    %dma_wait3A_110 = tpu.memref_slice %arg4[%dma_wait3A_103, %dma_wait3A_104, %add3A_23, %dma_wait3A_108, %dma_wait3A_109] : memref<50x4x128x8x128xf32, #tpu.memory_space<hbm>> -> memref<1x1x1x8x128xf32, #tpu.memory_space<hbm>>
    %dma_wait3A_111 = tpu.memref_squeeze %dma_wait3A_110 : memref<1x1x1x8x128xf32, #tpu.memory_space<hbm>> -> memref<8x128xf32, #tpu.memory_space<hbm>>
    %dma_wait3A_112 = arith.constant 0 : i32
    %dma_wait3A_113 = arith.constant 0 : i32
    %dma_wait3A_114 = tpu.memref_slice %arg4[%dma_wait3A_103, %dma_wait3A_104, %add3A_23, %dma_wait3A_112, %dma_wait3A_113] : memref<50x4x128x8x128xf32, #tpu.memory_space<hbm>> -> memref<1x1x1x8x128xf32, #tpu.memory_space<hbm>>
    %dma_wait3A_115 = tpu.memref_squeeze %dma_wait3A_114 : memref<1x1x1x8x128xf32, #tpu.memory_space<hbm>> -> memref<8x128xf32, #tpu.memory_space<hbm>>
    %dma_wait3A_116 = arith.constant 40 : i32
    %dma_wait3A_117 = arith.constant 0 : i32
    %dma_wait3A_118 = tpu.memref_slice %arg10[%dma_wait3A_116, %dma_wait3A_117] : memref<160x129xf32, #tpu.memory_space<vmem>> -> memref<8x128xf32, #tpu.memory_space<vmem>>
    tpu.wait_dma2 semaphore(%arg13 : memref<!tpu.dma_semaphore, #tpu.memory_space<semaphore_mem>>) src(%dma_wait3A_118 : memref<8x128xf32, #tpu.memory_space<vmem>>) dst(%dma_wait3A_115 : memref<8x128xf32, #tpu.memory_space<hbm>>)
    %dma_wait3A_119 = arith.constant 46 : i32
    %dma_wait3A_120 = arith.constant 2 : i32
    %dma_wait3A_121 = arith.constant 48 : i32
    %dma_wait3A_122 = arith.constant 0 : i32
    %dma_wait3A_123 = tpu.memref_slice %arg10[%dma_wait3A_121, %dma_wait3A_122] : memref<160x129xf32, #tpu.memory_space<vmem>> -> memref<8x128xf32, #tpu.memory_space<vmem>>
    %dma_wait3A_124 = arith.constant 0 : i32
    %dma_wait3A_125 = arith.constant 0 : i32
    %dma_wait3A_126 = tpu.memref_slice %arg4[%dma_wait3A_119, %dma_wait3A_120, %add3A_23, %dma_wait3A_124, %dma_wait3A_125] : memref<50x4x128x8x128xf32, #tpu.memory_space<hbm>> -> memref<1x1x1x8x128xf32, #tpu.memory_space<hbm>>
    %dma_wait3A_127 = tpu.memref_squeeze %dma_wait3A_126 : memref<1x1x1x8x128xf32, #tpu.memory_space<hbm>> -> memref<8x128xf32, #tpu.memory_space<hbm>>
    %dma_wait3A_128 = arith.constant 0 : i32
    %dma_wait3A_129 = arith.constant 0 : i32
    %dma_wait3A_130 = tpu.memref_slice %arg4[%dma_wait3A_119, %dma_wait3A_120, %add3A_23, %dma_wait3A_128, %dma_wait3A_129] : memref<50x4x128x8x128xf32, #tpu.memory_space<hbm>> -> memref<1x1x1x8x128xf32, #tpu.memory_space<hbm>>
    %dma_wait3A_131 = tpu.memref_squeeze %dma_wait3A_130 : memref<1x1x1x8x128xf32, #tpu.memory_space<hbm>> -> memref<8x128xf32, #tpu.memory_space<hbm>>
    %dma_wait3A_132 = arith.constant 48 : i32
    %dma_wait3A_133 = arith.constant 0 : i32
    %dma_wait3A_134 = tpu.memref_slice %arg10[%dma_wait3A_132, %dma_wait3A_133] : memref<160x129xf32, #tpu.memory_space<vmem>> -> memref<8x128xf32, #tpu.memory_space<vmem>>
    tpu.wait_dma2 semaphore(%arg13 : memref<!tpu.dma_semaphore, #tpu.memory_space<semaphore_mem>>) src(%dma_wait3A_134 : memref<8x128xf32, #tpu.memory_space<vmem>>) dst(%dma_wait3A_131 : memref<8x128xf32, #tpu.memory_space<hbm>>)
    %dma_wait3A_135 = arith.constant 46 : i32
    %dma_wait3A_136 = arith.constant 3 : i32
    %dma_wait3A_137 = arith.constant 56 : i32
    %dma_wait3A_138 = arith.constant 0 : i32
    %dma_wait3A_139 = tpu.memref_slice %arg10[%dma_wait3A_137, %dma_wait3A_138] : memref<160x129xf32, #tpu.memory_space<vmem>> -> memref<8x128xf32, #tpu.memory_space<vmem>>
    %dma_wait3A_140 = arith.constant 0 : i32
    %dma_wait3A_141 = arith.constant 0 : i32
    %dma_wait3A_142 = tpu.memref_slice %arg4[%dma_wait3A_135, %dma_wait3A_136, %add3A_23, %dma_wait3A_140, %dma_wait3A_141] : memref<50x4x128x8x128xf32, #tpu.memory_space<hbm>> -> memref<1x1x1x8x128xf32, #tpu.memory_space<hbm>>
    %dma_wait3A_143 = tpu.memref_squeeze %dma_wait3A_142 : memref<1x1x1x8x128xf32, #tpu.memory_space<hbm>> -> memref<8x128xf32, #tpu.memory_space<hbm>>
    %dma_wait3A_144 = arith.constant 0 : i32
    %dma_wait3A_145 = arith.constant 0 : i32
    %dma_wait3A_146 = tpu.memref_slice %arg4[%dma_wait3A_135, %dma_wait3A_136, %add3A_23, %dma_wait3A_144, %dma_wait3A_145] : memref<50x4x128x8x128xf32, #tpu.memory_space<hbm>> -> memref<1x1x1x8x128xf32, #tpu.memory_space<hbm>>
    %dma_wait3A_147 = tpu.memref_squeeze %dma_wait3A_146 : memref<1x1x1x8x128xf32, #tpu.memory_space<hbm>> -> memref<8x128xf32, #tpu.memory_space<hbm>>
    %dma_wait3A_148 = arith.constant 56 : i32
    %dma_wait3A_149 = arith.constant 0 : i32
    %dma_wait3A_150 = tpu.memref_slice %arg10[%dma_wait3A_148, %dma_wait3A_149] : memref<160x129xf32, #tpu.memory_space<vmem>> -> memref<8x128xf32, #tpu.memory_space<vmem>>
    tpu.wait_dma2 semaphore(%arg13 : memref<!tpu.dma_semaphore, #tpu.memory_space<semaphore_mem>>) src(%dma_wait3A_150 : memref<8x128xf32, #tpu.memory_space<vmem>>) dst(%dma_wait3A_147 : memref<8x128xf32, #tpu.memory_space<hbm>>)
    %dma_wait3A_151 = arith.constant 47 : i32
    %dma_wait3A_152 = arith.constant 0 : i32
    %dma_wait3A_153 = arith.constant 64 : i32
    %dma_wait3A_154 = arith.constant 0 : i32
    %dma_wait3A_155 = tpu.memref_slice %arg10[%dma_wait3A_153, %dma_wait3A_154] : memref<160x129xf32, #tpu.memory_space<vmem>> -> memref<8x128xf32, #tpu.memory_space<vmem>>
    %dma_wait3A_156 = arith.constant 0 : i32
    %dma_wait3A_157 = arith.constant 0 : i32
    %dma_wait3A_158 = tpu.memref_slice %arg4[%dma_wait3A_151, %dma_wait3A_152, %add3A_23, %dma_wait3A_156, %dma_wait3A_157] : memref<50x4x128x8x128xf32, #tpu.memory_space<hbm>> -> memref<1x1x1x8x128xf32, #tpu.memory_space<hbm>>
    %dma_wait3A_159 = tpu.memref_squeeze %dma_wait3A_158 : memref<1x1x1x8x128xf32, #tpu.memory_space<hbm>> -> memref<8x128xf32, #tpu.memory_space<hbm>>
    %dma_wait3A_160 = arith.constant 0 : i32
    %dma_wait3A_161 = arith.constant 0 : i32
    %dma_wait3A_162 = tpu.memref_slice %arg4[%dma_wait3A_151, %dma_wait3A_152, %add3A_23, %dma_wait3A_160, %dma_wait3A_161] : memref<50x4x128x8x128xf32, #tpu.memory_space<hbm>> -> memref<1x1x1x8x128xf32, #tpu.memory_space<hbm>>
    %dma_wait3A_163 = tpu.memref_squeeze %dma_wait3A_162 : memref<1x1x1x8x128xf32, #tpu.memory_space<hbm>> -> memref<8x128xf32, #tpu.memory_space<hbm>>
    %dma_wait3A_164 = arith.constant 64 : i32
    %dma_wait3A_165 = arith.constant 0 : i32
    %dma_wait3A_166 = tpu.memref_slice %arg10[%dma_wait3A_164, %dma_wait3A_165] : memref<160x129xf32, #tpu.memory_space<vmem>> -> memref<8x128xf32, #tpu.memory_space<vmem>>
    tpu.wait_dma2 semaphore(%arg13 : memref<!tpu.dma_semaphore, #tpu.memory_space<semaphore_mem>>) src(%dma_wait3A_166 : memref<8x128xf32, #tpu.memory_space<vmem>>) dst(%dma_wait3A_163 : memref<8x128xf32, #tpu.memory_space<hbm>>)
    %dma_wait3A_167 = arith.constant 47 : i32
    %dma_wait3A_168 = arith.constant 1 : i32
    %dma_wait3A_169 = arith.constant 72 : i32
    %dma_wait3A_170 = arith.constant 0 : i32
    %dma_wait3A_171 = tpu.memref_slice %arg10[%dma_wait3A_169, %dma_wait3A_170] : memref<160x129xf32, #tpu.memory_space<vmem>> -> memref<8x128xf32, #tpu.memory_space<vmem>>
    %dma_wait3A_172 = arith.constant 0 : i32
    %dma_wait3A_173 = arith.constant 0 : i32
    %dma_wait3A_174 = tpu.memref_slice %arg4[%dma_wait3A_167, %dma_wait3A_168, %add3A_23, %dma_wait3A_172, %dma_wait3A_173] : memref<50x4x128x8x128xf32, #tpu.memory_space<hbm>> -> memref<1x1x1x8x128xf32, #tpu.memory_space<hbm>>
    %dma_wait3A_175 = tpu.memref_squeeze %dma_wait3A_174 : memref<1x1x1x8x128xf32, #tpu.memory_space<hbm>> -> memref<8x128xf32, #tpu.memory_space<hbm>>
    %dma_wait3A_176 = arith.constant 0 : i32
    %dma_wait3A_177 = arith.constant 0 : i32
    %dma_wait3A_178 = tpu.memref_slice %arg4[%dma_wait3A_167, %dma_wait3A_168, %add3A_23, %dma_wait3A_176, %dma_wait3A_177] : memref<50x4x128x8x128xf32, #tpu.memory_space<hbm>> -> memref<1x1x1x8x128xf32, #tpu.memory_space<hbm>>
    %dma_wait3A_179 = tpu.memref_squeeze %dma_wait3A_178 : memref<1x1x1x8x128xf32, #tpu.memory_space<hbm>> -> memref<8x128xf32, #tpu.memory_space<hbm>>
    %dma_wait3A_180 = arith.constant 72 : i32
    %dma_wait3A_181 = arith.constant 0 : i32
    %dma_wait3A_182 = tpu.memref_slice %arg10[%dma_wait3A_180, %dma_wait3A_181] : memref<160x129xf32, #tpu.memory_space<vmem>> -> memref<8x128xf32, #tpu.memory_space<vmem>>
    tpu.wait_dma2 semaphore(%arg13 : memref<!tpu.dma_semaphore, #tpu.memory_space<semaphore_mem>>) src(%dma_wait3A_182 : memref<8x128xf32, #tpu.memory_space<vmem>>) dst(%dma_wait3A_179 : memref<8x128xf32, #tpu.memory_space<hbm>>)
    %dma_wait3A_183 = arith.constant 47 : i32
    %dma_wait3A_184 = arith.constant 2 : i32
    %dma_wait3A_185 = arith.constant 80 : i32
    %dma_wait3A_186 = arith.constant 0 : i32
    %dma_wait3A_187 = tpu.memref_slice %arg10[%dma_wait3A_185, %dma_wait3A_186] : memref<160x129xf32, #tpu.memory_space<vmem>> -> memref<8x128xf32, #tpu.memory_space<vmem>>
    %dma_wait3A_188 = arith.constant 0 : i32
    %dma_wait3A_189 = arith.constant 0 : i32
    %dma_wait3A_190 = tpu.memref_slice %arg4[%dma_wait3A_183, %dma_wait3A_184, %add3A_23, %dma_wait3A_188, %dma_wait3A_189] : memref<50x4x128x8x128xf32, #tpu.memory_space<hbm>> -> memref<1x1x1x8x128xf32, #tpu.memory_space<hbm>>
    %dma_wait3A_191 = tpu.memref_squeeze %dma_wait3A_190 : memref<1x1x1x8x128xf32, #tpu.memory_space<hbm>> -> memref<8x128xf32, #tpu.memory_space<hbm>>
    %dma_wait3A_192 = arith.constant 0 : i32
    %dma_wait3A_193 = arith.constant 0 : i32
    %dma_wait3A_194 = tpu.memref_slice %arg4[%dma_wait3A_183, %dma_wait3A_184, %add3A_23, %dma_wait3A_192, %dma_wait3A_193] : memref<50x4x128x8x128xf32, #tpu.memory_space<hbm>> -> memref<1x1x1x8x128xf32, #tpu.memory_space<hbm>>
    %dma_wait3A_195 = tpu.memref_squeeze %dma_wait3A_194 : memref<1x1x1x8x128xf32, #tpu.memory_space<hbm>> -> memref<8x128xf32, #tpu.memory_space<hbm>>
    %dma_wait3A_196 = arith.constant 80 : i32
    %dma_wait3A_197 = arith.constant 0 : i32
    %dma_wait3A_198 = tpu.memref_slice %arg10[%dma_wait3A_196, %dma_wait3A_197] : memref<160x129xf32, #tpu.memory_space<vmem>> -> memref<8x128xf32, #tpu.memory_space<vmem>>
    tpu.wait_dma2 semaphore(%arg13 : memref<!tpu.dma_semaphore, #tpu.memory_space<semaphore_mem>>) src(%dma_wait3A_198 : memref<8x128xf32, #tpu.memory_space<vmem>>) dst(%dma_wait3A_195 : memref<8x128xf32, #tpu.memory_space<hbm>>)
    %dma_wait3A_199 = arith.constant 47 : i32
    %dma_wait3A_200 = arith.constant 3 : i32
    %dma_wait3A_201 = arith.constant 88 : i32
    %dma_wait3A_202 = arith.constant 0 : i32
    %dma_wait3A_203 = tpu.memref_slice %arg10[%dma_wait3A_201, %dma_wait3A_202] : memref<160x129xf32, #tpu.memory_space<vmem>> -> memref<8x128xf32, #tpu.memory_space<vmem>>
    %dma_wait3A_204 = arith.constant 0 : i32
    %dma_wait3A_205 = arith.constant 0 : i32
    %dma_wait3A_206 = tpu.memref_slice %arg4[%dma_wait3A_199, %dma_wait3A_200, %add3A_23, %dma_wait3A_204, %dma_wait3A_205] : memref<50x4x128x8x128xf32, #tpu.memory_space<hbm>> -> memref<1x1x1x8x128xf32, #tpu.memory_space<hbm>>
    %dma_wait3A_207 = tpu.memref_squeeze %dma_wait3A_206 : memref<1x1x1x8x128xf32, #tpu.memory_space<hbm>> -> memref<8x128xf32, #tpu.memory_space<hbm>>
    %dma_wait3A_208 = arith.constant 0 : i32
    %dma_wait3A_209 = arith.constant 0 : i32
    %dma_wait3A_210 = tpu.memref_slice %arg4[%dma_wait3A_199, %dma_wait3A_200, %add3A_23, %dma_wait3A_208, %dma_wait3A_209] : memref<50x4x128x8x128xf32, #tpu.memory_space<hbm>> -> memref<1x1x1x8x128xf32, #tpu.memory_space<hbm>>
    %dma_wait3A_211 = tpu.memref_squeeze %dma_wait3A_210 : memref<1x1x1x8x128xf32, #tpu.memory_space<hbm>> -> memref<8x128xf32, #tpu.memory_space<hbm>>
    %dma_wait3A_212 = arith.constant 88 : i32
    %dma_wait3A_213 = arith.constant 0 : i32
    %dma_wait3A_214 = tpu.memref_slice %arg10[%dma_wait3A_212, %dma_wait3A_213] : memref<160x129xf32, #tpu.memory_space<vmem>> -> memref<8x128xf32, #tpu.memory_space<vmem>>
    tpu.wait_dma2 semaphore(%arg13 : memref<!tpu.dma_semaphore, #tpu.memory_space<semaphore_mem>>) src(%dma_wait3A_214 : memref<8x128xf32, #tpu.memory_space<vmem>>) dst(%dma_wait3A_211 : memref<8x128xf32, #tpu.memory_space<hbm>>)
    %dma_wait3A_215 = arith.constant 48 : i32
    %dma_wait3A_216 = arith.constant 0 : i32
    %dma_wait3A_217 = arith.constant 96 : i32
    %dma_wait3A_218 = arith.constant 0 : i32
    %dma_wait3A_219 = tpu.memref_slice %arg10[%dma_wait3A_217, %dma_wait3A_218] : memref<160x129xf32, #tpu.memory_space<vmem>> -> memref<8x128xf32, #tpu.memory_space<vmem>>
    %dma_wait3A_220 = arith.constant 0 : i32
    %dma_wait3A_221 = arith.constant 0 : i32
    %dma_wait3A_222 = tpu.memref_slice %arg4[%dma_wait3A_215, %dma_wait3A_216, %add3A_23, %dma_wait3A_220, %dma_wait3A_221] : memref<50x4x128x8x128xf32, #tpu.memory_space<hbm>> -> memref<1x1x1x8x128xf32, #tpu.memory_space<hbm>>
    %dma_wait3A_223 = tpu.memref_squeeze %dma_wait3A_222 : memref<1x1x1x8x128xf32, #tpu.memory_space<hbm>> -> memref<8x128xf32, #tpu.memory_space<hbm>>
    %dma_wait3A_224 = arith.constant 0 : i32
    %dma_wait3A_225 = arith.constant 0 : i32
    %dma_wait3A_226 = tpu.memref_slice %arg4[%dma_wait3A_215, %dma_wait3A_216, %add3A_23, %dma_wait3A_224, %dma_wait3A_225] : memref<50x4x128x8x128xf32, #tpu.memory_space<hbm>> -> memref<1x1x1x8x128xf32, #tpu.memory_space<hbm>>
    %dma_wait3A_227 = tpu.memref_squeeze %dma_wait3A_226 : memref<1x1x1x8x128xf32, #tpu.memory_space<hbm>> -> memref<8x128xf32, #tpu.memory_space<hbm>>
    %dma_wait3A_228 = arith.constant 96 : i32
    %dma_wait3A_229 = arith.constant 0 : i32
    %dma_wait3A_230 = tpu.memref_slice %arg10[%dma_wait3A_228, %dma_wait3A_229] : memref<160x129xf32, #tpu.memory_space<vmem>> -> memref<8x128xf32, #tpu.memory_space<vmem>>
    tpu.wait_dma2 semaphore(%arg13 : memref<!tpu.dma_semaphore, #tpu.memory_space<semaphore_mem>>) src(%dma_wait3A_230 : memref<8x128xf32, #tpu.memory_space<vmem>>) dst(%dma_wait3A_227 : memref<8x128xf32, #tpu.memory_space<hbm>>)
    %dma_wait3A_231 = arith.constant 48 : i32
    %dma_wait3A_232 = arith.constant 1 : i32
    %dma_wait3A_233 = arith.constant 104 : i32
    %dma_wait3A_234 = arith.constant 0 : i32
    %dma_wait3A_235 = tpu.memref_slice %arg10[%dma_wait3A_233, %dma_wait3A_234] : memref<160x129xf32, #tpu.memory_space<vmem>> -> memref<8x128xf32, #tpu.memory_space<vmem>>
    %dma_wait3A_236 = arith.constant 0 : i32
    %dma_wait3A_237 = arith.constant 0 : i32
    %dma_wait3A_238 = tpu.memref_slice %arg4[%dma_wait3A_231, %dma_wait3A_232, %add3A_23, %dma_wait3A_236, %dma_wait3A_237] : memref<50x4x128x8x128xf32, #tpu.memory_space<hbm>> -> memref<1x1x1x8x128xf32, #tpu.memory_space<hbm>>
    %dma_wait3A_239 = tpu.memref_squeeze %dma_wait3A_238 : memref<1x1x1x8x128xf32, #tpu.memory_space<hbm>> -> memref<8x128xf32, #tpu.memory_space<hbm>>
    %dma_wait3A_240 = arith.constant 0 : i32
    %dma_wait3A_241 = arith.constant 0 : i32
    %dma_wait3A_242 = tpu.memref_slice %arg4[%dma_wait3A_231, %dma_wait3A_232, %add3A_23, %dma_wait3A_240, %dma_wait3A_241] : memref<50x4x128x8x128xf32, #tpu.memory_space<hbm>> -> memref<1x1x1x8x128xf32, #tpu.memory_space<hbm>>
    %dma_wait3A_243 = tpu.memref_squeeze %dma_wait3A_242 : memref<1x1x1x8x128xf32, #tpu.memory_space<hbm>> -> memref<8x128xf32, #tpu.memory_space<hbm>>
    %dma_wait3A_244 = arith.constant 104 : i32
    %dma_wait3A_245 = arith.constant 0 : i32
    %dma_wait3A_246 = tpu.memref_slice %arg10[%dma_wait3A_244, %dma_wait3A_245] : memref<160x129xf32, #tpu.memory_space<vmem>> -> memref<8x128xf32, #tpu.memory_space<vmem>>
    tpu.wait_dma2 semaphore(%arg13 : memref<!tpu.dma_semaphore, #tpu.memory_space<semaphore_mem>>) src(%dma_wait3A_246 : memref<8x128xf32, #tpu.memory_space<vmem>>) dst(%dma_wait3A_243 : memref<8x128xf32, #tpu.memory_space<hbm>>)
    %dma_wait3A_247 = arith.constant 48 : i32
    %dma_wait3A_248 = arith.constant 2 : i32
    %dma_wait3A_249 = arith.constant 112 : i32
    %dma_wait3A_250 = arith.constant 0 : i32
    %dma_wait3A_251 = tpu.memref_slice %arg10[%dma_wait3A_249, %dma_wait3A_250] : memref<160x129xf32, #tpu.memory_space<vmem>> -> memref<8x128xf32, #tpu.memory_space<vmem>>
    %dma_wait3A_252 = arith.constant 0 : i32
    %dma_wait3A_253 = arith.constant 0 : i32
    %dma_wait3A_254 = tpu.memref_slice %arg4[%dma_wait3A_247, %dma_wait3A_248, %add3A_23, %dma_wait3A_252, %dma_wait3A_253] : memref<50x4x128x8x128xf32, #tpu.memory_space<hbm>> -> memref<1x1x1x8x128xf32, #tpu.memory_space<hbm>>
    %dma_wait3A_255 = tpu.memref_squeeze %dma_wait3A_254 : memref<1x1x1x8x128xf32, #tpu.memory_space<hbm>> -> memref<8x128xf32, #tpu.memory_space<hbm>>
    %dma_wait3A_256 = arith.constant 0 : i32
    %dma_wait3A_257 = arith.constant 0 : i32
    %dma_wait3A_258 = tpu.memref_slice %arg4[%dma_wait3A_247, %dma_wait3A_248, %add3A_23, %dma_wait3A_256, %dma_wait3A_257] : memref<50x4x128x8x128xf32, #tpu.memory_space<hbm>> -> memref<1x1x1x8x128xf32, #tpu.memory_space<hbm>>
    %dma_wait3A_259 = tpu.memref_squeeze %dma_wait3A_258 : memref<1x1x1x8x128xf32, #tpu.memory_space<hbm>> -> memref<8x128xf32, #tpu.memory_space<hbm>>
    %dma_wait3A_260 = arith.constant 112 : i32
    %dma_wait3A_261 = arith.constant 0 : i32
    %dma_wait3A_262 = tpu.memref_slice %arg10[%dma_wait3A_260, %dma_wait3A_261] : memref<160x129xf32, #tpu.memory_space<vmem>> -> memref<8x128xf32, #tpu.memory_space<vmem>>
    tpu.wait_dma2 semaphore(%arg13 : memref<!tpu.dma_semaphore, #tpu.memory_space<semaphore_mem>>) src(%dma_wait3A_262 : memref<8x128xf32, #tpu.memory_space<vmem>>) dst(%dma_wait3A_259 : memref<8x128xf32, #tpu.memory_space<hbm>>)
    %dma_wait3A_263 = arith.constant 48 : i32
    %dma_wait3A_264 = arith.constant 3 : i32
    %dma_wait3A_265 = arith.constant 120 : i32
    %dma_wait3A_266 = arith.constant 0 : i32
    %dma_wait3A_267 = tpu.memref_slice %arg10[%dma_wait3A_265, %dma_wait3A_266] : memref<160x129xf32, #tpu.memory_space<vmem>> -> memref<8x128xf32, #tpu.memory_space<vmem>>
    %dma_wait3A_268 = arith.constant 0 : i32
    %dma_wait3A_269 = arith.constant 0 : i32
    %dma_wait3A_270 = tpu.memref_slice %arg4[%dma_wait3A_263, %dma_wait3A_264, %add3A_23, %dma_wait3A_268, %dma_wait3A_269] : memref<50x4x128x8x128xf32, #tpu.memory_space<hbm>> -> memref<1x1x1x8x128xf32, #tpu.memory_space<hbm>>
    %dma_wait3A_271 = tpu.memref_squeeze %dma_wait3A_270 : memref<1x1x1x8x128xf32, #tpu.memory_space<hbm>> -> memref<8x128xf32, #tpu.memory_space<hbm>>
    %dma_wait3A_272 = arith.constant 0 : i32
    %dma_wait3A_273 = arith.constant 0 : i32
    %dma_wait3A_274 = tpu.memref_slice %arg4[%dma_wait3A_263, %dma_wait3A_264, %add3A_23, %dma_wait3A_272, %dma_wait3A_273] : memref<50x4x128x8x128xf32, #tpu.memory_space<hbm>> -> memref<1x1x1x8x128xf32, #tpu.memory_space<hbm>>
    %dma_wait3A_275 = tpu.memref_squeeze %dma_wait3A_274 : memref<1x1x1x8x128xf32, #tpu.memory_space<hbm>> -> memref<8x128xf32, #tpu.memory_space<hbm>>
    %dma_wait3A_276 = arith.constant 120 : i32
    %dma_wait3A_277 = arith.constant 0 : i32
    %dma_wait3A_278 = tpu.memref_slice %arg10[%dma_wait3A_276, %dma_wait3A_277] : memref<160x129xf32, #tpu.memory_space<vmem>> -> memref<8x128xf32, #tpu.memory_space<vmem>>
    tpu.wait_dma2 semaphore(%arg13 : memref<!tpu.dma_semaphore, #tpu.memory_space<semaphore_mem>>) src(%dma_wait3A_278 : memref<8x128xf32, #tpu.memory_space<vmem>>) dst(%dma_wait3A_275 : memref<8x128xf32, #tpu.memory_space<hbm>>)
    %dma_wait3A_279 = arith.constant 49 : i32
    %dma_wait3A_280 = arith.constant 0 : i32
    %dma_wait3A_281 = arith.constant 128 : i32
    %dma_wait3A_282 = arith.constant 0 : i32
    %dma_wait3A_283 = tpu.memref_slice %arg10[%dma_wait3A_281, %dma_wait3A_282] : memref<160x129xf32, #tpu.memory_space<vmem>> -> memref<8x128xf32, #tpu.memory_space<vmem>>
    %dma_wait3A_284 = arith.constant 0 : i32
    %dma_wait3A_285 = arith.constant 0 : i32
    %dma_wait3A_286 = tpu.memref_slice %arg4[%dma_wait3A_279, %dma_wait3A_280, %add3A_23, %dma_wait3A_284, %dma_wait3A_285] : memref<50x4x128x8x128xf32, #tpu.memory_space<hbm>> -> memref<1x1x1x8x128xf32, #tpu.memory_space<hbm>>
    %dma_wait3A_287 = tpu.memref_squeeze %dma_wait3A_286 : memref<1x1x1x8x128xf32, #tpu.memory_space<hbm>> -> memref<8x128xf32, #tpu.memory_space<hbm>>
    %dma_wait3A_288 = arith.constant 0 : i32
    %dma_wait3A_289 = arith.constant 0 : i32
    %dma_wait3A_290 = tpu.memref_slice %arg4[%dma_wait3A_279, %dma_wait3A_280, %add3A_23, %dma_wait3A_288, %dma_wait3A_289] : memref<50x4x128x8x128xf32, #tpu.memory_space<hbm>> -> memref<1x1x1x8x128xf32, #tpu.memory_space<hbm>>
    %dma_wait3A_291 = tpu.memref_squeeze %dma_wait3A_290 : memref<1x1x1x8x128xf32, #tpu.memory_space<hbm>> -> memref<8x128xf32, #tpu.memory_space<hbm>>
    %dma_wait3A_292 = arith.constant 128 : i32
    %dma_wait3A_293 = arith.constant 0 : i32
    %dma_wait3A_294 = tpu.memref_slice %arg10[%dma_wait3A_292, %dma_wait3A_293] : memref<160x129xf32, #tpu.memory_space<vmem>> -> memref<8x128xf32, #tpu.memory_space<vmem>>
    tpu.wait_dma2 semaphore(%arg13 : memref<!tpu.dma_semaphore, #tpu.memory_space<semaphore_mem>>) src(%dma_wait3A_294 : memref<8x128xf32, #tpu.memory_space<vmem>>) dst(%dma_wait3A_291 : memref<8x128xf32, #tpu.memory_space<hbm>>)
    %dma_wait3A_295 = arith.constant 49 : i32
    %dma_wait3A_296 = arith.constant 1 : i32
    %dma_wait3A_297 = arith.constant 136 : i32
    %dma_wait3A_298 = arith.constant 0 : i32
    %dma_wait3A_299 = tpu.memref_slice %arg10[%dma_wait3A_297, %dma_wait3A_298] : memref<160x129xf32, #tpu.memory_space<vmem>> -> memref<8x128xf32, #tpu.memory_space<vmem>>
    %dma_wait3A_300 = arith.constant 0 : i32
    %dma_wait3A_301 = arith.constant 0 : i32
    %dma_wait3A_302 = tpu.memref_slice %arg4[%dma_wait3A_295, %dma_wait3A_296, %add3A_23, %dma_wait3A_300, %dma_wait3A_301] : memref<50x4x128x8x128xf32, #tpu.memory_space<hbm>> -> memref<1x1x1x8x128xf32, #tpu.memory_space<hbm>>
    %dma_wait3A_303 = tpu.memref_squeeze %dma_wait3A_302 : memref<1x1x1x8x128xf32, #tpu.memory_space<hbm>> -> memref<8x128xf32, #tpu.memory_space<hbm>>
    %dma_wait3A_304 = arith.constant 0 : i32
    %dma_wait3A_305 = arith.constant 0 : i32
    %dma_wait3A_306 = tpu.memref_slice %arg4[%dma_wait3A_295, %dma_wait3A_296, %add3A_23, %dma_wait3A_304, %dma_wait3A_305] : memref<50x4x128x8x128xf32, #tpu.memory_space<hbm>> -> memref<1x1x1x8x128xf32, #tpu.memory_space<hbm>>
    %dma_wait3A_307 = tpu.memref_squeeze %dma_wait3A_306 : memref<1x1x1x8x128xf32, #tpu.memory_space<hbm>> -> memref<8x128xf32, #tpu.memory_space<hbm>>
    %dma_wait3A_308 = arith.constant 136 : i32
    %dma_wait3A_309 = arith.constant 0 : i32
    %dma_wait3A_310 = tpu.memref_slice %arg10[%dma_wait3A_308, %dma_wait3A_309] : memref<160x129xf32, #tpu.memory_space<vmem>> -> memref<8x128xf32, #tpu.memory_space<vmem>>
    tpu.wait_dma2 semaphore(%arg13 : memref<!tpu.dma_semaphore, #tpu.memory_space<semaphore_mem>>) src(%dma_wait3A_310 : memref<8x128xf32, #tpu.memory_space<vmem>>) dst(%dma_wait3A_307 : memref<8x128xf32, #tpu.memory_space<hbm>>)
    %dma_wait3A_311 = arith.constant 49 : i32
    %dma_wait3A_312 = arith.constant 2 : i32
    %dma_wait3A_313 = arith.constant 144 : i32
    %dma_wait3A_314 = arith.constant 0 : i32
    %dma_wait3A_315 = tpu.memref_slice %arg10[%dma_wait3A_313, %dma_wait3A_314] : memref<160x129xf32, #tpu.memory_space<vmem>> -> memref<8x128xf32, #tpu.memory_space<vmem>>
    %dma_wait3A_316 = arith.constant 0 : i32
    %dma_wait3A_317 = arith.constant 0 : i32
    %dma_wait3A_318 = tpu.memref_slice %arg4[%dma_wait3A_311, %dma_wait3A_312, %add3A_23, %dma_wait3A_316, %dma_wait3A_317] : memref<50x4x128x8x128xf32, #tpu.memory_space<hbm>> -> memref<1x1x1x8x128xf32, #tpu.memory_space<hbm>>
    %dma_wait3A_319 = tpu.memref_squeeze %dma_wait3A_318 : memref<1x1x1x8x128xf32, #tpu.memory_space<hbm>> -> memref<8x128xf32, #tpu.memory_space<hbm>>
    %dma_wait3A_320 = arith.constant 0 : i32
    %dma_wait3A_321 = arith.constant 0 : i32
    %dma_wait3A_322 = tpu.memref_slice %arg4[%dma_wait3A_311, %dma_wait3A_312, %add3A_23, %dma_wait3A_320, %dma_wait3A_321] : memref<50x4x128x8x128xf32, #tpu.memory_space<hbm>> -> memref<1x1x1x8x128xf32, #tpu.memory_space<hbm>>
    %dma_wait3A_323 = tpu.memref_squeeze %dma_wait3A_322 : memref<1x1x1x8x128xf32, #tpu.memory_space<hbm>> -> memref<8x128xf32, #tpu.memory_space<hbm>>
    %dma_wait3A_324 = arith.constant 144 : i32
    %dma_wait3A_325 = arith.constant 0 : i32
    %dma_wait3A_326 = tpu.memref_slice %arg10[%dma_wait3A_324, %dma_wait3A_325] : memref<160x129xf32, #tpu.memory_space<vmem>> -> memref<8x128xf32, #tpu.memory_space<vmem>>
    tpu.wait_dma2 semaphore(%arg13 : memref<!tpu.dma_semaphore, #tpu.memory_space<semaphore_mem>>) src(%dma_wait3A_326 : memref<8x128xf32, #tpu.memory_space<vmem>>) dst(%dma_wait3A_323 : memref<8x128xf32, #tpu.memory_space<hbm>>)
    %dma_wait3A_327 = arith.constant 49 : i32
    %dma_wait3A_328 = arith.constant 3 : i32
    %dma_wait3A_329 = arith.constant 152 : i32
    %dma_wait3A_330 = arith.constant 0 : i32
    %dma_wait3A_331 = tpu.memref_slice %arg10[%dma_wait3A_329, %dma_wait3A_330] : memref<160x129xf32, #tpu.memory_space<vmem>> -> memref<8x128xf32, #tpu.memory_space<vmem>>
    %dma_wait3A_332 = arith.constant 0 : i32
    %dma_wait3A_333 = arith.constant 0 : i32
    %dma_wait3A_334 = tpu.memref_slice %arg4[%dma_wait3A_327, %dma_wait3A_328, %add3A_23, %dma_wait3A_332, %dma_wait3A_333] : memref<50x4x128x8x128xf32, #tpu.memory_space<hbm>> -> memref<1x1x1x8x128xf32, #tpu.memory_space<hbm>>
    %dma_wait3A_335 = tpu.memref_squeeze %dma_wait3A_334 : memref<1x1x1x8x128xf32, #tpu.memory_space<hbm>> -> memref<8x128xf32, #tpu.memory_space<hbm>>
    %dma_wait3A_336 = arith.constant 0 : i32
    %dma_wait3A_337 = arith.constant 0 : i32
    %dma_wait3A_338 = tpu.memref_slice %arg4[%dma_wait3A_327, %dma_wait3A_328, %add3A_23, %dma_wait3A_336, %dma_wait3A_337] : memref<50x4x128x8x128xf32, #tpu.memory_space<hbm>> -> memref<1x1x1x8x128xf32, #tpu.memory_space<hbm>>
    %dma_wait3A_339 = tpu.memref_squeeze %dma_wait3A_338 : memref<1x1x1x8x128xf32, #tpu.memory_space<hbm>> -> memref<8x128xf32, #tpu.memory_space<hbm>>
    %dma_wait3A_340 = arith.constant 152 : i32
    %dma_wait3A_341 = arith.constant 0 : i32
    %dma_wait3A_342 = tpu.memref_slice %arg10[%dma_wait3A_340, %dma_wait3A_341] : memref<160x129xf32, #tpu.memory_space<vmem>> -> memref<8x128xf32, #tpu.memory_space<vmem>>
    tpu.wait_dma2 semaphore(%arg13 : memref<!tpu.dma_semaphore, #tpu.memory_space<semaphore_mem>>) src(%dma_wait3A_342 : memref<8x128xf32, #tpu.memory_space<vmem>>) dst(%dma_wait3A_339 : memref<8x128xf32, #tpu.memory_space<hbm>>)
    return
  }
}

</mosaic_0001>

<sc_bundles>
// kernel: kernel.4.cloned.1.call-start
scs
__scs_entry_jumppad:
0x0: {  	(pc) =	sbr.rel $0x88, $3  }
0x1: {  	(tag) =	ssettag $0x0;
	lr =	simm.s32 $0x1  }
0x2: {  	[smem:$0x3F9F] =	sst lr;
	_ =	strace $0xD0000000  }
0x3: {  	_ = 	snop  }
0x4: {  	_ = 	snop  }
0x5: {  	_ = 	snop  }
0x6: {  	_ = 	snop  }
0x7: {  	_ = 	snop  }
__scs_overlays_trampoline_lowered:
0x8: {  	[smem:$0x3FAE] =	sst s0  }
0x9: {  	[smem:$0x3FAF] =	sst s1  }
0xa: {  	[smem:$0x3FB0] =	sst s2  }
0xb: {  	[smem:$0x3FB1] =	sst s3  }
0xc: {  	[smem:$0x3FB2] =	sst s4  }
0xd: {  	[smem:$0x3FB3] =	sst s5  }
0xe: {  	[smem:$0x3FB4] =	sst s6  }
0xf: {  	[smem:$0x3FB5] =	sst s7  }
0x10: {  	[smem:$0x3FB6] =	sst s8  }
0x11: {  	[smem:$0x3FB7] =	sst s9;
	s0 =	simm.s32 @!p0 $0x0  }
0x12: {  	s1 =	sld [smem:$0x3F9D];
	s0 =	simm.s32 @p0 $0x1  }
0x13: {  	[smem:$0x3FB8] =	sst s0;
	s0 =	simm.s32 @!p1 $0x0  }
0x14: {  	s2 =	sld [smem:$0x3F9C];
	s0 =	simm.s32 @p1 $0x1  }
0x15: {  	[smem:$0x3FB9] =	sst s0;
	s0 =	simm.s32 @!p2 $0x0  }
0x16: {  	s3 =	sld [smem:$0x3FDB];
	s0 =	simm.s32 @p2 $0x1  }
0x17: {  	s4 =	simm.s32 $0x1BF5;
	[smem:$0x3FBB] =	sst s0  }
0x18: {  	s0 =	sld [smem:$0x3F9E];
	_ =	swait.ge [sflag:s4], $0x0  }
0x19: {  	s7 =	sld [smem:$0x3F9F]  }
0x1a: {  	s8 =	sadd.s32 $0xFFFFE003, lr  }
0x1b: {  	s9 =	sadd.s32 $0xFFFFFEF7, lr;
	s5 =	simm.s32 $0xFFFFFFFF;
	p2 =	slt.u32 s8, $0xFFFFF086  }
0x1c: {  	p1 =	slt.u32 s9, $0xF7A;
	s5 =	simm.s32 @!p2 $0x0  }
0x1d: {  	s5 =	simm.s32 @p1 $0x1;
	p0 =	seq.s32 s7, s2  }
0x1e: {  	s7 =	smul.u32 @!p0 $0xF7A, s2;
	p2 =	seq.s32 @!p0 s5, $0x0  }
0x1f: {  	s9 =	smul.u32 $0xF7A, s1;
	s8 =	simm.s32 @!p0 $0x1BF5;
	p2 =	por !p2, p0  }
0x20: {  	[sflag:s8] =	ssyncset.s32 @!p0 $0xFFFFF086;
	s6 =	sadd.s32 @!p0 s3, s7;
	s7 =	simm.s32 @!p0 $0x108  }
0x21: {  	s3 =	sadd.s32 s3, s9;
	s6 =	sadd.s32 @!p0 $0x88, s6;
	s7 =	simm.s32 @p2 $0x1082  }
0x22: {  	[simem:s7], [sflag:s8] =	dma.local @!p0 [hbm:s6], $0xF7A  }
0x23: {  	s9 =	sor.u32 $0xD0000000, s2;
	s6 =	simm.s32 $0x108;
	_ =	swait.ge @!p0 [sflag:s8], $0x0  }
0x24: {  	s3 =	sadd.s32 $0x88, s3;
	s6 =	simm.s32 @!p1 $0x1082;
	[sflag:s4] =	ssyncset.s32 $0xFFFFF086  }
0x25: {  	[simem:s6], [sflag:s4] =	dma.local [hbm:s3], $0xF7A  }
0x26: {  	[smem:$0x3F9F] =	sst s1;
	(tag) =	ssettag s2;
	_ =	strace s9  }
0x27: {  	s1 =	sld [smem:$0x3FAF]  }
0x28: {  	s2 =	sld [smem:$0x3FB0]  }
0x29: {  	s4 =	sld [smem:$0x3FB2]  }
0x2a: {  	p0 =	seq.s32 s5, $0x0;
	s5 =	sld [smem:$0x3FB3]  }
0x2b: {  	s6 =	sld [smem:$0x3FB4]  }
0x2c: {  	s7 =	sld [smem:$0x3FB5]  }
0x2d: {  	s3 =	simm.s32 $0x108;
	s8 =	sld [smem:$0x3FB6]  }
0x2e: {  	s3 =	simm.s32 @!p0 $0x1082;
	s9 =	sld [smem:$0x3FB7]  }
0x2f: {  	lr =	sadd.s32 s0, s3;
	s0 =	sld [smem:$0x3FAE]  }
0x30: {  	s3 =	sld [smem:$0x3FB1]  }
0x31: {  	[smem:$0x3FBA] =	sst s10  }
0x32: {  	s10 =	sld [smem:$0x3FB8];
	_ =	sdelay $0x3  }
0x33: {  	p0 =	seq.s32 s10, $0x1;
	s10 =	sld [smem:$0x3FBA];
	_ =	sdelay $0x3  }
0x34: {  	[smem:$0x3FBA] =	sst s10  }
0x35: {  	s10 =	sld [smem:$0x3FB9];
	_ =	sdelay $0x3  }
0x36: {  	p1 =	seq.s32 s10, $0x1;
	s10 =	sld [smem:$0x3FBA];
	_ =	sdelay $0x3  }
0x37: {  	[smem:$0x3FBA] =	sst s10  }
0x38: {  	s10 =	sld [smem:$0x3FBB]  }
0x39: {  	_ = 	snop;
	(pc) =	sbr.ind lr, $3  }
0x3a: {  	_ = 	snop  }
0x3b: {  	_ = 	snop  }
0x3c: {  	p2 =	seq.s32 s10, $0x1;
	s10 =	sld [smem:$0x3FBA]  }
0x3d: {  	_ =	shalt  }
0x3e: {  	_ =	shalt  }
0x3f: {  	_ =	shalt  }
0x40: {  	_ =	shalt  }
0x41: {  	_ =	shalt  }
0x42: {  	_ =	shalt  }
0x43: {  	_ =	shalt  }
0x44: {  	_ =	shalt  }
0x45: {  	_ =	shalt  }
0x46: {  	_ =	shalt  }
0x47: {  	_ =	shalt  }
0x48: {  	_ =	shalt  }
0x49: {  	_ =	shalt  }
0x4a: {  	_ =	shalt  }
0x4b: {  	_ =	shalt  }
0x4c: {  	_ =	shalt  }
0x4d: {  	_ =	shalt  }
0x4e: {  	_ =	shalt  }
0x4f: {  	_ =	shalt  }
0x50: {  	_ =	shalt  }
0x51: {  	_ =	shalt  }
0x52: {  	_ =	shalt  }
0x53: {  	_ =	shalt  }
0x54: {  	_ =	shalt  }
0x55: {  	_ =	shalt  }
0x56: {  	_ =	shalt  }
0x57: {  	_ =	shalt  }
0x58: {  	_ =	shalt  }
0x59: {  	_ =	shalt  }
0x5a: {  	_ =	shalt  }
0x5b: {  	_ =	shalt  }
0x5c: {  	_ =	shalt  }
0x5d: {  	_ =	shalt  }
0x5e: {  	_ =	shalt  }
0x5f: {  	_ =	shalt  }
0x60: {  	_ =	shalt  }
0x61: {  	_ =	shalt  }
0x62: {  	_ =	shalt  }
0x63: {  	_ =	shalt  }
0x64: {  	_ =	shalt  }
0x65: {  	_ =	shalt  }
0x66: {  	_ =	shalt  }
0x67: {  	_ =	shalt  }
0x68: {  	_ =	shalt  }
0x69: {  	_ =	shalt  }
0x6a: {  	_ =	shalt  }
0x6b: {  	_ =	shalt  }
0x6c: {  	_ =	shalt  }
0x6d: {  	_ =	shalt  }
0x6e: {  	_ =	shalt  }
0x6f: {  	_ =	shalt  }
0x70: {  	_ =	shalt  }
0x71: {  	_ =	shalt  }
0x72: {  	_ =	shalt  }
0x73: {  	_ =	shalt  }
0x74: {  	_ =	shalt  }
0x75: {  	_ =	shalt  }
0x76: {  	_ =	shalt  }
0x77: {  	_ =	shalt  }
0x78: {  	_ =	shalt  }
0x79: {  	_ =	shalt  }
0x7a: {  	_ =	shalt  }
0x7b: {  	_ =	shalt  }
0x7c: {  	_ =	shalt  }
0x7d: {  	_ =	shalt  }
0x7e: {  	_ =	shalt  }
0x7f: {  	_ =	shalt  }
0x80: {  	_ =	shalt  }
0x81: {  	_ =	shalt  }
0x82: {  	_ =	shalt  }
0x83: {  	_ =	shalt  }
0x84: {  	_ =	shalt  }
0x85: {  	_ =	shalt  }
0x86: {  	_ =	shalt  }
0x87: {  	_ =	shalt  }
.Lfunc_end0:
.L_simem_size_0:
called_computation_lowered:
.L_overlay_start_0:
0x88: {  	s2 =	sld [smem:$0x3FD9]  }
0x89: {  	s3 =	sld [smem:$0x3FFE];
	_ =	sdelay $0x1  }
0x8a: {  	s1 =	srdreg.scid  }
0x8b: {  	s0 =	sand.u32 $0x1, s1  }
0x8c: {  	s17 =	sshll.u32 s0, $0xA;
	s2 =	sadd.s32 s3, s2  }
0x8d: {  	s2 =	sadd.s32 s2, s17  }
0x8e: {  	[smem:$0x3FC6] =	sst s2  }
0x8f: {  	_ = 	snop  }
0x90: {  	s2 =	sld [smem:$0x3FC8]  }
0x91: {  	s18 =	sld [smem:$0x3FD0];
	(tm) =	ssettm $0x1  }
0x92: {  	s4 =	sld [smem:$0x3FFB];
	_ =	sdelay $0x3  }
0x93: {  	_ =	strace s4  }
0x94: {  	s4 =	sld [smem:$0x3FFC];
	_ =	sdelay $0x3  }
0x95: {  	_ =	strace s4  }
0x96: {  	s4 =	sld [smem:$0x3FFD];
	_ =	sdelay $0x3  }
0x97: {  	_ =	strace s4  }
0x98: {  	_ =	strace $0x8FFFFFFF  }
0x99: {  	s19 =	sld [smem:$0x3FDB];
	_ =	sdelay $0x1  }
0x9a: {  	s5 =	simm.s32 $_scs_section_size  }
0x9b: {  	s6 =	simm.s32 $_size__tile_overlayer_lowered;
	s7 =	simm.s32 $_tile_overlayer_lowered  }
0x9c: {  	s22 =	simm.s32 $0x1BFF;
	s21 =	sshll.u32 s7, $0x1;
	s4 =	sadd.s32 s5, s19  }
0x9d: {  	s8 =	simm.s32 $0x0;
	s20 =	sshll.u32 s6, $0x1;
	s6 =	sadd.s32 s21, s4  }
0x9e: {  	[timem:s8], [sflag:s22] =	dma.local [hbm:s6], s20  }
0x9f: {  	_ =	swait.ge [sflag:s22], s20  }
0xa0: {  	s5 =	ssub.s32 $0x0, s20;
	[sflag:s22] =	ssyncset.done $0x0  }
0xa1: {  	[sflag:s22] =	ssyncadd.s32 s5;
	_ =	sdelay $0x1  }
0xa2: {  	s23 =	simm.s32 $0x1B8B  }
0xa3: {  	_ =	swait.ge [sflag:s23], $0x1  }
0xa4: {  	[sflag:s23] =	ssyncset.done $0x0  }
0xa5: {  	s25 =	simm.s32 $0x1B8E;
	s24 =	sld [smem:$0x3FFE];
	[sflag:s23] =	ssyncadd.s32 $0xFFFFFFFF  }
0xa6: {  	s26 =	simm.s32 $execute0_lowered;
	[smem:$0x3FD2] =	sst s25  }
0xa7: {  	s6 =	sshll.u32 s26, $0x1;
	_ =	strace $0x80000046;
	[dreg:$0x1] =	wrdreg $0xFFFFFFFF  }
0xa8: {  	s28 =	simm.s32 $_size_execute0_lowered;
	s4 =	sadd.s32 s4, s6;
	[dreg:$0x0] =	wrdreg $0x0  }
0xa9: {  	s6 =	sshll.u32 s28, $0x1;
	[dreg:$0x2] =	wrdreg s4  }
0xaa: {  	[dreg:$0x3] =	wrdreg s6  }
0xab: {  	[dreg:$0x4] =	wrdreg $0xC0  }
0xac: {  	_ =	task [dreg:s8], $0x5FFFF  }
0xad: {  	[dreg:$0x1] =	wrdreg $0xFFFFFFFF  }
0xae: {  	[dreg:$0x0] =	wrdreg $0x60  }
0xaf: {  	[dreg:$0x2] =	wrdreg s2  }
0xb0: {  	[dreg:$0x3] =	wrdreg s18  }
0xb1: {  	[dreg:$0x4] =	wrdreg s24  }
0xb2: {  	[dreg:$0x5] =	wrdreg $0x9  }
0xb3: {  	_ =	task.clear_ibuf [dreg:s8], $0x6FFFF;
	_ =	strace $0x90000046  }
0xb4: {  	s29 =	simm.s32 $0x9;
	_ =	strace $0x80000048  }
0xb5: {  	_ =	swait.ge [sflag:s29], $0x1  }
0xb6: {  	[sflag:s29] =	ssyncadd.s32 $0xFFFFFFFF  }
0xb7: {  	_ =	strace $0x90000048  }
0xb8: {  	_ =	sfence  }
0xb9: {  	s30 =	sld [smem:$0x0];
	_ =	sdelay $0x2  }
0xba: {  	s31 =	sshll.u32 s1, $0xD;
	s1 =	sshrl.u32 s1, $0x2  }
0xbb: {  	s3 =	sand.u32 $0x4000, s31;
	s1 =	sadd.s32 s1, s30  }
0xbc: {  	s0 =	sor.u32 s3, s0;
	s1 =	sshll.u32 s1, $0x11  }
0xbd: {  	s0 =	sor.u32 s1, s0  }
0xbe: {  	s0 =	sadd.s32 $0x8F2B, s0  }
0xbf: {  	[sflag:s0] =	ssyncadd.remote.s32 $0x1  }
0xc0: {  	_ =	sfence.sel $0xFFFF  }
0xc1: {  	[dreg:$0x0] =	wrdreg $0xFFFFFFFF;
	(pc) =	sbr.abs _section_cstart, $3  }
0xc2: {  	[dreg:$0x1] =	wrdreg $0xFFFFFFFF  }
0xc3: {  	_ =	task.clear_ibuf [dreg:s8], $0x2FFFF;
	_ =	strace $0x9FFFFFFF  }
0xc4: {  	(tm) =	ssettm $0x7FFFFFFF  }
0xc5: {  	_ =	shalt  }
tec
execute0_lowered:
.L_overlay_start_1:
0x0: {  	(tag) =	ssettag $0x1  }
0x1: {  	s1 =	rddreg [dreg:$0x0]  }
0x2: {  	s11 =	rddreg [dreg:$0x2];
	s5 =	srdreg.scid;
	s4 =	simm.s32 $0x0  }
0x3: {  	s0 =	stileid.u32;
	s15 =	simm.s32 $0x1000;
	s16 =	simm.s32 $0x1  }
0x4: {  	s17 =	simm.s32 $0x2000;
	s18 =	simm.s32 $0x2;
	s19 =	simm.s32 $0x3000  }
0x5: {  	s20 =	simm.s32 $0x3;
	s21 =	simm.s32 $0x4;
	s22 =	simm.s32 $0x5  }
0x6: {  	s23 =	simm.s32 $0x0;
	s5 =	sand.u32 $0x1, s5;
	[smem:$0x7FF] =	sst s4  }
0x7: {  	s7 =	sshll.u32 s0, $0x1;
	s10 =	sadd.s32 $0xA00, s11;
	s11 =	sadd.s32 $0x3D1200, s11  }
0x8: {  	p0 =	sgt.u32 s0, $0x1;
	s6 =	ssub.s32 $0x2, s5;
	s5 =	sor.u32 s5, s7  }
0x9: {  	_ =	strace $0x80000047;
	s8 =	sshrl.u32 s6, $0x1;
	s30 =	sshll.u32 s5, $0x7  }
.Ltmp0:
0xa: {  	s7 =	sor.u32 $0x40, s5;
	s31 =	sor.u32 $0x1E80, s5;
	(pc) =	sbr.rel .LBB2_1-.Ltmp0, $4  }
0xb: {  	s9 =	sshll.u32 s5, $0x9;
	p1 =	sne.s32 s5, $0x1F;
	s12 =	ssub.s32 s6, s8  }
0xc: {  	v0 =	vlaneseq.u32;
	s6 =	sadd.s32 s1, s30;
	s13 =	sshll.u32 s31, $0x7;
	s14 =	sshll.u32 s31, $0x9  }
0xd: {  	v1 =	vand.u32 $0x3, v0;
	s8 =	sadd.s32 s10, s9;
	s9 =	sadd.s32 s1, s13;
	s10 =	sadd.s32 s10, s14  }
0xe: {  	v1 =	vmul.u32 $0x20, v1;
	s12 =	smax.u32 s12, $0x1;
	s13 =	simm.s32 $0x400;
	s14 =	simm.s32 $0x7A1400  }
.LBB2_15:
0xf: {  	s23 =	sadd.s32 $0x1, s23  }
0x10: {  	p2 =	sne.s32 s23, s12  }
.Ltmp1:
0x11: {  	_ = 	snop;
	(pc) =	sbr.rel @!p2 .LBB2_16-.Ltmp1, $1  }
0x12: {  	_ =	sdelay $0x3  }
.LBB2_1:
0x13: {  	[tilespmem:s4], [sflag:$0x1] =	stream.strided.gather [hbm4b:s6+s13], $0x1000, s14, s13, $0x38;
	[tilespmem:$0x4000] =	vst v63  }
0x14: {  	s24 =	simm.s32 $0x0  }
.LBB2_2:
0x15: {  	s26 =	simm.s32 $0x0  }
0x16: {  	s25 =	sand.u32 $0x8, s26  }
0x17: {  	s29 =	sor.u32 $0x1, s25;
	s30 =	sor.u32 $0x2, s25  }
0x18: {  	s31 =	sor.u32 $0x7, s25;
	s3 =	sor.u32 $0x4, s25;
	v3 =	vadd.s32 s29, v0;
	s29 =	sor.u32 $0x3, s25  }
0x19: {  	v2 =	vadd.s32 s25, v0;
	s2 =	sor.u32 $0x5, s25;
	v6 =	vadd.s32 s29, v0;
	s29 =	sor.u32 $0x6, s25;
	s25 =	sshll.u32 s24, $0x6  }
0x1a: {  	s28 =	simm.s32 $0x0;
	v4 =	vadd.s32 s30, v0;
	v5 =	vadd.s32 s31, v0;
	v9 =	vadd.s32 s29, v0;
	s29 =	sor.u32 s5, s25  }
0x1b: {  	v7 =	vadd.s32 s3, v0;
	s3 =	sand.u32 $0x70, s28;
	v8 =	vadd.s32 s2, v0;
	v2 =	vand.u32 $0xF, v2;
	s29 =	sshll.u32 s29, $0x7  }
0x1c: {  	v5 =	vand.u32 $0xF, v5;
	v12 =	vor.u32 s3, v0;
	v3 =	vand.u32 $0xF, v3;
	s29 =	sadd.s32 s29, s1  }
0x1d: {  	s0 =	sand.u32 $0x10, s26;
	v4 =	vand.u32 $0xF, v4;
	v7 =	vand.u32 $0xF, v7;
	v11 =	vand.u32 $0xF, v8;
	s29 =	sadd.s32 $0x1000, s29  }
0x1e: {  	v2 =	vor.u32 s0, v2;
	v10 =	vor.u32 s0, v5;
	v6 =	vand.u32 $0xF, v6;
	[tilespmem:s15], [sflag:$0x2] =	stream.strided.gather [hbm4b:s29+s13], $0x1000, s14, s13, $0x38;
	[tilespmem:$0x4000] =	vst v63  }
0x1f: {  	v19 =	vor.u32 s0, v3;
	v3 =	vor.u32 s0, v7;
	v5 =	vshll.u32 v10, $0x7;
	_ =	swait.ge [sflag:s16], $0x1000  }
0x20: {  	p2 =	seq.s32 s24, $0x0;
	v7 =	vor.u32 s0, v11;
	v9 =	vand.u32 $0xF, v9;
	v17 =	vor.u32 v12, v5;
	[sflag:s16] =	ssyncset.done $0x0  }
0x21: {  	v8 =	vor.u32 s0, v6;
	v5 =	vor.u32 s0, v4;
	v6 =	vor.u32 s0, v9;
	s0 =	simm.s32 @!p2 $0x3;
	[sflag:s16] =	ssyncadd.s32 $0xFFFFF000  }
0x22: {  	v4 =	vshll.u32 v12, $0x5;
	_ =	swait.ge @!p2 [sflag:s0], $0x1000  }
0x23: {  	v4 =	vand.u32 $0xF80, v4;
	[sflag:s0] =	ssyncset.done @!p2 $0x0  }
0x24: {  	v22 =	vshll.u32 v2, $0x7;
	v4 =	vor.u32 v1, v4;
	[sflag:s0] =	ssyncadd.s32 @!p2 $0xFFFFF000  }
0x25: {  	v20 =	vshll.u32 v7, $0x7;
	v9 =	vshll.u32 v19, $0x7;
	v15 =	vor.u32 v10, v4;
	v17 =	vld.idx.msk [tilespmem:v17+s4+$0x0], $0xffff  }
0x26: {  	v13 =	vshll.u32 v8, $0x7;
	v11 =	vshll.u32 v5, $0x7;
	v21 =	vshll.u32 v6, $0x7  }
0x27: {  	v18 =	vor.u32 v12, v9;
	v14 =	vor.u32 v12, v13;
	v9 =	vor.u32 v12, v22  }
0x28: {  	v16 =	vor.u32 v12, v11;
	v11 =	vor.u32 v12, v20;
	v10 =	vshll.u32 v3, $0x7  }
0x29: {  	s29 =	sshll.u32 s24, $0x1;
	v13 =	vor.u32 v12, v10;
	v10 =	vor.u32 v19, v4;
	v12 =	vor.u32 v12, v21  }
.LBB2_3:
0x2a: {  	s26 =	sadd.s32 $0x8, s26;
	v19 =	vor.u32 v5, v4;
	v20 =	vor.u32 v8, v4;
	[tilespmem:v15+s17+$0x0] =	vst.idx.msk $0xffff, v17  }
0x2b: {  	v15 =	vor.u32 v3, v4;
	v21 =	vor.u32 v7, v4;
	v22 =	vor.u32 v6, v4;
	s0 =	sand.u32 $0x8, s26;
	p3 =	slt.u32 s26, $0xF8  }
0x2c: {  	v23 =	vor.u32 v2, v4;
	v3 =	vadd.s32 s0, v0;
	s30 =	sor.u32 $0x1, s0;
	s31 =	sor.u32 $0x2, s0;
	s3 =	sor.u32 $0x7, s0;
	v2 =	vld.idx.msk [tilespmem:v18+s4+$0x0], $0xffff  }
0x2d: {  	s2 =	sor.u32 $0x5, s0;
	v4 =	vadd.s32 s30, v0;
	v5 =	vadd.s32 s31, v0;
	s30 =	sor.u32 $0x3, s0;
	s31 =	sor.u32 $0x4, s0;
	v6 =	vadd.s32 s3, v0;
	v7 =	vld.idx.msk [tilespmem:v16+s4+$0x0], $0xffff  }
0x2e: {  	s28 =	sadd.s32 $0x4, s28;
	s3 =	sand.u32 $0x10, s26;
	s0 =	sor.u32 $0x6, s0;
	v8 =	vadd.s32 s30, v0;
	v16 =	vadd.s32 s31, v0;
	v6 =	vand.u32 $0xF, v6;
	v14 =	vld.idx.msk [tilespmem:v14+s4+$0x0], $0xffff  }
0x2f: {  	v17 =	vadd.s32 s2, v0;
	s30 =	sand.u32 $0x70, s28;
	v18 =	vadd.s32 s0, v0;
	v24 =	vor.u32 s3, v6;
	v13 =	vld.idx.msk [tilespmem:v13+s4+$0x0], $0xffff  }
0x30: {  	v4 =	vand.u32 $0xF, v4;
	v25 =	vor.u32 s30, v0;
	v6 =	vshll.u32 v24, $0x7;
	v11 =	vld.idx.msk [tilespmem:v11+s4+$0x0], $0xffff  }
0x31: {  	v5 =	vand.u32 $0xF, v5;
	v8 =	vand.u32 $0xF, v8;
	v26 =	vor.u32 v25, v6;
	v12 =	vld.idx.msk [tilespmem:v12+s4+$0x0], $0xffff  }
0x32: {  	v6 =	vand.u32 $0xF, v16;
	v16 =	vand.u32 $0xF, v17;
	v17 =	vand.u32 $0xF, v18;
	v9 =	vld.idx.msk [tilespmem:v9+s4+$0x0], $0xffff;
	[tilespmem:v10+s17+$0x0] =	vst.idx.msk $0xffff, v2  }
0x33: {  	v5 =	vor.u32 s3, v5;
	v2 =	vand.u32 $0xF, v3;
	v10 =	vor.u32 s3, v4;
	[tilespmem:v19+s17+$0x0] =	vst.idx.msk $0xffff, v7  }
0x34: {  	v8 =	vor.u32 s3, v8;
	v4 =	vshll.u32 v25, $0x5;
	v3 =	vor.u32 s3, v6;
	[tilespmem:v20+s17+$0x0] =	vst.idx.msk $0xffff, v14  }
0x35: {  	v6 =	vor.u32 s3, v17;
	v4 =	vand.u32 $0xF80, v4;
	v7 =	vor.u32 s3, v16;
	[tilespmem:v15+s17+$0x0] =	vst.idx.msk $0xffff, v13  }
0x36: {  	v2 =	vor.u32 s3, v2;
	v4 =	vor.u32 v1, v4;
	v13 =	vshll.u32 v10, $0x7;
	v17 =	vld.idx.msk [tilespmem:v26+s4+$0x0], $0xffff;
	[tilespmem:v21+s17+$0x0] =	vst.idx.msk $0xffff, v11  }
.Ltmp2:
0x37: {  	v14 =	vshll.u32 v8, $0x7;
	v15 =	vor.u32 v24, v4;
	v11 =	vshll.u32 v5, $0x7;
	[tilespmem:v22+s17+$0x0] =	vst.idx.msk $0xffff, v12;
	(pc) =	sbr.rel @p3 .LBB2_3-.Ltmp2, $4  }
0x38: {  	v19 =	vshll.u32 v7, $0x7;
	v20 =	vshll.u32 v6, $0x7;
	v12 =	vshll.u32 v3, $0x7;
	[tilespmem:v23+s17+$0x0] =	vst.idx.msk $0xffff, v9  }
0x39: {  	v18 =	vor.u32 v25, v13;
	v16 =	vor.u32 v25, v11;
	v9 =	vshll.u32 v2, $0x7  }
0x3a: {  	v14 =	vor.u32 v25, v14;
	v11 =	vor.u32 v25, v19;
	v13 =	vor.u32 v25, v12  }
0x3b: {  	v10 =	vor.u32 v10, v4;
	v12 =	vor.u32 v25, v20;
	v9 =	vor.u32 v25, v9  }
0x3c: {  	_ =	sdelay $0x3  }
0x3d: {  	v18 =	vld.idx.msk [tilespmem:v18+s4+$0x0], $0xffff  }
0x3e: {  	v5 =	vor.u32 v5, v4;
	v16 =	vld.idx.msk [tilespmem:v16+s4+$0x0], $0xffff  }
0x3f: {  	v8 =	vor.u32 v8, v4;
	v14 =	vld.idx.msk [tilespmem:v14+s4+$0x0], $0xffff  }
0x40: {  	v3 =	vor.u32 v3, v4;
	v13 =	vld.idx.msk [tilespmem:v13+s4+$0x0], $0xffff  }
0x41: {  	[tilespmem:v15+s17+$0x0] =	vst.idx.msk $0xffff, v17;
	v7 =	vor.u32 v7, v4;
	v11 =	vld.idx.msk [tilespmem:v11+s4+$0x0], $0xffff  }
0x42: {  	v6 =	vor.u32 v6, v4;
	v12 =	vld.idx.msk [tilespmem:v12+s4+$0x0], $0xffff;
	[tilespmem:v10+s17+$0x0] =	vst.idx.msk $0xffff, v18  }
0x43: {  	v2 =	vor.u32 v2, v4;
	v4 =	vld.idx.msk [tilespmem:v9+s4+$0x0], $0xffff;
	[tilespmem:v5+s17+$0x0] =	vst.idx.msk $0xffff, v16  }
0x44: {  	[tilespmem:v8+s17+$0x0] =	vst.idx.msk $0xffff, v14  }
0x45: {  	[tilespmem:v3+s17+$0x0] =	vst.idx.msk $0xffff, v13  }
0x46: {  	[tilespmem:v7+s17+$0x0] =	vst.idx.msk $0xffff, v11  }
0x47: {  	s0 =	sshll.u32 s24, $0xF;
	[tilespmem:v6+s17+$0x0] =	vst.idx.msk $0xffff, v12  }
0x48: {  	s28 =	simm.s32 $0x0;
	s0 =	sadd.s32 s0, s8;
	[tilespmem:v2+s17+$0x0] =	vst.idx.msk $0xffff, v4  }
0x49: {  	[hbm4b:s0+s4] =	stream.linear.scatter [tilespmem:s17], [sflag:$0x3], $0x1000, $0x38;
	[tilespmem:$0x4000] =	vst v63  }
0x4a: {  	s26 =	sor.u32 $0x1, s29;
	s0 =	sand.u32 $0x8, s28  }
0x4b: {  	p3 =	sgt.u32 s26, $0xF2;
	s2 =	sor.u32 $0x1, s0  }
0x4c: {  	s3 =	sor.u32 $0x2, s0;
	s30 =	sor.u32 $0x7, s0;
	s31 =	sor.u32 $0x4, s0  }
0x4d: {  	v2 =	vadd.s32 s0, v0;
	v4 =	vadd.s32 s3, v0;
	s3 =	sor.u32 $0x3, s0;
	v5 =	vadd.s32 s30, v0;
	s30 =	sor.u32 $0x5, s0;
	s0 =	sor.u32 $0x6, s0  }
0x4e: {  	s29 =	simm.s32 $0x0;
	v3 =	vadd.s32 s2, v0;
	s2 =	sand.u32 $0x10, s28;
	v9 =	vadd.s32 s0, v0;
	s0 =	sadd.s32 @!p3 s7, s25  }
0x4f: {  	v7 =	vadd.s32 s31, v0;
	s31 =	sand.u32 $0x70, s29;
	v6 =	vadd.s32 s3, v0;
	s3 =	simm.s32 @!p3 $0x400;
	s0 =	sshll.u32 @!p3 s0, $0x7  }
0x50: {  	v2 =	vand.u32 $0xF, v2;
	v5 =	vand.u32 $0xF, v5;
	v8 =	vadd.s32 s30, v0;
	s25 =	simm.s32 @!p3 $0x7A1400;
	s30 =	simm.s32 @!p3 $0x0;
	s0 =	sadd.s32 @!p3 s1, s0  }
0x51: {  	v12 =	vor.u32 s31, v0;
	v3 =	vand.u32 $0xF, v3;
	v10 =	vor.u32 s2, v5;
	[tilespmem:s30], [sflag:$0x1] =	stream.strided.gather @!p3 [hbm4b:s0+s3], $0x1000, s25, s3, $0x38;
	[tilespmem:$0x4000] =	vst v63  }
0x52: {  	v4 =	vand.u32 $0xF, v4;
	v7 =	vand.u32 $0xF, v7;
	v5 =	vshll.u32 v10, $0x7;
	_ =	swait.ge [sflag:s18], $0x1000  }
0x53: {  	v2 =	vor.u32 s2, v2;
	v6 =	vand.u32 $0xF, v6;
	v17 =	vor.u32 v12, v5;
	[sflag:s18] =	ssyncset.done $0x0  }
0x54: {  	v8 =	vand.u32 $0xF, v8;
	v11 =	vand.u32 $0xF, v9;
	v19 =	vor.u32 s2, v3;
	s0 =	simm.s32 @!p2 $0x4;
	[sflag:s18] =	ssyncadd.s32 $0xFFFFF000  }
0x55: {  	v3 =	vshll.u32 v12, $0x5;
	v22 =	vshll.u32 v2, $0x7;
	v9 =	vor.u32 s2, v6;
	_ =	swait.ge @!p2 [sflag:s0], $0x1000  }
0x56: {  	v3 =	vand.u32 $0xF80, v3;
	v6 =	vor.u32 s2, v11;
	v5 =	vor.u32 s2, v4;
	[sflag:s0] =	ssyncset.done @!p2 $0x0  }
0x57: {  	v4 =	vor.u32 s2, v7;
	v7 =	vor.u32 s2, v8;
	v3 =	vor.u32 v1, v3;
	[sflag:s0] =	ssyncadd.s32 @!p2 $0xFFFFF000  }
0x58: {  	v8 =	vshll.u32 v19, $0x7;
	v13 =	vshll.u32 v9, $0x7;
	v15 =	vor.u32 v10, v3;
	v17 =	vld.idx.msk [tilespmem:v17+s15+$0x0], $0xffff  }
0x59: {  	v21 =	vshll.u32 v6, $0x7;
	v11 =	vshll.u32 v5, $0x7;
	v10 =	vshll.u32 v4, $0x7  }
0x5a: {  	v20 =	vshll.u32 v7, $0x7;
	v18 =	vor.u32 v12, v8;
	v14 =	vor.u32 v12, v13  }
0x5b: {  	v8 =	vor.u32 v12, v22;
	v16 =	vor.u32 v12, v11;
	v13 =	vor.u32 v12, v10  }
0x5c: {  	v11 =	vor.u32 v12, v20;
	v10 =	vor.u32 v19, v3;
	v12 =	vor.u32 v12, v21  }
.LBB2_5:
0x5d: {  	s28 =	sadd.s32 $0x8, s28;
	v19 =	vor.u32 v5, v3;
	v20 =	vor.u32 v9, v3;
	[tilespmem:v15+s19+$0x0] =	vst.idx.msk $0xffff, v17  }
0x5e: {  	v15 =	vor.u32 v4, v3;
	v21 =	vor.u32 v7, v3;
	v22 =	vor.u32 v6, v3;
	s0 =	sand.u32 $0x8, s28;
	p2 =	slt.u32 s28, $0xF8  }
0x5f: {  	v23 =	vor.u32 v2, v3;
	v4 =	vadd.s32 s0, v0;
	s2 =	sor.u32 $0x1, s0;
	s3 =	sor.u32 $0x2, s0;
	s25 =	sor.u32 $0x7, s0;
	v2 =	vld.idx.msk [tilespmem:v18+s15+$0x0], $0xffff  }
0x60: {  	s30 =	sor.u32 $0x5, s0;
	v3 =	vadd.s32 s2, v0;
	v5 =	vadd.s32 s3, v0;
	s2 =	sor.u32 $0x3, s0;
	s3 =	sor.u32 $0x4, s0;
	v6 =	vadd.s32 s25, v0;
	v7 =	vld.idx.msk [tilespmem:v16+s15+$0x0], $0xffff  }
0x61: {  	s29 =	sadd.s32 $0x4, s29;
	s25 =	sand.u32 $0x10, s28;
	s0 =	sor.u32 $0x6, s0;
	v9 =	vadd.s32 s2, v0;
	v16 =	vadd.s32 s3, v0;
	v6 =	vand.u32 $0xF, v6;
	v14 =	vld.idx.msk [tilespmem:v14+s15+$0x0], $0xffff  }
0x62: {  	v17 =	vadd.s32 s30, v0;
	s2 =	sand.u32 $0x70, s29;
	v18 =	vadd.s32 s0, v0;
	v24 =	vor.u32 s25, v6;
	v13 =	vld.idx.msk [tilespmem:v13+s15+$0x0], $0xffff  }
0x63: {  	v3 =	vand.u32 $0xF, v3;
	v25 =	vor.u32 s2, v0;
	v6 =	vshll.u32 v24, $0x7;
	v11 =	vld.idx.msk [tilespmem:v11+s15+$0x0], $0xffff  }
0x64: {  	v5 =	vand.u32 $0xF, v5;
	v9 =	vand.u32 $0xF, v9;
	v26 =	vor.u32 v25, v6;
	v12 =	vld.idx.msk [tilespmem:v12+s15+$0x0], $0xffff  }
0x65: {  	v6 =	vand.u32 $0xF, v16;
	v16 =	vand.u32 $0xF, v17;
	v17 =	vand.u32 $0xF, v18;
	v8 =	vld.idx.msk [tilespmem:v8+s15+$0x0], $0xffff;
	[tilespmem:v10+s19+$0x0] =	vst.idx.msk $0xffff, v2  }
0x66: {  	v5 =	vor.u32 s25, v5;
	v2 =	vand.u32 $0xF, v4;
	v10 =	vor.u32 s25, v3;
	[tilespmem:v19+s19+$0x0] =	vst.idx.msk $0xffff, v7  }
0x67: {  	v9 =	vor.u32 s25, v9;
	v3 =	vshll.u32 v25, $0x5;
	v4 =	vor.u32 s25, v6;
	[tilespmem:v20+s19+$0x0] =	vst.idx.msk $0xffff, v14  }
0x68: {  	v6 =	vor.u32 s25, v17;
	v3 =	vand.u32 $0xF80, v3;
	v7 =	vor.u32 s25, v16;
	[tilespmem:v15+s19+$0x0] =	vst.idx.msk $0xffff, v13  }
0x69: {  	v2 =	vor.u32 s25, v2;
	v3 =	vor.u32 v1, v3;
	v13 =	vshll.u32 v10, $0x7;
	v17 =	vld.idx.msk [tilespmem:v26+s15+$0x0], $0xffff;
	[tilespmem:v21+s19+$0x0] =	vst.idx.msk $0xffff, v11  }
.Ltmp3:
0x6a: {  	v14 =	vshll.u32 v9, $0x7;
	v15 =	vor.u32 v24, v3;
	v11 =	vshll.u32 v5, $0x7;
	[tilespmem:v22+s19+$0x0] =	vst.idx.msk $0xffff, v12;
	(pc) =	sbr.rel @p2 .LBB2_5-.Ltmp3, $4  }
0x6b: {  	v19 =	vshll.u32 v7, $0x7;
	v20 =	vshll.u32 v6, $0x7;
	v12 =	vshll.u32 v4, $0x7;
	[tilespmem:v23+s19+$0x0] =	vst.idx.msk $0xffff, v8  }
0x6c: {  	v18 =	vor.u32 v25, v13;
	v16 =	vor.u32 v25, v11;
	v8 =	vshll.u32 v2, $0x7  }
0x6d: {  	v14 =	vor.u32 v25, v14;
	v11 =	vor.u32 v25, v19;
	v13 =	vor.u32 v25, v12  }
0x6e: {  	v10 =	vor.u32 v10, v3;
	v12 =	vor.u32 v25, v20;
	v8 =	vor.u32 v25, v8  }
0x6f: {  	_ =	sdelay $0x3  }
0x70: {  	v18 =	vld.idx.msk [tilespmem:v18+s15+$0x0], $0xffff  }
0x71: {  	v5 =	vor.u32 v5, v3;
	v16 =	vld.idx.msk [tilespmem:v16+s15+$0x0], $0xffff  }
0x72: {  	v9 =	vor.u32 v9, v3;
	v14 =	vld.idx.msk [tilespmem:v14+s15+$0x0], $0xffff  }
0x73: {  	v4 =	vor.u32 v4, v3;
	v13 =	vld.idx.msk [tilespmem:v13+s15+$0x0], $0xffff  }
0x74: {  	[tilespmem:v15+s19+$0x0] =	vst.idx.msk $0xffff, v17;
	v7 =	vor.u32 v7, v3;
	v11 =	vld.idx.msk [tilespmem:v11+s15+$0x0], $0xffff  }
0x75: {  	v6 =	vor.u32 v6, v3;
	v12 =	vld.idx.msk [tilespmem:v12+s15+$0x0], $0xffff;
	[tilespmem:v10+s19+$0x0] =	vst.idx.msk $0xffff, v18  }
0x76: {  	v2 =	vor.u32 v2, v3;
	v3 =	vld.idx.msk [tilespmem:v8+s15+$0x0], $0xffff;
	s24 =	sadd.s32 $0x1, s24;
	[tilespmem:v5+s19+$0x0] =	vst.idx.msk $0xffff, v16  }
0x77: {  	p2 =	sne.s32 s24, $0x7A;
	[tilespmem:v9+s19+$0x0] =	vst.idx.msk $0xffff, v14  }
.Ltmp4:
0x78: {  	[tilespmem:v4+s19+$0x0] =	vst.idx.msk $0xffff, v13;
	(pc) =	sbr.rel @p2 .LBB2_2-.Ltmp4, $4  }
0x79: {  	[tilespmem:v7+s19+$0x0] =	vst.idx.msk $0xffff, v11  }
0x7a: {  	s0 =	sshll.u32 s26, $0xE;
	[tilespmem:v6+s19+$0x0] =	vst.idx.msk $0xffff, v12  }
0x7b: {  	s0 =	sadd.s32 s0, s8;
	[tilespmem:v2+s19+$0x0] =	vst.idx.msk $0xffff, v3  }
0x7c: {  	[hbm4b:s0+s4] =	stream.linear.scatter [tilespmem:s19], [sflag:$0x4], $0x1000, $0x38;
	[tilespmem:$0x4000] =	vst v63  }
0x7d: {  	_ =	swait.ge [sflag:s20], $0x1000  }
.Ltmp5:
0x7e: {  	[sflag:s20] =	ssyncset.done $0x0;
	(pc) =	sbr.rel @p0 .LBB2_11-.Ltmp5, $4  }
0x7f: {  	[sflag:s20] =	ssyncadd.s32 $0xFFFFF000  }
0x80: {  	_ =	swait.ge [sflag:s21], $0x1000  }
0x81: {  	[sflag:s21] =	ssyncset.done $0x0  }
0x82: {  	[sflag:s21] =	ssyncadd.s32 $0xFFFFF000  }
0x83: {  	s24 =	simm.s32 $0x0  }
0x84: {  	s25 =	simm.s32 $0x0;
	s0 =	sand.u32 $0x8, s24  }
0x85: {  	s31 =	sand.u32 $0x70, s25;
	v2 =	vadd.s32 s0, v0;
	s2 =	sor.u32 $0x1, s0;
	s3 =	sor.u32 $0x2, s0  }
0x86: {  	s26 =	sor.u32 $0x7, s0;
	s29 =	sor.u32 $0x4, s0;
	s30 =	sor.u32 $0x5, s0;
	v12 =	vor.u32 s31, v0;
	v3 =	vadd.s32 s2, v0;
	v4 =	vadd.s32 s3, v0  }
0x87: {  	s3 =	sor.u32 $0x3, s0;
	v5 =	vadd.s32 s26, v0;
	v7 =	vadd.s32 s29, v0;
	v8 =	vadd.s32 s30, v0  }
0x88: {  	s28 =	sand.u32 $0x10, s24;
	s0 =	sor.u32 $0x6, s0;
	v2 =	vand.u32 $0xF, v2;
	v6 =	vadd.s32 s3, v0;
	v5 =	vand.u32 $0xF, v5  }
0x89: {  	v9 =	vadd.s32 s0, v0;
	v3 =	vand.u32 $0xF, v3;
	v11 =	vor.u32 s28, v5  }
0x8a: {  	v4 =	vand.u32 $0xF, v4;
	v8 =	vand.u32 $0xF, v8;
	v5 =	vshll.u32 v11, $0x7  }
0x8b: {  	v2 =	vor.u32 s28, v2;
	v6 =	vand.u32 $0xF, v6;
	v17 =	vor.u32 v12, v5  }
0x8c: {  	[tilespmem:s25], [sflag:$0x5] =	stream.strided.gather [hbm4b:s9+s13], $0x1000, s14, s13, $0x38;
	v9 =	vand.u32 $0xF, v9;
	v19 =	vor.u32 s28, v3;
	v3 =	vshll.u32 v12, $0x5;
	[tilespmem:$0x4000] =	vst v63  }
0x8d: {  	_ =	swait.ge [sflag:s22], $0x1000;
	v8 =	vor.u32 s28, v8;
	v22 =	vshll.u32 v2, $0x7;
	v10 =	vor.u32 s28, v6  }
0x8e: {  	[sflag:s22] =	ssyncset.done $0x0;
	v3 =	vand.u32 $0xF80, v3;
	v6 =	vshll.u32 v19, $0x7;
	v20 =	vshll.u32 v8, $0x7  }
0x8f: {  	[sflag:s22] =	ssyncadd.s32 $0xFFFFF000;
	v5 =	vand.u32 $0xF, v7;
	v7 =	vor.u32 s28, v4;
	v3 =	vor.u32 v1, v3  }
0x90: {  	v13 =	vshll.u32 v10, $0x7;
	v18 =	vor.u32 v12, v6;
	v15 =	vor.u32 v11, v3;
	v17 =	vld.idx.msk [tilespmem:v17+s4+$0x0], $0xffff  }
0x91: {  	v6 =	vor.u32 v12, v22;
	v4 =	vor.u32 s28, v5;
	v5 =	vor.u32 s28, v9  }
0x92: {  	v9 =	vshll.u32 v7, $0x7;
	v14 =	vor.u32 v12, v13;
	v11 =	vshll.u32 v4, $0x7  }
0x93: {  	v21 =	vshll.u32 v5, $0x7;
	v16 =	vor.u32 v12, v9;
	v9 =	vor.u32 v19, v3  }
0x94: {  	v13 =	vor.u32 v12, v11;
	v11 =	vor.u32 v12, v20;
	v12 =	vor.u32 v12, v21  }
.LBB2_9:
0x95: {  	s24 =	sadd.s32 $0x8, s24;
	v19 =	vor.u32 v7, v3;
	v20 =	vor.u32 v10, v3;
	[tilespmem:v15+s17+$0x0] =	vst.idx.msk $0xffff, v17  }
0x96: {  	v15 =	vor.u32 v4, v3;
	v21 =	vor.u32 v8, v3;
	v22 =	vor.u32 v5, v3;
	s0 =	sand.u32 $0x8, s24;
	p2 =	slt.u32 s24, $0xF8  }
0x97: {  	v23 =	vor.u32 v2, v3;
	v4 =	vadd.s32 s0, v0;
	s2 =	sor.u32 $0x1, s0;
	s3 =	sor.u32 $0x2, s0;
	s26 =	sor.u32 $0x7, s0;
	v2 =	vld.idx.msk [tilespmem:v18+s4+$0x0], $0xffff  }
0x98: {  	s28 =	sor.u32 $0x5, s0;
	v3 =	vadd.s32 s2, v0;
	v5 =	vadd.s32 s3, v0;
	s2 =	sor.u32 $0x3, s0;
	s3 =	sor.u32 $0x4, s0;
	v7 =	vadd.s32 s26, v0;
	v8 =	vld.idx.msk [tilespmem:v16+s4+$0x0], $0xffff  }
0x99: {  	s25 =	sadd.s32 $0x4, s25;
	s26 =	sand.u32 $0x10, s24;
	s0 =	sor.u32 $0x6, s0;
	v10 =	vadd.s32 s2, v0;
	v16 =	vadd.s32 s3, v0;
	v7 =	vand.u32 $0xF, v7;
	v14 =	vld.idx.msk [tilespmem:v14+s4+$0x0], $0xffff  }
0x9a: {  	v17 =	vadd.s32 s28, v0;
	s2 =	sand.u32 $0x70, s25;
	v18 =	vadd.s32 s0, v0;
	v24 =	vor.u32 s26, v7;
	v13 =	vld.idx.msk [tilespmem:v13+s4+$0x0], $0xffff  }
0x9b: {  	v3 =	vand.u32 $0xF, v3;
	v25 =	vor.u32 s2, v0;
	v7 =	vshll.u32 v24, $0x7;
	v11 =	vld.idx.msk [tilespmem:v11+s4+$0x0], $0xffff  }
0x9c: {  	v5 =	vand.u32 $0xF, v5;
	v10 =	vand.u32 $0xF, v10;
	v26 =	vor.u32 v25, v7;
	v12 =	vld.idx.msk [tilespmem:v12+s4+$0x0], $0xffff  }
0x9d: {  	v17 =	vand.u32 $0xF, v17;
	v16 =	vand.u32 $0xF, v16;
	v18 =	vand.u32 $0xF, v18;
	v6 =	vld.idx.msk [tilespmem:v6+s4+$0x0], $0xffff;
	[tilespmem:v9+s17+$0x0] =	vst.idx.msk $0xffff, v2  }
0x9e: {  	v7 =	vor.u32 s26, v5;
	v2 =	vand.u32 $0xF, v4;
	v9 =	vor.u32 s26, v3;
	[tilespmem:v19+s17+$0x0] =	vst.idx.msk $0xffff, v8  }
0x9f: {  	v10 =	vor.u32 s26, v10;
	v3 =	vshll.u32 v25, $0x5;
	v4 =	vor.u32 s26, v16;
	[tilespmem:v20+s17+$0x0] =	vst.idx.msk $0xffff, v14  }
0xa0: {  	v5 =	vor.u32 s26, v18;
	v3 =	vand.u32 $0xF80, v3;
	v8 =	vor.u32 s26, v17;
	[tilespmem:v15+s17+$0x0] =	vst.idx.msk $0xffff, v13  }
0xa1: {  	v2 =	vor.u32 s26, v2;
	v3 =	vor.u32 v1, v3;
	v13 =	vshll.u32 v9, $0x7;
	v17 =	vld.idx.msk [tilespmem:v26+s4+$0x0], $0xffff;
	[tilespmem:v21+s17+$0x0] =	vst.idx.msk $0xffff, v11  }
.Ltmp6:
0xa2: {  	v14 =	vshll.u32 v10, $0x7;
	v15 =	vor.u32 v24, v3;
	v11 =	vshll.u32 v7, $0x7;
	[tilespmem:v22+s17+$0x0] =	vst.idx.msk $0xffff, v12;
	(pc) =	sbr.rel @p2 .LBB2_9-.Ltmp6, $4  }
0xa3: {  	v19 =	vshll.u32 v8, $0x7;
	v20 =	vshll.u32 v5, $0x7;
	v12 =	vshll.u32 v4, $0x7;
	[tilespmem:v23+s17+$0x0] =	vst.idx.msk $0xffff, v6  }
0xa4: {  	v18 =	vor.u32 v25, v13;
	v16 =	vor.u32 v25, v11;
	v6 =	vshll.u32 v2, $0x7  }
0xa5: {  	v14 =	vor.u32 v25, v14;
	v11 =	vor.u32 v25, v19;
	v13 =	vor.u32 v25, v12  }
0xa6: {  	v9 =	vor.u32 v9, v3;
	v12 =	vor.u32 v25, v20;
	v6 =	vor.u32 v25, v6  }
0xa7: {  	_ =	sdelay $0x3  }
0xa8: {  	v18 =	vld.idx.msk [tilespmem:v18+s4+$0x0], $0xffff  }
0xa9: {  	v7 =	vor.u32 v7, v3;
	v16 =	vld.idx.msk [tilespmem:v16+s4+$0x0], $0xffff  }
0xaa: {  	v10 =	vor.u32 v10, v3;
	v14 =	vld.idx.msk [tilespmem:v14+s4+$0x0], $0xffff  }
0xab: {  	v4 =	vor.u32 v4, v3;
	v13 =	vld.idx.msk [tilespmem:v13+s4+$0x0], $0xffff  }
0xac: {  	[tilespmem:v15+s17+$0x0] =	vst.idx.msk $0xffff, v17;
	v8 =	vor.u32 v8, v3;
	v11 =	vld.idx.msk [tilespmem:v11+s4+$0x0], $0xffff  }
0xad: {  	v5 =	vor.u32 v5, v3;
	v12 =	vld.idx.msk [tilespmem:v12+s4+$0x0], $0xffff;
	[tilespmem:v9+s17+$0x0] =	vst.idx.msk $0xffff, v18  }
0xae: {  	v2 =	vor.u32 v2, v3;
	v3 =	vld.idx.msk [tilespmem:v6+s4+$0x0], $0xffff;
	[tilespmem:v7+s17+$0x0] =	vst.idx.msk $0xffff, v16  }
0xaf: {  	[tilespmem:v10+s17+$0x0] =	vst.idx.msk $0xffff, v14  }
0xb0: {  	[tilespmem:v4+s17+$0x0] =	vst.idx.msk $0xffff, v13  }
0xb1: {  	[tilespmem:v8+s17+$0x0] =	vst.idx.msk $0xffff, v11  }
0xb2: {  	[tilespmem:v5+s17+$0x0] =	vst.idx.msk $0xffff, v12  }
0xb3: {  	[tilespmem:v2+s17+$0x0] =	vst.idx.msk $0xffff, v3  }
0xb4: {  	[hbm4b:s10+s4] =	stream.linear.scatter [tilespmem:s17], [sflag:$0x5], $0x1000, $0x38;
	[tilespmem:$0x4000] =	vst v63  }
0xb5: {  	_ =	swait.ge [sflag:s22], $0x1000  }
0xb6: {  	[sflag:s22] =	ssyncset.done $0x0  }
0xb7: {  	[sflag:s22] =	ssyncadd.s32 $0xFFFFF000  }
.LBB2_11:
.Ltmp7:
0xb8: {  	(pc) =	sbr.rel @p1 .LBB2_15-.Ltmp7, $1  }
0xb9: {  	_ =	sdelay $0x3  }
0xba: {  	s24 =	simm.s32 $0x0  }
0xbb: {  	s0 =	sand.u32 $0x8, s24  }
0xbc: {  	v2 =	vadd.s32 s0, v0;
	s2 =	sor.u32 $0x1, s0;
	s3 =	sor.u32 $0x2, s0;
	s26 =	sor.u32 $0x7, s0  }
0xbd: {  	s30 =	sor.u32 $0x3, s0;
	s31 =	sor.u32 $0x4, s0;
	s29 =	sor.u32 $0x5, s0;
	v3 =	vadd.s32 s2, v0;
	v4 =	vadd.s32 s3, v0;
	v5 =	vadd.s32 s26, v0  }
0xbe: {  	s25 =	simm.s32 $0x0;
	s0 =	sor.u32 $0x6, s0;
	v6 =	vadd.s32 s30, v0;
	v7 =	vadd.s32 s31, v0;
	v8 =	vadd.s32 s29, v0  }
0xbf: {  	s28 =	sand.u32 $0x10, s24;
	s30 =	sand.u32 $0x70, s25;
	v9 =	vadd.s32 s0, v0;
	v2 =	vand.u32 $0xF, v2;
	v5 =	vand.u32 $0xF, v5  }
0xc0: {  	v12 =	vor.u32 s30, v0;
	v3 =	vand.u32 $0xF, v3;
	v11 =	vor.u32 s28, v5  }
0xc1: {  	v4 =	vand.u32 $0xF, v4;
	v6 =	vand.u32 $0xF, v6;
	v5 =	vshll.u32 v11, $0x7  }
0xc2: {  	s31 =	rddreg [dreg:$0x1];
	v8 =	vand.u32 $0xF, v8;
	v9 =	vand.u32 $0xF, v9;
	v17 =	vor.u32 v12, v5  }
0xc3: {  	v2 =	vor.u32 s28, v2;
	[tilespmem:s25], [sflag:$0x5] =	stream.linear.gather [hbm4b:s31+s25], $0x1000, $0x38;
	v19 =	vor.u32 s28, v3;
	v3 =	vshll.u32 v12, $0x5;
	[tilespmem:$0x4000] =	vst v63  }
0xc4: {  	v10 =	vor.u32 s28, v6;
	v8 =	vor.u32 s28, v8;
	_ =	swait.ge [sflag:s22], $0x1000;
	v22 =	vshll.u32 v2, $0x7  }
0xc5: {  	v3 =	vand.u32 $0xF80, v3;
	v6 =	vshll.u32 v19, $0x7;
	v13 =	vshll.u32 v10, $0x7;
	[sflag:s22] =	ssyncset.done $0x0  }
0xc6: {  	v20 =	vshll.u32 v8, $0x7;
	v5 =	vand.u32 $0xF, v7;
	v3 =	vor.u32 v1, v3;
	[sflag:s22] =	ssyncadd.s32 $0xFFFFF000  }
0xc7: {  	v7 =	vor.u32 s28, v4;
	v18 =	vor.u32 v12, v6;
	v15 =	vor.u32 v11, v3;
	v17 =	vld.idx.msk [tilespmem:v17+s4+$0x0], $0xffff  }
0xc8: {  	v14 =	vor.u32 v12, v13;
	v6 =	vor.u32 v12, v22;
	v4 =	vor.u32 s28, v5  }
0xc9: {  	v5 =	vor.u32 s28, v9;
	v9 =	vshll.u32 v7, $0x7;
	v11 =	vshll.u32 v4, $0x7  }
0xca: {  	v21 =	vshll.u32 v5, $0x7;
	v16 =	vor.u32 v12, v9;
	v9 =	vor.u32 v19, v3  }
0xcb: {  	v13 =	vor.u32 v12, v11;
	v11 =	vor.u32 v12, v20;
	v12 =	vor.u32 v12, v21  }
.LBB2_13:
0xcc: {  	s24 =	sadd.s32 $0x8, s24;
	v19 =	vor.u32 v7, v3;
	v20 =	vor.u32 v10, v3;
	[tilespmem:v15+s17+$0x0] =	vst.idx.msk $0xffff, v17  }
0xcd: {  	v15 =	vor.u32 v4, v3;
	v21 =	vor.u32 v8, v3;
	v22 =	vor.u32 v5, v3;
	s0 =	sand.u32 $0x8, s24;
	p2 =	slt.u32 s24, $0xF8  }
0xce: {  	v23 =	vor.u32 v2, v3;
	v4 =	vadd.s32 s0, v0;
	s2 =	sor.u32 $0x1, s0;
	s3 =	sor.u32 $0x2, s0;
	s26 =	sor.u32 $0x7, s0;
	v2 =	vld.idx.msk [tilespmem:v18+s4+$0x0], $0xffff  }
0xcf: {  	s28 =	sor.u32 $0x5, s0;
	v3 =	vadd.s32 s2, v0;
	v5 =	vadd.s32 s3, v0;
	s2 =	sor.u32 $0x3, s0;
	s3 =	sor.u32 $0x4, s0;
	v7 =	vadd.s32 s26, v0;
	v8 =	vld.idx.msk [tilespmem:v16+s4+$0x0], $0xffff  }
0xd0: {  	s25 =	sadd.s32 $0x4, s25;
	s26 =	sand.u32 $0x10, s24;
	s0 =	sor.u32 $0x6, s0;
	v10 =	vadd.s32 s2, v0;
	v16 =	vadd.s32 s3, v0;
	v7 =	vand.u32 $0xF, v7;
	v14 =	vld.idx.msk [tilespmem:v14+s4+$0x0], $0xffff  }
0xd1: {  	v17 =	vadd.s32 s28, v0;
	s2 =	sand.u32 $0x70, s25;
	v18 =	vadd.s32 s0, v0;
	v24 =	vor.u32 s26, v7;
	v13 =	vld.idx.msk [tilespmem:v13+s4+$0x0], $0xffff  }
0xd2: {  	v3 =	vand.u32 $0xF, v3;
	v25 =	vor.u32 s2, v0;
	v7 =	vshll.u32 v24, $0x7;
	v11 =	vld.idx.msk [tilespmem:v11+s4+$0x0], $0xffff  }
0xd3: {  	v5 =	vand.u32 $0xF, v5;
	v10 =	vand.u32 $0xF, v10;
	v26 =	vor.u32 v25, v7;
	v12 =	vld.idx.msk [tilespmem:v12+s4+$0x0], $0xffff  }
0xd4: {  	v17 =	vand.u32 $0xF, v17;
	v16 =	vand.u32 $0xF, v16;
	v18 =	vand.u32 $0xF, v18;
	v6 =	vld.idx.msk [tilespmem:v6+s4+$0x0], $0xffff;
	[tilespmem:v9+s17+$0x0] =	vst.idx.msk $0xffff, v2  }
0xd5: {  	v7 =	vor.u32 s26, v5;
	v2 =	vand.u32 $0xF, v4;
	v9 =	vor.u32 s26, v3;
	[tilespmem:v19+s17+$0x0] =	vst.idx.msk $0xffff, v8  }
0xd6: {  	v10 =	vor.u32 s26, v10;
	v3 =	vshll.u32 v25, $0x5;
	v4 =	vor.u32 s26, v16;
	[tilespmem:v20+s17+$0x0] =	vst.idx.msk $0xffff, v14  }
0xd7: {  	v5 =	vor.u32 s26, v18;
	v3 =	vand.u32 $0xF80, v3;
	v8 =	vor.u32 s26, v17;
	[tilespmem:v15+s17+$0x0] =	vst.idx.msk $0xffff, v13  }
0xd8: {  	v2 =	vor.u32 s26, v2;
	v3 =	vor.u32 v1, v3;
	v13 =	vshll.u32 v9, $0x7;
	v17 =	vld.idx.msk [tilespmem:v26+s4+$0x0], $0xffff;
	[tilespmem:v21+s17+$0x0] =	vst.idx.msk $0xffff, v11  }
.Ltmp8:
0xd9: {  	v14 =	vshll.u32 v10, $0x7;
	v15 =	vor.u32 v24, v3;
	v11 =	vshll.u32 v7, $0x7;
	[tilespmem:v22+s17+$0x0] =	vst.idx.msk $0xffff, v12;
	(pc) =	sbr.rel @p2 .LBB2_13-.Ltmp8, $4  }
0xda: {  	v19 =	vshll.u32 v8, $0x7;
	v20 =	vshll.u32 v5, $0x7;
	v12 =	vshll.u32 v4, $0x7;
	[tilespmem:v23+s17+$0x0] =	vst.idx.msk $0xffff, v6  }
0xdb: {  	v18 =	vor.u32 v25, v13;
	v16 =	vor.u32 v25, v11;
	v6 =	vshll.u32 v2, $0x7  }
0xdc: {  	v14 =	vor.u32 v25, v14;
	v11 =	vor.u32 v25, v19;
	v13 =	vor.u32 v25, v12  }
0xdd: {  	v9 =	vor.u32 v9, v3;
	v12 =	vor.u32 v25, v20;
	v6 =	vor.u32 v25, v6  }
0xde: {  	_ =	sdelay $0x3  }
0xdf: {  	v18 =	vld.idx.msk [tilespmem:v18+s4+$0x0], $0xffff  }
0xe0: {  	v7 =	vor.u32 v7, v3;
	v16 =	vld.idx.msk [tilespmem:v16+s4+$0x0], $0xffff  }
0xe1: {  	v10 =	vor.u32 v10, v3;
	v14 =	vld.idx.msk [tilespmem:v14+s4+$0x0], $0xffff  }
0xe2: {  	v4 =	vor.u32 v4, v3;
	v13 =	vld.idx.msk [tilespmem:v13+s4+$0x0], $0xffff  }
0xe3: {  	[tilespmem:v15+s17+$0x0] =	vst.idx.msk $0xffff, v17;
	v8 =	vor.u32 v8, v3;
	v11 =	vld.idx.msk [tilespmem:v11+s4+$0x0], $0xffff  }
0xe4: {  	v5 =	vor.u32 v5, v3;
	v12 =	vld.idx.msk [tilespmem:v12+s4+$0x0], $0xffff;
	[tilespmem:v9+s17+$0x0] =	vst.idx.msk $0xffff, v18  }
0xe5: {  	v2 =	vor.u32 v2, v3;
	v3 =	vld.idx.msk [tilespmem:v6+s4+$0x0], $0xffff;
	[tilespmem:v7+s17+$0x0] =	vst.idx.msk $0xffff, v16  }
0xe6: {  	[tilespmem:v10+s17+$0x0] =	vst.idx.msk $0xffff, v14  }
0xe7: {  	[tilespmem:v4+s17+$0x0] =	vst.idx.msk $0xffff, v13  }
0xe8: {  	[tilespmem:v8+s17+$0x0] =	vst.idx.msk $0xffff, v11  }
0xe9: {  	[tilespmem:v5+s17+$0x0] =	vst.idx.msk $0xffff, v12  }
.Ltmp9:
0xea: {  	[tilespmem:v2+s17+$0x0] =	vst.idx.msk $0xffff, v3;
	(pc) =	sbr.rel .LBB2_15-.Ltmp9, $4  }
0xeb: {  	[hbm4b:s11+s4] =	stream.linear.scatter [tilespmem:s17], [sflag:$0x5], $0x800, $0x38;
	[tilespmem:$0x4000] =	vst v63  }
0xec: {  	_ =	swait.ge [sflag:s22], $0x800  }
0xed: {  	[sflag:s22] =	ssyncset.done $0x0  }
0xee: {  	[sflag:s22] =	ssyncadd.s32 $0xFFFFF800  }
.LBB2_16:
0xef: {  	_ =	sfence.sel $0x180000  }
0xf0: {  	[bflag:$0x0] =	sbarrier.arrive $0xFFFF  }
0xf1: {  	_ =	strace $0x90000047  }
0xf2: {  	s0 =	stileid.u32;
	[bflag:$0x2] =	sbarrier.arrive $0xFFFF  }
0xf3: {  	p0 =	sne.s32 s0, $0x0;
	s0 =	rddreg [dreg:$0x3]  }
0xf4: {  	s0 =	sadd.s32 @!p0 $0x100000, s0  }
0xf5: {  	[sflag:s0] =	ssyncadd.tile.s32 @!p0 $0x1;
	_ =	shalt  }
.Lfunc_end2:
_tile_overlayer_lowered:
.L_overlay_start_2:
0xf6: {  	(tag) =	ssettag $0x2  }
0xf7: {  	s0 =	rddreg [dreg:$0x0];
	s2 =	stileid.u32  }
0xf8: {  	s1 =	rddreg [dreg:$0x1];
	p0 =	sne.s32 s2, $0x0  }
0xf9: {  	s3 =	rddreg [dreg:$0x2];
	[bflag:$0x3] =	sbarrier.arrive $0xFFFF;
	s2 =	simm.s32 @!p0 $0x1C05  }
0xfa: {  	[timem:s3], [sflag:s2] =	dma.local @!p0 [hbm:s0], s1  }
0xfb: {  	s0 =	simm.s32 @!p0 $0x5  }
0xfc: {  	_ =	swait.ge @!p0 [sflag:s0], s1  }
0xfd: {  	s1 =	ssub.s32 @!p0 $0x0, s1;
	[sflag:s0] =	ssyncset.done @!p0 $0x0  }
0xfe: {  	[sflag:s0] =	ssyncadd.s32 @!p0 s1  }
0xff: {  	[bflag:$0x3] =	sbarrier.arrive $0xFFFF  }
0x100: {  	_ =	shalt  }

// kernel: kernel.7.cloned.1.call-start
scs
__scs_entry_jumppad:
0x0: {  	(pc) =	sbr.rel $0x88, $3  }
0x1: {  	(tag) =	ssettag $0x0;
	lr =	simm.s32 $0x1  }
0x2: {  	[smem:$0x3F9F] =	sst lr;
	_ =	strace $0xD0000000  }
0x3: {  	_ = 	snop  }
0x4: {  	_ = 	snop  }
0x5: {  	_ = 	snop  }
0x6: {  	_ = 	snop  }
0x7: {  	_ = 	snop  }
__scs_overlays_trampoline_lowered:
0x8: {  	[smem:$0x3FAE] =	sst s0  }
0x9: {  	[smem:$0x3FAF] =	sst s1  }
0xa: {  	[smem:$0x3FB0] =	sst s2  }
0xb: {  	[smem:$0x3FB1] =	sst s3  }
0xc: {  	[smem:$0x3FB2] =	sst s4  }
0xd: {  	[smem:$0x3FB3] =	sst s5  }
0xe: {  	[smem:$0x3FB4] =	sst s6  }
0xf: {  	[smem:$0x3FB5] =	sst s7  }
0x10: {  	[smem:$0x3FB6] =	sst s8  }
0x11: {  	[smem:$0x3FB7] =	sst s9;
	s0 =	simm.s32 @!p0 $0x0  }
0x12: {  	s1 =	sld [smem:$0x3F9D];
	s0 =	simm.s32 @p0 $0x1  }
0x13: {  	[smem:$0x3FB8] =	sst s0;
	s0 =	simm.s32 @!p1 $0x0  }
0x14: {  	s2 =	sld [smem:$0x3F9C];
	s0 =	simm.s32 @p1 $0x1  }
0x15: {  	[smem:$0x3FB9] =	sst s0;
	s0 =	simm.s32 @!p2 $0x0  }
0x16: {  	s3 =	sld [smem:$0x3FDB];
	s0 =	simm.s32 @p2 $0x1  }
0x17: {  	s4 =	simm.s32 $0x1BF5;
	[smem:$0x3FBB] =	sst s0  }
0x18: {  	s0 =	sld [smem:$0x3F9E];
	_ =	swait.ge [sflag:s4], $0x0  }
0x19: {  	s7 =	sld [smem:$0x3F9F]  }
0x1a: {  	s8 =	sadd.s32 $0xFFFFE003, lr  }
0x1b: {  	s9 =	sadd.s32 $0xFFFFFEF7, lr;
	s5 =	simm.s32 $0xFFFFFFFF;
	p2 =	slt.u32 s8, $0xFFFFF086  }
0x1c: {  	p1 =	slt.u32 s9, $0xF7A;
	s5 =	simm.s32 @!p2 $0x0  }
0x1d: {  	s5 =	simm.s32 @p1 $0x1;
	p0 =	seq.s32 s7, s2  }
0x1e: {  	s7 =	smul.u32 @!p0 $0xF7A, s2;
	p2 =	seq.s32 @!p0 s5, $0x0  }
0x1f: {  	s9 =	smul.u32 $0xF7A, s1;
	s8 =	simm.s32 @!p0 $0x1BF5;
	p2 =	por !p2, p0  }
0x20: {  	[sflag:s8] =	ssyncset.s32 @!p0 $0xFFFFF086;
	s6 =	sadd.s32 @!p0 s3, s7;
	s7 =	simm.s32 @!p0 $0x108  }
0x21: {  	s3 =	sadd.s32 s3, s9;
	s6 =	sadd.s32 @!p0 $0x88, s6;
	s7 =	simm.s32 @p2 $0x1082  }
0x22: {  	[simem:s7], [sflag:s8] =	dma.local @!p0 [hbm:s6], $0xF7A  }
0x23: {  	s9 =	sor.u32 $0xD0000000, s2;
	s6 =	simm.s32 $0x108;
	_ =	swait.ge @!p0 [sflag:s8], $0x0  }
0x24: {  	s3 =	sadd.s32 $0x88, s3;
	s6 =	simm.s32 @!p1 $0x1082;
	[sflag:s4] =	ssyncset.s32 $0xFFFFF086  }
0x25: {  	[simem:s6], [sflag:s4] =	dma.local [hbm:s3], $0xF7A  }
0x26: {  	[smem:$0x3F9F] =	sst s1;
	(tag) =	ssettag s2;
	_ =	strace s9  }
0x27: {  	s1 =	sld [smem:$0x3FAF]  }
0x28: {  	s2 =	sld [smem:$0x3FB0]  }
0x29: {  	s4 =	sld [smem:$0x3FB2]  }
0x2a: {  	p0 =	seq.s32 s5, $0x0;
	s5 =	sld [smem:$0x3FB3]  }
0x2b: {  	s6 =	sld [smem:$0x3FB4]  }
0x2c: {  	s7 =	sld [smem:$0x3FB5]  }
0x2d: {  	s3 =	simm.s32 $0x108;
	s8 =	sld [smem:$0x3FB6]  }
0x2e: {  	s3 =	simm.s32 @!p0 $0x1082;
	s9 =	sld [smem:$0x3FB7]  }
0x2f: {  	lr =	sadd.s32 s0, s3;
	s0 =	sld [smem:$0x3FAE]  }
0x30: {  	s3 =	sld [smem:$0x3FB1]  }
0x31: {  	[smem:$0x3FBA] =	sst s10  }
0x32: {  	s10 =	sld [smem:$0x3FB8];
	_ =	sdelay $0x3  }
0x33: {  	p0 =	seq.s32 s10, $0x1;
	s10 =	sld [smem:$0x3FBA];
	_ =	sdelay $0x3  }
0x34: {  	[smem:$0x3FBA] =	sst s10  }
0x35: {  	s10 =	sld [smem:$0x3FB9];
	_ =	sdelay $0x3  }
0x36: {  	p1 =	seq.s32 s10, $0x1;
	s10 =	sld [smem:$0x3FBA];
	_ =	sdelay $0x3  }
0x37: {  	[smem:$0x3FBA] =	sst s10  }
0x38: {  	s10 =	sld [smem:$0x3FBB]  }
0x39: {  	_ = 	snop;
	(pc) =	sbr.ind lr, $3  }
0x3a: {  	_ = 	snop  }
0x3b: {  	_ = 	snop  }
0x3c: {  	p2 =	seq.s32 s10, $0x1;
	s10 =	sld [smem:$0x3FBA]  }
0x3d: {  	_ =	shalt  }
0x3e: {  	_ =	shalt  }
0x3f: {  	_ =	shalt  }
0x40: {  	_ =	shalt  }
0x41: {  	_ =	shalt  }
0x42: {  	_ =	shalt  }
0x43: {  	_ =	shalt  }
0x44: {  	_ =	shalt  }
0x45: {  	_ =	shalt  }
0x46: {  	_ =	shalt  }
0x47: {  	_ =	shalt  }
0x48: {  	_ =	shalt  }
0x49: {  	_ =	shalt  }
0x4a: {  	_ =	shalt  }
0x4b: {  	_ =	shalt  }
0x4c: {  	_ =	shalt  }
0x4d: {  	_ =	shalt  }
0x4e: {  	_ =	shalt  }
0x4f: {  	_ =	shalt  }
0x50: {  	_ =	shalt  }
0x51: {  	_ =	shalt  }
0x52: {  	_ =	shalt  }
0x53: {  	_ =	shalt  }
0x54: {  	_ =	shalt  }
0x55: {  	_ =	shalt  }
0x56: {  	_ =	shalt  }
0x57: {  	_ =	shalt  }
0x58: {  	_ =	shalt  }
0x59: {  	_ =	shalt  }
0x5a: {  	_ =	shalt  }
0x5b: {  	_ =	shalt  }
0x5c: {  	_ =	shalt  }
0x5d: {  	_ =	shalt  }
0x5e: {  	_ =	shalt  }
0x5f: {  	_ =	shalt  }
0x60: {  	_ =	shalt  }
0x61: {  	_ =	shalt  }
0x62: {  	_ =	shalt  }
0x63: {  	_ =	shalt  }
0x64: {  	_ =	shalt  }
0x65: {  	_ =	shalt  }
0x66: {  	_ =	shalt  }
0x67: {  	_ =	shalt  }
0x68: {  	_ =	shalt  }
0x69: {  	_ =	shalt  }
0x6a: {  	_ =	shalt  }
0x6b: {  	_ =	shalt  }
0x6c: {  	_ =	shalt  }
0x6d: {  	_ =	shalt  }
0x6e: {  	_ =	shalt  }
0x6f: {  	_ =	shalt  }
0x70: {  	_ =	shalt  }
0x71: {  	_ =	shalt  }
0x72: {  	_ =	shalt  }
0x73: {  	_ =	shalt  }
0x74: {  	_ =	shalt  }
0x75: {  	_ =	shalt  }
0x76: {  	_ =	shalt  }
0x77: {  	_ =	shalt  }
0x78: {  	_ =	shalt  }
0x79: {  	_ =	shalt  }
0x7a: {  	_ =	shalt  }
0x7b: {  	_ =	shalt  }
0x7c: {  	_ =	shalt  }
0x7d: {  	_ =	shalt  }
0x7e: {  	_ =	shalt  }
0x7f: {  	_ =	shalt  }
0x80: {  	_ =	shalt  }
0x81: {  	_ =	shalt  }
0x82: {  	_ =	shalt  }
0x83: {  	_ =	shalt  }
0x84: {  	_ =	shalt  }
0x85: {  	_ =	shalt  }
0x86: {  	_ =	shalt  }
0x87: {  	_ =	shalt  }
.Lfunc_end0:
.L_simem_size_0:
called_computation.1_lowered:
.L_overlay_start_0:
0x88: {  	s2 =	sld [smem:$0x3FD9]  }
0x89: {  	s3 =	sld [smem:$0x3FFE];
	_ =	sdelay $0x1  }
0x8a: {  	s1 =	srdreg.scid  }
0x8b: {  	s0 =	sand.u32 $0x1, s1  }
0x8c: {  	s17 =	sshll.u32 s0, $0xA;
	s2 =	sadd.s32 s3, s2  }
0x8d: {  	s2 =	sadd.s32 s2, s17  }
0x8e: {  	[smem:$0x3FC6] =	sst s2  }
0x8f: {  	_ = 	snop  }
0x90: {  	s2 =	sld [smem:$0x3FD0];
	(tm) =	ssettm $0x1  }
0x91: {  	s18 =	sld [smem:$0x3FFB];
	_ =	sdelay $0x3  }
0x92: {  	_ =	strace s18  }
0x93: {  	s3 =	sld [smem:$0x3FFC];
	_ =	sdelay $0x3  }
0x94: {  	_ =	strace s3  }
0x95: {  	s3 =	sld [smem:$0x3FFD];
	_ =	sdelay $0x3  }
0x96: {  	_ =	strace s3  }
0x97: {  	_ =	strace $0x8FFFFFFF  }
0x98: {  	s19 =	sld [smem:$0x3FDB];
	_ =	sdelay $0x1  }
0x99: {  	s4 =	simm.s32 $_scs_section_size  }
0x9a: {  	s5 =	simm.s32 $_size__tile_overlayer_lowered;
	s6 =	simm.s32 $_tile_overlayer_lowered  }
0x9b: {  	s22 =	simm.s32 $0x1BFF;
	s21 =	sshll.u32 s6, $0x1;
	s3 =	sadd.s32 s4, s19  }
0x9c: {  	s7 =	simm.s32 $0x0;
	s20 =	sshll.u32 s5, $0x1;
	s5 =	sadd.s32 s21, s3  }
0x9d: {  	[timem:s7], [sflag:s22] =	dma.local [hbm:s5], s20  }
0x9e: {  	_ =	swait.ge [sflag:s22], s20  }
0x9f: {  	s4 =	ssub.s32 $0x0, s20;
	[sflag:s22] =	ssyncset.done $0x0  }
0xa0: {  	[sflag:s22] =	ssyncadd.s32 s4;
	_ =	sdelay $0x1  }
0xa1: {  	s23 =	simm.s32 $0x1B8B  }
0xa2: {  	_ =	swait.ge [sflag:s23], $0x1  }
0xa3: {  	[sflag:s23] =	ssyncset.done $0x0  }
0xa4: {  	s25 =	simm.s32 $0x1B8E;
	s24 =	sld [smem:$0x3FFE];
	[sflag:s23] =	ssyncadd.s32 $0xFFFFFFFF  }
0xa5: {  	s26 =	simm.s32 $execute0_lowered;
	[smem:$0x3FD2] =	sst s25  }
0xa6: {  	s5 =	sshll.u32 s26, $0x1;
	_ =	strace $0x80000049;
	[dreg:$0x1] =	wrdreg $0xFFFFFFFF  }
0xa7: {  	s28 =	simm.s32 $_size_execute0_lowered;
	s3 =	sadd.s32 s3, s5;
	[dreg:$0x0] =	wrdreg $0x0  }
0xa8: {  	s5 =	sshll.u32 s28, $0x1;
	[dreg:$0x2] =	wrdreg s3  }
0xa9: {  	[dreg:$0x3] =	wrdreg s5  }
0xaa: {  	[dreg:$0x4] =	wrdreg $0xC0  }
0xab: {  	_ =	task [dreg:s7], $0x5FFFF  }
0xac: {  	[dreg:$0x1] =	wrdreg $0xFFFFFFFF  }
0xad: {  	[dreg:$0x0] =	wrdreg $0x60  }
0xae: {  	[dreg:$0x2] =	wrdreg s24  }
0xaf: {  	[dreg:$0x3] =	wrdreg s2  }
0xb0: {  	[dreg:$0x4] =	wrdreg $0x9  }
0xb1: {  	_ =	task.clear_ibuf [dreg:s7], $0x5FFFF;
	_ =	strace $0x90000049  }
0xb2: {  	s29 =	simm.s32 $0x9;
	_ =	strace $0x8000004B  }
0xb3: {  	_ =	swait.ge [sflag:s29], $0x1  }
0xb4: {  	[sflag:s29] =	ssyncadd.s32 $0xFFFFFFFF  }
0xb5: {  	_ =	strace $0x9000004B  }
0xb6: {  	_ =	sfence  }
0xb7: {  	s30 =	sld [smem:$0x0];
	_ =	sdelay $0x2  }
0xb8: {  	s31 =	sshll.u32 s1, $0xD;
	s1 =	sshrl.u32 s1, $0x2  }
0xb9: {  	s3 =	sand.u32 $0x4000, s31;
	s1 =	sadd.s32 s1, s30  }
0xba: {  	s0 =	sor.u32 s3, s0;
	s1 =	sshll.u32 s1, $0x11  }
0xbb: {  	s0 =	sor.u32 s1, s0  }
0xbc: {  	s0 =	sadd.s32 $0x8F2B, s0  }
0xbd: {  	[sflag:s0] =	ssyncadd.remote.s32 $0x1  }
0xbe: {  	_ =	sfence.sel $0xFFFF  }
0xbf: {  	[dreg:$0x0] =	wrdreg $0xFFFFFFFF;
	(pc) =	sbr.abs _section_cstart, $3  }
0xc0: {  	[dreg:$0x1] =	wrdreg $0xFFFFFFFF  }
0xc1: {  	_ =	task.clear_ibuf [dreg:s7], $0x2FFFF;
	_ =	strace $0x9FFFFFFF  }
0xc2: {  	(tm) =	ssettm $0x7FFFFFFF  }
0xc3: {  	_ =	shalt  }
tec
execute0_lowered:
.L_overlay_start_1:
0x0: {  	(tag) =	ssettag $0x1  }
0x1: {  	s0 =	rddreg [dreg:$0x0]  }
0x2: {  	s2 =	rddreg [dreg:$0x1];
	s1 =	srdreg.scid  }
0x3: {  	s4 =	stileid.u32;
	s3 =	simm.s32 $0x0;
	s13 =	simm.s32 $0x1  }
0x4: {  	s16 =	simm.s32 $0xBE00;
	s24 =	simm.s32 $0x11058;
	s28 =	simm.s32 $0x111F0  }
0x5: {  	s29 =	simm.s32 $0x11278;
	s1 =	sand.u32 $0x1, s1;
	s4 =	sshll.u32 s4, $0x1  }
0x6: {  	s30 =	simm.s32 $0x2;
	s31 =	simm.s32 $0x3;
	s4 =	sor.u32 s1, s4  }
0x7: {  	[smem:$0x7FF] =	sst s3;
	s7 =	sadd.s32 $0x3D1400, s0;
	s6 =	smul.u32 $0xC80, s4  }
.Ltmp0:
0x8: {  	s5 =	sadd.s32 $0xA00, s0;
	s1 =	ssub.s32 $0x2, s1;
	(pc) =	sbr.rel .LBB2_1-.Ltmp0, $4  }
0x9: {  	_ =	strace $0x8000004A;
	[dreg:$0x3] =	wrdreg s7;
	s25 =	sshrl.u32 s1, $0x1  }
0xa: {  	v1 =	vlaneseq.u32;
	s0 =	ssub.s32 s1, s25;
	s25 =	simm.s32 $0x110E0;
	s26 =	sadd.s32 s7, s6  }
0xb: {  	v0 =	vmul.u32 $0x32, v1;
	s1 =	simm.s32 $0x0;
	s0 =	smax.u32 s0, $0x1;
	[dreg:$0x4] =	wrdreg s26  }
0xc: {  	v1 =	vmul.u32 $0x88, v1;
	s7 =	sshll.u32 s4, $0x2;
	[dreg:$0x5] =	wrdreg s0;
	s26 =	simm.s32 $0x11168  }
.LBB2_17:
0xd: {  	_ =	swait.ge [sflag:s31], $0x400  }
0xe: {  	[sflag:s31] =	ssyncset.done $0x0  }
0xf: {  	[sflag:s31] =	ssyncadd.s32 $0xFFFFFC00  }
0x10: {  	_ =	swait.ge [sflag:s31], $0x400  }
0x11: {  	[sflag:s31] =	ssyncset.done $0x0  }
0x12: {  	[sflag:s31] =	ssyncadd.s32 $0xFFFFFC00  }
0x13: {  	_ =	swait.ge [sflag:s31], $0x400  }
0x14: {  	[sflag:s31] =	ssyncset.done $0x0  }
0x15: {  	[sflag:s31] =	ssyncadd.s32 $0xFFFFFC00  }
0x16: {  	_ =	swait.ge [sflag:s31], $0x400  }
0x17: {  	[sflag:s31] =	ssyncset.done $0x0  }
0x18: {  	[sflag:s31] =	ssyncadd.s32 $0xFFFFFC00  }
0x19: {  	_ =	swait.ge [sflag:s31], $0x400  }
0x1a: {  	[sflag:s31] =	ssyncset.done $0x0  }
0x1b: {  	[sflag:s31] =	ssyncadd.s32 $0xFFFFFC00  }
0x1c: {  	_ =	swait.ge [sflag:s31], $0x400  }
0x1d: {  	[sflag:s31] =	ssyncset.done $0x0  }
0x1e: {  	[sflag:s31] =	ssyncadd.s32 $0xFFFFFC00  }
0x1f: {  	_ =	swait.ge [sflag:s31], $0x400  }
0x20: {  	[sflag:s31] =	ssyncset.done $0x0  }
0x21: {  	[sflag:s31] =	ssyncadd.s32 $0xFFFFFC00  }
0x22: {  	_ =	swait.ge [sflag:s31], $0x400  }
0x23: {  	[sflag:s31] =	ssyncset.done $0x0  }
0x24: {  	[sflag:s31] =	ssyncadd.s32 $0xFFFFFC00  }
0x25: {  	_ =	swait.ge [sflag:s31], $0x400  }
0x26: {  	[sflag:s31] =	ssyncset.done $0x0  }
0x27: {  	[sflag:s31] =	ssyncadd.s32 $0xFFFFFC00  }
0x28: {  	_ =	swait.ge [sflag:s31], $0x400  }
0x29: {  	[sflag:s31] =	ssyncset.done $0x0  }
0x2a: {  	[sflag:s31] =	ssyncadd.s32 $0xFFFFFC00  }
0x2b: {  	_ =	swait.ge [sflag:s31], $0x400  }
0x2c: {  	[sflag:s31] =	ssyncset.done $0x0  }
0x2d: {  	[sflag:s31] =	ssyncadd.s32 $0xFFFFFC00  }
0x2e: {  	_ =	swait.ge [sflag:s31], $0x400  }
0x2f: {  	[sflag:s31] =	ssyncset.done $0x0  }
0x30: {  	[sflag:s31] =	ssyncadd.s32 $0xFFFFFC00  }
0x31: {  	_ =	swait.ge [sflag:s31], $0x400  }
0x32: {  	[sflag:s31] =	ssyncset.done $0x0  }
0x33: {  	[sflag:s31] =	ssyncadd.s32 $0xFFFFFC00  }
0x34: {  	_ =	swait.ge [sflag:s31], $0x400  }
0x35: {  	[sflag:s31] =	ssyncset.done $0x0  }
0x36: {  	[sflag:s31] =	ssyncadd.s32 $0xFFFFFC00  }
0x37: {  	_ =	swait.ge [sflag:s31], $0x400  }
0x38: {  	[sflag:s31] =	ssyncset.done $0x0  }
0x39: {  	[sflag:s31] =	ssyncadd.s32 $0xFFFFFC00  }
0x3a: {  	_ =	swait.ge [sflag:s31], $0x400  }
0x3b: {  	[sflag:s31] =	ssyncset.done $0x0  }
0x3c: {  	[sflag:s31] =	ssyncadd.s32 $0xFFFFFC00  }
0x3d: {  	_ =	swait.ge [sflag:s31], $0x400  }
0x3e: {  	[sflag:s31] =	ssyncset.done $0x0  }
0x3f: {  	[sflag:s31] =	ssyncadd.s32 $0xFFFFFC00  }
0x40: {  	_ =	swait.ge [sflag:s31], $0x400  }
0x41: {  	[sflag:s31] =	ssyncset.done $0x0  }
0x42: {  	[sflag:s31] =	ssyncadd.s32 $0xFFFFFC00  }
0x43: {  	_ =	swait.ge [sflag:s31], $0x400  }
0x44: {  	[sflag:s31] =	ssyncset.done $0x0  }
0x45: {  	[sflag:s31] =	ssyncadd.s32 $0xFFFFFC00  }
0x46: {  	_ =	swait.ge [sflag:s31], $0x400  }
0x47: {  	s1 =	rddreg [dreg:$0x6]  }
0x48: {  	s0 =	rddreg [dreg:$0x5];
	s1 =	sadd.s32 $0x1, s1  }
0x49: {  	p0 =	sne.s32 s1, s0  }
.Ltmp1:
0x4a: {  	_ = 	snop;
	(pc) =	sbr.rel @!p0 .LBB2_18-.Ltmp1, $3  }
0x4b: {  	_ =	sdelay $0x1  }
0x4c: {  	[sflag:s31] =	ssyncset.done $0x0  }
0x4d: {  	[sflag:s31] =	ssyncadd.s32 $0xFFFFFC00  }
.LBB2_1:
0x4e: {  	[dreg:$0x6] =	wrdreg s1  }
0x4f: {  	s0 =	rddreg [dreg:$0x4];
	s8 =	simm.s32 $0x15E0  }
0x50: {  	s9 =	simm.s32 $0x320;
	s4 =	simm.s32 $0x4;
	s10 =	simm.s32 $0x640;
	v3 =	vadd.s32 s8, v0  }
0x51: {  	[tilespmem:s3], [sflag:$0x4] =	stream.linear.gather [hbm4b:s0+s3], $0x1900, $0x38;
	v4 =	vadd.s32 s9, v0;
	[tilespmem:$0x11300] =	vst v63  }
0x52: {  	s11 =	simm.s32 $0x960;
	v5 =	vadd.s32 s10, v0;
	_ =	swait.ge [sflag:s4], $0x1900  }
0x53: {  	s12 =	simm.s32 $0xC80;
	v6 =	vadd.s32 s11, v0;
	[sflag:s4] =	ssyncset.done $0x0  }
0x54: {  	s14 =	simm.s32 $0xFA0;
	v7 =	vadd.s32 s12, v0;
	[sflag:s4] =	ssyncadd.s32 $0xFFFFE700  }
0x55: {  	s15 =	simm.s32 $0x12C0;
	v8 =	vadd.s32 s14, v0;
	v3 =	vld.idx.msk [tilespmem:v3+s3+$0x0], $0xffff  }
0x56: {  	s17 =	simm.s32 $0x1;
	v9 =	vadd.s32 s15, v0;
	v4 =	vld.idx.msk [tilespmem:v4+s3+$0x0], $0xffff  }
0x57: {  	v10 =	vadd.s32 s17, v0;
	v5 =	vld.idx.msk [tilespmem:v5+s3+$0x0], $0xffff  }
0x58: {  	v2 =	vadd.s32 s3, v0;
	s20 =	simm.s32 $0x641;
	v6 =	vld.idx.msk [tilespmem:v6+s3+$0x0], $0xffff  }
0x59: {  	s18 =	simm.s32 $0x15E1;
	v14 =	vadd.s32 s20, v0;
	v7 =	vld.idx.msk [tilespmem:v7+s3+$0x0], $0xffff  }
0x5a: {  	s19 =	simm.s32 $0x321;
	v12 =	vadd.s32 s18, v0;
	s0 =	simm.s32 $0x1940;
	v15 =	vld.idx.msk [tilespmem:v8+s3+$0x0], $0xffff  }
0x5b: {  	s21 =	simm.s32 $0x961;
	v13 =	vadd.s32 s19, v0;
	v11 =	vld.idx.msk [tilespmem:v9+s3+$0x0], $0xffff;
	[tilespmem:s0+$0x30] =	vst v3  }
0x5c: {  	s22 =	simm.s32 $0xC81;
	[tilespmem:s0+$0xFFFFFFD0] =	vst v4;
	v3 =	vld.idx.msk [tilespmem:v10+s3+$0x0], $0xffff;
	v10 =	vadd.s32 s21, v0  }
0x5d: {  	s6 =	simm.s32 $0xFA1;
	v2 =	vld.idx.msk [tilespmem:v2+s3+$0x0], $0xffff;
	v9 =	vadd.s32 s22, v0;
	[tilespmem:s0+$0xFFFFFFE0] =	vst v5  }
0x5e: {  	s23 =	simm.s32 $0x12C1;
	v8 =	vld.idx.msk [tilespmem:v14+s3+$0x0], $0xffff;
	[tilespmem:s0+$0x0] =	vst v7;
	v7 =	vadd.s32 s6, v0  }
0x5f: {  	v4 =	vld.idx.msk [tilespmem:v12+s3+$0x0], $0xffff;
	[tilespmem:s0+$0xFFFFFFF0] =	vst v6;
	v5 =	vadd.s32 s23, v0  }
0x60: {  	s1 =	simm.s32 $0x8;
	s4 =	simm.s32 $0x2;
	v6 =	vld.idx.msk [tilespmem:v13+s3+$0x0], $0xffff;
	[tilespmem:s0+$0x10] =	vst v15  }
.LBB2_2:
0x61: {  	v12 =	vadd.s32 s4, v0;
	s6 =	sadd.s32 $0x320, s4;
	s8 =	sadd.s32 $0x15E0, s4;
	s1 =	sadd.s32 $0x8, s1;
	v13 =	vld.idx.msk [tilespmem:v10+s3+$0x0], $0xffff;
	[tilespmem:s0+$0x20] =	vst v11  }
0x62: {  	s10 =	sadd.s32 $0x960, s4;
	v14 =	vadd.s32 s6, v0;
	s6 =	sadd.s32 $0x640, s4;
	v15 =	vadd.s32 s8, v0;
	p0 =	slt.u32 s1, $0x20;
	v16 =	vld.idx.msk [tilespmem:v9+s3+$0x0], $0xffff;
	[tilespmem:s0+$0xFFFFFFC0] =	vst v2  }
0x63: {  	v10 =	vadd.s32 s10, v0;
	s8 =	sadd.s32 $0xFA0, s4;
	s0 =	sadd.s32 $0x80, s0;
	v2 =	vmov v3;
	v17 =	vadd.s32 s6, v0;
	s6 =	sadd.s32 $0xC80, s4;
	v18 =	vld.idx.msk [tilespmem:v7+s3+$0x0], $0xffff  }
0x64: {  	v7 =	vadd.s32 s8, v0;
	v9 =	vadd.s32 s6, v0;
	s6 =	sadd.s32 $0x12C0, s4;
	v11 =	vld.idx.msk [tilespmem:v5+s3+$0x0], $0xffff;
	[tilespmem:s0+$0x30] =	vst v4  }
.Ltmp2:
0x65: {  	v5 =	vadd.s32 s6, v0;
	[tilespmem:s0+$0xFFFFFFD0] =	vst v6;
	(pc) =	sbr.rel @p0 .LBB2_2-.Ltmp2, $4  }
0x66: {  	v3 =	vld.idx.msk [tilespmem:v12+s3+$0x0], $0xffff;
	[tilespmem:s0+$0xFFFFFFE0] =	vst v8  }
0x67: {  	v4 =	vld.idx.msk [tilespmem:v15+s3+$0x0], $0xffff;
	[tilespmem:s0+$0xFFFFFFF0] =	vst v13  }
0x68: {  	v6 =	vld.idx.msk [tilespmem:v14+s3+$0x0], $0xffff;
	[tilespmem:s0+$0x0] =	vst v16  }
0x69: {  	s4 =	sadd.s32 $0x1, s4;
	v8 =	vld.idx.msk [tilespmem:v17+s3+$0x0], $0xffff;
	[tilespmem:s0+$0x10] =	vst v18  }
0x6a: {  	_ =	sdelay $0x2  }
0x6b: {  	[tilespmem:s0+$0x20] =	vst v11  }
0x6c: {  	v10 =	vld.idx.msk [tilespmem:v10+s3+$0x0], $0xffff;
	[tilespmem:s0+$0xFFFFFFC0] =	vst v2;
	s22 =	sadd.s32 $0x80, s0  }
0x6d: {  	v9 =	vld.idx.msk [tilespmem:v9+s3+$0x0], $0xffff;
	[tilespmem:s22+$0xFFFFFFC0] =	vst v3  }
0x6e: {  	v2 =	vld.idx.msk [tilespmem:v7+s3+$0x0], $0xffff;
	[tilespmem:s22+$0x30] =	vst v4  }
0x6f: {  	v63 =	vld.idx.msk [tilespmem:v5+s3+$0x0], $0xffff;
	[tilespmem:s22+$0xFFFFFFD0] =	vst v6  }
0x70: {  	[tilespmem:s22+$0xFFFFFFE0] =	vst v8  }
0x71: {  	[tilespmem:s22+$0xFFFFFFF0] =	vst v10  }
0x72: {  	[tilespmem:s22+$0x0] =	vst v9  }
0x73: {  	s23 =	simm.s32 $0x280;
	s1 =	simm.s32 $0x1900;
	[tilespmem:s22+$0x10] =	vst v2  }
0x74: {  	s4 =	simm.s32 $0x1E00;
	s0 =	simm.s32 $0x0;
	s6 =	simm.s32 $0x2;
	[tilespmem:s22+$0x20] =	vst v63  }
0x75: {  	[tilespmem:s4], [sflag:$0x1] =	stream.indirect.gather [hbm4b:s5+s23], $0x20, s1, s23, $0xb8;
	[tilespmem:$0x11300] =	vst v63  }
0x76: {  	s8 =	simm.s32 $0x15EA;
	s11 =	simm.s32 $0x0;
	s1 =	simm.s32 $0x15E5  }
.LBB2_4:
0x77: {  	s4 =	smulhi.u32 $0xCCCCCCCD, s0;
	_ =	sdelay $0x1  }
0x78: {  	s4 =	sshrl.u32 s4, $0x3  }
0x79: {  	s15 =	smul.u32 $0xFFFFFFCE, s4;
	_ =	sdelay $0x1  }
0x7a: {  	s4 =	sadd.s32 s1, s15  }
0x7b: {  	s10 =	sadd.s32 $0xFFFFFCE0, s4;
	v2 =	vadd.s32 s4, v0  }
0x7c: {  	s12 =	sadd.s32 $0xFFFFEA20, s4;
	v3 =	vadd.s32 s10, v0  }
0x7d: {  	_ =	swait.ge [sflag:s13], $0x5000;
	s23 =	sadd.s32 $0xFFFFED40, s4;
	v4 =	vadd.s32 s12, v0  }
0x7e: {  	[sflag:s13] =	ssyncset.done $0x0;
	s9 =	sadd.s32 $0xFFFFF060, s4;
	v5 =	vadd.s32 s23, v0  }
0x7f: {  	[sflag:s13] =	ssyncadd.s32 $0xFFFFB000;
	s14 =	sadd.s32 $0xFFFFF380, s4;
	v6 =	vadd.s32 s9, v0  }
0x80: {  	s19 =	sadd.s32 $0x1, s1;
	s17 =	sadd.s32 $0xFFFFF6A0, s4;
	v7 =	vadd.s32 s14, v0;
	v2 =	vld.idx.msk [tilespmem:v2+s3+$0x0], $0xffff  }
0x81: {  	s20 =	smulhi.u32 $0xCCCCCCCD, s6;
	s18 =	sadd.s32 $0xFFFFF9C0, s4;
	s4 =	sshllo.u32 s11, $0x1;
	v8 =	vadd.s32 s17, v0;
	v3 =	vld.idx.msk [tilespmem:v3+s3+$0x0], $0xffff  }
0x82: {  	v9 =	vadd.s32 s18, v0;
	s12 =	sadd.s32 s19, s15;
	s14 =	smul.u32 $0xCD, s4;
	v4 =	vld.idx.msk [tilespmem:v4+s3+$0x0], $0xffff  }
0x83: {  	s17 =	sadd.s32 $0xFFFFFCE0, s12;
	v10 =	vadd.s32 s12, v0;
	v5 =	vld.idx.msk [tilespmem:v5+s3+$0x0], $0xffff  }
0x84: {  	s10 =	sshrl.u32 s20, $0x3;
	s18 =	sadd.s32 $0xFFFFEA20, s12;
	s20 =	sshrl.u32 s14, $0xB;
	v13 =	vld.idx.msk [tilespmem:v6+s3+$0x0], $0xffff;
	v6 =	vadd.s32 s17, v0  }
0x85: {  	s23 =	sadd.s32 $0xFFFFED40, s12;
	v14 =	vadd.s32 s18, v0;
	s21 =	sand.u32 $0x1F, s20;
	s17 =	simm.s32 $0x1BC0;
	v15 =	vld.idx.msk [tilespmem:v7+s3+$0x0], $0xffff  }
0x86: {  	s9 =	sadd.s32 $0xFFFFF060, s12;
	v12 =	vadd.s32 s23, v0;
	s22 =	smul.u32 $0xA, s21;
	v8 =	vld.idx.msk [tilespmem:v8+s3+$0x0], $0xffff;
	[tilespmem:s17+$0x20] =	vst v3  }
0x87: {  	v11 =	vadd.s32 s9, v0;
	s21 =	sadd.s32 $0xFFFFF380, s12;
	v9 =	vld.idx.msk [tilespmem:v9+s3+$0x0], $0xffff;
	[tilespmem:s17+$0xFFFFFFC0] =	vst v4  }
0x88: {  	s18 =	ssub.s32 s4, s22;
	s22 =	sadd.s32 $0xFFFFF6A0, s12;
	v3 =	vld.idx.msk [tilespmem:v10+s3+$0x0], $0xffff;
	[tilespmem:s17+$0xFFFFFFD0] =	vst v5;
	v5 =	vadd.s32 s21, v0  }
0x89: {  	s19 =	sadd.s32 $0x1, s19;
	s14 =	smul.u32 $0xFFFFFFCE, s10;
	s23 =	sadd.s32 $0xFFFFF9C0, s12;
	v7 =	vadd.s32 s22, v0;
	v6 =	vld.idx.msk [tilespmem:v6+s3+$0x0], $0xffff;
	[tilespmem:s17+$0xFFFFFFE0] =	vst v13  }
0x8a: {  	s10 =	sshll.u32 s11, $0x1;
	s12 =	sand.u32 $0xFF, s18;
	s18 =	simm.s32 $0x8;
	v4 =	vadd.s32 s23, v0;
	v10 =	vld.idx.msk [tilespmem:v14+s3+$0x0], $0xffff;
	[tilespmem:s17+$0xFFFFFFF0] =	vst v15  }
.LBB2_5:
0x8b: {  	s9 =	sadd.s32 s19, s15;
	s18 =	sadd.s32 $0x8, s18;
	v13 =	vld.idx.msk [tilespmem:v12+s3+$0x0], $0xffff;
	[tilespmem:s17+$0x0] =	vst v8  }
0x8c: {  	s20 =	sadd.s32 $0xFFFFEA20, s9;
	s21 =	sadd.s32 $0xFFFFFCE0, s9;
	v14 =	vadd.s32 s9, v0;
	p0 =	slt.u32 s18, $0x20;
	v15 =	vld.idx.msk [tilespmem:v11+s3+$0x0], $0xffff;
	[tilespmem:s17+$0x10] =	vst v9  }
0x8d: {  	s22 =	sadd.s32 $0xFFFFF060, s9;
	s23 =	sadd.s32 $0xFFFFF380, s9;
	v16 =	vadd.s32 s20, v0;
	s20 =	sadd.s32 $0xFFFFED40, s9;
	v17 =	vadd.s32 s21, v0;
	v18 =	vld.idx.msk [tilespmem:v5+s3+$0x0], $0xffff;
	[tilespmem:s17+$0x30] =	vst v2  }
0x8e: {  	v11 =	vadd.s32 s22, v0;
	v5 =	vadd.s32 s23, v0;
	s17 =	sadd.s32 $0x80, s17;
	v2 =	vmovc v3;
	v12 =	vadd.s32 s20, v0;
	s20 =	sadd.s32 $0xFFFFF6A0, s9;
	s9 =	sadd.s32 $0xFFFFF9C0, s9;
	v8 =	vld.idx.msk [tilespmem:v7+s3+$0x0], $0xffff  }
.Ltmp3:
0x8f: {  	v7 =	vadd.s32 s20, v0;
	v9 =	vld.idx.msk [tilespmem:v4+s3+$0x0], $0xffff;
	v4 =	vadd.s32 s9, v0;
	[tilespmem:s17+$0x20] =	vst v6;
	(pc) =	sbr.rel @p0 .LBB2_5-.Ltmp3, $4  }
0x90: {  	[tilespmem:s17+$0xFFFFFFC0] =	vst v10  }
0x91: {  	v3 =	vld.idx.msk [tilespmem:v14+s3+$0x0], $0xffff;
	[tilespmem:s17+$0xFFFFFFD0] =	vst v13  }
0x92: {  	v6 =	vld.idx.msk [tilespmem:v17+s3+$0x0], $0xffff;
	[tilespmem:s17+$0xFFFFFFE0] =	vst v15  }
0x93: {  	s19 =	sadd.s32 $0x1, s19;
	v10 =	vld.idx.msk [tilespmem:v16+s3+$0x0], $0xffff;
	[tilespmem:s17+$0xFFFFFFF0] =	vst v18  }
0x94: {  	_ =	sdelay $0x2  }
0x95: {  	[tilespmem:s17+$0x0] =	vst v8  }
0x96: {  	v12 =	vld.idx.msk [tilespmem:v12+s3+$0x0], $0xffff;
	[tilespmem:s17+$0x10] =	vst v9  }
0x97: {  	v8 =	vld.idx.msk [tilespmem:v11+s3+$0x0], $0xffff;
	[tilespmem:s17+$0x30] =	vst v2;
	s9 =	sadd.s32 $0x80, s17  }
0x98: {  	v5 =	vld.idx.msk [tilespmem:v5+s3+$0x0], $0xffff;
	[tilespmem:s9+$0x30] =	vst v3  }
0x99: {  	v2 =	vld.idx.msk [tilespmem:v7+s3+$0x0], $0xffff;
	[tilespmem:s9+$0x20] =	vst v6  }
0x9a: {  	v4 =	vld.idx.msk [tilespmem:v4+s3+$0x0], $0xffff;
	[tilespmem:s9+$0xFFFFFFC0] =	vst v10  }
0x9b: {  	[tilespmem:s9+$0xFFFFFFD0] =	vst v12  }
0x9c: {  	[tilespmem:s9+$0xFFFFFFE0] =	vst v8  }
0x9d: {  	[tilespmem:s9+$0xFFFFFFF0] =	vst v5  }
0x9e: {  	s18 =	simm.s32 $0x280;
	[tilespmem:s9+$0x0] =	vst v2  }
0x9f: {  	s15 =	simm.s32 $0x1B80;
	s19 =	simm.s32 $0x6E00;
	p0 =	seq.s32 s11, $0x0;
	[tilespmem:s9+$0x10] =	vst v4  }
0xa0: {  	[tilespmem:s19], [sflag:$0x2] =	stream.indirect.gather [hbm4b:s5+s18], $0x20, s15, s18, $0xb8;
	[tilespmem:$0x11300] =	vst v63  }
0xa1: {  	s15 =	simm.s32 @!p0 $0x3  }
0xa2: {  	_ =	swait.ge @!p0 [sflag:s15], $0x400  }
0xa3: {  	[sflag:s15] =	ssyncset.done @!p0 $0x0  }
0xa4: {  	[sflag:s15] =	ssyncadd.s32 @!p0 $0xFFFFFC00  }
0xa5: {  	_ =	swait.ge @!p0 [sflag:s15], $0x400  }
0xa6: {  	[sflag:s15] =	ssyncset.done @!p0 $0x0  }
0xa7: {  	[sflag:s15] =	ssyncadd.s32 @!p0 $0xFFFFFC00  }
0xa8: {  	_ =	swait.ge @!p0 [sflag:s15], $0x400  }
0xa9: {  	[sflag:s15] =	ssyncset.done @!p0 $0x0  }
0xaa: {  	[sflag:s15] =	ssyncadd.s32 @!p0 $0xFFFFFC00  }
0xab: {  	_ =	swait.ge @!p0 [sflag:s15], $0x400  }
0xac: {  	[sflag:s15] =	ssyncset.done @!p0 $0x0  }
0xad: {  	[sflag:s15] =	ssyncadd.s32 @!p0 $0xFFFFFC00  }
0xae: {  	_ =	swait.ge @!p0 [sflag:s15], $0x400  }
0xaf: {  	[sflag:s15] =	ssyncset.done @!p0 $0x0  }
0xb0: {  	[sflag:s15] =	ssyncadd.s32 @!p0 $0xFFFFFC00  }
0xb1: {  	_ =	swait.ge @!p0 [sflag:s15], $0x400  }
0xb2: {  	[sflag:s15] =	ssyncset.done @!p0 $0x0  }
0xb3: {  	[sflag:s15] =	ssyncadd.s32 @!p0 $0xFFFFFC00  }
0xb4: {  	_ =	swait.ge @!p0 [sflag:s15], $0x400  }
0xb5: {  	[sflag:s15] =	ssyncset.done @!p0 $0x0  }
0xb6: {  	[sflag:s15] =	ssyncadd.s32 @!p0 $0xFFFFFC00  }
0xb7: {  	_ =	swait.ge @!p0 [sflag:s15], $0x400  }
0xb8: {  	[sflag:s15] =	ssyncset.done @!p0 $0x0  }
0xb9: {  	[sflag:s15] =	ssyncadd.s32 @!p0 $0xFFFFFC00  }
0xba: {  	_ =	swait.ge @!p0 [sflag:s15], $0x400  }
0xbb: {  	[sflag:s15] =	ssyncset.done @!p0 $0x0  }
0xbc: {  	[sflag:s15] =	ssyncadd.s32 @!p0 $0xFFFFFC00  }
0xbd: {  	_ =	swait.ge @!p0 [sflag:s15], $0x400  }
0xbe: {  	[sflag:s15] =	ssyncset.done @!p0 $0x0  }
0xbf: {  	[sflag:s15] =	ssyncadd.s32 @!p0 $0xFFFFFC00  }
0xc0: {  	_ =	swait.ge @!p0 [sflag:s15], $0x400  }
0xc1: {  	[sflag:s15] =	ssyncset.done @!p0 $0x0  }
0xc2: {  	[sflag:s15] =	ssyncadd.s32 @!p0 $0xFFFFFC00  }
0xc3: {  	_ =	swait.ge @!p0 [sflag:s15], $0x400  }
0xc4: {  	[sflag:s15] =	ssyncset.done @!p0 $0x0  }
0xc5: {  	[sflag:s15] =	ssyncadd.s32 @!p0 $0xFFFFFC00  }
0xc6: {  	_ =	swait.ge @!p0 [sflag:s15], $0x400  }
0xc7: {  	[sflag:s15] =	ssyncset.done @!p0 $0x0  }
0xc8: {  	[sflag:s15] =	ssyncadd.s32 @!p0 $0xFFFFFC00  }
0xc9: {  	_ =	swait.ge @!p0 [sflag:s15], $0x400  }
0xca: {  	[sflag:s15] =	ssyncset.done @!p0 $0x0  }
0xcb: {  	[sflag:s15] =	ssyncadd.s32 @!p0 $0xFFFFFC00  }
0xcc: {  	_ =	swait.ge @!p0 [sflag:s15], $0x400  }
0xcd: {  	[sflag:s15] =	ssyncset.done @!p0 $0x0  }
0xce: {  	[sflag:s15] =	ssyncadd.s32 @!p0 $0xFFFFFC00  }
0xcf: {  	_ =	swait.ge @!p0 [sflag:s15], $0x400  }
0xd0: {  	[sflag:s15] =	ssyncset.done @!p0 $0x0  }
0xd1: {  	[sflag:s15] =	ssyncadd.s32 @!p0 $0xFFFFFC00  }
0xd2: {  	_ =	swait.ge @!p0 [sflag:s15], $0x400  }
0xd3: {  	s20 =	simm.s32 $0x0;
	[sflag:s15] =	ssyncset.done @!p0 $0x0  }
0xd4: {  	s22 =	simm.s32 $0x1;
	s9 =	sand.u32 $0xE0, s20;
	[sflag:s15] =	ssyncadd.s32 @!p0 $0xFFFFFC00  }
0xd5: {  	s23 =	simm.s32 $0x0;
	v4 =	vmov s22;
	s21 =	sor.u32 $0x10, s9;
	_ =	swait.ge @!p0 [sflag:s15], $0x400  }
0xd6: {  	v5 =	vmov s23;
	v2 =	vmov s9;
	v3 =	vmov s21;
	[sflag:s15] =	ssyncset.done @!p0 $0x0  }
0xd7: {  	v9 =	vand.u32 $0x78, v5;
	v11 =	vand.u32 $0x78, v4;
	v3 =	vmul.u32 $0x88, v3;
	[sflag:s15] =	ssyncadd.s32 @!p0 $0xFFFFFC00  }
0xd8: {  	s19 =	simm.s32 $0x2;
	s18 =	simm.s32 $0x3;
	v5 =	vand.u32 $0x4, v5;
	v4 =	vand.u32 $0x5, v4;
	v2 =	vmul.u32 $0x88, v2;
	_ =	swait.ge @!p0 [sflag:s15], $0x400  }
0xd9: {  	v6 =	vmov s19;
	v7 =	vmov s18;
	v3 =	vbroadcast v3, $0x0;
	[sflag:s15] =	ssyncset.done @!p0 $0x0  }
0xda: {  	v8 =	vand.u32 $0x78, v7;
	v7 =	vand.u32 $0x7, v7;
	v2 =	vbroadcast v2, $0x0;
	[sflag:s15] =	ssyncadd.s32 @!p0 $0xFFFFFC00  }
0xdb: {  	v12 =	vand.u32 $0x78, v6;
	v6 =	vand.u32 $0x6, v6;
	v3 =	vadd.s32 v1, v3;
	_ =	swait.ge @!p0 [sflag:s15], $0x400  }
0xdc: {  	v2 =	vadd.s32 v1, v2;
	v10 =	vadd.s32 v8, v3;
	v13 =	vadd.s32 v9, v3;
	[sflag:s15] =	ssyncset.done @!p0 $0x0  }
0xdd: {  	s20 =	simm.s32 $0x1E40;
	s21 =	simm.s32 $0x1;
	v14 =	vadd.s32 v11, v3;
	v3 =	vadd.s32 v12, v3;
	v9 =	vadd.s32 v9, v2;
	[sflag:s15] =	ssyncadd.s32 @!p0 $0xFFFFFC00  }
0xde: {  	v11 =	vadd.s32 v11, v2;
	v12 =	vadd.s32 v12, v2;
	v10 =	vor.u32 v7, v10;
	s15 =	sand.u32 $0xE0, s21;
	v15 =	vld [tilespmem:s20+$0x30]  }
0xdf: {  	v8 =	vadd.s32 v8, v2;
	v13 =	vor.u32 v5, v13;
	v16 =	vld [tilespmem:s20+$0xFFFFFFD0];
	v2 =	vmov s15;
	s15 =	sor.u32 $0x10, s15  }
0xe0: {  	v19 =	vor.u32 v4, v14;
	v3 =	vor.u32 v6, v3;
	v17 =	vld [tilespmem:s20+$0xFFFFFFF0];
	v18 =	vmov s15  }
0xe1: {  	v20 =	vld [tilespmem:s20+$0x10];
	v2 =	vmul.u32 $0x88, v2;
	v14 =	vmul.u32 $0x88, v18;
	v18 =	vor.u32 v5, v9  }
0xe2: {  	s19 =	simm.s32 $0x7;
	v21 =	vld [tilespmem:s20+$0xFFFFFFC0];
	v9 =	vor.u32 v4, v11;
	v5 =	vor.u32 v6, v12;
	v4 =	vor.u32 v7, v8  }
0xe3: {  	s17 =	simm.s32 $0x5;
	s22 =	simm.s32 $0x4;
	s23 =	simm.s32 $0x6;
	v7 =	vmov s19;
	v8 =	vld [tilespmem:s20+$0x0];
	v22 =	vbroadcast v2, $0x0;
	v6 =	vbroadcast v14, $0x0;
	[tilespmem:v10+s16+$0x0] =	vst.idx.msk $0xffff, v15  }
0xe4: {  	v14 =	vmov s23;
	v10 =	vmov s17;
	v15 =	vmov s22;
	[tilespmem:v13+s16+$0x0] =	vst.idx.msk $0xffff, v16  }
0xe5: {  	s15 =	simm.s32 $0x1EC0;
	v2 =	vld [tilespmem:s20+$0xFFFFFFE0];
	v11 =	vadd.s32 v1, v22;
	v13 =	vand.u32 $0x78, v7;
	[tilespmem:v19+s16+$0x0] =	vst.idx.msk $0xffff, v17;
	v12 =	vadd.s32 v1, v6  }
0xe6: {  	v7 =	vand.u32 $0x7, v7;
	[tilespmem:v3+s16+$0x0] =	vst.idx.msk $0xffff, v20;
	v25 =	vand.u32 $0x78, v14;
	v16 =	vld [tilespmem:s15+$0x30];
	v17 =	vadd.s32 v13, v12  }
0xe7: {  	v3 =	vld [tilespmem:s15+$0xFFFFFFC0];
	v19 =	vand.u32 $0x78, v15;
	v24 =	vand.u32 $0x78, v10;
	[tilespmem:v18+s16+$0x0] =	vst.idx.msk $0xffff, v21;
	v17 =	vor.u32 v7, v17  }
0xe8: {  	v6 =	vld [tilespmem:s20+$0x20];
	v23 =	vadd.s32 v19, v12;
	v22 =	vadd.s32 v24, v12;
	v20 =	vadd.s32 v25, v12  }
0xe9: {  	s18 =	simm.s32 $0x8;
	s19 =	simm.s32 $0x2;
	v21 =	vadd.s32 v19, v11;
	v12 =	vld [tilespmem:s15+$0xFFFFFFD0];
	v19 =	vadd.s32 v24, v11;
	v18 =	vadd.s32 v25, v11  }
.LBB2_7:
0xea: {  	s9 =	sand.u32 $0xE0, s19;
	s18 =	sadd.s32 $0x8, s18;
	v15 =	vand.u32 $0x4, v15;
	v14 =	vand.u32 $0x6, v14;
	v11 =	vadd.s32 v13, v11;
	[tilespmem:v9+s16+$0x0] =	vst.idx.msk $0xffff, v2;
	v2 =	vld [tilespmem:s15+$0xFFFFFFE0]  }
0xeb: {  	v10 =	vand.u32 $0x5, v10;
	v9 =	vmov s9;
	s9 =	sor.u32 $0x10, s9;
	p0 =	slt.u32 s18, $0x4F8;
	v13 =	vor.u32 v15, v23;
	v23 =	vld [tilespmem:s15+$0xFFFFFFF0];
	[tilespmem:v5+s16+$0x0] =	vst.idx.msk $0xffff, v8  }
0xec: {  	v22 =	vor.u32 v10, v22;
	v5 =	vmul.u32 $0x88, v9;
	v9 =	vmov s9;
	v8 =	vld [tilespmem:s15+$0x0];
	[tilespmem:v17+s16+$0x0] =	vst.idx.msk $0xffff, v16  }
0xed: {  	v21 =	vor.u32 v15, v21;
	v20 =	vor.u32 v14, v20;
	v16 =	vmul.u32 $0x88, v9;
	v17 =	vld [tilespmem:s15+$0x10];
	[tilespmem:v4+s16+$0x0] =	vst.idx.msk $0xffff, v6  }
0xee: {  	s17 =	sadd.s32 $0x4, s17;
	v9 =	vor.u32 v10, v19;
	v24 =	vbroadcast v5, $0x0;
	v5 =	vor.u32 v14, v18;
	v6 =	vld [tilespmem:s15+$0x20]  }
0xef: {  	s20 =	sadd.s32 $0x1, s17;
	s21 =	sadd.s32 $0x2, s17;
	s9 =	sadd.s32 $0xFFFFFFFF, s17;
	v10 =	vmov s17;
	v4 =	vor.u32 v7, v11;
	v16 =	vbroadcast v16, $0x0  }
0xf0: {  	v15 =	vmov s9;
	v7 =	vmov s21;
	v14 =	vmov s20;
	[tilespmem:v13+s16+$0x0] =	vst.idx.msk $0xffff, v12  }
.Ltmp4:
0xf1: {  	v11 =	vadd.s32 v1, v24;
	v13 =	vand.u32 $0x78, v7;
	v12 =	vadd.s32 v1, v16;
	[tilespmem:v22+s16+$0x0] =	vst.idx.msk $0xffff, v23;
	(pc) =	sbr.rel @p0 .LBB2_7-.Ltmp4, $4  }
0xf2: {  	v18 =	vand.u32 $0x78, v15;
	s15 =	sadd.s32 $0x80, s15;
	v7 =	vand.u32 $0x7, v7;
	v19 =	vadd.s32 v13, v12;
	[tilespmem:v20+s16+$0x0] =	vst.idx.msk $0xffff, v17  }
0xf3: {  	v25 =	vand.u32 $0x78, v14;
	v24 =	vand.u32 $0x78, v10;
	v16 =	vld [tilespmem:s15+$0x30];
	v17 =	vor.u32 v7, v19;
	[tilespmem:v21+s16+$0x0] =	vst.idx.msk $0xffff, v3  }
0xf4: {  	v23 =	vadd.s32 v18, v12;
	v22 =	vadd.s32 v24, v12;
	v20 =	vadd.s32 v25, v12;
	v3 =	vld [tilespmem:s15+$0xFFFFFFC0]  }
0xf5: {  	s19 =	sadd.s32 $0x1, s19;
	v21 =	vadd.s32 v18, v11;
	v19 =	vadd.s32 v24, v11;
	v18 =	vadd.s32 v25, v11;
	v12 =	vld [tilespmem:s15+$0xFFFFFFD0]  }
0xf6: {  	_ =	sdelay $0x1  }
0xf7: {  	v15 =	vand.u32 $0x4, v15  }
0xf8: {  	v10 =	vand.u32 $0x5, v10;
	v23 =	vor.u32 v15, v23  }
0xf9: {  	v14 =	vand.u32 $0x6, v14;
	[tilespmem:v9+s16+$0x0] =	vst.idx.msk $0xffff, v2;
	v2 =	vld [tilespmem:s15+$0xFFFFFFF0];
	s9 =	smulhi.u32 $0x66666667, s10;
	v55 =	vor.u32 v10, v22  }
0xfa: {  	[tilespmem:v5+s16+$0x0] =	vst.idx.msk $0xffff, v8;
	v56 =	vld [tilespmem:s15+$0x10];
	v57 =	vor.u32 v14, v20  }
0xfb: {  	s17 =	smulhi.u32 $0xCCCCCCCD, s11;
	[tilespmem:v4+s16+$0x0] =	vst.idx.msk $0xffff, v6;
	v15 =	vor.u32 v15, v21;
	s9 =	sshrl.u32 s9, $0x2  }
0xfc: {  	v58 =	vld [tilespmem:s15+$0xFFFFFFE0];
	v59 =	vor.u32 v10, v19;
	[tilespmem:v17+s16+$0x0] =	vst.idx.msk $0xffff, v16;
	s9 =	smul.u32 $0xA, s9  }
0xfd: {  	v60 =	vadd.s32 v13, v11;
	v61 =	vld [tilespmem:s15+$0x0];
	v62 =	vor.u32 v14, v18;
	[tilespmem:v23+s16+$0x0] =	vst.idx.msk $0xffff, v12  }
0xfe: {  	v63 =	vld [tilespmem:s15+$0x20];
	v6 =	vor.u32 v7, v60;
	s22 =	sshrl.u32 s17, $0x2;
	s9 =	ssub.s32 s10, s9;
	[tilespmem:v55+s16+$0x0] =	vst.idx.msk $0xffff, v2  }
0xff: {  	s15 =	sadd.s32 s7, s22;
	[tilespmem:v57+s16+$0x0] =	vst.idx.msk $0xffff, v56;
	s17 =	smul.u32 $0x280000, s9  }
0x100: {  	s15 =	sshll.u32 s15, $0xA;
	[tilespmem:v15+s16+$0x0] =	vst.idx.msk $0xffff, v3  }
0x101: {  	[tilespmem:v59+s16+$0x0] =	vst.idx.msk $0xffff, v58;
	s9 =	sor.u32 s15, s17  }
0x102: {  	[tilespmem:v62+s16+$0x0] =	vst.idx.msk $0xffff, v61;
	s19 =	sshrl.u32 s9, $0x3  }
0x103: {  	[tilespmem:v6+s16+$0x0] =	vst.idx.msk $0xffff, v63;
	s18 =	sadd.s32 s2, s19  }
0x104: {  	[hbm4b:s18+s3] =	stream.linear.scatter [tilespmem:s16], [sflag:$0x3], $0x80, $0x38;
	[tilespmem:$0x11300] =	vst v63  }
0x105: {  	s22 =	simm.s32 $0xBE88;
	s23 =	sadd.s32 $0x10, s18  }
0x106: {  	[hbm4b:s23+s3] =	stream.linear.scatter [tilespmem:s22], [sflag:$0x3], $0x80, $0x38;
	[tilespmem:$0x11300] =	vst v63  }
0x107: {  	s20 =	sadd.s32 $0x20, s18;
	s23 =	simm.s32 $0xBF10  }
0x108: {  	[hbm4b:s20+s3] =	stream.linear.scatter [tilespmem:s23], [sflag:$0x3], $0x80, $0x38;
	[tilespmem:$0x11300] =	vst v63  }
0x109: {  	s21 =	sadd.s32 $0x30, s18;
	s20 =	simm.s32 $0xBF98  }
0x10a: {  	[hbm4b:s21+s3] =	stream.linear.scatter [tilespmem:s20], [sflag:$0x3], $0x80, $0x38;
	[tilespmem:$0x11300] =	vst v63  }
0x10b: {  	s20 =	sadd.s32 $0x40, s18;
	s21 =	simm.s32 $0xC020  }
0x10c: {  	[hbm4b:s20+s3] =	stream.linear.scatter [tilespmem:s21], [sflag:$0x3], $0x80, $0x38;
	[tilespmem:$0x11300] =	vst v63  }
0x10d: {  	s20 =	sadd.s32 $0x50, s18;
	s21 =	simm.s32 $0xC0A8  }
0x10e: {  	[hbm4b:s20+s3] =	stream.linear.scatter [tilespmem:s21], [sflag:$0x3], $0x80, $0x38;
	[tilespmem:$0x11300] =	vst v63  }
0x10f: {  	s20 =	sadd.s32 $0x60, s18;
	s21 =	simm.s32 $0xC130  }
0x110: {  	[hbm4b:s20+s3] =	stream.linear.scatter [tilespmem:s21], [sflag:$0x3], $0x80, $0x38;
	[tilespmem:$0x11300] =	vst v63  }
0x111: {  	s20 =	sadd.s32 $0x70, s18;
	s21 =	simm.s32 $0xC1B8  }
0x112: {  	[hbm4b:s20+s3] =	stream.linear.scatter [tilespmem:s21], [sflag:$0x3], $0x80, $0x38;
	[tilespmem:$0x11300] =	vst v63  }
0x113: {  	s20 =	sadd.s32 $0x4000, s18;
	s21 =	simm.s32 $0xC240  }
0x114: {  	[hbm4b:s20+s3] =	stream.linear.scatter [tilespmem:s21], [sflag:$0x3], $0x80, $0x38;
	[tilespmem:$0x11300] =	vst v63  }
0x115: {  	s20 =	sadd.s32 $0x4010, s18;
	s21 =	simm.s32 $0xC2C8  }
0x116: {  	[hbm4b:s20+s3] =	stream.linear.scatter [tilespmem:s21], [sflag:$0x3], $0x80, $0x38;
	[tilespmem:$0x11300] =	vst v63  }
0x117: {  	s20 =	sadd.s32 $0x4020, s18;
	s21 =	simm.s32 $0xC350  }
0x118: {  	[hbm4b:s20+s3] =	stream.linear.scatter [tilespmem:s21], [sflag:$0x3], $0x80, $0x38;
	[tilespmem:$0x11300] =	vst v63  }
0x119: {  	s20 =	sadd.s32 $0x4030, s18;
	s21 =	simm.s32 $0xC3D8  }
0x11a: {  	[hbm4b:s20+s3] =	stream.linear.scatter [tilespmem:s21], [sflag:$0x3], $0x80, $0x38;
	[tilespmem:$0x11300] =	vst v63  }
0x11b: {  	s20 =	sadd.s32 $0x4040, s18;
	s21 =	simm.s32 $0xC460  }
0x11c: {  	[hbm4b:s20+s3] =	stream.linear.scatter [tilespmem:s21], [sflag:$0x3], $0x80, $0x38;
	[tilespmem:$0x11300] =	vst v63  }
0x11d: {  	s20 =	sadd.s32 $0x4050, s18;
	s21 =	simm.s32 $0xC4E8  }
0x11e: {  	[hbm4b:s20+s3] =	stream.linear.scatter [tilespmem:s21], [sflag:$0x3], $0x80, $0x38;
	[tilespmem:$0x11300] =	vst v63  }
0x11f: {  	s20 =	sadd.s32 $0x4060, s18;
	s21 =	simm.s32 $0xC570  }
0x120: {  	[hbm4b:s20+s3] =	stream.linear.scatter [tilespmem:s21], [sflag:$0x3], $0x80, $0x38;
	[tilespmem:$0x11300] =	vst v63  }
0x121: {  	s20 =	sadd.s32 $0x4070, s18;
	s21 =	simm.s32 $0xC5F8  }
0x122: {  	[hbm4b:s20+s3] =	stream.linear.scatter [tilespmem:s21], [sflag:$0x3], $0x80, $0x38;
	[tilespmem:$0x11300] =	vst v63  }
0x123: {  	s20 =	sadd.s32 $0x8000, s18;
	s21 =	simm.s32 $0xC680  }
0x124: {  	[hbm4b:s20+s3] =	stream.linear.scatter [tilespmem:s21], [sflag:$0x3], $0x80, $0x38;
	[tilespmem:$0x11300] =	vst v63  }
0x125: {  	s20 =	sadd.s32 $0x8010, s18;
	s21 =	simm.s32 $0xC708  }
0x126: {  	[hbm4b:s20+s3] =	stream.linear.scatter [tilespmem:s21], [sflag:$0x3], $0x80, $0x38;
	[tilespmem:$0x11300] =	vst v63  }
0x127: {  	s20 =	sadd.s32 $0x8020, s18;
	s21 =	simm.s32 $0xC790  }
0x128: {  	[hbm4b:s20+s3] =	stream.linear.scatter [tilespmem:s21], [sflag:$0x3], $0x80, $0x38;
	[tilespmem:$0x11300] =	vst v63  }
0x129: {  	s20 =	sadd.s32 $0x8030, s18;
	s21 =	simm.s32 $0xC818  }
0x12a: {  	[hbm4b:s20+s3] =	stream.linear.scatter [tilespmem:s21], [sflag:$0x3], $0x80, $0x38;
	[tilespmem:$0x11300] =	vst v63  }
0x12b: {  	s20 =	sadd.s32 $0x8040, s18;
	s21 =	simm.s32 $0xC8A0  }
0x12c: {  	[hbm4b:s20+s3] =	stream.linear.scatter [tilespmem:s21], [sflag:$0x3], $0x80, $0x38;
	[tilespmem:$0x11300] =	vst v63  }
0x12d: {  	s20 =	sadd.s32 $0x8050, s18;
	s21 =	simm.s32 $0xC928  }
0x12e: {  	[hbm4b:s20+s3] =	stream.linear.scatter [tilespmem:s21], [sflag:$0x3], $0x80, $0x38;
	[tilespmem:$0x11300] =	vst v63  }
0x12f: {  	s20 =	sadd.s32 $0x8060, s18;
	s21 =	simm.s32 $0xC9B0  }
0x130: {  	[hbm4b:s20+s3] =	stream.linear.scatter [tilespmem:s21], [sflag:$0x3], $0x80, $0x38;
	[tilespmem:$0x11300] =	vst v63  }
0x131: {  	s20 =	sadd.s32 $0x8070, s18;
	s21 =	simm.s32 $0xCA38  }
0x132: {  	[hbm4b:s20+s3] =	stream.linear.scatter [tilespmem:s21], [sflag:$0x3], $0x80, $0x38;
	[tilespmem:$0x11300] =	vst v63  }
0x133: {  	s20 =	sadd.s32 $0xC000, s18;
	s21 =	simm.s32 $0xCAC0  }
0x134: {  	[hbm4b:s20+s3] =	stream.linear.scatter [tilespmem:s21], [sflag:$0x3], $0x80, $0x38;
	[tilespmem:$0x11300] =	vst v63  }
0x135: {  	s20 =	sadd.s32 $0xC010, s18;
	s21 =	simm.s32 $0xCB48  }
0x136: {  	[hbm4b:s20+s3] =	stream.linear.scatter [tilespmem:s21], [sflag:$0x3], $0x80, $0x38;
	[tilespmem:$0x11300] =	vst v63  }
0x137: {  	s20 =	sadd.s32 $0xC020, s18;
	s21 =	simm.s32 $0xCBD0  }
0x138: {  	[hbm4b:s20+s3] =	stream.linear.scatter [tilespmem:s21], [sflag:$0x3], $0x80, $0x38;
	[tilespmem:$0x11300] =	vst v63  }
0x139: {  	s20 =	sadd.s32 $0xC030, s18;
	s21 =	simm.s32 $0xCC58  }
0x13a: {  	[hbm4b:s20+s3] =	stream.linear.scatter [tilespmem:s21], [sflag:$0x3], $0x80, $0x38;
	[tilespmem:$0x11300] =	vst v63  }
0x13b: {  	s20 =	sadd.s32 $0xC040, s18;
	s21 =	simm.s32 $0xCCE0  }
0x13c: {  	[hbm4b:s20+s3] =	stream.linear.scatter [tilespmem:s21], [sflag:$0x3], $0x80, $0x38;
	[tilespmem:$0x11300] =	vst v63  }
0x13d: {  	s20 =	sadd.s32 $0xC050, s18;
	s21 =	simm.s32 $0xCD68  }
0x13e: {  	[hbm4b:s20+s3] =	stream.linear.scatter [tilespmem:s21], [sflag:$0x3], $0x80, $0x38;
	[tilespmem:$0x11300] =	vst v63  }
0x13f: {  	s20 =	sadd.s32 $0xC060, s18;
	s21 =	simm.s32 $0xCDF0  }
0x140: {  	[hbm4b:s20+s3] =	stream.linear.scatter [tilespmem:s21], [sflag:$0x3], $0x80, $0x38;
	[tilespmem:$0x11300] =	vst v63  }
0x141: {  	s20 =	sadd.s32 $0xC070, s18;
	s21 =	simm.s32 $0xCE78  }
0x142: {  	[hbm4b:s20+s3] =	stream.linear.scatter [tilespmem:s21], [sflag:$0x3], $0x80, $0x38;
	[tilespmem:$0x11300] =	vst v63  }
0x143: {  	s20 =	sor.u32 $0x10000, s19  }
0x144: {  	s21 =	simm.s32 $0xCF00;
	s9 =	sadd.s32 s2, s20  }
0x145: {  	[hbm4b:s9+s3] =	stream.linear.scatter [tilespmem:s21], [sflag:$0x3], $0x80, $0x38;
	[tilespmem:$0x11300] =	vst v63  }
0x146: {  	s20 =	sadd.s32 $0x10, s9;
	s21 =	simm.s32 $0xCF88  }
0x147: {  	[hbm4b:s20+s3] =	stream.linear.scatter [tilespmem:s21], [sflag:$0x3], $0x80, $0x38;
	[tilespmem:$0x11300] =	vst v63  }
0x148: {  	s20 =	sadd.s32 $0x20, s9;
	s21 =	simm.s32 $0xD010  }
0x149: {  	[hbm4b:s20+s3] =	stream.linear.scatter [tilespmem:s21], [sflag:$0x3], $0x80, $0x38;
	[tilespmem:$0x11300] =	vst v63  }
0x14a: {  	s20 =	sadd.s32 $0x30, s9;
	s21 =	simm.s32 $0xD098  }
0x14b: {  	[hbm4b:s20+s3] =	stream.linear.scatter [tilespmem:s21], [sflag:$0x3], $0x80, $0x38;
	[tilespmem:$0x11300] =	vst v63  }
0x14c: {  	s20 =	sadd.s32 $0x40, s9;
	s21 =	simm.s32 $0xD120  }
0x14d: {  	[hbm4b:s20+s3] =	stream.linear.scatter [tilespmem:s21], [sflag:$0x3], $0x80, $0x38;
	[tilespmem:$0x11300] =	vst v63  }
0x14e: {  	s20 =	sadd.s32 $0x50, s9;
	s21 =	simm.s32 $0xD1A8  }
0x14f: {  	[hbm4b:s20+s3] =	stream.linear.scatter [tilespmem:s21], [sflag:$0x3], $0x80, $0x38;
	[tilespmem:$0x11300] =	vst v63  }
0x150: {  	s20 =	sadd.s32 $0x60, s9;
	s21 =	simm.s32 $0xD230  }
0x151: {  	[hbm4b:s20+s3] =	stream.linear.scatter [tilespmem:s21], [sflag:$0x3], $0x80, $0x38;
	[tilespmem:$0x11300] =	vst v63  }
0x152: {  	s9 =	sadd.s32 $0x70, s9;
	s20 =	simm.s32 $0xD2B8  }
0x153: {  	[hbm4b:s9+s3] =	stream.linear.scatter [tilespmem:s20], [sflag:$0x3], $0x80, $0x38;
	[tilespmem:$0x11300] =	vst v63  }
0x154: {  	s21 =	simm.s32 $0xD340;
	s9 =	sadd.s32 $0x14000, s18  }
0x155: {  	[hbm4b:s9+s3] =	stream.linear.scatter [tilespmem:s21], [sflag:$0x3], $0x80, $0x38;
	[tilespmem:$0x11300] =	vst v63  }
0x156: {  	s20 =	sadd.s32 $0x10, s9;
	s21 =	simm.s32 $0xD3C8  }
0x157: {  	[hbm4b:s20+s3] =	stream.linear.scatter [tilespmem:s21], [sflag:$0x3], $0x80, $0x38;
	[tilespmem:$0x11300] =	vst v63  }
0x158: {  	s20 =	sadd.s32 $0x20, s9;
	s21 =	simm.s32 $0xD450  }
0x159: {  	[hbm4b:s20+s3] =	stream.linear.scatter [tilespmem:s21], [sflag:$0x3], $0x80, $0x38;
	[tilespmem:$0x11300] =	vst v63  }
0x15a: {  	s20 =	sadd.s32 $0x30, s9;
	s21 =	simm.s32 $0xD4D8  }
0x15b: {  	[hbm4b:s20+s3] =	stream.linear.scatter [tilespmem:s21], [sflag:$0x3], $0x80, $0x38;
	[tilespmem:$0x11300] =	vst v63  }
0x15c: {  	s20 =	sadd.s32 $0x40, s9;
	s21 =	simm.s32 $0xD560  }
0x15d: {  	[hbm4b:s20+s3] =	stream.linear.scatter [tilespmem:s21], [sflag:$0x3], $0x80, $0x38;
	[tilespmem:$0x11300] =	vst v63  }
0x15e: {  	s20 =	sadd.s32 $0x50, s9;
	s21 =	simm.s32 $0xD5E8  }
0x15f: {  	[hbm4b:s20+s3] =	stream.linear.scatter [tilespmem:s21], [sflag:$0x3], $0x80, $0x38;
	[tilespmem:$0x11300] =	vst v63  }
0x160: {  	s20 =	sadd.s32 $0x60, s9;
	s21 =	simm.s32 $0xD670  }
0x161: {  	[hbm4b:s20+s3] =	stream.linear.scatter [tilespmem:s21], [sflag:$0x3], $0x80, $0x38;
	[tilespmem:$0x11300] =	vst v63  }
0x162: {  	s9 =	sadd.s32 $0x70, s9;
	s20 =	simm.s32 $0xD6F8  }
0x163: {  	[hbm4b:s9+s3] =	stream.linear.scatter [tilespmem:s20], [sflag:$0x3], $0x80, $0x38;
	[tilespmem:$0x11300] =	vst v63  }
0x164: {  	s21 =	simm.s32 $0xD780;
	s9 =	sadd.s32 $0x18000, s18  }
0x165: {  	[hbm4b:s9+s3] =	stream.linear.scatter [tilespmem:s21], [sflag:$0x3], $0x80, $0x38;
	[tilespmem:$0x11300] =	vst v63  }
0x166: {  	s20 =	sadd.s32 $0x10, s9;
	s21 =	simm.s32 $0xD808  }
0x167: {  	[hbm4b:s20+s3] =	stream.linear.scatter [tilespmem:s21], [sflag:$0x3], $0x80, $0x38;
	[tilespmem:$0x11300] =	vst v63  }
0x168: {  	s20 =	sadd.s32 $0x20, s9;
	s21 =	simm.s32 $0xD890  }
0x169: {  	[hbm4b:s20+s3] =	stream.linear.scatter [tilespmem:s21], [sflag:$0x3], $0x80, $0x38;
	[tilespmem:$0x11300] =	vst v63  }
0x16a: {  	s20 =	sadd.s32 $0x30, s9;
	s21 =	simm.s32 $0xD918  }
0x16b: {  	[hbm4b:s20+s3] =	stream.linear.scatter [tilespmem:s21], [sflag:$0x3], $0x80, $0x38;
	[tilespmem:$0x11300] =	vst v63  }
0x16c: {  	s20 =	sadd.s32 $0x40, s9;
	s21 =	simm.s32 $0xD9A0  }
0x16d: {  	[hbm4b:s20+s3] =	stream.linear.scatter [tilespmem:s21], [sflag:$0x3], $0x80, $0x38;
	[tilespmem:$0x11300] =	vst v63  }
0x16e: {  	s20 =	sadd.s32 $0x50, s9;
	s21 =	simm.s32 $0xDA28  }
0x16f: {  	[hbm4b:s20+s3] =	stream.linear.scatter [tilespmem:s21], [sflag:$0x3], $0x80, $0x38;
	[tilespmem:$0x11300] =	vst v63  }
0x170: {  	s20 =	sadd.s32 $0x60, s9;
	s21 =	simm.s32 $0xDAB0  }
0x171: {  	[hbm4b:s20+s3] =	stream.linear.scatter [tilespmem:s21], [sflag:$0x3], $0x80, $0x38;
	[tilespmem:$0x11300] =	vst v63  }
0x172: {  	s9 =	sadd.s32 $0x70, s9;
	s21 =	simm.s32 $0xDB38  }
0x173: {  	[hbm4b:s9+s3] =	stream.linear.scatter [tilespmem:s21], [sflag:$0x3], $0x80, $0x38;
	[tilespmem:$0x11300] =	vst v63  }
0x174: {  	s19 =	simm.s32 $0xDBC0;
	s9 =	sadd.s32 $0x1C000, s18  }
0x175: {  	[hbm4b:s9+s3] =	stream.linear.scatter [tilespmem:s19], [sflag:$0x3], $0x80, $0x38;
	[tilespmem:$0x11300] =	vst v63  }
0x176: {  	s21 =	simm.s32 $0xDC48;
	s20 =	sadd.s32 $0x10, s9  }
0x177: {  	[hbm4b:s20+s3] =	stream.linear.scatter [tilespmem:s21], [sflag:$0x3], $0x80, $0x38;
	[tilespmem:$0x11300] =	vst v63  }
0x178: {  	s20 =	sadd.s32 $0x20, s9;
	s21 =	simm.s32 $0xDCD0  }
0x179: {  	[hbm4b:s20+s3] =	stream.linear.scatter [tilespmem:s21], [sflag:$0x3], $0x80, $0x38;
	[tilespmem:$0x11300] =	vst v63  }
0x17a: {  	s20 =	sadd.s32 $0x30, s9;
	s21 =	simm.s32 $0xDD58  }
0x17b: {  	[hbm4b:s20+s3] =	stream.linear.scatter [tilespmem:s21], [sflag:$0x3], $0x80, $0x38;
	[tilespmem:$0x11300] =	vst v63  }
0x17c: {  	s20 =	sadd.s32 $0x40, s9;
	s21 =	simm.s32 $0xDDE0  }
0x17d: {  	[hbm4b:s20+s3] =	stream.linear.scatter [tilespmem:s21], [sflag:$0x3], $0x80, $0x38;
	[tilespmem:$0x11300] =	vst v63  }
0x17e: {  	s20 =	sadd.s32 $0x50, s9;
	s21 =	simm.s32 $0xDE68  }
0x17f: {  	[hbm4b:s20+s3] =	stream.linear.scatter [tilespmem:s21], [sflag:$0x3], $0x80, $0x38;
	[tilespmem:$0x11300] =	vst v63  }
0x180: {  	s19 =	sadd.s32 $0x60, s9;
	s20 =	simm.s32 $0xDEF0  }
0x181: {  	[hbm4b:s19+s3] =	stream.linear.scatter [tilespmem:s20], [sflag:$0x3], $0x80, $0x38;
	[tilespmem:$0x11300] =	vst v63  }
0x182: {  	s18 =	sadd.s32 s15, s17;
	s9 =	sadd.s32 $0x70, s9;
	s21 =	simm.s32 $0xDF78  }
0x183: {  	[hbm4b:s9+s3] =	stream.linear.scatter [tilespmem:s21], [sflag:$0x3], $0x80, $0x38;
	[tilespmem:$0x11300] =	vst v63  }
0x184: {  	s9 =	sshrl.u32 s18, $0x3  }
0x185: {  	s17 =	sadd.s32 s2, s9  }
0x186: {  	s19 =	simm.s32 $0xE000;
	s9 =	sadd.s32 $0x20000, s17  }
0x187: {  	[hbm4b:s9+s3] =	stream.linear.scatter [tilespmem:s19], [sflag:$0x3], $0x80, $0x38;
	[tilespmem:$0x11300] =	vst v63  }
0x188: {  	s21 =	simm.s32 $0xE088;
	s20 =	sadd.s32 $0x10, s9  }
0x189: {  	[hbm4b:s20+s3] =	stream.linear.scatter [tilespmem:s21], [sflag:$0x3], $0x80, $0x38;
	[tilespmem:$0x11300] =	vst v63  }
0x18a: {  	s20 =	sadd.s32 $0x20, s9;
	s21 =	simm.s32 $0xE110  }
0x18b: {  	[hbm4b:s20+s3] =	stream.linear.scatter [tilespmem:s21], [sflag:$0x3], $0x80, $0x38;
	[tilespmem:$0x11300] =	vst v63  }
0x18c: {  	s20 =	sadd.s32 $0x30, s9;
	s21 =	simm.s32 $0xE198  }
0x18d: {  	[hbm4b:s20+s3] =	stream.linear.scatter [tilespmem:s21], [sflag:$0x3], $0x80, $0x38;
	[tilespmem:$0x11300] =	vst v63  }
0x18e: {  	s20 =	sadd.s32 $0x40, s9;
	s21 =	simm.s32 $0xE220  }
0x18f: {  	[hbm4b:s20+s3] =	stream.linear.scatter [tilespmem:s21], [sflag:$0x3], $0x80, $0x38;
	[tilespmem:$0x11300] =	vst v63  }
0x190: {  	s20 =	sadd.s32 $0x50, s9;
	s21 =	simm.s32 $0xE2A8  }
0x191: {  	[hbm4b:s20+s3] =	stream.linear.scatter [tilespmem:s21], [sflag:$0x3], $0x80, $0x38;
	[tilespmem:$0x11300] =	vst v63  }
0x192: {  	s20 =	sadd.s32 $0x60, s9;
	s21 =	simm.s32 $0xE330  }
0x193: {  	[hbm4b:s20+s3] =	stream.linear.scatter [tilespmem:s21], [sflag:$0x3], $0x80, $0x38;
	[tilespmem:$0x11300] =	vst v63  }
0x194: {  	s20 =	sadd.s32 $0x70, s9;
	s21 =	simm.s32 $0xE3B8  }
0x195: {  	[hbm4b:s20+s3] =	stream.linear.scatter [tilespmem:s21], [sflag:$0x3], $0x80, $0x38;
	[tilespmem:$0x11300] =	vst v63  }
0x196: {  	s20 =	sadd.s32 $0x4000, s9;
	s21 =	simm.s32 $0xE440  }
0x197: {  	[hbm4b:s20+s3] =	stream.linear.scatter [tilespmem:s21], [sflag:$0x3], $0x80, $0x38;
	[tilespmem:$0x11300] =	vst v63  }
0x198: {  	s20 =	sadd.s32 $0x4010, s9;
	s21 =	simm.s32 $0xE4C8  }
0x199: {  	[hbm4b:s20+s3] =	stream.linear.scatter [tilespmem:s21], [sflag:$0x3], $0x80, $0x38;
	[tilespmem:$0x11300] =	vst v63  }
0x19a: {  	s20 =	sadd.s32 $0x4020, s9;
	s21 =	simm.s32 $0xE550  }
0x19b: {  	[hbm4b:s20+s3] =	stream.linear.scatter [tilespmem:s21], [sflag:$0x3], $0x80, $0x38;
	[tilespmem:$0x11300] =	vst v63  }
0x19c: {  	s20 =	sadd.s32 $0x4030, s9;
	s21 =	simm.s32 $0xE5D8  }
0x19d: {  	[hbm4b:s20+s3] =	stream.linear.scatter [tilespmem:s21], [sflag:$0x3], $0x80, $0x38;
	[tilespmem:$0x11300] =	vst v63  }
0x19e: {  	s20 =	sadd.s32 $0x4040, s9;
	s21 =	simm.s32 $0xE660  }
0x19f: {  	[hbm4b:s20+s3] =	stream.linear.scatter [tilespmem:s21], [sflag:$0x3], $0x80, $0x38;
	[tilespmem:$0x11300] =	vst v63  }
0x1a0: {  	s20 =	sadd.s32 $0x4050, s9;
	s21 =	simm.s32 $0xE6E8  }
0x1a1: {  	[hbm4b:s20+s3] =	stream.linear.scatter [tilespmem:s21], [sflag:$0x3], $0x80, $0x38;
	[tilespmem:$0x11300] =	vst v63  }
0x1a2: {  	s20 =	sadd.s32 $0x4060, s9;
	s21 =	simm.s32 $0xE770  }
0x1a3: {  	[hbm4b:s20+s3] =	stream.linear.scatter [tilespmem:s21], [sflag:$0x3], $0x80, $0x38;
	[tilespmem:$0x11300] =	vst v63  }
0x1a4: {  	s20 =	sadd.s32 $0x4070, s9;
	s21 =	simm.s32 $0xE7F8  }
0x1a5: {  	[hbm4b:s20+s3] =	stream.linear.scatter [tilespmem:s21], [sflag:$0x3], $0x80, $0x38;
	[tilespmem:$0x11300] =	vst v63  }
0x1a6: {  	s20 =	sadd.s32 $0x8000, s9;
	s21 =	simm.s32 $0xE880  }
0x1a7: {  	[hbm4b:s20+s3] =	stream.linear.scatter [tilespmem:s21], [sflag:$0x3], $0x80, $0x38;
	[tilespmem:$0x11300] =	vst v63  }
0x1a8: {  	s20 =	sadd.s32 $0x8010, s9;
	s21 =	simm.s32 $0xE908  }
0x1a9: {  	[hbm4b:s20+s3] =	stream.linear.scatter [tilespmem:s21], [sflag:$0x3], $0x80, $0x38;
	[tilespmem:$0x11300] =	vst v63  }
0x1aa: {  	s20 =	sadd.s32 $0x8020, s9;
	s21 =	simm.s32 $0xE990  }
0x1ab: {  	[hbm4b:s20+s3] =	stream.linear.scatter [tilespmem:s21], [sflag:$0x3], $0x80, $0x38;
	[tilespmem:$0x11300] =	vst v63  }
0x1ac: {  	s20 =	sadd.s32 $0x8030, s9;
	s21 =	simm.s32 $0xEA18  }
0x1ad: {  	[hbm4b:s20+s3] =	stream.linear.scatter [tilespmem:s21], [sflag:$0x3], $0x80, $0x38;
	[tilespmem:$0x11300] =	vst v63  }
0x1ae: {  	s20 =	sadd.s32 $0x8040, s9;
	s21 =	simm.s32 $0xEAA0  }
0x1af: {  	[hbm4b:s20+s3] =	stream.linear.scatter [tilespmem:s21], [sflag:$0x3], $0x80, $0x38;
	[tilespmem:$0x11300] =	vst v63  }
0x1b0: {  	s20 =	sadd.s32 $0x8050, s9;
	s21 =	simm.s32 $0xEB28  }
0x1b1: {  	[hbm4b:s20+s3] =	stream.linear.scatter [tilespmem:s21], [sflag:$0x3], $0x80, $0x38;
	[tilespmem:$0x11300] =	vst v63  }
0x1b2: {  	s20 =	sadd.s32 $0x8060, s9;
	s21 =	simm.s32 $0xEBB0  }
0x1b3: {  	[hbm4b:s20+s3] =	stream.linear.scatter [tilespmem:s21], [sflag:$0x3], $0x80, $0x38;
	[tilespmem:$0x11300] =	vst v63  }
0x1b4: {  	s20 =	sadd.s32 $0x8070, s9;
	s21 =	simm.s32 $0xEC38  }
0x1b5: {  	[hbm4b:s20+s3] =	stream.linear.scatter [tilespmem:s21], [sflag:$0x3], $0x80, $0x38;
	[tilespmem:$0x11300] =	vst v63  }
0x1b6: {  	s20 =	sadd.s32 $0xC000, s9;
	s21 =	simm.s32 $0xECC0  }
0x1b7: {  	[hbm4b:s20+s3] =	stream.linear.scatter [tilespmem:s21], [sflag:$0x3], $0x80, $0x38;
	[tilespmem:$0x11300] =	vst v63  }
0x1b8: {  	s20 =	sadd.s32 $0xC010, s9;
	s21 =	simm.s32 $0xED48  }
0x1b9: {  	[hbm4b:s20+s3] =	stream.linear.scatter [tilespmem:s21], [sflag:$0x3], $0x80, $0x38;
	[tilespmem:$0x11300] =	vst v63  }
0x1ba: {  	s20 =	sadd.s32 $0xC020, s9;
	s21 =	simm.s32 $0xEDD0  }
0x1bb: {  	[hbm4b:s20+s3] =	stream.linear.scatter [tilespmem:s21], [sflag:$0x3], $0x80, $0x38;
	[tilespmem:$0x11300] =	vst v63  }
0x1bc: {  	s20 =	sadd.s32 $0xC030, s9;
	s21 =	simm.s32 $0xEE58  }
0x1bd: {  	[hbm4b:s20+s3] =	stream.linear.scatter [tilespmem:s21], [sflag:$0x3], $0x80, $0x38;
	[tilespmem:$0x11300] =	vst v63  }
0x1be: {  	s20 =	sadd.s32 $0xC040, s9;
	s21 =	simm.s32 $0xEEE0  }
0x1bf: {  	[hbm4b:s20+s3] =	stream.linear.scatter [tilespmem:s21], [sflag:$0x3], $0x80, $0x38;
	[tilespmem:$0x11300] =	vst v63  }
0x1c0: {  	s20 =	sadd.s32 $0xC050, s9;
	s21 =	simm.s32 $0xEF68  }
0x1c1: {  	[hbm4b:s20+s3] =	stream.linear.scatter [tilespmem:s21], [sflag:$0x3], $0x80, $0x38;
	[tilespmem:$0x11300] =	vst v63  }
0x1c2: {  	s19 =	sadd.s32 $0xC060, s9;
	s20 =	simm.s32 $0xEFF0  }
0x1c3: {  	[hbm4b:s19+s3] =	stream.linear.scatter [tilespmem:s20], [sflag:$0x3], $0x80, $0x38;
	[tilespmem:$0x11300] =	vst v63  }
0x1c4: {  	s9 =	sadd.s32 $0xC070, s9;
	s21 =	simm.s32 $0xF078  }
0x1c5: {  	[hbm4b:s9+s3] =	stream.linear.scatter [tilespmem:s21], [sflag:$0x3], $0x80, $0x38;
	[tilespmem:$0x11300] =	vst v63  }
0x1c6: {  	s19 =	simm.s32 $0xF100;
	s9 =	sadd.s32 $0x30000, s17  }
0x1c7: {  	[hbm4b:s9+s3] =	stream.linear.scatter [tilespmem:s19], [sflag:$0x3], $0x80, $0x38;
	[tilespmem:$0x11300] =	vst v63  }
0x1c8: {  	s21 =	simm.s32 $0xF188;
	s20 =	sadd.s32 $0x10, s9  }
0x1c9: {  	[hbm4b:s20+s3] =	stream.linear.scatter [tilespmem:s21], [sflag:$0x3], $0x80, $0x38;
	[tilespmem:$0x11300] =	vst v63  }
0x1ca: {  	s20 =	sadd.s32 $0x20, s9;
	s21 =	simm.s32 $0xF210  }
0x1cb: {  	[hbm4b:s20+s3] =	stream.linear.scatter [tilespmem:s21], [sflag:$0x3], $0x80, $0x38;
	[tilespmem:$0x11300] =	vst v63  }
0x1cc: {  	s20 =	sadd.s32 $0x30, s9;
	s21 =	simm.s32 $0xF298  }
0x1cd: {  	[hbm4b:s20+s3] =	stream.linear.scatter [tilespmem:s21], [sflag:$0x3], $0x80, $0x38;
	[tilespmem:$0x11300] =	vst v63  }
0x1ce: {  	s20 =	sadd.s32 $0x40, s9;
	s21 =	simm.s32 $0xF320  }
0x1cf: {  	[hbm4b:s20+s3] =	stream.linear.scatter [tilespmem:s21], [sflag:$0x3], $0x80, $0x38;
	[tilespmem:$0x11300] =	vst v63  }
0x1d0: {  	s20 =	sadd.s32 $0x50, s9;
	s21 =	simm.s32 $0xF3A8  }
0x1d1: {  	[hbm4b:s20+s3] =	stream.linear.scatter [tilespmem:s21], [sflag:$0x3], $0x80, $0x38;
	[tilespmem:$0x11300] =	vst v63  }
0x1d2: {  	s20 =	sadd.s32 $0x60, s9;
	s21 =	simm.s32 $0xF430  }
0x1d3: {  	[hbm4b:s20+s3] =	stream.linear.scatter [tilespmem:s21], [sflag:$0x3], $0x80, $0x38;
	[tilespmem:$0x11300] =	vst v63  }
0x1d4: {  	s20 =	sadd.s32 $0x70, s9;
	s21 =	simm.s32 $0xF4B8  }
0x1d5: {  	[hbm4b:s20+s3] =	stream.linear.scatter [tilespmem:s21], [sflag:$0x3], $0x80, $0x38;
	[tilespmem:$0x11300] =	vst v63  }
0x1d6: {  	s20 =	sadd.s32 $0x4000, s9;
	s21 =	simm.s32 $0xF540  }
0x1d7: {  	[hbm4b:s20+s3] =	stream.linear.scatter [tilespmem:s21], [sflag:$0x3], $0x80, $0x38;
	[tilespmem:$0x11300] =	vst v63  }
0x1d8: {  	s20 =	sadd.s32 $0x4010, s9;
	s21 =	simm.s32 $0xF5C8  }
0x1d9: {  	[hbm4b:s20+s3] =	stream.linear.scatter [tilespmem:s21], [sflag:$0x3], $0x80, $0x38;
	[tilespmem:$0x11300] =	vst v63  }
0x1da: {  	s20 =	sadd.s32 $0x4020, s9;
	s21 =	simm.s32 $0xF650  }
0x1db: {  	[hbm4b:s20+s3] =	stream.linear.scatter [tilespmem:s21], [sflag:$0x3], $0x80, $0x38;
	[tilespmem:$0x11300] =	vst v63  }
0x1dc: {  	s20 =	sadd.s32 $0x4030, s9;
	s21 =	simm.s32 $0xF6D8  }
0x1dd: {  	[hbm4b:s20+s3] =	stream.linear.scatter [tilespmem:s21], [sflag:$0x3], $0x80, $0x38;
	[tilespmem:$0x11300] =	vst v63  }
0x1de: {  	s20 =	sadd.s32 $0x4040, s9;
	s21 =	simm.s32 $0xF760  }
0x1df: {  	[hbm4b:s20+s3] =	stream.linear.scatter [tilespmem:s21], [sflag:$0x3], $0x80, $0x38;
	[tilespmem:$0x11300] =	vst v63  }
0x1e0: {  	s20 =	sadd.s32 $0x4050, s9;
	s21 =	simm.s32 $0xF7E8  }
0x1e1: {  	[hbm4b:s20+s3] =	stream.linear.scatter [tilespmem:s21], [sflag:$0x3], $0x80, $0x38;
	[tilespmem:$0x11300] =	vst v63  }
0x1e2: {  	s20 =	sadd.s32 $0x4060, s9;
	s21 =	simm.s32 $0xF870  }
0x1e3: {  	[hbm4b:s20+s3] =	stream.linear.scatter [tilespmem:s21], [sflag:$0x3], $0x80, $0x38;
	[tilespmem:$0x11300] =	vst v63  }
0x1e4: {  	s20 =	sadd.s32 $0x4070, s9;
	s21 =	simm.s32 $0xF8F8  }
0x1e5: {  	[hbm4b:s20+s3] =	stream.linear.scatter [tilespmem:s21], [sflag:$0x3], $0x80, $0x38;
	[tilespmem:$0x11300] =	vst v63  }
0x1e6: {  	s20 =	sadd.s32 $0x8000, s9;
	s21 =	simm.s32 $0xF980  }
0x1e7: {  	[hbm4b:s20+s3] =	stream.linear.scatter [tilespmem:s21], [sflag:$0x3], $0x80, $0x38;
	[tilespmem:$0x11300] =	vst v63  }
0x1e8: {  	s20 =	sadd.s32 $0x8010, s9;
	s21 =	simm.s32 $0xFA08  }
0x1e9: {  	[hbm4b:s20+s3] =	stream.linear.scatter [tilespmem:s21], [sflag:$0x3], $0x80, $0x38;
	[tilespmem:$0x11300] =	vst v63  }
0x1ea: {  	s20 =	sadd.s32 $0x8020, s9;
	s21 =	simm.s32 $0xFA90  }
0x1eb: {  	[hbm4b:s20+s3] =	stream.linear.scatter [tilespmem:s21], [sflag:$0x3], $0x80, $0x38;
	[tilespmem:$0x11300] =	vst v63  }
0x1ec: {  	s20 =	sadd.s32 $0x8030, s9;
	s21 =	simm.s32 $0xFB18  }
0x1ed: {  	[hbm4b:s20+s3] =	stream.linear.scatter [tilespmem:s21], [sflag:$0x3], $0x80, $0x38;
	[tilespmem:$0x11300] =	vst v63  }
0x1ee: {  	s20 =	sadd.s32 $0x8040, s9;
	s21 =	simm.s32 $0xFBA0  }
0x1ef: {  	[hbm4b:s20+s3] =	stream.linear.scatter [tilespmem:s21], [sflag:$0x3], $0x80, $0x38;
	[tilespmem:$0x11300] =	vst v63  }
0x1f0: {  	s20 =	sadd.s32 $0x8050, s9;
	s21 =	simm.s32 $0xFC28  }
0x1f1: {  	[hbm4b:s20+s3] =	stream.linear.scatter [tilespmem:s21], [sflag:$0x3], $0x80, $0x38;
	[tilespmem:$0x11300] =	vst v63  }
0x1f2: {  	s20 =	sadd.s32 $0x8060, s9;
	s21 =	simm.s32 $0xFCB0  }
0x1f3: {  	[hbm4b:s20+s3] =	stream.linear.scatter [tilespmem:s21], [sflag:$0x3], $0x80, $0x38;
	[tilespmem:$0x11300] =	vst v63  }
0x1f4: {  	s20 =	sadd.s32 $0x8070, s9;
	s21 =	simm.s32 $0xFD38  }
0x1f5: {  	[hbm4b:s20+s3] =	stream.linear.scatter [tilespmem:s21], [sflag:$0x3], $0x80, $0x38;
	[tilespmem:$0x11300] =	vst v63  }
0x1f6: {  	s20 =	sadd.s32 $0xC000, s9;
	s21 =	simm.s32 $0xFDC0  }
0x1f7: {  	[hbm4b:s20+s3] =	stream.linear.scatter [tilespmem:s21], [sflag:$0x3], $0x80, $0x38;
	[tilespmem:$0x11300] =	vst v63  }
0x1f8: {  	s20 =	sadd.s32 $0xC010, s9;
	s21 =	simm.s32 $0xFE48  }
0x1f9: {  	[hbm4b:s20+s3] =	stream.linear.scatter [tilespmem:s21], [sflag:$0x3], $0x80, $0x38;
	[tilespmem:$0x11300] =	vst v63  }
0x1fa: {  	s20 =	sadd.s32 $0xC020, s9;
	s21 =	simm.s32 $0xFED0  }
0x1fb: {  	[hbm4b:s20+s3] =	stream.linear.scatter [tilespmem:s21], [sflag:$0x3], $0x80, $0x38;
	[tilespmem:$0x11300] =	vst v63  }
0x1fc: {  	s20 =	sadd.s32 $0xC030, s9;
	s21 =	simm.s32 $0xFF58  }
0x1fd: {  	[hbm4b:s20+s3] =	stream.linear.scatter [tilespmem:s21], [sflag:$0x3], $0x80, $0x38;
	[tilespmem:$0x11300] =	vst v63  }
0x1fe: {  	s20 =	sadd.s32 $0xC040, s9;
	s21 =	simm.s32 $0xFFE0  }
0x1ff: {  	[hbm4b:s20+s3] =	stream.linear.scatter [tilespmem:s21], [sflag:$0x3], $0x80, $0x38;
	[tilespmem:$0x11300] =	vst v63  }
0x200: {  	s20 =	sadd.s32 $0xC050, s9;
	s21 =	simm.s32 $0x10068  }
0x201: {  	[hbm4b:s20+s3] =	stream.linear.scatter [tilespmem:s21], [sflag:$0x3], $0x80, $0x38;
	[tilespmem:$0x11300] =	vst v63  }
0x202: {  	s19 =	sadd.s32 $0xC060, s9;
	s20 =	simm.s32 $0x100F0  }
0x203: {  	[hbm4b:s19+s3] =	stream.linear.scatter [tilespmem:s20], [sflag:$0x3], $0x80, $0x38;
	[tilespmem:$0x11300] =	vst v63  }
0x204: {  	s9 =	sadd.s32 $0xC070, s9;
	s21 =	simm.s32 $0x10178  }
0x205: {  	[hbm4b:s9+s3] =	stream.linear.scatter [tilespmem:s21], [sflag:$0x3], $0x80, $0x38;
	[tilespmem:$0x11300] =	vst v63  }
0x206: {  	s17 =	sadd.s32 $0x40000, s17;
	s19 =	simm.s32 $0x10200  }
0x207: {  	[hbm4b:s17+s3] =	stream.linear.scatter [tilespmem:s19], [sflag:$0x3], $0x80, $0x38;
	[tilespmem:$0x11300] =	vst v63  }
0x208: {  	s20 =	sadd.s32 $0x10, s17;
	s21 =	simm.s32 $0x10288  }
0x209: {  	[hbm4b:s20+s3] =	stream.linear.scatter [tilespmem:s21], [sflag:$0x3], $0x80, $0x38;
	[tilespmem:$0x11300] =	vst v63  }
0x20a: {  	s18 =	sadd.s32 $0x20, s17;
	s19 =	simm.s32 $0x10310  }
0x20b: {  	[hbm4b:s18+s3] =	stream.linear.scatter [tilespmem:s19], [sflag:$0x3], $0x80, $0x38;
	[tilespmem:$0x11300] =	vst v63  }
0x20c: {  	s20 =	sadd.s32 $0x30, s17;
	s21 =	simm.s32 $0x10398  }
0x20d: {  	[hbm4b:s20+s3] =	stream.linear.scatter [tilespmem:s21], [sflag:$0x3], $0x80, $0x38;
	[tilespmem:$0x11300] =	vst v63  }
0x20e: {  	s18 =	sadd.s32 $0x40, s17;
	s19 =	simm.s32 $0x10420  }
0x20f: {  	[hbm4b:s18+s3] =	stream.linear.scatter [tilespmem:s19], [sflag:$0x3], $0x80, $0x38;
	[tilespmem:$0x11300] =	vst v63  }
0x210: {  	s20 =	sadd.s32 $0x50, s17;
	s21 =	simm.s32 $0x104A8  }
0x211: {  	[hbm4b:s20+s3] =	stream.linear.scatter [tilespmem:s21], [sflag:$0x3], $0x80, $0x38;
	[tilespmem:$0x11300] =	vst v63  }
0x212: {  	s18 =	sadd.s32 $0x60, s17;
	s19 =	simm.s32 $0x10530  }
0x213: {  	[hbm4b:s18+s3] =	stream.linear.scatter [tilespmem:s19], [sflag:$0x3], $0x80, $0x38;
	[tilespmem:$0x11300] =	vst v63  }
0x214: {  	s20 =	sadd.s32 $0x70, s17;
	s21 =	simm.s32 $0x105B8  }
0x215: {  	[hbm4b:s20+s3] =	stream.linear.scatter [tilespmem:s21], [sflag:$0x3], $0x80, $0x38;
	[tilespmem:$0x11300] =	vst v63  }
0x216: {  	s18 =	sadd.s32 $0x4000, s17;
	s19 =	simm.s32 $0x10640  }
0x217: {  	[hbm4b:s18+s3] =	stream.linear.scatter [tilespmem:s19], [sflag:$0x3], $0x80, $0x38;
	[tilespmem:$0x11300] =	vst v63  }
0x218: {  	s20 =	sadd.s32 $0x4010, s17;
	s21 =	simm.s32 $0x106C8  }
0x219: {  	[hbm4b:s20+s3] =	stream.linear.scatter [tilespmem:s21], [sflag:$0x3], $0x80, $0x38;
	[tilespmem:$0x11300] =	vst v63  }
0x21a: {  	s18 =	sadd.s32 $0x4020, s17;
	s19 =	simm.s32 $0x10750  }
0x21b: {  	[hbm4b:s18+s3] =	stream.linear.scatter [tilespmem:s19], [sflag:$0x3], $0x80, $0x38;
	[tilespmem:$0x11300] =	vst v63  }
0x21c: {  	s20 =	sadd.s32 $0x4030, s17;
	s21 =	simm.s32 $0x107D8  }
0x21d: {  	[hbm4b:s20+s3] =	stream.linear.scatter [tilespmem:s21], [sflag:$0x3], $0x80, $0x38;
	[tilespmem:$0x11300] =	vst v63  }
0x21e: {  	s18 =	sadd.s32 $0x4040, s17;
	s19 =	simm.s32 $0x10860  }
0x21f: {  	[hbm4b:s18+s3] =	stream.linear.scatter [tilespmem:s19], [sflag:$0x3], $0x80, $0x38;
	[tilespmem:$0x11300] =	vst v63  }
0x220: {  	s20 =	sadd.s32 $0x4050, s17;
	s21 =	simm.s32 $0x108E8  }
0x221: {  	[hbm4b:s20+s3] =	stream.linear.scatter [tilespmem:s21], [sflag:$0x3], $0x80, $0x38;
	[tilespmem:$0x11300] =	vst v63  }
0x222: {  	s18 =	sadd.s32 $0x4060, s17;
	s19 =	simm.s32 $0x10970  }
0x223: {  	[hbm4b:s18+s3] =	stream.linear.scatter [tilespmem:s19], [sflag:$0x3], $0x80, $0x38;
	[tilespmem:$0x11300] =	vst v63  }
0x224: {  	s20 =	sadd.s32 $0x4070, s17;
	s21 =	simm.s32 $0x109F8  }
0x225: {  	[hbm4b:s20+s3] =	stream.linear.scatter [tilespmem:s21], [sflag:$0x3], $0x80, $0x38;
	[tilespmem:$0x11300] =	vst v63  }
0x226: {  	s18 =	sadd.s32 $0x8000, s17;
	s19 =	simm.s32 $0x10A80  }
0x227: {  	[hbm4b:s18+s3] =	stream.linear.scatter [tilespmem:s19], [sflag:$0x3], $0x80, $0x38;
	[tilespmem:$0x11300] =	vst v63  }
0x228: {  	s20 =	sadd.s32 $0x8010, s17;
	s21 =	simm.s32 $0x10B08  }
0x229: {  	[hbm4b:s20+s3] =	stream.linear.scatter [tilespmem:s21], [sflag:$0x3], $0x80, $0x38;
	[tilespmem:$0x11300] =	vst v63  }
0x22a: {  	s18 =	sadd.s32 $0x8020, s17;
	s19 =	simm.s32 $0x10B90  }
0x22b: {  	[hbm4b:s18+s3] =	stream.linear.scatter [tilespmem:s19], [sflag:$0x3], $0x80, $0x38;
	[tilespmem:$0x11300] =	vst v63  }
0x22c: {  	s20 =	sadd.s32 $0x8030, s17;
	s21 =	simm.s32 $0x10C18  }
0x22d: {  	[hbm4b:s20+s3] =	stream.linear.scatter [tilespmem:s21], [sflag:$0x3], $0x80, $0x38;
	[tilespmem:$0x11300] =	vst v63  }
0x22e: {  	s18 =	sadd.s32 $0x8040, s17;
	s19 =	simm.s32 $0x10CA0  }
0x22f: {  	[hbm4b:s18+s3] =	stream.linear.scatter [tilespmem:s19], [sflag:$0x3], $0x80, $0x38;
	[tilespmem:$0x11300] =	vst v63  }
0x230: {  	s20 =	sadd.s32 $0x8050, s17;
	s21 =	simm.s32 $0x10D28  }
0x231: {  	[hbm4b:s20+s3] =	stream.linear.scatter [tilespmem:s21], [sflag:$0x3], $0x80, $0x38;
	[tilespmem:$0x11300] =	vst v63  }
0x232: {  	s18 =	sadd.s32 $0x8060, s17;
	s19 =	simm.s32 $0x10DB0  }
0x233: {  	[hbm4b:s18+s3] =	stream.linear.scatter [tilespmem:s19], [sflag:$0x3], $0x80, $0x38;
	[tilespmem:$0x11300] =	vst v63  }
0x234: {  	s20 =	sadd.s32 $0x8070, s17;
	s21 =	simm.s32 $0x10E38  }
0x235: {  	[hbm4b:s20+s3] =	stream.linear.scatter [tilespmem:s21], [sflag:$0x3], $0x80, $0x38;
	[tilespmem:$0x11300] =	vst v63  }
0x236: {  	s18 =	sadd.s32 $0xC000, s17;
	s19 =	simm.s32 $0x10EC0  }
0x237: {  	[hbm4b:s18+s3] =	stream.linear.scatter [tilespmem:s19], [sflag:$0x3], $0x80, $0x38;
	[tilespmem:$0x11300] =	vst v63  }
0x238: {  	s20 =	sadd.s32 $0xC010, s17;
	s21 =	simm.s32 $0x10F48  }
0x239: {  	[hbm4b:s20+s3] =	stream.linear.scatter [tilespmem:s21], [sflag:$0x3], $0x80, $0x38;
	[tilespmem:$0x11300] =	vst v63  }
0x23a: {  	s18 =	sadd.s32 $0xC020, s17;
	s19 =	simm.s32 $0x10FD0  }
0x23b: {  	[hbm4b:s18+s3] =	stream.linear.scatter [tilespmem:s19], [sflag:$0x3], $0x80, $0x38;
	[tilespmem:$0x11300] =	vst v63  }
0x23c: {  	s20 =	sadd.s32 $0xC030, s17  }
0x23d: {  	[hbm4b:s20+s3] =	stream.linear.scatter [tilespmem:s24], [sflag:$0x3], $0x80, $0x38;
	[tilespmem:$0x11300] =	vst v63  }
0x23e: {  	s21 =	sadd.s32 $0xC040, s17;
	s19 =	sadd.s32 $0x2, s10  }
0x23f: {  	[hbm4b:s21+s3] =	stream.linear.scatter [tilespmem:s25], [sflag:$0x3], $0x80, $0x38;
	[tilespmem:$0x11300] =	vst v63  }
0x240: {  	s18 =	sadd.s32 $0xC050, s17;
	s21 =	smulhi.u32 $0x66666667, s19  }
0x241: {  	[hbm4b:s18+s3] =	stream.linear.scatter [tilespmem:s26], [sflag:$0x3], $0x80, $0x38;
	[tilespmem:$0x11300] =	vst v63  }
0x242: {  	s10 =	sshrl.u32 s21, $0x2  }
0x243: {  	s18 =	smul.u32 $0xA, s10;
	_ =	sdelay $0x1  }
0x244: {  	p0 =	sgt.u32 s4, $0x26;
	s4 =	ssub.s32 s19, s18  }
0x245: {  	p1 =	sne.s32 @!p0 s4, $0x0  }
0x246: {  	p1 =	por p0, p1  }
.Ltmp5:
0x247: {  	_ = 	snop;
	(pc) =	sbr.rel @p1 .LBB2_10-.Ltmp5, $4  }
0x248: {  	s20 =	sadd.s32 $0xC060, s17  }
0x249: {  	[hbm4b:s20+s3] =	stream.linear.scatter [tilespmem:s28], [sflag:$0x3], $0x80, $0x38;
	[tilespmem:$0x11300] =	vst v63  }
0x24a: {  	s17 =	sadd.s32 $0xC070, s17  }
0x24b: {  	[hbm4b:s17+s3] =	stream.linear.scatter [tilespmem:s29], [sflag:$0x3], $0x80, $0x38;
	[tilespmem:$0x11300] =	vst v63  }
0x24c: {  	s4 =	sadd.s32 s7, s10  }
0x24d: {  	s4 =	smul.u32 $0x320, s4  }
0x24e: {  	s9 =	rddreg [dreg:$0x3]  }
0x24f: {  	s21 =	simm.s32 $0x4;
	s4 =	sadd.s32 s9, s4  }
0x250: {  	[tilespmem:s3], [sflag:$0x4] =	stream.linear.gather [hbm4b:s4+s3], $0x1900, $0x38;
	[tilespmem:$0x11300] =	vst v63  }
0x251: {  	_ =	swait.ge [sflag:s21], $0x1900  }
0x252: {  	[sflag:s21] =	ssyncset.done $0x0  }
0x253: {  	[sflag:s21] =	ssyncadd.s32 $0xFFFFE700  }
0x254: {  	_ =	swait.ge [sflag:s30], $0x5000  }
0x255: {  	[sflag:s30] =	ssyncset.done $0x0  }
0x256: {  	[sflag:s30] =	ssyncadd.s32 $0xFFFFB000  }
.LBB2_11:
0x257: {  	s4 =	sadd.s32 s8, s14  }
0x258: {  	s9 =	sadd.s32 $0xFFFFFCE0, s4;
	v2 =	vadd.s32 s4, v0  }
0x259: {  	s10 =	sadd.s32 $0xFFFFEA20, s4;
	v3 =	vadd.s32 s9, v0  }
0x25a: {  	v4 =	vadd.s32 s10, v0;
	s10 =	sadd.s32 $0xFFFFED40, s4  }
0x25b: {  	s17 =	sadd.s32 $0xFFFFF060, s4;
	v5 =	vadd.s32 s10, v0  }
0x25c: {  	s18 =	sadd.s32 $0xFFFFF380, s4;
	v6 =	vadd.s32 s17, v0  }
0x25d: {  	s19 =	sadd.s32 $0xFFFFF6A0, s4;
	v7 =	vadd.s32 s18, v0;
	s9 =	sadd.s32 $0x1, s8;
	v2 =	vld.idx.msk [tilespmem:v2+s3+$0x0], $0xffff  }
0x25e: {  	s4 =	sadd.s32 $0xFFFFF9C0, s4;
	v8 =	vadd.s32 s19, v0;
	s10 =	sadd.s32 s9, s14;
	v3 =	vld.idx.msk [tilespmem:v3+s3+$0x0], $0xffff  }
0x25f: {  	v9 =	vadd.s32 s4, v0;
	s17 =	sadd.s32 $0xFFFFEA20, s10;
	v4 =	vld.idx.msk [tilespmem:v4+s3+$0x0], $0xffff  }
0x260: {  	v15 =	vadd.s32 s17, v0;
	v5 =	vld.idx.msk [tilespmem:v5+s3+$0x0], $0xffff  }
0x261: {  	s20 =	sadd.s32 $0xFFFFFCE0, s10;
	v13 =	vadd.s32 s10, v0;
	v14 =	vld.idx.msk [tilespmem:v6+s3+$0x0], $0xffff  }
0x262: {  	s4 =	simm.s32 $0x1940;
	s21 =	sadd.s32 $0xFFFFED40, s10;
	v6 =	vadd.s32 s20, v0;
	v16 =	vld.idx.msk [tilespmem:v7+s3+$0x0], $0xffff  }
0x263: {  	s18 =	sadd.s32 $0xFFFFF060, s10;
	v12 =	vadd.s32 s21, v0;
	v11 =	vld.idx.msk [tilespmem:v8+s3+$0x0], $0xffff;
	[tilespmem:s4+$0x20] =	vst v3  }
0x264: {  	s19 =	sadd.s32 $0xFFFFF380, s10;
	v10 =	vld.idx.msk [tilespmem:v9+s3+$0x0], $0xffff;
	v9 =	vadd.s32 s18, v0;
	[tilespmem:s4+$0xFFFFFFC0] =	vst v4  }
0x265: {  	s20 =	sadd.s32 $0xFFFFF6A0, s10;
	v8 =	vld.idx.msk [tilespmem:v15+s3+$0x0], $0xffff;
	[tilespmem:s4+$0xFFFFFFD0] =	vst v5;
	v5 =	vadd.s32 s19, v0  }
0x266: {  	s21 =	sadd.s32 $0xFFFFF9C0, s10;
	v7 =	vadd.s32 s20, v0;
	v3 =	vld.idx.msk [tilespmem:v13+s3+$0x0], $0xffff;
	[tilespmem:s4+$0xFFFFFFE0] =	vst v14  }
0x267: {  	s17 =	sadd.s32 $0x1, s9;
	s10 =	simm.s32 $0x8;
	v6 =	vld.idx.msk [tilespmem:v6+s3+$0x0], $0xffff;
	v4 =	vadd.s32 s21, v0;
	[tilespmem:s4+$0xFFFFFFF0] =	vst v16  }
.LBB2_12:
0x268: {  	s9 =	sadd.s32 s17, s14;
	s10 =	sadd.s32 $0x8, s10;
	v13 =	vld.idx.msk [tilespmem:v12+s3+$0x0], $0xffff;
	[tilespmem:s4+$0x0] =	vst v11  }
0x269: {  	s18 =	sadd.s32 $0xFFFFEA20, s9;
	s19 =	sadd.s32 $0xFFFFFCE0, s9;
	v14 =	vadd.s32 s9, v0;
	p0 =	slt.u32 s10, $0x20;
	v15 =	vld.idx.msk [tilespmem:v9+s3+$0x0], $0xffff;
	[tilespmem:s4+$0x10] =	vst v10  }
0x26a: {  	s20 =	sadd.s32 $0xFFFFF060, s9;
	s21 =	sadd.s32 $0xFFFFF380, s9;
	v16 =	vadd.s32 s18, v0;
	s18 =	sadd.s32 $0xFFFFED40, s9;
	v17 =	vadd.s32 s19, v0;
	v18 =	vld.idx.msk [tilespmem:v5+s3+$0x0], $0xffff;
	[tilespmem:s4+$0x30] =	vst v2  }
0x26b: {  	v9 =	vadd.s32 s20, v0;
	v5 =	vadd.s32 s21, v0;
	s4 =	sadd.s32 $0x80, s4;
	v2 =	vmovc v3;
	v12 =	vadd.s32 s18, v0;
	s18 =	sadd.s32 $0xFFFFF6A0, s9;
	s9 =	sadd.s32 $0xFFFFF9C0, s9;
	v11 =	vld.idx.msk [tilespmem:v7+s3+$0x0], $0xffff  }
.Ltmp6:
0x26c: {  	v7 =	vadd.s32 s18, v0;
	v10 =	vld.idx.msk [tilespmem:v4+s3+$0x0], $0xffff;
	v4 =	vadd.s32 s9, v0;
	[tilespmem:s4+$0x20] =	vst v6;
	(pc) =	sbr.rel @p0 .LBB2_12-.Ltmp6, $4  }
0x26d: {  	[tilespmem:s4+$0xFFFFFFC0] =	vst v8  }
0x26e: {  	v3 =	vld.idx.msk [tilespmem:v14+s3+$0x0], $0xffff;
	[tilespmem:s4+$0xFFFFFFD0] =	vst v13  }
0x26f: {  	v6 =	vld.idx.msk [tilespmem:v17+s3+$0x0], $0xffff;
	[tilespmem:s4+$0xFFFFFFE0] =	vst v15  }
0x270: {  	s17 =	sadd.s32 $0x1, s17;
	v8 =	vld.idx.msk [tilespmem:v16+s3+$0x0], $0xffff;
	[tilespmem:s4+$0xFFFFFFF0] =	vst v18  }
0x271: {  	_ =	sdelay $0x2  }
0x272: {  	[tilespmem:s4+$0x0] =	vst v11  }
0x273: {  	v12 =	vld.idx.msk [tilespmem:v12+s3+$0x0], $0xffff;
	[tilespmem:s4+$0x10] =	vst v10  }
0x274: {  	v9 =	vld.idx.msk [tilespmem:v9+s3+$0x0], $0xffff;
	[tilespmem:s4+$0x30] =	vst v2;
	s20 =	sadd.s32 $0x80, s4  }
0x275: {  	v5 =	vld.idx.msk [tilespmem:v5+s3+$0x0], $0xffff;
	[tilespmem:s20+$0x30] =	vst v3  }
0x276: {  	v2 =	vld.idx.msk [tilespmem:v7+s3+$0x0], $0xffff;
	[tilespmem:s20+$0x20] =	vst v6  }
0x277: {  	v4 =	vld.idx.msk [tilespmem:v4+s3+$0x0], $0xffff;
	[tilespmem:s20+$0xFFFFFFC0] =	vst v8  }
0x278: {  	[tilespmem:s20+$0xFFFFFFD0] =	vst v12  }
0x279: {  	[tilespmem:s20+$0xFFFFFFE0] =	vst v9  }
0x27a: {  	[tilespmem:s20+$0xFFFFFFF0] =	vst v5  }
0x27b: {  	[tilespmem:s20+$0x0] =	vst v2  }
0x27c: {  	s21 =	simm.s32 $0x280;
	s9 =	simm.s32 $0x1900;
	s10 =	simm.s32 $0x1E00;
	[tilespmem:s20+$0x10] =	vst v4  }
0x27d: {  	[tilespmem:s10], [sflag:$0x1] =	stream.indirect.gather [hbm4b:s5+s21], $0x20, s9, s21, $0xb8;
	[tilespmem:$0x11300] =	vst v63  }
.LBB2_14:
0x27e: {  	_ =	swait.ge [sflag:s31], $0x400  }
0x27f: {  	[sflag:s31] =	ssyncset.done $0x0  }
0x280: {  	[sflag:s31] =	ssyncadd.s32 $0xFFFFFC00  }
0x281: {  	_ =	swait.ge [sflag:s31], $0x400  }
0x282: {  	[sflag:s31] =	ssyncset.done $0x0  }
0x283: {  	[sflag:s31] =	ssyncadd.s32 $0xFFFFFC00  }
0x284: {  	_ =	swait.ge [sflag:s31], $0x400  }
0x285: {  	[sflag:s31] =	ssyncset.done $0x0  }
0x286: {  	[sflag:s31] =	ssyncadd.s32 $0xFFFFFC00  }
0x287: {  	_ =	swait.ge [sflag:s31], $0x400  }
0x288: {  	[sflag:s31] =	ssyncset.done $0x0  }
0x289: {  	[sflag:s31] =	ssyncadd.s32 $0xFFFFFC00  }
0x28a: {  	_ =	swait.ge [sflag:s31], $0x400  }
0x28b: {  	[sflag:s31] =	ssyncset.done $0x0  }
0x28c: {  	[sflag:s31] =	ssyncadd.s32 $0xFFFFFC00  }
0x28d: {  	_ =	swait.ge [sflag:s31], $0x400  }
0x28e: {  	[sflag:s31] =	ssyncset.done $0x0  }
0x28f: {  	[sflag:s31] =	ssyncadd.s32 $0xFFFFFC00  }
0x290: {  	_ =	swait.ge [sflag:s31], $0x400  }
0x291: {  	[sflag:s31] =	ssyncset.done $0x0  }
0x292: {  	[sflag:s31] =	ssyncadd.s32 $0xFFFFFC00  }
0x293: {  	_ =	swait.ge [sflag:s31], $0x400  }
0x294: {  	[sflag:s31] =	ssyncset.done $0x0  }
0x295: {  	[sflag:s31] =	ssyncadd.s32 $0xFFFFFC00  }
0x296: {  	_ =	swait.ge [sflag:s31], $0x400  }
0x297: {  	[sflag:s31] =	ssyncset.done $0x0  }
0x298: {  	[sflag:s31] =	ssyncadd.s32 $0xFFFFFC00  }
0x299: {  	_ =	swait.ge [sflag:s31], $0x400  }
0x29a: {  	[sflag:s31] =	ssyncset.done $0x0  }
0x29b: {  	[sflag:s31] =	ssyncadd.s32 $0xFFFFFC00  }
0x29c: {  	_ =	swait.ge [sflag:s31], $0x400  }
0x29d: {  	[sflag:s31] =	ssyncset.done $0x0  }
0x29e: {  	[sflag:s31] =	ssyncadd.s32 $0xFFFFFC00  }
0x29f: {  	_ =	swait.ge [sflag:s31], $0x400  }
0x2a0: {  	[sflag:s31] =	ssyncset.done $0x0  }
0x2a1: {  	[sflag:s31] =	ssyncadd.s32 $0xFFFFFC00  }
0x2a2: {  	_ =	swait.ge [sflag:s31], $0x400  }
0x2a3: {  	[sflag:s31] =	ssyncset.done $0x0  }
0x2a4: {  	[sflag:s31] =	ssyncadd.s32 $0xFFFFFC00  }
0x2a5: {  	_ =	swait.ge [sflag:s31], $0x400  }
0x2a6: {  	[sflag:s31] =	ssyncset.done $0x0  }
0x2a7: {  	[sflag:s31] =	ssyncadd.s32 $0xFFFFFC00  }
0x2a8: {  	_ =	swait.ge [sflag:s31], $0x400  }
0x2a9: {  	[sflag:s31] =	ssyncset.done $0x0  }
0x2aa: {  	[sflag:s31] =	ssyncadd.s32 $0xFFFFFC00  }
0x2ab: {  	_ =	swait.ge [sflag:s31], $0x400  }
0x2ac: {  	[sflag:s31] =	ssyncset.done $0x0  }
0x2ad: {  	[sflag:s31] =	ssyncadd.s32 $0xFFFFFC00  }
0x2ae: {  	s4 =	simm.s32 $0x0;
	s14 =	simm.s32 $0x1;
	_ =	swait.ge [sflag:s31], $0x400  }
0x2af: {  	s17 =	simm.s32 $0x0;
	s4 =	sand.u32 $0xE0, s4;
	[sflag:s31] =	ssyncset.done $0x0  }
0x2b0: {  	s18 =	simm.s32 $0x2;
	v4 =	vmov s14;
	s9 =	sor.u32 $0x10, s4;
	[sflag:s31] =	ssyncadd.s32 $0xFFFFFC00  }
0x2b1: {  	s10 =	simm.s32 $0x3;
	v5 =	vmov s17;
	v6 =	vmov s18;
	v3 =	vmov s9;
	_ =	swait.ge [sflag:s31], $0x400  }
0x2b2: {  	v7 =	vmov s10;
	v2 =	vmov s4;
	v3 =	vmul.u32 $0x88, v3;
	[sflag:s31] =	ssyncset.done $0x0  }
0x2b3: {  	v8 =	vand.u32 $0x78, v7;
	v9 =	vand.u32 $0x78, v5;
	v2 =	vmul.u32 $0x88, v2;
	[sflag:s31] =	ssyncadd.s32 $0xFFFFFC00  }
0x2b4: {  	v7 =	vand.u32 $0x7, v7;
	v11 =	vand.u32 $0x78, v4;
	v3 =	vbroadcast v3, $0x0;
	_ =	swait.ge [sflag:s31], $0x400  }
0x2b5: {  	v12 =	vand.u32 $0x78, v6;
	v5 =	vand.u32 $0x4, v5;
	v2 =	vbroadcast v2, $0x0;
	[sflag:s31] =	ssyncset.done $0x0  }
0x2b6: {  	v6 =	vand.u32 $0x6, v6;
	v4 =	vand.u32 $0x5, v4;
	v3 =	vadd.s32 v1, v3;
	[sflag:s31] =	ssyncadd.s32 $0xFFFFFC00  }
0x2b7: {  	v2 =	vadd.s32 v1, v2;
	v10 =	vadd.s32 v8, v3;
	v13 =	vadd.s32 v9, v3;
	_ =	swait.ge [sflag:s31], $0x400  }
0x2b8: {  	s20 =	simm.s32 $0x1;
	v14 =	vadd.s32 v11, v3;
	v3 =	vadd.s32 v12, v3;
	v9 =	vadd.s32 v9, v2;
	[sflag:s31] =	ssyncset.done $0x0  }
0x2b9: {  	s19 =	simm.s32 $0x6E40;
	s4 =	sand.u32 $0xE0, s20;
	v11 =	vadd.s32 v11, v2;
	v12 =	vadd.s32 v12, v2;
	v8 =	vadd.s32 v8, v2;
	[sflag:s31] =	ssyncadd.s32 $0xFFFFFC00  }
0x2ba: {  	v2 =	vmov s4;
	s4 =	sor.u32 $0x10, s4;
	v10 =	vor.u32 v7, v10;
	v13 =	vor.u32 v5, v13;
	v15 =	vld [tilespmem:s19+$0x30]  }
0x2bb: {  	v2 =	vmul.u32 $0x88, v2;
	v18 =	vmov s4;
	v19 =	vor.u32 v4, v14;
	v16 =	vld [tilespmem:s19+$0xFFFFFFD0]  }
0x2bc: {  	v3 =	vor.u32 v6, v3;
	v14 =	vmul.u32 $0x88, v18;
	v18 =	vor.u32 v5, v9;
	v17 =	vld [tilespmem:s19+$0xFFFFFFF0]  }
0x2bd: {  	s14 =	simm.s32 $0x6;
	v9 =	vor.u32 v4, v11;
	v4 =	vor.u32 v6, v12;
	v22 =	vbroadcast v2, $0x0;
	v20 =	vld [tilespmem:s19+$0x10]  }
0x2be: {  	s17 =	simm.s32 $0x7;
	v5 =	vor.u32 v7, v8;
	v6 =	vbroadcast v14, $0x0;
	v14 =	vmov s14;
	v21 =	vld [tilespmem:s19+$0xFFFFFFC0]  }
0x2bf: {  	s4 =	simm.s32 $0x5;
	v8 =	vmov s17;
	v11 =	vadd.s32 v1, v22;
	v25 =	vand.u32 $0x78, v14;
	v2 =	vld [tilespmem:s19+$0xFFFFFFE0];
	[tilespmem:v10+s16+$0x0] =	vst.idx.msk $0xffff, v15  }
0x2c0: {  	s21 =	simm.s32 $0x4;
	v12 =	vadd.s32 v1, v6;
	v7 =	vld [tilespmem:s19+$0x0];
	v10 =	vmov s4;
	[tilespmem:v13+s16+$0x0] =	vst.idx.msk $0xffff, v16;
	v13 =	vand.u32 $0x78, v8  }
0x2c1: {  	s10 =	simm.s32 $0x6EC0;
	v6 =	vld [tilespmem:s19+$0x20];
	v15 =	vmov s21;
	[tilespmem:v19+s16+$0x0] =	vst.idx.msk $0xffff, v17;
	v8 =	vand.u32 $0x7, v8;
	v17 =	vadd.s32 v13, v12  }
0x2c2: {  	[tilespmem:v3+s16+$0x0] =	vst.idx.msk $0xffff, v20;
	v16 =	vld [tilespmem:s10+$0x30];
	v20 =	vadd.s32 v25, v12;
	v19 =	vand.u32 $0x78, v15;
	v17 =	vor.u32 v8, v17  }
0x2c3: {  	[tilespmem:v18+s16+$0x0] =	vst.idx.msk $0xffff, v21;
	v3 =	vld [tilespmem:s10+$0xFFFFFFC0];
	v18 =	vadd.s32 v25, v11;
	v24 =	vand.u32 $0x78, v10;
	v23 =	vadd.s32 v19, v12  }
0x2c4: {  	s17 =	simm.s32 $0x2;
	s14 =	simm.s32 $0x8;
	v22 =	vadd.s32 v24, v12;
	v21 =	vadd.s32 v19, v11;
	v12 =	vld [tilespmem:s10+$0xFFFFFFD0];
	v19 =	vadd.s32 v24, v11  }
.LBB2_15:
0x2c5: {  	s9 =	sand.u32 $0xE0, s17;
	s14 =	sadd.s32 $0x8, s14;
	v15 =	vand.u32 $0x4, v15;
	v14 =	vand.u32 $0x6, v14;
	v11 =	vadd.s32 v13, v11;
	[tilespmem:v9+s16+$0x0] =	vst.idx.msk $0xffff, v2;
	v2 =	vld [tilespmem:s10+$0xFFFFFFE0]  }
0x2c6: {  	v10 =	vand.u32 $0x5, v10;
	v9 =	vmov s9;
	s9 =	sor.u32 $0x10, s9;
	p0 =	slt.u32 s14, $0x4F8;
	v13 =	vor.u32 v15, v23;
	v23 =	vld [tilespmem:s10+$0xFFFFFFF0];
	[tilespmem:v4+s16+$0x0] =	vst.idx.msk $0xffff, v7  }
0x2c7: {  	v22 =	vor.u32 v10, v22;
	v4 =	vmul.u32 $0x88, v9;
	v9 =	vmov s9;
	v7 =	vld [tilespmem:s10+$0x0];
	[tilespmem:v17+s16+$0x0] =	vst.idx.msk $0xffff, v16  }
0x2c8: {  	v21 =	vor.u32 v15, v21;
	v20 =	vor.u32 v14, v20;
	v16 =	vmul.u32 $0x88, v9;
	v17 =	vld [tilespmem:s10+$0x10];
	[tilespmem:v5+s16+$0x0] =	vst.idx.msk $0xffff, v6  }
0x2c9: {  	s4 =	sadd.s32 $0x4, s4;
	v9 =	vor.u32 v10, v19;
	v24 =	vbroadcast v4, $0x0;
	v4 =	vor.u32 v14, v18;
	v6 =	vld [tilespmem:s10+$0x20]  }
0x2ca: {  	s18 =	sadd.s32 $0x1, s4;
	s19 =	sadd.s32 $0x2, s4;
	s9 =	sadd.s32 $0xFFFFFFFF, s4;
	v10 =	vmov s4;
	v5 =	vor.u32 v8, v11;
	v16 =	vbroadcast v16, $0x0  }
0x2cb: {  	v15 =	vmov s9;
	v8 =	vmov s19;
	v14 =	vmov s18;
	[tilespmem:v13+s16+$0x0] =	vst.idx.msk $0xffff, v12  }
.Ltmp7:
0x2cc: {  	v11 =	vadd.s32 v1, v24;
	v13 =	vand.u32 $0x78, v8;
	v12 =	vadd.s32 v1, v16;
	[tilespmem:v22+s16+$0x0] =	vst.idx.msk $0xffff, v23;
	(pc) =	sbr.rel @p0 .LBB2_15-.Ltmp7, $4  }
0x2cd: {  	v18 =	vand.u32 $0x78, v15;
	s10 =	sadd.s32 $0x80, s10;
	v8 =	vand.u32 $0x7, v8;
	v19 =	vadd.s32 v13, v12;
	[tilespmem:v20+s16+$0x0] =	vst.idx.msk $0xffff, v17  }
0x2ce: {  	v25 =	vand.u32 $0x78, v14;
	v24 =	vand.u32 $0x78, v10;
	v16 =	vld [tilespmem:s10+$0x30];
	v17 =	vor.u32 v8, v19;
	[tilespmem:v21+s16+$0x0] =	vst.idx.msk $0xffff, v3  }
0x2cf: {  	v23 =	vadd.s32 v18, v12;
	v22 =	vadd.s32 v24, v12;
	v20 =	vadd.s32 v25, v12;
	v3 =	vld [tilespmem:s10+$0xFFFFFFC0]  }
0x2d0: {  	s17 =	sadd.s32 $0x1, s17;
	v21 =	vadd.s32 v18, v11;
	v19 =	vadd.s32 v24, v11;
	v18 =	vadd.s32 v25, v11;
	v12 =	vld [tilespmem:s10+$0xFFFFFFD0]  }
0x2d1: {  	_ =	sdelay $0x1  }
0x2d2: {  	v15 =	vand.u32 $0x4, v15  }
0x2d3: {  	v10 =	vand.u32 $0x5, v10;
	v23 =	vor.u32 v15, v23  }
0x2d4: {  	v14 =	vand.u32 $0x6, v14;
	[tilespmem:v9+s16+$0x0] =	vst.idx.msk $0xffff, v2;
	v2 =	vld [tilespmem:s10+$0xFFFFFFF0];
	v55 =	vor.u32 v10, v22  }
0x2d5: {  	[tilespmem:v4+s16+$0x0] =	vst.idx.msk $0xffff, v7;
	v56 =	vld [tilespmem:s10+$0x10];
	v57 =	vor.u32 v14, v20  }
0x2d6: {  	[tilespmem:v5+s16+$0x0] =	vst.idx.msk $0xffff, v6;
	v15 =	vor.u32 v15, v21  }
0x2d7: {  	v58 =	vld [tilespmem:s10+$0xFFFFFFE0];
	v59 =	vor.u32 v10, v19;
	[tilespmem:v17+s16+$0x0] =	vst.idx.msk $0xffff, v16  }
0x2d8: {  	v60 =	vadd.s32 v13, v11;
	v61 =	vld [tilespmem:s10+$0x0];
	v62 =	vor.u32 v14, v18;
	[tilespmem:v23+s16+$0x0] =	vst.idx.msk $0xffff, v12  }
0x2d9: {  	v63 =	vld [tilespmem:s10+$0x20];
	v6 =	vor.u32 v8, v60;
	[tilespmem:v55+s16+$0x0] =	vst.idx.msk $0xffff, v2  }
0x2da: {  	s4 =	smul.u32 $0x280000, s12;
	[tilespmem:v57+s16+$0x0] =	vst.idx.msk $0xffff, v56  }
0x2db: {  	[tilespmem:v15+s16+$0x0] =	vst.idx.msk $0xffff, v3  }
0x2dc: {  	s9 =	sor.u32 s15, s4;
	[tilespmem:v59+s16+$0x0] =	vst.idx.msk $0xffff, v58  }
0x2dd: {  	s9 =	sshrl.u32 s9, $0x3;
	[tilespmem:v62+s16+$0x0] =	vst.idx.msk $0xffff, v61  }
0x2de: {  	s9 =	sadd.s32 s2, s9;
	[tilespmem:v6+s16+$0x0] =	vst.idx.msk $0xffff, v63  }
0x2df: {  	[hbm4b:s9+s3] =	stream.linear.scatter [tilespmem:s16], [sflag:$0x3], $0x80, $0x38;
	[tilespmem:$0x11300] =	vst v63  }
0x2e0: {  	s18 =	sadd.s32 $0x10, s9  }
0x2e1: {  	[hbm4b:s18+s3] =	stream.linear.scatter [tilespmem:s22], [sflag:$0x3], $0x80, $0x38;
	[tilespmem:$0x11300] =	vst v63  }
0x2e2: {  	s19 =	sadd.s32 $0x20, s9  }
0x2e3: {  	[hbm4b:s19+s3] =	stream.linear.scatter [tilespmem:s23], [sflag:$0x3], $0x80, $0x38;
	[tilespmem:$0x11300] =	vst v63  }
0x2e4: {  	s21 =	simm.s32 $0xBF98;
	s20 =	sadd.s32 $0x30, s9  }
0x2e5: {  	[hbm4b:s20+s3] =	stream.linear.scatter [tilespmem:s21], [sflag:$0x3], $0x80, $0x38;
	[tilespmem:$0x11300] =	vst v63  }
0x2e6: {  	s22 =	sadd.s32 $0x40, s9;
	s23 =	simm.s32 $0xC020  }
0x2e7: {  	[hbm4b:s22+s3] =	stream.linear.scatter [tilespmem:s23], [sflag:$0x3], $0x80, $0x38;
	[tilespmem:$0x11300] =	vst v63  }
0x2e8: {  	s17 =	simm.s32 $0xC0A8;
	s14 =	sadd.s32 $0x50, s9  }
0x2e9: {  	[hbm4b:s14+s3] =	stream.linear.scatter [tilespmem:s17], [sflag:$0x3], $0x80, $0x38;
	[tilespmem:$0x11300] =	vst v63  }
0x2ea: {  	s18 =	sadd.s32 $0x60, s9;
	s19 =	simm.s32 $0xC130  }
0x2eb: {  	[hbm4b:s18+s3] =	stream.linear.scatter [tilespmem:s19], [sflag:$0x3], $0x80, $0x38;
	[tilespmem:$0x11300] =	vst v63  }
0x2ec: {  	s20 =	sadd.s32 $0x70, s9;
	s21 =	simm.s32 $0xC1B8  }
0x2ed: {  	[hbm4b:s20+s3] =	stream.linear.scatter [tilespmem:s21], [sflag:$0x3], $0x80, $0x38;
	[tilespmem:$0x11300] =	vst v63  }
0x2ee: {  	s22 =	sadd.s32 $0x4000, s9;
	s23 =	simm.s32 $0xC240  }
0x2ef: {  	[hbm4b:s22+s3] =	stream.linear.scatter [tilespmem:s23], [sflag:$0x3], $0x80, $0x38;
	[tilespmem:$0x11300] =	vst v63  }
0x2f0: {  	s14 =	sadd.s32 $0x4010, s9;
	s17 =	simm.s32 $0xC2C8  }
0x2f1: {  	[hbm4b:s14+s3] =	stream.linear.scatter [tilespmem:s17], [sflag:$0x3], $0x80, $0x38;
	[tilespmem:$0x11300] =	vst v63  }
0x2f2: {  	s18 =	sadd.s32 $0x4020, s9;
	s19 =	simm.s32 $0xC350  }
0x2f3: {  	[hbm4b:s18+s3] =	stream.linear.scatter [tilespmem:s19], [sflag:$0x3], $0x80, $0x38;
	[tilespmem:$0x11300] =	vst v63  }
0x2f4: {  	s20 =	sadd.s32 $0x4030, s9;
	s21 =	simm.s32 $0xC3D8  }
0x2f5: {  	[hbm4b:s20+s3] =	stream.linear.scatter [tilespmem:s21], [sflag:$0x3], $0x80, $0x38;
	[tilespmem:$0x11300] =	vst v63  }
0x2f6: {  	s22 =	sadd.s32 $0x4040, s9;
	s23 =	simm.s32 $0xC460  }
0x2f7: {  	[hbm4b:s22+s3] =	stream.linear.scatter [tilespmem:s23], [sflag:$0x3], $0x80, $0x38;
	[tilespmem:$0x11300] =	vst v63  }
0x2f8: {  	s14 =	sadd.s32 $0x4050, s9;
	s17 =	simm.s32 $0xC4E8  }
0x2f9: {  	[hbm4b:s14+s3] =	stream.linear.scatter [tilespmem:s17], [sflag:$0x3], $0x80, $0x38;
	[tilespmem:$0x11300] =	vst v63  }
0x2fa: {  	s18 =	sadd.s32 $0x4060, s9;
	s19 =	simm.s32 $0xC570  }
0x2fb: {  	[hbm4b:s18+s3] =	stream.linear.scatter [tilespmem:s19], [sflag:$0x3], $0x80, $0x38;
	[tilespmem:$0x11300] =	vst v63  }
0x2fc: {  	s20 =	sadd.s32 $0x4070, s9;
	s21 =	simm.s32 $0xC5F8  }
0x2fd: {  	[hbm4b:s20+s3] =	stream.linear.scatter [tilespmem:s21], [sflag:$0x3], $0x80, $0x38;
	[tilespmem:$0x11300] =	vst v63  }
0x2fe: {  	s22 =	sadd.s32 $0x8000, s9;
	s23 =	simm.s32 $0xC680  }
0x2ff: {  	[hbm4b:s22+s3] =	stream.linear.scatter [tilespmem:s23], [sflag:$0x3], $0x80, $0x38;
	[tilespmem:$0x11300] =	vst v63  }
0x300: {  	s14 =	sadd.s32 $0x8010, s9;
	s17 =	simm.s32 $0xC708  }
0x301: {  	[hbm4b:s14+s3] =	stream.linear.scatter [tilespmem:s17], [sflag:$0x3], $0x80, $0x38;
	[tilespmem:$0x11300] =	vst v63  }
0x302: {  	s18 =	sadd.s32 $0x8020, s9;
	s19 =	simm.s32 $0xC790  }
0x303: {  	[hbm4b:s18+s3] =	stream.linear.scatter [tilespmem:s19], [sflag:$0x3], $0x80, $0x38;
	[tilespmem:$0x11300] =	vst v63  }
0x304: {  	s20 =	sadd.s32 $0x8030, s9;
	s21 =	simm.s32 $0xC818  }
0x305: {  	[hbm4b:s20+s3] =	stream.linear.scatter [tilespmem:s21], [sflag:$0x3], $0x80, $0x38;
	[tilespmem:$0x11300] =	vst v63  }
0x306: {  	s22 =	sadd.s32 $0x8040, s9;
	s23 =	simm.s32 $0xC8A0  }
0x307: {  	[hbm4b:s22+s3] =	stream.linear.scatter [tilespmem:s23], [sflag:$0x3], $0x80, $0x38;
	[tilespmem:$0x11300] =	vst v63  }
0x308: {  	s14 =	sadd.s32 $0x8050, s9;
	s17 =	simm.s32 $0xC928  }
0x309: {  	[hbm4b:s14+s3] =	stream.linear.scatter [tilespmem:s17], [sflag:$0x3], $0x80, $0x38;
	[tilespmem:$0x11300] =	vst v63  }
0x30a: {  	s18 =	sadd.s32 $0x8060, s9;
	s19 =	simm.s32 $0xC9B0  }
0x30b: {  	[hbm4b:s18+s3] =	stream.linear.scatter [tilespmem:s19], [sflag:$0x3], $0x80, $0x38;
	[tilespmem:$0x11300] =	vst v63  }
0x30c: {  	s20 =	sadd.s32 $0x8070, s9;
	s21 =	simm.s32 $0xCA38  }
0x30d: {  	[hbm4b:s20+s3] =	stream.linear.scatter [tilespmem:s21], [sflag:$0x3], $0x80, $0x38;
	[tilespmem:$0x11300] =	vst v63  }
0x30e: {  	s22 =	sadd.s32 $0xC000, s9;
	s23 =	simm.s32 $0xCAC0  }
0x30f: {  	[hbm4b:s22+s3] =	stream.linear.scatter [tilespmem:s23], [sflag:$0x3], $0x80, $0x38;
	[tilespmem:$0x11300] =	vst v63  }
0x310: {  	s14 =	sadd.s32 $0xC010, s9;
	s17 =	simm.s32 $0xCB48  }
0x311: {  	[hbm4b:s14+s3] =	stream.linear.scatter [tilespmem:s17], [sflag:$0x3], $0x80, $0x38;
	[tilespmem:$0x11300] =	vst v63  }
0x312: {  	s18 =	sadd.s32 $0xC020, s9;
	s19 =	simm.s32 $0xCBD0  }
0x313: {  	[hbm4b:s18+s3] =	stream.linear.scatter [tilespmem:s19], [sflag:$0x3], $0x80, $0x38;
	[tilespmem:$0x11300] =	vst v63  }
0x314: {  	s20 =	sadd.s32 $0xC030, s9;
	s21 =	simm.s32 $0xCC58  }
0x315: {  	[hbm4b:s20+s3] =	stream.linear.scatter [tilespmem:s21], [sflag:$0x3], $0x80, $0x38;
	[tilespmem:$0x11300] =	vst v63  }
0x316: {  	s22 =	sadd.s32 $0xC040, s9;
	s23 =	simm.s32 $0xCCE0  }
0x317: {  	[hbm4b:s22+s3] =	stream.linear.scatter [tilespmem:s23], [sflag:$0x3], $0x80, $0x38;
	[tilespmem:$0x11300] =	vst v63  }
0x318: {  	s4 =	sadd.s32 s15, s4;
	s14 =	sadd.s32 $0xC050, s9;
	s17 =	simm.s32 $0xCD68  }
0x319: {  	[hbm4b:s14+s3] =	stream.linear.scatter [tilespmem:s17], [sflag:$0x3], $0x80, $0x38;
	[tilespmem:$0x11300] =	vst v63  }
0x31a: {  	s4 =	sshrl.u32 s4, $0x3;
	s18 =	sadd.s32 $0xC060, s9;
	s19 =	simm.s32 $0xCDF0  }
0x31b: {  	[hbm4b:s18+s3] =	stream.linear.scatter [tilespmem:s19], [sflag:$0x3], $0x80, $0x38;
	[tilespmem:$0x11300] =	vst v63  }
0x31c: {  	s4 =	sadd.s32 s2, s4;
	s9 =	sadd.s32 $0xC070, s9;
	s20 =	simm.s32 $0xCE78  }
0x31d: {  	[hbm4b:s9+s3] =	stream.linear.scatter [tilespmem:s20], [sflag:$0x3], $0x80, $0x38;
	[tilespmem:$0x11300] =	vst v63  }
0x31e: {  	s21 =	simm.s32 $0xCF00;
	s9 =	sadd.s32 $0x10000, s4  }
0x31f: {  	[hbm4b:s9+s3] =	stream.linear.scatter [tilespmem:s21], [sflag:$0x3], $0x80, $0x38;
	[tilespmem:$0x11300] =	vst v63  }
0x320: {  	s23 =	simm.s32 $0xCF88;
	s22 =	sadd.s32 $0x10, s9  }
0x321: {  	[hbm4b:s22+s3] =	stream.linear.scatter [tilespmem:s23], [sflag:$0x3], $0x80, $0x38;
	[tilespmem:$0x11300] =	vst v63  }
0x322: {  	s14 =	simm.s32 $0xD010;
	s12 =	sadd.s32 $0x20, s9  }
0x323: {  	[hbm4b:s12+s3] =	stream.linear.scatter [tilespmem:s14], [sflag:$0x3], $0x80, $0x38;
	[tilespmem:$0x11300] =	vst v63  }
0x324: {  	s17 =	simm.s32 $0xD098;
	s15 =	sadd.s32 $0x30, s9  }
0x325: {  	[hbm4b:s15+s3] =	stream.linear.scatter [tilespmem:s17], [sflag:$0x3], $0x80, $0x38;
	[tilespmem:$0x11300] =	vst v63  }
0x326: {  	s19 =	simm.s32 $0xD120;
	s18 =	sadd.s32 $0x40, s9  }
0x327: {  	[hbm4b:s18+s3] =	stream.linear.scatter [tilespmem:s19], [sflag:$0x3], $0x80, $0x38;
	[tilespmem:$0x11300] =	vst v63  }
0x328: {  	s20 =	sadd.s32 $0x50, s9;
	s21 =	simm.s32 $0xD1A8  }
0x329: {  	[hbm4b:s20+s3] =	stream.linear.scatter [tilespmem:s21], [sflag:$0x3], $0x80, $0x38;
	[tilespmem:$0x11300] =	vst v63  }
0x32a: {  	s22 =	sadd.s32 $0x60, s9;
	s23 =	simm.s32 $0xD230  }
0x32b: {  	[hbm4b:s22+s3] =	stream.linear.scatter [tilespmem:s23], [sflag:$0x3], $0x80, $0x38;
	[tilespmem:$0x11300] =	vst v63  }
0x32c: {  	s12 =	sadd.s32 $0x70, s9;
	s14 =	simm.s32 $0xD2B8  }
0x32d: {  	[hbm4b:s12+s3] =	stream.linear.scatter [tilespmem:s14], [sflag:$0x3], $0x80, $0x38;
	[tilespmem:$0x11300] =	vst v63  }
0x32e: {  	s15 =	sadd.s32 $0x4000, s9;
	s17 =	simm.s32 $0xD340  }
0x32f: {  	[hbm4b:s15+s3] =	stream.linear.scatter [tilespmem:s17], [sflag:$0x3], $0x80, $0x38;
	[tilespmem:$0x11300] =	vst v63  }
0x330: {  	s18 =	sadd.s32 $0x4010, s9;
	s19 =	simm.s32 $0xD3C8  }
0x331: {  	[hbm4b:s18+s3] =	stream.linear.scatter [tilespmem:s19], [sflag:$0x3], $0x80, $0x38;
	[tilespmem:$0x11300] =	vst v63  }
0x332: {  	s20 =	sadd.s32 $0x4020, s9;
	s21 =	simm.s32 $0xD450  }
0x333: {  	[hbm4b:s20+s3] =	stream.linear.scatter [tilespmem:s21], [sflag:$0x3], $0x80, $0x38;
	[tilespmem:$0x11300] =	vst v63  }
0x334: {  	s22 =	sadd.s32 $0x4030, s9;
	s23 =	simm.s32 $0xD4D8  }
0x335: {  	[hbm4b:s22+s3] =	stream.linear.scatter [tilespmem:s23], [sflag:$0x3], $0x80, $0x38;
	[tilespmem:$0x11300] =	vst v63  }
0x336: {  	s12 =	sadd.s32 $0x4040, s9;
	s14 =	simm.s32 $0xD560  }
0x337: {  	[hbm4b:s12+s3] =	stream.linear.scatter [tilespmem:s14], [sflag:$0x3], $0x80, $0x38;
	[tilespmem:$0x11300] =	vst v63  }
0x338: {  	s15 =	sadd.s32 $0x4050, s9;
	s17 =	simm.s32 $0xD5E8  }
0x339: {  	[hbm4b:s15+s3] =	stream.linear.scatter [tilespmem:s17], [sflag:$0x3], $0x80, $0x38;
	[tilespmem:$0x11300] =	vst v63  }
0x33a: {  	s18 =	sadd.s32 $0x4060, s9;
	s19 =	simm.s32 $0xD670  }
0x33b: {  	[hbm4b:s18+s3] =	stream.linear.scatter [tilespmem:s19], [sflag:$0x3], $0x80, $0x38;
	[tilespmem:$0x11300] =	vst v63  }
0x33c: {  	s20 =	sadd.s32 $0x4070, s9;
	s21 =	simm.s32 $0xD6F8  }
0x33d: {  	[hbm4b:s20+s3] =	stream.linear.scatter [tilespmem:s21], [sflag:$0x3], $0x80, $0x38;
	[tilespmem:$0x11300] =	vst v63  }
0x33e: {  	s22 =	sadd.s32 $0x8000, s9;
	s23 =	simm.s32 $0xD780  }
0x33f: {  	[hbm4b:s22+s3] =	stream.linear.scatter [tilespmem:s23], [sflag:$0x3], $0x80, $0x38;
	[tilespmem:$0x11300] =	vst v63  }
0x340: {  	s12 =	sadd.s32 $0x8010, s9;
	s14 =	simm.s32 $0xD808  }
0x341: {  	[hbm4b:s12+s3] =	stream.linear.scatter [tilespmem:s14], [sflag:$0x3], $0x80, $0x38;
	[tilespmem:$0x11300] =	vst v63  }
0x342: {  	s15 =	sadd.s32 $0x8020, s9;
	s17 =	simm.s32 $0xD890  }
0x343: {  	[hbm4b:s15+s3] =	stream.linear.scatter [tilespmem:s17], [sflag:$0x3], $0x80, $0x38;
	[tilespmem:$0x11300] =	vst v63  }
0x344: {  	s18 =	sadd.s32 $0x8030, s9;
	s19 =	simm.s32 $0xD918  }
0x345: {  	[hbm4b:s18+s3] =	stream.linear.scatter [tilespmem:s19], [sflag:$0x3], $0x80, $0x38;
	[tilespmem:$0x11300] =	vst v63  }
0x346: {  	s20 =	sadd.s32 $0x8040, s9;
	s21 =	simm.s32 $0xD9A0  }
0x347: {  	[hbm4b:s20+s3] =	stream.linear.scatter [tilespmem:s21], [sflag:$0x3], $0x80, $0x38;
	[tilespmem:$0x11300] =	vst v63  }
0x348: {  	s22 =	sadd.s32 $0x8050, s9;
	s23 =	simm.s32 $0xDA28  }
0x349: {  	[hbm4b:s22+s3] =	stream.linear.scatter [tilespmem:s23], [sflag:$0x3], $0x80, $0x38;
	[tilespmem:$0x11300] =	vst v63  }
0x34a: {  	s12 =	sadd.s32 $0x8060, s9;
	s14 =	simm.s32 $0xDAB0  }
0x34b: {  	[hbm4b:s12+s3] =	stream.linear.scatter [tilespmem:s14], [sflag:$0x3], $0x80, $0x38;
	[tilespmem:$0x11300] =	vst v63  }
0x34c: {  	s15 =	sadd.s32 $0x8070, s9;
	s17 =	simm.s32 $0xDB38  }
0x34d: {  	[hbm4b:s15+s3] =	stream.linear.scatter [tilespmem:s17], [sflag:$0x3], $0x80, $0x38;
	[tilespmem:$0x11300] =	vst v63  }
0x34e: {  	s18 =	sadd.s32 $0xC000, s9;
	s19 =	simm.s32 $0xDBC0  }
0x34f: {  	[hbm4b:s18+s3] =	stream.linear.scatter [tilespmem:s19], [sflag:$0x3], $0x80, $0x38;
	[tilespmem:$0x11300] =	vst v63  }
0x350: {  	s20 =	sadd.s32 $0xC010, s9;
	s21 =	simm.s32 $0xDC48  }
0x351: {  	[hbm4b:s20+s3] =	stream.linear.scatter [tilespmem:s21], [sflag:$0x3], $0x80, $0x38;
	[tilespmem:$0x11300] =	vst v63  }
0x352: {  	s22 =	sadd.s32 $0xC020, s9;
	s23 =	simm.s32 $0xDCD0  }
0x353: {  	[hbm4b:s22+s3] =	stream.linear.scatter [tilespmem:s23], [sflag:$0x3], $0x80, $0x38;
	[tilespmem:$0x11300] =	vst v63  }
0x354: {  	s12 =	sadd.s32 $0xC030, s9;
	s14 =	simm.s32 $0xDD58  }
0x355: {  	[hbm4b:s12+s3] =	stream.linear.scatter [tilespmem:s14], [sflag:$0x3], $0x80, $0x38;
	[tilespmem:$0x11300] =	vst v63  }
0x356: {  	s15 =	sadd.s32 $0xC040, s9;
	s17 =	simm.s32 $0xDDE0  }
0x357: {  	[hbm4b:s15+s3] =	stream.linear.scatter [tilespmem:s17], [sflag:$0x3], $0x80, $0x38;
	[tilespmem:$0x11300] =	vst v63  }
0x358: {  	s18 =	sadd.s32 $0xC050, s9;
	s19 =	simm.s32 $0xDE68  }
0x359: {  	[hbm4b:s18+s3] =	stream.linear.scatter [tilespmem:s19], [sflag:$0x3], $0x80, $0x38;
	[tilespmem:$0x11300] =	vst v63  }
0x35a: {  	s20 =	sadd.s32 $0xC060, s9;
	s21 =	simm.s32 $0xDEF0  }
0x35b: {  	[hbm4b:s20+s3] =	stream.linear.scatter [tilespmem:s21], [sflag:$0x3], $0x80, $0x38;
	[tilespmem:$0x11300] =	vst v63  }
0x35c: {  	s9 =	sadd.s32 $0xC070, s9;
	s22 =	simm.s32 $0xDF78  }
0x35d: {  	[hbm4b:s9+s3] =	stream.linear.scatter [tilespmem:s22], [sflag:$0x3], $0x80, $0x38;
	[tilespmem:$0x11300] =	vst v63  }
0x35e: {  	s23 =	simm.s32 $0xE000;
	s9 =	sadd.s32 $0x20000, s4  }
0x35f: {  	[hbm4b:s9+s3] =	stream.linear.scatter [tilespmem:s23], [sflag:$0x3], $0x80, $0x38;
	[tilespmem:$0x11300] =	vst v63  }
0x360: {  	s14 =	simm.s32 $0xE088;
	s12 =	sadd.s32 $0x10, s9  }
0x361: {  	[hbm4b:s12+s3] =	stream.linear.scatter [tilespmem:s14], [sflag:$0x3], $0x80, $0x38;
	[tilespmem:$0x11300] =	vst v63  }
0x362: {  	s17 =	simm.s32 $0xE110;
	s15 =	sadd.s32 $0x20, s9  }
0x363: {  	[hbm4b:s15+s3] =	stream.linear.scatter [tilespmem:s17], [sflag:$0x3], $0x80, $0x38;
	[tilespmem:$0x11300] =	vst v63  }
0x364: {  	s19 =	simm.s32 $0xE198;
	s18 =	sadd.s32 $0x30, s9  }
0x365: {  	[hbm4b:s18+s3] =	stream.linear.scatter [tilespmem:s19], [sflag:$0x3], $0x80, $0x38;
	[tilespmem:$0x11300] =	vst v63  }
0x366: {  	s21 =	simm.s32 $0xE220;
	s20 =	sadd.s32 $0x40, s9  }
0x367: {  	[hbm4b:s20+s3] =	stream.linear.scatter [tilespmem:s21], [sflag:$0x3], $0x80, $0x38;
	[tilespmem:$0x11300] =	vst v63  }
0x368: {  	s22 =	sadd.s32 $0x50, s9;
	s23 =	simm.s32 $0xE2A8  }
0x369: {  	[hbm4b:s22+s3] =	stream.linear.scatter [tilespmem:s23], [sflag:$0x3], $0x80, $0x38;
	[tilespmem:$0x11300] =	vst v63  }
0x36a: {  	s12 =	sadd.s32 $0x60, s9;
	s14 =	simm.s32 $0xE330  }
0x36b: {  	[hbm4b:s12+s3] =	stream.linear.scatter [tilespmem:s14], [sflag:$0x3], $0x80, $0x38;
	[tilespmem:$0x11300] =	vst v63  }
0x36c: {  	s15 =	sadd.s32 $0x70, s9;
	s17 =	simm.s32 $0xE3B8  }
0x36d: {  	[hbm4b:s15+s3] =	stream.linear.scatter [tilespmem:s17], [sflag:$0x3], $0x80, $0x38;
	[tilespmem:$0x11300] =	vst v63  }
0x36e: {  	s18 =	sadd.s32 $0x4000, s9;
	s19 =	simm.s32 $0xE440  }
0x36f: {  	[hbm4b:s18+s3] =	stream.linear.scatter [tilespmem:s19], [sflag:$0x3], $0x80, $0x38;
	[tilespmem:$0x11300] =	vst v63  }
0x370: {  	s20 =	sadd.s32 $0x4010, s9;
	s21 =	simm.s32 $0xE4C8  }
0x371: {  	[hbm4b:s20+s3] =	stream.linear.scatter [tilespmem:s21], [sflag:$0x3], $0x80, $0x38;
	[tilespmem:$0x11300] =	vst v63  }
0x372: {  	s22 =	sadd.s32 $0x4020, s9;
	s23 =	simm.s32 $0xE550  }
0x373: {  	[hbm4b:s22+s3] =	stream.linear.scatter [tilespmem:s23], [sflag:$0x3], $0x80, $0x38;
	[tilespmem:$0x11300] =	vst v63  }
0x374: {  	s12 =	sadd.s32 $0x4030, s9;
	s14 =	simm.s32 $0xE5D8  }
0x375: {  	[hbm4b:s12+s3] =	stream.linear.scatter [tilespmem:s14], [sflag:$0x3], $0x80, $0x38;
	[tilespmem:$0x11300] =	vst v63  }
0x376: {  	s15 =	sadd.s32 $0x4040, s9;
	s17 =	simm.s32 $0xE660  }
0x377: {  	[hbm4b:s15+s3] =	stream.linear.scatter [tilespmem:s17], [sflag:$0x3], $0x80, $0x38;
	[tilespmem:$0x11300] =	vst v63  }
0x378: {  	s18 =	sadd.s32 $0x4050, s9;
	s19 =	simm.s32 $0xE6E8  }
0x379: {  	[hbm4b:s18+s3] =	stream.linear.scatter [tilespmem:s19], [sflag:$0x3], $0x80, $0x38;
	[tilespmem:$0x11300] =	vst v63  }
0x37a: {  	s20 =	sadd.s32 $0x4060, s9;
	s21 =	simm.s32 $0xE770  }
0x37b: {  	[hbm4b:s20+s3] =	stream.linear.scatter [tilespmem:s21], [sflag:$0x3], $0x80, $0x38;
	[tilespmem:$0x11300] =	vst v63  }
0x37c: {  	s22 =	sadd.s32 $0x4070, s9;
	s23 =	simm.s32 $0xE7F8  }
0x37d: {  	[hbm4b:s22+s3] =	stream.linear.scatter [tilespmem:s23], [sflag:$0x3], $0x80, $0x38;
	[tilespmem:$0x11300] =	vst v63  }
0x37e: {  	s12 =	sadd.s32 $0x8000, s9;
	s14 =	simm.s32 $0xE880  }
0x37f: {  	[hbm4b:s12+s3] =	stream.linear.scatter [tilespmem:s14], [sflag:$0x3], $0x80, $0x38;
	[tilespmem:$0x11300] =	vst v63  }
0x380: {  	s15 =	sadd.s32 $0x8010, s9;
	s17 =	simm.s32 $0xE908  }
0x381: {  	[hbm4b:s15+s3] =	stream.linear.scatter [tilespmem:s17], [sflag:$0x3], $0x80, $0x38;
	[tilespmem:$0x11300] =	vst v63  }
0x382: {  	s18 =	sadd.s32 $0x8020, s9;
	s19 =	simm.s32 $0xE990  }
0x383: {  	[hbm4b:s18+s3] =	stream.linear.scatter [tilespmem:s19], [sflag:$0x3], $0x80, $0x38;
	[tilespmem:$0x11300] =	vst v63  }
0x384: {  	s20 =	sadd.s32 $0x8030, s9;
	s21 =	simm.s32 $0xEA18  }
0x385: {  	[hbm4b:s20+s3] =	stream.linear.scatter [tilespmem:s21], [sflag:$0x3], $0x80, $0x38;
	[tilespmem:$0x11300] =	vst v63  }
0x386: {  	s22 =	sadd.s32 $0x8040, s9;
	s23 =	simm.s32 $0xEAA0  }
0x387: {  	[hbm4b:s22+s3] =	stream.linear.scatter [tilespmem:s23], [sflag:$0x3], $0x80, $0x38;
	[tilespmem:$0x11300] =	vst v63  }
0x388: {  	s12 =	sadd.s32 $0x8050, s9;
	s14 =	simm.s32 $0xEB28  }
0x389: {  	[hbm4b:s12+s3] =	stream.linear.scatter [tilespmem:s14], [sflag:$0x3], $0x80, $0x38;
	[tilespmem:$0x11300] =	vst v63  }
0x38a: {  	s15 =	sadd.s32 $0x8060, s9;
	s17 =	simm.s32 $0xEBB0  }
0x38b: {  	[hbm4b:s15+s3] =	stream.linear.scatter [tilespmem:s17], [sflag:$0x3], $0x80, $0x38;
	[tilespmem:$0x11300] =	vst v63  }
0x38c: {  	s18 =	sadd.s32 $0x8070, s9;
	s19 =	simm.s32 $0xEC38  }
0x38d: {  	[hbm4b:s18+s3] =	stream.linear.scatter [tilespmem:s19], [sflag:$0x3], $0x80, $0x38;
	[tilespmem:$0x11300] =	vst v63  }
0x38e: {  	s20 =	sadd.s32 $0xC000, s9;
	s21 =	simm.s32 $0xECC0  }
0x38f: {  	[hbm4b:s20+s3] =	stream.linear.scatter [tilespmem:s21], [sflag:$0x3], $0x80, $0x38;
	[tilespmem:$0x11300] =	vst v63  }
0x390: {  	s22 =	sadd.s32 $0xC010, s9;
	s23 =	simm.s32 $0xED48  }
0x391: {  	[hbm4b:s22+s3] =	stream.linear.scatter [tilespmem:s23], [sflag:$0x3], $0x80, $0x38;
	[tilespmem:$0x11300] =	vst v63  }
0x392: {  	s12 =	sadd.s32 $0xC020, s9;
	s14 =	simm.s32 $0xEDD0  }
0x393: {  	[hbm4b:s12+s3] =	stream.linear.scatter [tilespmem:s14], [sflag:$0x3], $0x80, $0x38;
	[tilespmem:$0x11300] =	vst v63  }
0x394: {  	s15 =	sadd.s32 $0xC030, s9;
	s17 =	simm.s32 $0xEE58  }
0x395: {  	[hbm4b:s15+s3] =	stream.linear.scatter [tilespmem:s17], [sflag:$0x3], $0x80, $0x38;
	[tilespmem:$0x11300] =	vst v63  }
0x396: {  	s18 =	sadd.s32 $0xC040, s9;
	s19 =	simm.s32 $0xEEE0  }
0x397: {  	[hbm4b:s18+s3] =	stream.linear.scatter [tilespmem:s19], [sflag:$0x3], $0x80, $0x38;
	[tilespmem:$0x11300] =	vst v63  }
0x398: {  	s20 =	sadd.s32 $0xC050, s9;
	s21 =	simm.s32 $0xEF68  }
0x399: {  	[hbm4b:s20+s3] =	stream.linear.scatter [tilespmem:s21], [sflag:$0x3], $0x80, $0x38;
	[tilespmem:$0x11300] =	vst v63  }
0x39a: {  	s22 =	sadd.s32 $0xC060, s9;
	s23 =	simm.s32 $0xEFF0  }
0x39b: {  	[hbm4b:s22+s3] =	stream.linear.scatter [tilespmem:s23], [sflag:$0x3], $0x80, $0x38;
	[tilespmem:$0x11300] =	vst v63  }
0x39c: {  	s9 =	sadd.s32 $0xC070, s9;
	s12 =	simm.s32 $0xF078  }
0x39d: {  	[hbm4b:s9+s3] =	stream.linear.scatter [tilespmem:s12], [sflag:$0x3], $0x80, $0x38;
	[tilespmem:$0x11300] =	vst v63  }
0x39e: {  	s14 =	simm.s32 $0xF100;
	s9 =	sadd.s32 $0x30000, s4  }
0x39f: {  	[hbm4b:s9+s3] =	stream.linear.scatter [tilespmem:s14], [sflag:$0x3], $0x80, $0x38;
	[tilespmem:$0x11300] =	vst v63  }
0x3a0: {  	s17 =	simm.s32 $0xF188;
	s15 =	sadd.s32 $0x10, s9  }
0x3a1: {  	[hbm4b:s15+s3] =	stream.linear.scatter [tilespmem:s17], [sflag:$0x3], $0x80, $0x38;
	[tilespmem:$0x11300] =	vst v63  }
0x3a2: {  	s19 =	simm.s32 $0xF210;
	s18 =	sadd.s32 $0x20, s9  }
0x3a3: {  	[hbm4b:s18+s3] =	stream.linear.scatter [tilespmem:s19], [sflag:$0x3], $0x80, $0x38;
	[tilespmem:$0x11300] =	vst v63  }
0x3a4: {  	s21 =	simm.s32 $0xF298;
	s20 =	sadd.s32 $0x30, s9  }
0x3a5: {  	[hbm4b:s20+s3] =	stream.linear.scatter [tilespmem:s21], [sflag:$0x3], $0x80, $0x38;
	[tilespmem:$0x11300] =	vst v63  }
0x3a6: {  	s23 =	simm.s32 $0xF320;
	s22 =	sadd.s32 $0x40, s9  }
0x3a7: {  	[hbm4b:s22+s3] =	stream.linear.scatter [tilespmem:s23], [sflag:$0x3], $0x80, $0x38;
	[tilespmem:$0x11300] =	vst v63  }
0x3a8: {  	s12 =	sadd.s32 $0x50, s9;
	s14 =	simm.s32 $0xF3A8  }
0x3a9: {  	[hbm4b:s12+s3] =	stream.linear.scatter [tilespmem:s14], [sflag:$0x3], $0x80, $0x38;
	[tilespmem:$0x11300] =	vst v63  }
0x3aa: {  	s15 =	sadd.s32 $0x60, s9;
	s17 =	simm.s32 $0xF430  }
0x3ab: {  	[hbm4b:s15+s3] =	stream.linear.scatter [tilespmem:s17], [sflag:$0x3], $0x80, $0x38;
	[tilespmem:$0x11300] =	vst v63  }
0x3ac: {  	s18 =	sadd.s32 $0x70, s9;
	s19 =	simm.s32 $0xF4B8  }
0x3ad: {  	[hbm4b:s18+s3] =	stream.linear.scatter [tilespmem:s19], [sflag:$0x3], $0x80, $0x38;
	[tilespmem:$0x11300] =	vst v63  }
0x3ae: {  	s20 =	sadd.s32 $0x4000, s9;
	s21 =	simm.s32 $0xF540  }
0x3af: {  	[hbm4b:s20+s3] =	stream.linear.scatter [tilespmem:s21], [sflag:$0x3], $0x80, $0x38;
	[tilespmem:$0x11300] =	vst v63  }
0x3b0: {  	s22 =	sadd.s32 $0x4010, s9;
	s23 =	simm.s32 $0xF5C8  }
0x3b1: {  	[hbm4b:s22+s3] =	stream.linear.scatter [tilespmem:s23], [sflag:$0x3], $0x80, $0x38;
	[tilespmem:$0x11300] =	vst v63  }
0x3b2: {  	s12 =	sadd.s32 $0x4020, s9;
	s14 =	simm.s32 $0xF650  }
0x3b3: {  	[hbm4b:s12+s3] =	stream.linear.scatter [tilespmem:s14], [sflag:$0x3], $0x80, $0x38;
	[tilespmem:$0x11300] =	vst v63  }
0x3b4: {  	s15 =	sadd.s32 $0x4030, s9;
	s17 =	simm.s32 $0xF6D8  }
0x3b5: {  	[hbm4b:s15+s3] =	stream.linear.scatter [tilespmem:s17], [sflag:$0x3], $0x80, $0x38;
	[tilespmem:$0x11300] =	vst v63  }
0x3b6: {  	s18 =	sadd.s32 $0x4040, s9;
	s19 =	simm.s32 $0xF760  }
0x3b7: {  	[hbm4b:s18+s3] =	stream.linear.scatter [tilespmem:s19], [sflag:$0x3], $0x80, $0x38;
	[tilespmem:$0x11300] =	vst v63  }
0x3b8: {  	s20 =	sadd.s32 $0x4050, s9;
	s21 =	simm.s32 $0xF7E8  }
0x3b9: {  	[hbm4b:s20+s3] =	stream.linear.scatter [tilespmem:s21], [sflag:$0x3], $0x80, $0x38;
	[tilespmem:$0x11300] =	vst v63  }
0x3ba: {  	s22 =	sadd.s32 $0x4060, s9;
	s23 =	simm.s32 $0xF870  }
0x3bb: {  	[hbm4b:s22+s3] =	stream.linear.scatter [tilespmem:s23], [sflag:$0x3], $0x80, $0x38;
	[tilespmem:$0x11300] =	vst v63  }
0x3bc: {  	s12 =	sadd.s32 $0x4070, s9;
	s14 =	simm.s32 $0xF8F8  }
0x3bd: {  	[hbm4b:s12+s3] =	stream.linear.scatter [tilespmem:s14], [sflag:$0x3], $0x80, $0x38;
	[tilespmem:$0x11300] =	vst v63  }
0x3be: {  	s15 =	sadd.s32 $0x8000, s9;
	s17 =	simm.s32 $0xF980  }
0x3bf: {  	[hbm4b:s15+s3] =	stream.linear.scatter [tilespmem:s17], [sflag:$0x3], $0x80, $0x38;
	[tilespmem:$0x11300] =	vst v63  }
0x3c0: {  	s18 =	sadd.s32 $0x8010, s9;
	s19 =	simm.s32 $0xFA08  }
0x3c1: {  	[hbm4b:s18+s3] =	stream.linear.scatter [tilespmem:s19], [sflag:$0x3], $0x80, $0x38;
	[tilespmem:$0x11300] =	vst v63  }
0x3c2: {  	s20 =	sadd.s32 $0x8020, s9;
	s21 =	simm.s32 $0xFA90  }
0x3c3: {  	[hbm4b:s20+s3] =	stream.linear.scatter [tilespmem:s21], [sflag:$0x3], $0x80, $0x38;
	[tilespmem:$0x11300] =	vst v63  }
0x3c4: {  	s22 =	sadd.s32 $0x8030, s9;
	s23 =	simm.s32 $0xFB18  }
0x3c5: {  	[hbm4b:s22+s3] =	stream.linear.scatter [tilespmem:s23], [sflag:$0x3], $0x80, $0x38;
	[tilespmem:$0x11300] =	vst v63  }
0x3c6: {  	s12 =	sadd.s32 $0x8040, s9;
	s14 =	simm.s32 $0xFBA0  }
0x3c7: {  	[hbm4b:s12+s3] =	stream.linear.scatter [tilespmem:s14], [sflag:$0x3], $0x80, $0x38;
	[tilespmem:$0x11300] =	vst v63  }
0x3c8: {  	s15 =	sadd.s32 $0x8050, s9;
	s17 =	simm.s32 $0xFC28  }
0x3c9: {  	[hbm4b:s15+s3] =	stream.linear.scatter [tilespmem:s17], [sflag:$0x3], $0x80, $0x38;
	[tilespmem:$0x11300] =	vst v63  }
0x3ca: {  	s18 =	sadd.s32 $0x8060, s9;
	s19 =	simm.s32 $0xFCB0  }
0x3cb: {  	[hbm4b:s18+s3] =	stream.linear.scatter [tilespmem:s19], [sflag:$0x3], $0x80, $0x38;
	[tilespmem:$0x11300] =	vst v63  }
0x3cc: {  	s20 =	sadd.s32 $0x8070, s9;
	s21 =	simm.s32 $0xFD38  }
0x3cd: {  	[hbm4b:s20+s3] =	stream.linear.scatter [tilespmem:s21], [sflag:$0x3], $0x80, $0x38;
	[tilespmem:$0x11300] =	vst v63  }
0x3ce: {  	s22 =	sadd.s32 $0xC000, s9;
	s23 =	simm.s32 $0xFDC0  }
0x3cf: {  	[hbm4b:s22+s3] =	stream.linear.scatter [tilespmem:s23], [sflag:$0x3], $0x80, $0x38;
	[tilespmem:$0x11300] =	vst v63  }
0x3d0: {  	s12 =	sadd.s32 $0xC010, s9;
	s14 =	simm.s32 $0xFE48  }
0x3d1: {  	[hbm4b:s12+s3] =	stream.linear.scatter [tilespmem:s14], [sflag:$0x3], $0x80, $0x38;
	[tilespmem:$0x11300] =	vst v63  }
0x3d2: {  	s15 =	sadd.s32 $0xC020, s9;
	s17 =	simm.s32 $0xFED0  }
0x3d3: {  	[hbm4b:s15+s3] =	stream.linear.scatter [tilespmem:s17], [sflag:$0x3], $0x80, $0x38;
	[tilespmem:$0x11300] =	vst v63  }
0x3d4: {  	s18 =	sadd.s32 $0xC030, s9;
	s19 =	simm.s32 $0xFF58  }
0x3d5: {  	[hbm4b:s18+s3] =	stream.linear.scatter [tilespmem:s19], [sflag:$0x3], $0x80, $0x38;
	[tilespmem:$0x11300] =	vst v63  }
0x3d6: {  	s20 =	sadd.s32 $0xC040, s9;
	s21 =	simm.s32 $0xFFE0  }
0x3d7: {  	[hbm4b:s20+s3] =	stream.linear.scatter [tilespmem:s21], [sflag:$0x3], $0x80, $0x38;
	[tilespmem:$0x11300] =	vst v63  }
0x3d8: {  	s22 =	sadd.s32 $0xC050, s9;
	s23 =	simm.s32 $0x10068  }
0x3d9: {  	[hbm4b:s22+s3] =	stream.linear.scatter [tilespmem:s23], [sflag:$0x3], $0x80, $0x38;
	[tilespmem:$0x11300] =	vst v63  }
0x3da: {  	s12 =	sadd.s32 $0xC060, s9;
	s14 =	simm.s32 $0x100F0  }
0x3db: {  	[hbm4b:s12+s3] =	stream.linear.scatter [tilespmem:s14], [sflag:$0x3], $0x80, $0x38;
	[tilespmem:$0x11300] =	vst v63  }
0x3dc: {  	s9 =	sadd.s32 $0xC070, s9;
	s15 =	simm.s32 $0x10178  }
0x3dd: {  	[hbm4b:s9+s3] =	stream.linear.scatter [tilespmem:s15], [sflag:$0x3], $0x80, $0x38;
	[tilespmem:$0x11300] =	vst v63  }
0x3de: {  	s4 =	sadd.s32 $0x40000, s4;
	s17 =	simm.s32 $0x10200  }
0x3df: {  	[hbm4b:s4+s3] =	stream.linear.scatter [tilespmem:s17], [sflag:$0x3], $0x80, $0x38;
	[tilespmem:$0x11300] =	vst v63  }
0x3e0: {  	s18 =	sadd.s32 $0x10, s4;
	s19 =	simm.s32 $0x10288  }
0x3e1: {  	[hbm4b:s18+s3] =	stream.linear.scatter [tilespmem:s19], [sflag:$0x3], $0x80, $0x38;
	[tilespmem:$0x11300] =	vst v63  }
0x3e2: {  	s20 =	sadd.s32 $0x20, s4;
	s21 =	simm.s32 $0x10310  }
0x3e3: {  	[hbm4b:s20+s3] =	stream.linear.scatter [tilespmem:s21], [sflag:$0x3], $0x80, $0x38;
	[tilespmem:$0x11300] =	vst v63  }
0x3e4: {  	s22 =	sadd.s32 $0x30, s4;
	s23 =	simm.s32 $0x10398  }
0x3e5: {  	[hbm4b:s22+s3] =	stream.linear.scatter [tilespmem:s23], [sflag:$0x3], $0x80, $0x38;
	[tilespmem:$0x11300] =	vst v63  }
0x3e6: {  	s12 =	sadd.s32 $0x40, s4;
	s14 =	simm.s32 $0x10420  }
0x3e7: {  	[hbm4b:s12+s3] =	stream.linear.scatter [tilespmem:s14], [sflag:$0x3], $0x80, $0x38;
	[tilespmem:$0x11300] =	vst v63  }
0x3e8: {  	s15 =	sadd.s32 $0x50, s4;
	s17 =	simm.s32 $0x104A8  }
0x3e9: {  	[hbm4b:s15+s3] =	stream.linear.scatter [tilespmem:s17], [sflag:$0x3], $0x80, $0x38;
	[tilespmem:$0x11300] =	vst v63  }
0x3ea: {  	s18 =	sadd.s32 $0x60, s4;
	s19 =	simm.s32 $0x10530  }
0x3eb: {  	[hbm4b:s18+s3] =	stream.linear.scatter [tilespmem:s19], [sflag:$0x3], $0x80, $0x38;
	[tilespmem:$0x11300] =	vst v63  }
0x3ec: {  	s20 =	sadd.s32 $0x70, s4;
	s21 =	simm.s32 $0x105B8  }
0x3ed: {  	[hbm4b:s20+s3] =	stream.linear.scatter [tilespmem:s21], [sflag:$0x3], $0x80, $0x38;
	[tilespmem:$0x11300] =	vst v63  }
0x3ee: {  	s22 =	sadd.s32 $0x4000, s4;
	s23 =	simm.s32 $0x10640  }
0x3ef: {  	[hbm4b:s22+s3] =	stream.linear.scatter [tilespmem:s23], [sflag:$0x3], $0x80, $0x38;
	[tilespmem:$0x11300] =	vst v63  }
0x3f0: {  	s12 =	sadd.s32 $0x4010, s4;
	s14 =	simm.s32 $0x106C8  }
0x3f1: {  	[hbm4b:s12+s3] =	stream.linear.scatter [tilespmem:s14], [sflag:$0x3], $0x80, $0x38;
	[tilespmem:$0x11300] =	vst v63  }
0x3f2: {  	s15 =	sadd.s32 $0x4020, s4;
	s17 =	simm.s32 $0x10750  }
0x3f3: {  	[hbm4b:s15+s3] =	stream.linear.scatter [tilespmem:s17], [sflag:$0x3], $0x80, $0x38;
	[tilespmem:$0x11300] =	vst v63  }
0x3f4: {  	s18 =	sadd.s32 $0x4030, s4;
	s19 =	simm.s32 $0x107D8  }
0x3f5: {  	[hbm4b:s18+s3] =	stream.linear.scatter [tilespmem:s19], [sflag:$0x3], $0x80, $0x38;
	[tilespmem:$0x11300] =	vst v63  }
0x3f6: {  	s20 =	sadd.s32 $0x4040, s4;
	s21 =	simm.s32 $0x10860  }
0x3f7: {  	[hbm4b:s20+s3] =	stream.linear.scatter [tilespmem:s21], [sflag:$0x3], $0x80, $0x38;
	[tilespmem:$0x11300] =	vst v63  }
0x3f8: {  	s22 =	sadd.s32 $0x4050, s4;
	s23 =	simm.s32 $0x108E8  }
0x3f9: {  	[hbm4b:s22+s3] =	stream.linear.scatter [tilespmem:s23], [sflag:$0x3], $0x80, $0x38;
	[tilespmem:$0x11300] =	vst v63  }
0x3fa: {  	s12 =	sadd.s32 $0x4060, s4;
	s14 =	simm.s32 $0x10970  }
0x3fb: {  	[hbm4b:s12+s3] =	stream.linear.scatter [tilespmem:s14], [sflag:$0x3], $0x80, $0x38;
	[tilespmem:$0x11300] =	vst v63  }
0x3fc: {  	s15 =	sadd.s32 $0x4070, s4;
	s17 =	simm.s32 $0x109F8  }
0x3fd: {  	[hbm4b:s15+s3] =	stream.linear.scatter [tilespmem:s17], [sflag:$0x3], $0x80, $0x38;
	[tilespmem:$0x11300] =	vst v63  }
0x3fe: {  	s18 =	sadd.s32 $0x8000, s4;
	s19 =	simm.s32 $0x10A80  }
0x3ff: {  	[hbm4b:s18+s3] =	stream.linear.scatter [tilespmem:s19], [sflag:$0x3], $0x80, $0x38;
	[tilespmem:$0x11300] =	vst v63  }
0x400: {  	s20 =	sadd.s32 $0x8010, s4;
	s21 =	simm.s32 $0x10B08  }
0x401: {  	[hbm4b:s20+s3] =	stream.linear.scatter [tilespmem:s21], [sflag:$0x3], $0x80, $0x38;
	[tilespmem:$0x11300] =	vst v63  }
0x402: {  	s22 =	sadd.s32 $0x8020, s4;
	s23 =	simm.s32 $0x10B90  }
0x403: {  	[hbm4b:s22+s3] =	stream.linear.scatter [tilespmem:s23], [sflag:$0x3], $0x80, $0x38;
	[tilespmem:$0x11300] =	vst v63  }
0x404: {  	s12 =	sadd.s32 $0x8030, s4;
	s14 =	simm.s32 $0x10C18  }
0x405: {  	[hbm4b:s12+s3] =	stream.linear.scatter [tilespmem:s14], [sflag:$0x3], $0x80, $0x38;
	[tilespmem:$0x11300] =	vst v63  }
0x406: {  	s15 =	sadd.s32 $0x8040, s4;
	s17 =	simm.s32 $0x10CA0  }
0x407: {  	[hbm4b:s15+s3] =	stream.linear.scatter [tilespmem:s17], [sflag:$0x3], $0x80, $0x38;
	[tilespmem:$0x11300] =	vst v63  }
0x408: {  	s18 =	sadd.s32 $0x8050, s4;
	s19 =	simm.s32 $0x10D28  }
0x409: {  	[hbm4b:s18+s3] =	stream.linear.scatter [tilespmem:s19], [sflag:$0x3], $0x80, $0x38;
	[tilespmem:$0x11300] =	vst v63  }
0x40a: {  	s20 =	sadd.s32 $0x8060, s4;
	s21 =	simm.s32 $0x10DB0  }
0x40b: {  	[hbm4b:s20+s3] =	stream.linear.scatter [tilespmem:s21], [sflag:$0x3], $0x80, $0x38;
	[tilespmem:$0x11300] =	vst v63  }
0x40c: {  	s22 =	sadd.s32 $0x8070, s4;
	s23 =	simm.s32 $0x10E38  }
0x40d: {  	[hbm4b:s22+s3] =	stream.linear.scatter [tilespmem:s23], [sflag:$0x3], $0x80, $0x38;
	[tilespmem:$0x11300] =	vst v63  }
0x40e: {  	s12 =	sadd.s32 $0xC000, s4;
	s14 =	simm.s32 $0x10EC0  }
0x40f: {  	[hbm4b:s12+s3] =	stream.linear.scatter [tilespmem:s14], [sflag:$0x3], $0x80, $0x38;
	[tilespmem:$0x11300] =	vst v63  }
0x410: {  	s15 =	sadd.s32 $0xC010, s4;
	s17 =	simm.s32 $0x10F48  }
0x411: {  	[hbm4b:s15+s3] =	stream.linear.scatter [tilespmem:s17], [sflag:$0x3], $0x80, $0x38;
	[tilespmem:$0x11300] =	vst v63  }
0x412: {  	s18 =	sadd.s32 $0xC020, s4;
	s19 =	simm.s32 $0x10FD0  }
0x413: {  	[hbm4b:s18+s3] =	stream.linear.scatter [tilespmem:s19], [sflag:$0x3], $0x80, $0x38;
	[tilespmem:$0x11300] =	vst v63  }
0x414: {  	s20 =	sadd.s32 $0xC030, s4  }
0x415: {  	[hbm4b:s20+s3] =	stream.linear.scatter [tilespmem:s24], [sflag:$0x3], $0x80, $0x38;
	[tilespmem:$0x11300] =	vst v63  }
0x416: {  	s11 =	sadd.s32 $0x1, s11;
	s21 =	sadd.s32 $0xC040, s4  }
0x417: {  	[hbm4b:s21+s3] =	stream.linear.scatter [tilespmem:s25], [sflag:$0x3], $0x80, $0x38;
	[tilespmem:$0x11300] =	vst v63  }
0x418: {  	p0 =	sne.s32 s11, $0x14;
	s22 =	sadd.s32 $0xC050, s4  }
0x419: {  	[hbm4b:s22+s3] =	stream.linear.scatter [tilespmem:s26], [sflag:$0x3], $0x80, $0x38;
	[tilespmem:$0x11300] =	vst v63  }
.Ltmp8:
0x41a: {  	s0 =	sadd.s32 $0x2, s0;
	(pc) =	sbr.rel @p0 .LBB2_4-.Ltmp8, $4  }
.Ltmp9:
0x41b: {  	s1 =	sadd.s32 $0xA, s1;
	s23 =	sadd.s32 $0xC060, s4;
	(pc) =	sbr.rel @!p0 .LBB2_17-.Ltmp9, $4  }
0x41c: {  	[hbm4b:s23+s3] =	stream.linear.scatter [tilespmem:s28], [sflag:$0x3], $0x80, $0x38;
	[tilespmem:$0x11300] =	vst v63  }
0x41d: {  	s6 =	sadd.s32 $0x2, s6;
	s8 =	sadd.s32 $0xA, s8;
	s4 =	sadd.s32 $0xC070, s4  }
0x41e: {  	[hbm4b:s4+s3] =	stream.linear.scatter [tilespmem:s29], [sflag:$0x3], $0x80, $0x38;
	[tilespmem:$0x11300] =	vst v63  }
0x41f: {  	_ = 	snop  }
.LBB2_10:
.Ltmp10:
0x420: {  	(pc) =	sbr.rel @p0 .LBB2_14-.Ltmp10, $4  }
.Ltmp11:
0x421: {  	(pc) =	sbr.rel @!p0 .LBB2_11-.Ltmp11, $4  }
0x422: {  	_ =	swait.ge [sflag:s30], $0x5000  }
0x423: {  	[sflag:s30] =	ssyncset.done $0x0  }
0x424: {  	[sflag:s30] =	ssyncadd.s32 $0xFFFFB000  }
0x425: {  	_ = 	snop  }
.LBB2_18:
0x426: {  	_ =	sfence.sel $0x180000  }
0x427: {  	[bflag:$0x0] =	sbarrier.arrive $0xFFFF  }
0x428: {  	_ =	strace $0x9000004A  }
0x429: {  	s0 =	stileid.u32;
	[bflag:$0x2] =	sbarrier.arrive $0xFFFF  }
0x42a: {  	p0 =	sne.s32 s0, $0x0;
	s0 =	rddreg [dreg:$0x2]  }
0x42b: {  	s0 =	sadd.s32 @!p0 $0x100000, s0  }
0x42c: {  	[sflag:s0] =	ssyncadd.tile.s32 @!p0 $0x1;
	_ =	shalt  }
.Lfunc_end2:
_tile_overlayer_lowered:
.L_overlay_start_2:
0x42d: {  	(tag) =	ssettag $0x2  }
0x42e: {  	s0 =	rddreg [dreg:$0x0];
	s2 =	stileid.u32  }
0x42f: {  	s1 =	rddreg [dreg:$0x1];
	p0 =	sne.s32 s2, $0x0  }
0x430: {  	s3 =	rddreg [dreg:$0x2];
	[bflag:$0x3] =	sbarrier.arrive $0xFFFF;
	s2 =	simm.s32 @!p0 $0x1C04  }
0x431: {  	[timem:s3], [sflag:s2] =	dma.local @!p0 [hbm:s0], s1  }
0x432: {  	s0 =	simm.s32 @!p0 $0x4  }
0x433: {  	_ =	swait.ge @!p0 [sflag:s0], s1  }
0x434: {  	s1 =	ssub.s32 @!p0 $0x0, s1;
	[sflag:s0] =	ssyncset.done @!p0 $0x0  }
0x435: {  	[sflag:s0] =	ssyncadd.s32 @!p0 s1  }
0x436: {  	[bflag:$0x3] =	sbarrier.arrive $0xFFFF  }
0x437: {  	_ =	shalt  }

</sc_bundles>
